<compile_context>
chip_gen: v7x
topology: tpu7x:2x2x1
jax: 0.10.2.dev20260603
libtpu: 0.0.44.dev20260713+nightly
codegen_flags: <defaults>
</compile_context>

<pallas_src>
import functools

import jax
import jax.numpy as jnp
from jax import lax
from jax.experimental import pallas as pl
from jax.experimental.pallas import tpu as pltpu
from jax.experimental.pallas import tpu_sc as plsc

NC = 2
NS = 16
L = 16
NW = NC * NS

B = 16384
B2 = 2 * B
S = 96
T = 32
NE = 100000

PW1 = B2 // NW
GRP = 16
ROWW = 1024
CSLEN = 800

SEC_EH, SEC_ET = 0, 128
SEC_F, SEC_P, SEC_A = 256, 384, 512
SEC_FT, SEC_PT, SEC_AT = 640, 768, 896
SECS = (SEC_EH, SEC_ET, SEC_F, SEC_P, SEC_A, SEC_FT, SEC_PT, SEC_AT)

C = 128
PER_W = B // NW
N_CHUNK = PER_W // C

_mesh = plsc.VectorSubcoreMesh(
    core_axis_name="c", subcore_axis_name="s", num_cores=NC, num_subcores=NS
)
_params = pltpu.CompilerParams(
    needs_layout_passes=False, use_tc_tiling_on_sc=True)


def _sin(x):
  y = x * x
  p = y * (1.0 / 362880.0) + (-1.0 / 5040.0)
  p = y * p + (1.0 / 120.0)
  p = y * p + (-1.0 / 6.0)
  p = y * p + 1.0
  return x * p


def _wid():
  return lax.axis_index("s") * NC + lax.axis_index("c")


def _stage1_body(packed, cs,
                 t0, t1, t2, t3, t4, t5, t6, t7,
                 ex,
                 pk_v, csb,
                 s0, s1, s2, s3, s4, s5, s6, s7,
                 stage, sem):
  tabs = (t0, t1, t2, t3, t4, t5, t6, t7)
  slabs = (s0, s1, s2, s3, s4, s5, s6, s7)
  base = _wid() * PW1
  pltpu.sync_copy(packed.at[pl.ds(base, PW1)], pk_v.at[pl.ds(0, PW1)])
  pltpu.sync_copy(cs, csb)
  ent_of = lambda x: lax.shift_right_logical(x, 15)
  s_lo = ent_of(pk_v[pl.ds(0, L)][0]) // 128
  s_hi = ent_of(pk_v[pl.ds(PW1 - L, L)][L - 1]) // 128
  lane = lax.iota(jnp.int32, L)

  def slab_body(s, carry):
    v = csb[pl.ds(s, L)]
    j0 = jnp.maximum(v[0], base)
    j1 = jnp.minimum(v[1], base + PW1)

    @pl.when(j1 > j0)
    def _():
      sb = pl.multiple_of(s * 128, 128)
      cps = [pltpu.async_copy(tab.at[:, pl.ds(sb, 128)], sl, sem)
             for tab, sl in zip(tabs, slabs)]
      for cp in cps:
        cp.wait()
      ng = (j1 - j0 + (GRP - 1)) // GRP

      def group(g, c_):
        jstart = j0 + g * GRP
        cnt = jnp.minimum(j1 - jstart, GRP)

        def slot(i, iv):
          jj = jstart + jnp.minimum(i, cnt - 1) - base
          pk = pk_v[pl.ds(jj, L)][0]
          e = ent_of(pk)
          p = jnp.bitwise_and(pk, jnp.int32(0x7FFF))
          colv = jnp.full((L,), e - sb, dtype=jnp.int32)
          for t in range(8):
            vals = [plsc.load_gather(slabs[t], [lane + L * gg, colv])
                    for gg in range(S // L)]
            for gg in range(S // L):
              stage[i, pl.ds(SECS[t] + L * gg, L)] = vals[gg]
          return jnp.where(lane == i, jnp.full((L,), p, jnp.int32), iv)

        iv = lax.fori_loop(0, GRP, slot, jnp.zeros((L,), jnp.int32),
                           unroll=False)
        pltpu.async_copy(stage, ex.at[iv], sem).wait()
        return c_

      lax.fori_loop(0, ng, group, 0, unroll=False)

    return carry

  lax.fori_loop(s_lo, s_hi + 1, slab_body, 0, unroll=False)


def _stage2_body(rels, d3, rf, ri, ex,
                 out,
                 rr, dat, A, Bb, R, Gf, Gp, Ga, acc2, outv, sem):
  wid = _wid()

  def time_vreg(e, j, dsp):
    acc = jnp.zeros((L,), jnp.float32)
    for c in range(3):
      sl = pl.ds(T * c + L * j, L)
      f = Gf[e, sl]
      p = Gp[e, sl]
      a = Ga[e, sl]
      acc = acc + a * _sin(f * dsp[c] + p)
    return acc

  def static_acc(e, acc):
    for j in range(S // L):
      sl = pl.ds(L * j, L)
      acc = acc + A[e, sl] * R[e, sl] * Bb[e, sl]
    return acc

  def dates_of(e):
    out_ = []
    for c in range(3):
      v = dat[pl.ds(c * C + e, L)]
      out_.append(jnp.full((L,), v[0], dtype=jnp.float32))
    return tuple(out_)

  def ex_cp(rowb, sec, dst):
    return pltpu.async_copy(
        ex.at[pl.ds(rowb, C), pl.ds(sec, 128)], dst, sem)

  def chunk(k, carry):
    base = wid * PER_W + k * C
    hb = base
    tb = B + base

    pltpu.sync_copy(rels.at[pl.ds(base, C)], rr)
    pltpu.sync_copy(d3.at[pl.ds(0 * B + base, C)], dat.at[pl.ds(0, C)])
    pltpu.sync_copy(d3.at[pl.ds(1 * B + base, C)], dat.at[pl.ds(C, C)])
    pltpu.sync_copy(d3.at[pl.ds(2 * B + base, C)], dat.at[pl.ds(2 * C, C)])

    cps = [
        ex_cp(hb, SEC_EH, A),
        ex_cp(tb, SEC_ET, Bb),
        pltpu.async_copy(rf.at[rr], R, sem),
        ex_cp(hb, SEC_F, Gf),
        ex_cp(hb, SEC_P, Gp),
        ex_cp(hb, SEC_A, Ga),
    ]
    for cp in cps:
      cp.wait()

    def ph1(e, c_):
      acc = static_acc(e, jnp.zeros((L,), jnp.float32))
      dsp = dates_of(e)
      for j in range(T // L):
        A[e, pl.ds(S + L * j, L)] = time_vreg(e, j, dsp)
      acc2[e, :] = acc
      return c_

    lax.fori_loop(0, C, ph1, 0, unroll=False)

    cps = [ex_cp(tb, SEC_FT, Gf), ex_cp(tb, SEC_PT, Gp), ex_cp(tb, SEC_AT, Ga)]
    for cp in cps:
      cp.wait()

    def ph2(e, c_):
      acc = acc2[e, :]
      dsp = dates_of(e)
      for j in range(T // L):
        t2v = time_vreg(e, j, dsp)
        acc = acc + A[e, pl.ds(S + L * j, L)] * R[e, pl.ds(S + L * j, L)] * t2v
      acc2[e, :] = acc
      return c_

    lax.fori_loop(0, C, ph2, 0, unroll=False)

    cps = [
        ex_cp(tb, SEC_EH, A),
        ex_cp(hb, SEC_ET, Bb),
        pltpu.async_copy(ri.at[rr], R, sem),
        ex_cp(tb, SEC_F, Gf),
        ex_cp(tb, SEC_P, Gp),
        ex_cp(tb, SEC_A, Ga),
    ]
    for cp in cps:
      cp.wait()

    def ph3(e, c_):
      acc = static_acc(e, acc2[e, :])
      dsp = dates_of(e)
      for j in range(T // L):
        A[e, pl.ds(S + L * j, L)] = time_vreg(e, j, dsp)
      acc2[e, :] = acc
      return c_

    lax.fori_loop(0, C, ph3, 0, unroll=False)

    cps = [ex_cp(hb, SEC_FT, Gf), ex_cp(hb, SEC_PT, Gp), ex_cp(hb, SEC_AT, Ga)]
    for cp in cps:
      cp.wait()

    def ph4(e, c_):
      acc = acc2[e, :]
      dsp = dates_of(e)
      for j in range(T // L):
        t4v = time_vreg(e, j, dsp)
        acc = acc + A[e, pl.ds(S + L * j, L)] * R[e, pl.ds(S + L * j, L)] * t4v
      acc2[e, :] = acc
      return c_

    lax.fori_loop(0, C, ph4, 0, unroll=False)

    lane = lax.iota(jnp.int32, L)

    def fin(g, c_):
      ebase = g * L
      vec = jnp.zeros((L,), jnp.float32)
      for e2 in range(L):
        sc = jnp.sum(acc2[ebase + e2, :]) * 0.5
        vec = jnp.where(lane == e2, jnp.full((L,), sc, jnp.float32), vec)
      outv[pl.ds(ebase, L)] = vec
      return c_

    lax.fori_loop(0, C // L, fin, 0, unroll=False)

    pltpu.sync_copy(outv, out.at[pl.ds(base, C)])
    return carry

  lax.fori_loop(0, N_CHUNK, chunk, 0, unroll=False)


@functools.partial(jax.jit, static_argnames=())
def kernel(heads, rels, tails, years, months, days,
           ent_embs_h, ent_embs_t, rel_embs_f, rel_embs_i,
           freq_h, phi_h, amps_h, freq_t, phi_t, amps_t):
  conc = jnp.concatenate([heads, tails])
  order = jnp.argsort(conc).astype(jnp.int32)
  se = jnp.take(conc, order).astype(jnp.int32)
  packed = (se << 15) | order
  cs = jnp.searchsorted(
      se, jnp.arange(783, dtype=jnp.int32) * 128).astype(jnp.int32)
  cs_pad = jnp.concatenate([cs, jnp.full((CSLEN - 783,), B2, jnp.int32)])
  d3 = jnp.stack([years, months, days]).reshape(-1)

  ehT = ent_embs_h.T
  etT = ent_embs_t.T
  tr = lambda x: x.transpose(0, 2, 1).reshape(S, NE)

  run1 = pl.kernel(
      _stage1_body,
      out_type=jax.ShapeDtypeStruct((B2, ROWW), jnp.float32),
      mesh=_mesh,
      compiler_params=_params,
      scratch_types=[
          pltpu.VMEM((PW1 + L,), jnp.int32),
          pltpu.VMEM((CSLEN,), jnp.int32),
      ] + [pltpu.VMEM((S, 128), jnp.float32) for _ in range(8)] + [
          pltpu.VMEM((GRP, ROWW), jnp.float32),
          pltpu.SemaphoreType.DMA,
      ],
  )
  ex = run1(packed, cs_pad,
            ehT, etT, tr(freq_h), tr(phi_h), tr(amps_h),
            tr(freq_t), tr(phi_t), tr(amps_t))

  run2 = pl.kernel(
      _stage2_body,
      out_type=jax.ShapeDtypeStruct((B,), jnp.float32),
      mesh=_mesh,
      compiler_params=_params,
      scratch_types=[
          pltpu.VMEM((C,), jnp.int32),
          pltpu.VMEM((3 * C + L,), jnp.float32),
          pltpu.VMEM((C, 128), jnp.float32),
          pltpu.VMEM((C, 128), jnp.float32),
          pltpu.VMEM((C, 128), jnp.float32),
          pltpu.VMEM((C, 128), jnp.float32),
          pltpu.VMEM((C, 128), jnp.float32),
          pltpu.VMEM((C, 128), jnp.float32),
          pltpu.VMEM((C, L), jnp.float32),
          pltpu.VMEM((C,), jnp.float32),
          pltpu.SemaphoreType.DMA,
      ],
  )
  return run2(rels, d3, rel_embs_f, rel_embs_i, ex)

# --- scband reference (transcript-rebuilt; emitter-appended) ---
"""Pipeline reference for scband-de-simpl-e-50697793962647 (READ-ONLY COPY).

The authoritative reference and input builder live on the scoring server;
editing this copy changes nothing except your own understanding.
"""

import jax, jax.numpy as jnp
import numpy as np

NUM_ENT = 100000
NUM_REL = 1000
S_DIM = 96
T_DIM = 32
BATCH = 16384


def setup_inputs(seed: int = 0) -> dict:
    key = jax.random.key(seed)
    ks = jax.random.split(key, 16)
    inp = {}
    inp["heads"] = jax.random.randint(ks[0], (BATCH,), 0, NUM_ENT, dtype=jnp.int64 if jax.config.jax_enable_x64 else jnp.int32).astype(jnp.int32)
    inp["rels"] = jax.random.randint(ks[1], (BATCH,), 0, NUM_REL).astype(jnp.int32)
    inp["tails"] = jax.random.randint(ks[2], (BATCH,), 0, NUM_ENT).astype(jnp.int32)
    inp["years"] = jax.random.uniform(ks[3], (BATCH,), dtype=jnp.float32)
    inp["months"] = jax.random.uniform(ks[4], (BATCH,), dtype=jnp.float32)
    inp["days"] = jax.random.uniform(ks[5], (BATCH,), dtype=jnp.float32)
    # learned parameters (DE-SimplE): static head/tail entity embs, fwd/inv relation embs,
    # and diachronic frequency/phase/amplitude tables stacked over (year, month, day)
    inp["ent_embs_h"] = jax.random.normal(ks[6], (NUM_ENT, S_DIM), dtype=jnp.float32) * 0.05
    inp["ent_embs_t"] = jax.random.normal(ks[7], (NUM_ENT, S_DIM), dtype=jnp.float32) * 0.05
    inp["rel_embs_f"] = jax.random.normal(ks[8], (NUM_REL, S_DIM + T_DIM), dtype=jnp.float32) * 0.05
    inp["rel_embs_i"] = jax.random.normal(ks[9], (NUM_REL, S_DIM + T_DIM), dtype=jnp.float32) * 0.05
    inp["freq_h"] = jax.random.normal(ks[10], (3, NUM_ENT, T_DIM), dtype=jnp.float32) * 0.05
    inp["phi_h"] = jax.random.normal(ks[11], (3, NUM_ENT, T_DIM), dtype=jnp.float32) * 0.05
    inp["amps_h"] = jax.random.normal(ks[12], (3, NUM_ENT, T_DIM), dtype=jnp.float32) * 0.05
    inp["freq_t"] = jax.random.normal(ks[13], (3, NUM_ENT, T_DIM), dtype=jnp.float32) * 0.05
    inp["phi_t"] = jax.random.normal(ks[14], (3, NUM_ENT, T_DIM), dtype=jnp.float32) * 0.05
    inp["amps_t"] = jax.random.normal(ks[15], (3, NUM_ENT, T_DIM), dtype=jnp.float32) * 0.05
    return inp


def _time_emb(ents, freq, phi, amps, years, months, days):
    # gather per-entity diachronic params; tables are [3, NUM_ENT, T_DIM] for (y, m, d)
    f = jnp.take(freq, ents, axis=1)   # [3, B, T_DIM]
    p = jnp.take(phi, ents, axis=1)
    a = jnp.take(amps, ents, axis=1)
    dates = jnp.stack([years, months, days])[:, :, None]  # [3, B, 1]
    return jnp.sum(a * jnp.sin(f * dates + p), axis=0)    # [B, T_DIM]


def reference(heads, rels, tails, years, months, days,
              ent_embs_h, ent_embs_t, rel_embs_f, rel_embs_i,
              freq_h, phi_h, amps_h, freq_t, phi_t, amps_t):
    # getEmbeddings: static gathers
    h_s = jnp.take(ent_embs_h, heads, axis=0)
    t_s = jnp.take(ent_embs_t, tails, axis=0)
    h2_s = jnp.take(ent_embs_h, tails, axis=0)
    t2_s = jnp.take(ent_embs_t, heads, axis=0)
    # concat diachronic time embeddings
    h = jnp.concatenate([h_s, _time_emb(heads, freq_h, phi_h, amps_h, years, months, days)], axis=1)
    t = jnp.concatenate([t_s, _time_emb(tails, freq_t, phi_t, amps_t, years, months, days)], axis=1)
    h2 = jnp.concatenate([h2_s, _time_emb(tails, freq_h, phi_h, amps_h, years, months, days)], axis=1)
    t2 = jnp.concatenate([t2_s, _time_emb(heads, freq_t, phi_t, amps_t, years, months, days)], axis=1)
    r = jnp.take(rel_embs_f, rels, axis=0)
    r_i = jnp.take(rel_embs_i, rels, axis=0)
    # SimplE score (dropout is identity at eval time)
    scores = (jnp.sum(h * r * t, axis=1) + jnp.sum(h2 * r_i * t2, axis=1)) / 2.0
    return scores

if __name__ == "__main__":
    import jax
    _d = setup_inputs()
    print(jax.jit(kernel)(*tuple(_d.values())))

</pallas_src>

<mosaic_0001>
#map = affine_map<(d0, d1) -> (0)>
#map1 = affine_map<(d0, d1) -> (0, 0)>
module attributes {stable_mosaic.version = 14 : i64} {
  func.func @_stage2_body(%arg0: i32, %arg1: i32, %arg2: memref<16384xi32, #tpu.memory_space<hbm>>, %arg3: memref<49152xf32, #tpu.memory_space<hbm>>, %arg4: memref<1000x128xf32, #tpu.memory_space<hbm>>, %arg5: memref<1000x128xf32, #tpu.memory_space<hbm>>, %arg6: memref<32768x1024xf32, #tpu.memory_space<hbm>>, %arg7: memref<16384xf32, #tpu.memory_space<hbm>>, %arg8: memref<128xi32, #tpu.memory_space<vmem>>, %arg9: memref<400xf32, #tpu.memory_space<vmem>>, %arg10: memref<128x128xf32, #tpu.memory_space<vmem>>, %arg11: memref<128x128xf32, #tpu.memory_space<vmem>>, %arg12: memref<128x128xf32, #tpu.memory_space<vmem>>, %arg13: memref<128x128xf32, #tpu.memory_space<vmem>>, %arg14: memref<128x128xf32, #tpu.memory_space<vmem>>, %arg15: memref<128x128xf32, #tpu.memory_space<vmem>>, %arg16: memref<128x16xf32, #tpu.memory_space<vmem>>, %arg17: memref<128xf32, #tpu.memory_space<vmem>>, %arg18: memref<!tpu.dma_semaphore, #tpu.memory_space<semaphore_mem>>) attributes {dimension_semantics = [#tpu.dimension_semantics<core_parallel>, #tpu.dimension_semantics<subcore_parallel>], iteration_bounds = array<i64: 2, 16>, scalar_prefetch = 0 : i64, scratch_operands = 11 : i64, tpu.core_type = #tpu.core_type<sc_vector_subcore>, window_params = [{transform_indices = #map}, {transform_indices = #map}, {transform_indices = #map1}, {transform_indices = #map1}, {transform_indices = #map1}, {transform_indices = #map}]} {
    %mul3A = arith.constant 2 : i32
    %mul3A_0 = arith.muli %arg1, %mul3A : i32
    %add3A = arith.addi %mul3A_0, %arg0 : i32
    %scan3A = arith.constant 0 : i32
    %scan3A_1 = arith.constant 0 : i32
    %scan3A_2 = arith.constant 4 : i32
    %scan3A_3 = arith.addi %scan3A_1, %scan3A_2 : i32
    %scan3A_4 = arith.constant 1 : i32
    scf.for %scan3A_6 = %scan3A_1 to %scan3A_3 step %scan3A_4  : i32 {
      %mul3A_7 = arith.constant 512 : i32
      %mul3A_8 = arith.muli %add3A, %mul3A_7 : i32
      %mul3A_9 = arith.constant 128 : i32
      %mul3A_10 = arith.muli %scan3A_6, %mul3A_9 : i32
      %add3A_11 = arith.addi %mul3A_8, %mul3A_10 : i32
      %add3A_12 = arith.constant 16384 : i32
      %add3A_13 = arith.addi %add3A_12, %add3A_11 : i32
      "tpu.region"() ({
        %run_scoped3A = tpu.sem_alloc : memref<!tpu.dma_semaphore, #tpu.memory_space<semaphore_mem>>
        %dma_start3A_188 = tpu.memref_slice %arg2[%add3A_11] : memref<16384xi32, #tpu.memory_space<hbm>> -> memref<128xi32, #tpu.memory_space<hbm>>
        %dma_start3A_189 = tpu.memref_slice %arg2[%add3A_11] : memref<16384xi32, #tpu.memory_space<hbm>> -> memref<128xi32, #tpu.memory_space<hbm>>
        tpu.enqueue_dma source(%dma_start3A_189 : memref<128xi32, #tpu.memory_space<hbm>>) target(%arg8 : memref<128xi32, #tpu.memory_space<vmem>>) target_semaphore(%run_scoped3A : memref<!tpu.dma_semaphore, #tpu.memory_space<semaphore_mem>>)
        %dma_wait3A_190 = tpu.memref_slice %arg2[%add3A_11] : memref<16384xi32, #tpu.memory_space<hbm>> -> memref<128xi32, #tpu.memory_space<hbm>>
        %dma_wait3A_191 = tpu.memref_slice %arg2[%add3A_11] : memref<16384xi32, #tpu.memory_space<hbm>> -> memref<128xi32, #tpu.memory_space<hbm>>
        tpu.wait_dma2 semaphore(%run_scoped3A : memref<!tpu.dma_semaphore, #tpu.memory_space<semaphore_mem>>) src(%dma_wait3A_191 : memref<128xi32, #tpu.memory_space<hbm>>) dst(%arg8 : memref<128xi32, #tpu.memory_space<vmem>>)
        tpu.yield
      }) : () -> ()
      %add3A_14 = arith.constant 0 : i32
      %add3A_15 = arith.addi %add3A_14, %add3A_11 : i32
      "tpu.region"() ({
        %run_scoped3A = tpu.sem_alloc : memref<!tpu.dma_semaphore, #tpu.memory_space<semaphore_mem>>
        %dma_start3A_188 = arith.constant 0 : i32
        %dma_start3A_189 = tpu.memref_slice %arg9[%dma_start3A_188] : memref<400xf32, #tpu.memory_space<vmem>> -> memref<128xf32, #tpu.memory_space<vmem>>
        %dma_start3A_190 = tpu.memref_slice %arg3[%add3A_15] : memref<49152xf32, #tpu.memory_space<hbm>> -> memref<128xf32, #tpu.memory_space<hbm>>
        %dma_start3A_191 = arith.constant 0 : i32
        %dma_start3A_192 = tpu.memref_slice %arg9[%dma_start3A_191] : memref<400xf32, #tpu.memory_space<vmem>> -> memref<128xf32, #tpu.memory_space<vmem>>
        %dma_start3A_193 = tpu.memref_slice %arg3[%add3A_15] : memref<49152xf32, #tpu.memory_space<hbm>> -> memref<128xf32, #tpu.memory_space<hbm>>
        tpu.enqueue_dma source(%dma_start3A_193 : memref<128xf32, #tpu.memory_space<hbm>>) target(%dma_start3A_192 : memref<128xf32, #tpu.memory_space<vmem>>) target_semaphore(%run_scoped3A : memref<!tpu.dma_semaphore, #tpu.memory_space<semaphore_mem>>)
        %dma_wait3A_194 = arith.constant 0 : i32
        %dma_wait3A_195 = tpu.memref_slice %arg9[%dma_wait3A_194] : memref<400xf32, #tpu.memory_space<vmem>> -> memref<128xf32, #tpu.memory_space<vmem>>
        %dma_wait3A_196 = tpu.memref_slice %arg3[%add3A_15] : memref<49152xf32, #tpu.memory_space<hbm>> -> memref<128xf32, #tpu.memory_space<hbm>>
        %dma_wait3A_197 = arith.constant 0 : i32
        %dma_wait3A_198 = tpu.memref_slice %arg9[%dma_wait3A_197] : memref<400xf32, #tpu.memory_space<vmem>> -> memref<128xf32, #tpu.memory_space<vmem>>
        %dma_wait3A_199 = tpu.memref_slice %arg3[%add3A_15] : memref<49152xf32, #tpu.memory_space<hbm>> -> memref<128xf32, #tpu.memory_space<hbm>>
        tpu.wait_dma2 semaphore(%run_scoped3A : memref<!tpu.dma_semaphore, #tpu.memory_space<semaphore_mem>>) src(%dma_wait3A_199 : memref<128xf32, #tpu.memory_space<hbm>>) dst(%dma_wait3A_198 : memref<128xf32, #tpu.memory_space<vmem>>)
        tpu.yield
      }) : () -> ()
      %add3A_16 = arith.constant 16384 : i32
      %add3A_17 = arith.addi %add3A_16, %add3A_11 : i32
      "tpu.region"() ({
        %run_scoped3A = tpu.sem_alloc : memref<!tpu.dma_semaphore, #tpu.memory_space<semaphore_mem>>
        %dma_start3A_188 = arith.constant 128 : i32
        %dma_start3A_189 = tpu.memref_slice %arg9[%dma_start3A_188] : memref<400xf32, #tpu.memory_space<vmem>> -> memref<128xf32, #tpu.memory_space<vmem>>
        %dma_start3A_190 = tpu.memref_slice %arg3[%add3A_17] : memref<49152xf32, #tpu.memory_space<hbm>> -> memref<128xf32, #tpu.memory_space<hbm>>
        %dma_start3A_191 = arith.constant 128 : i32
        %dma_start3A_192 = tpu.memref_slice %arg9[%dma_start3A_191] : memref<400xf32, #tpu.memory_space<vmem>> -> memref<128xf32, #tpu.memory_space<vmem>>
        %dma_start3A_193 = tpu.memref_slice %arg3[%add3A_17] : memref<49152xf32, #tpu.memory_space<hbm>> -> memref<128xf32, #tpu.memory_space<hbm>>
        tpu.enqueue_dma source(%dma_start3A_193 : memref<128xf32, #tpu.memory_space<hbm>>) target(%dma_start3A_192 : memref<128xf32, #tpu.memory_space<vmem>>) target_semaphore(%run_scoped3A : memref<!tpu.dma_semaphore, #tpu.memory_space<semaphore_mem>>)
        %dma_wait3A_194 = arith.constant 128 : i32
        %dma_wait3A_195 = tpu.memref_slice %arg9[%dma_wait3A_194] : memref<400xf32, #tpu.memory_space<vmem>> -> memref<128xf32, #tpu.memory_space<vmem>>
        %dma_wait3A_196 = tpu.memref_slice %arg3[%add3A_17] : memref<49152xf32, #tpu.memory_space<hbm>> -> memref<128xf32, #tpu.memory_space<hbm>>
        %dma_wait3A_197 = arith.constant 128 : i32
        %dma_wait3A_198 = tpu.memref_slice %arg9[%dma_wait3A_197] : memref<400xf32, #tpu.memory_space<vmem>> -> memref<128xf32, #tpu.memory_space<vmem>>
        %dma_wait3A_199 = tpu.memref_slice %arg3[%add3A_17] : memref<49152xf32, #tpu.memory_space<hbm>> -> memref<128xf32, #tpu.memory_space<hbm>>
        tpu.wait_dma2 semaphore(%run_scoped3A : memref<!tpu.dma_semaphore, #tpu.memory_space<semaphore_mem>>) src(%dma_wait3A_199 : memref<128xf32, #tpu.memory_space<hbm>>) dst(%dma_wait3A_198 : memref<128xf32, #tpu.memory_space<vmem>>)
        tpu.yield
      }) : () -> ()
      %add3A_18 = arith.constant 32768 : i32
      %add3A_19 = arith.addi %add3A_18, %add3A_11 : i32
      "tpu.region"() ({
        %run_scoped3A = tpu.sem_alloc : memref<!tpu.dma_semaphore, #tpu.memory_space<semaphore_mem>>
        %dma_start3A_188 = arith.constant 256 : i32
        %dma_start3A_189 = tpu.memref_slice %arg9[%dma_start3A_188] : memref<400xf32, #tpu.memory_space<vmem>> -> memref<128xf32, #tpu.memory_space<vmem>>
        %dma_start3A_190 = tpu.memref_slice %arg3[%add3A_19] : memref<49152xf32, #tpu.memory_space<hbm>> -> memref<128xf32, #tpu.memory_space<hbm>>
        %dma_start3A_191 = arith.constant 256 : i32
        %dma_start3A_192 = tpu.memref_slice %arg9[%dma_start3A_191] : memref<400xf32, #tpu.memory_space<vmem>> -> memref<128xf32, #tpu.memory_space<vmem>>
        %dma_start3A_193 = tpu.memref_slice %arg3[%add3A_19] : memref<49152xf32, #tpu.memory_space<hbm>> -> memref<128xf32, #tpu.memory_space<hbm>>
        tpu.enqueue_dma source(%dma_start3A_193 : memref<128xf32, #tpu.memory_space<hbm>>) target(%dma_start3A_192 : memref<128xf32, #tpu.memory_space<vmem>>) target_semaphore(%run_scoped3A : memref<!tpu.dma_semaphore, #tpu.memory_space<semaphore_mem>>)
        %dma_wait3A_194 = arith.constant 256 : i32
        %dma_wait3A_195 = tpu.memref_slice %arg9[%dma_wait3A_194] : memref<400xf32, #tpu.memory_space<vmem>> -> memref<128xf32, #tpu.memory_space<vmem>>
        %dma_wait3A_196 = tpu.memref_slice %arg3[%add3A_19] : memref<49152xf32, #tpu.memory_space<hbm>> -> memref<128xf32, #tpu.memory_space<hbm>>
        %dma_wait3A_197 = arith.constant 256 : i32
        %dma_wait3A_198 = tpu.memref_slice %arg9[%dma_wait3A_197] : memref<400xf32, #tpu.memory_space<vmem>> -> memref<128xf32, #tpu.memory_space<vmem>>
        %dma_wait3A_199 = tpu.memref_slice %arg3[%add3A_19] : memref<49152xf32, #tpu.memory_space<hbm>> -> memref<128xf32, #tpu.memory_space<hbm>>
        tpu.wait_dma2 semaphore(%run_scoped3A : memref<!tpu.dma_semaphore, #tpu.memory_space<semaphore_mem>>) src(%dma_wait3A_199 : memref<128xf32, #tpu.memory_space<hbm>>) dst(%dma_wait3A_198 : memref<128xf32, #tpu.memory_space<vmem>>)
        tpu.yield
      }) : () -> ()
      %dma_start3A = arith.constant 0 : i32
      %dma_start3A_20 = tpu.memref_slice %arg6[%add3A_11, %dma_start3A] : memref<32768x1024xf32, #tpu.memory_space<hbm>> -> memref<128x128xf32, #tpu.memory_space<hbm>>
      %dma_start3A_21 = arith.constant 0 : i32
      %dma_start3A_22 = tpu.memref_slice %arg6[%add3A_11, %dma_start3A_21] : memref<32768x1024xf32, #tpu.memory_space<hbm>> -> memref<128x128xf32, #tpu.memory_space<hbm>>
      tpu.enqueue_dma source(%dma_start3A_22 : memref<128x128xf32, #tpu.memory_space<hbm>>) target(%arg10 : memref<128x128xf32, #tpu.memory_space<vmem>>) target_semaphore(%arg18 : memref<!tpu.dma_semaphore, #tpu.memory_space<semaphore_mem>>)
      %dma_start3A_23 = arith.constant 128 : i32
      %dma_start3A_24 = tpu.memref_slice %arg6[%add3A_13, %dma_start3A_23] : memref<32768x1024xf32, #tpu.memory_space<hbm>> -> memref<128x128xf32, #tpu.memory_space<hbm>>
      %dma_start3A_25 = arith.constant 128 : i32
      %dma_start3A_26 = tpu.memref_slice %arg6[%add3A_13, %dma_start3A_25] : memref<32768x1024xf32, #tpu.memory_space<hbm>> -> memref<128x128xf32, #tpu.memory_space<hbm>>
      tpu.enqueue_dma source(%dma_start3A_26 : memref<128x128xf32, #tpu.memory_space<hbm>>) target(%arg11 : memref<128x128xf32, #tpu.memory_space<vmem>>) target_semaphore(%arg18 : memref<!tpu.dma_semaphore, #tpu.memory_space<semaphore_mem>>)
      %dma_start3A_27 = arith.constant 0 : i32
      %dma_start3A_28 = arith.constant 0 : i32
      %dma_start3A_29 = tpu.memref_slice %arg4[%dma_start3A_27, %dma_start3A_28] : memref<1000x128xf32, #tpu.memory_space<hbm>> -> memref<1000x128xf32, #tpu.memory_space<hbm>>
      tpu.enqueue_indirect_dma source(%dma_start3A_29 : memref<1000x128xf32, #tpu.memory_space<hbm>>) target(%arg12 : memref<128x128xf32, #tpu.memory_space<vmem>>) offsets(%arg8 : memref<128xi32, #tpu.memory_space<vmem>>) semaphore(%arg18 : memref<!tpu.dma_semaphore, #tpu.memory_space<semaphore_mem>>)
      %dma_start3A_30 = arith.constant 256 : i32
      %dma_start3A_31 = tpu.memref_slice %arg6[%add3A_11, %dma_start3A_30] : memref<32768x1024xf32, #tpu.memory_space<hbm>> -> memref<128x128xf32, #tpu.memory_space<hbm>>
      %dma_start3A_32 = arith.constant 256 : i32
      %dma_start3A_33 = tpu.memref_slice %arg6[%add3A_11, %dma_start3A_32] : memref<32768x1024xf32, #tpu.memory_space<hbm>> -> memref<128x128xf32, #tpu.memory_space<hbm>>
      tpu.enqueue_dma source(%dma_start3A_33 : memref<128x128xf32, #tpu.memory_space<hbm>>) target(%arg13 : memref<128x128xf32, #tpu.memory_space<vmem>>) target_semaphore(%arg18 : memref<!tpu.dma_semaphore, #tpu.memory_space<semaphore_mem>>)
      %dma_start3A_34 = arith.constant 384 : i32
      %dma_start3A_35 = tpu.memref_slice %arg6[%add3A_11, %dma_start3A_34] : memref<32768x1024xf32, #tpu.memory_space<hbm>> -> memref<128x128xf32, #tpu.memory_space<hbm>>
      %dma_start3A_36 = arith.constant 384 : i32
      %dma_start3A_37 = tpu.memref_slice %arg6[%add3A_11, %dma_start3A_36] : memref<32768x1024xf32, #tpu.memory_space<hbm>> -> memref<128x128xf32, #tpu.memory_space<hbm>>
      tpu.enqueue_dma source(%dma_start3A_37 : memref<128x128xf32, #tpu.memory_space<hbm>>) target(%arg14 : memref<128x128xf32, #tpu.memory_space<vmem>>) target_semaphore(%arg18 : memref<!tpu.dma_semaphore, #tpu.memory_space<semaphore_mem>>)
      %dma_start3A_38 = arith.constant 512 : i32
      %dma_start3A_39 = tpu.memref_slice %arg6[%add3A_11, %dma_start3A_38] : memref<32768x1024xf32, #tpu.memory_space<hbm>> -> memref<128x128xf32, #tpu.memory_space<hbm>>
      %dma_start3A_40 = arith.constant 512 : i32
      %dma_start3A_41 = tpu.memref_slice %arg6[%add3A_11, %dma_start3A_40] : memref<32768x1024xf32, #tpu.memory_space<hbm>> -> memref<128x128xf32, #tpu.memory_space<hbm>>
      tpu.enqueue_dma source(%dma_start3A_41 : memref<128x128xf32, #tpu.memory_space<hbm>>) target(%arg15 : memref<128x128xf32, #tpu.memory_space<vmem>>) target_semaphore(%arg18 : memref<!tpu.dma_semaphore, #tpu.memory_space<semaphore_mem>>)
      %dma_wait3A = arith.constant 0 : i32
      %dma_wait3A_42 = tpu.memref_slice %arg6[%add3A_11, %dma_wait3A] : memref<32768x1024xf32, #tpu.memory_space<hbm>> -> memref<128x128xf32, #tpu.memory_space<hbm>>
      %dma_wait3A_43 = arith.constant 0 : i32
      %dma_wait3A_44 = tpu.memref_slice %arg6[%add3A_11, %dma_wait3A_43] : memref<32768x1024xf32, #tpu.memory_space<hbm>> -> memref<128x128xf32, #tpu.memory_space<hbm>>
      tpu.wait_dma2 semaphore(%arg18 : memref<!tpu.dma_semaphore, #tpu.memory_space<semaphore_mem>>) src(%dma_wait3A_44 : memref<128x128xf32, #tpu.memory_space<hbm>>) dst(%arg10 : memref<128x128xf32, #tpu.memory_space<vmem>>)
      %dma_wait3A_45 = arith.constant 128 : i32
      %dma_wait3A_46 = tpu.memref_slice %arg6[%add3A_13, %dma_wait3A_45] : memref<32768x1024xf32, #tpu.memory_space<hbm>> -> memref<128x128xf32, #tpu.memory_space<hbm>>
      %dma_wait3A_47 = arith.constant 128 : i32
      %dma_wait3A_48 = tpu.memref_slice %arg6[%add3A_13, %dma_wait3A_47] : memref<32768x1024xf32, #tpu.memory_space<hbm>> -> memref<128x128xf32, #tpu.memory_space<hbm>>
      tpu.wait_dma2 semaphore(%arg18 : memref<!tpu.dma_semaphore, #tpu.memory_space<semaphore_mem>>) src(%dma_wait3A_48 : memref<128x128xf32, #tpu.memory_space<hbm>>) dst(%arg11 : memref<128x128xf32, #tpu.memory_space<vmem>>)
      %dma_wait3A_49 = arith.constant 0 : i32
      %dma_wait3A_50 = arith.constant 0 : i32
      %dma_wait3A_51 = tpu.memref_slice %arg4[%dma_wait3A_49, %dma_wait3A_50] : memref<1000x128xf32, #tpu.memory_space<hbm>> -> memref<1000x128xf32, #tpu.memory_space<hbm>>
      tpu.wait_indirect_dma semaphore(%arg18 : memref<!tpu.dma_semaphore, #tpu.memory_space<semaphore_mem>>) src(%dma_wait3A_51 : memref<1000x128xf32, #tpu.memory_space<hbm>>) dst(%arg12 : memref<128x128xf32, #tpu.memory_space<vmem>>)
      %dma_wait3A_52 = arith.constant 256 : i32
      %dma_wait3A_53 = tpu.memref_slice %arg6[%add3A_11, %dma_wait3A_52] : memref<32768x1024xf32, #tpu.memory_space<hbm>> -> memref<128x128xf32, #tpu.memory_space<hbm>>
      %dma_wait3A_54 = arith.constant 256 : i32
      %dma_wait3A_55 = tpu.memref_slice %arg6[%add3A_11, %dma_wait3A_54] : memref<32768x1024xf32, #tpu.memory_space<hbm>> -> memref<128x128xf32, #tpu.memory_space<hbm>>
      tpu.wait_dma2 semaphore(%arg18 : memref<!tpu.dma_semaphore, #tpu.memory_space<semaphore_mem>>) src(%dma_wait3A_55 : memref<128x128xf32, #tpu.memory_space<hbm>>) dst(%arg13 : memref<128x128xf32, #tpu.memory_space<vmem>>)
      %dma_wait3A_56 = arith.constant 384 : i32
      %dma_wait3A_57 = tpu.memref_slice %arg6[%add3A_11, %dma_wait3A_56] : memref<32768x1024xf32, #tpu.memory_space<hbm>> -> memref<128x128xf32, #tpu.memory_space<hbm>>
      %dma_wait3A_58 = arith.constant 384 : i32
      %dma_wait3A_59 = tpu.memref_slice %arg6[%add3A_11, %dma_wait3A_58] : memref<32768x1024xf32, #tpu.memory_space<hbm>> -> memref<128x128xf32, #tpu.memory_space<hbm>>
      tpu.wait_dma2 semaphore(%arg18 : memref<!tpu.dma_semaphore, #tpu.memory_space<semaphore_mem>>) src(%dma_wait3A_59 : memref<128x128xf32, #tpu.memory_space<hbm>>) dst(%arg14 : memref<128x128xf32, #tpu.memory_space<vmem>>)
      %dma_wait3A_60 = arith.constant 512 : i32
      %dma_wait3A_61 = tpu.memref_slice %arg6[%add3A_11, %dma_wait3A_60] : memref<32768x1024xf32, #tpu.memory_space<hbm>> -> memref<128x128xf32, #tpu.memory_space<hbm>>
      %dma_wait3A_62 = arith.constant 512 : i32
      %dma_wait3A_63 = tpu.memref_slice %arg6[%add3A_11, %dma_wait3A_62] : memref<32768x1024xf32, #tpu.memory_space<hbm>> -> memref<128x128xf32, #tpu.memory_space<hbm>>
      tpu.wait_dma2 semaphore(%arg18 : memref<!tpu.dma_semaphore, #tpu.memory_space<semaphore_mem>>) src(%dma_wait3A_63 : memref<128x128xf32, #tpu.memory_space<hbm>>) dst(%arg15 : memref<128x128xf32, #tpu.memory_space<vmem>>)
      %scan3A_64 = arith.constant 0 : i32
      %scan3A_65 = arith.constant 0 : i32
      %scan3A_66 = arith.constant 128 : i32
      %scan3A_67 = arith.addi %scan3A_65, %scan3A_66 : i32
      %scan3A_68 = arith.constant 1 : i32
      scf.for %scan3A_188 = %scan3A_65 to %scan3A_67 step %scan3A_68  : i32 {
        %broadcast_in_dim3A = arith.constant 0.000000e+00 : f32
        %broadcast_in_dim3A_189 = vector.broadcast %broadcast_in_dim3A : f32 to vector<16xf32>
        %get3A = arith.index_cast %scan3A_188 : i32 to index
        %get3A_190 = arith.constant 0 : index
        %get3A_191 = tpu.vector_load %arg10[%get3A, %get3A_190] {strides = array<i32>} : memref<128x128xf32, #tpu.memory_space<vmem>>, vector<16xf32>,
        %get3A_192 = arith.index_cast %scan3A_188 : i32 to index
        %get3A_193 = arith.constant 0 : index
        %get3A_194 = tpu.vector_load %arg12[%get3A_192, %get3A_193] {strides = array<i32>} : memref<128x128xf32, #tpu.memory_space<vmem>>, vector<16xf32>,
        %mul3A_195 = arith.mulf %get3A_191, %get3A_194 : vector<16xf32>
        %get3A_196 = arith.index_cast %scan3A_188 : i32 to index
        %get3A_197 = arith.constant 0 : index
        %get3A_198 = tpu.vector_load %arg11[%get3A_196, %get3A_197] {strides = array<i32>} : memref<128x128xf32, #tpu.memory_space<vmem>>, vector<16xf32>,
        %mul3A_199 = arith.mulf %mul3A_195, %get3A_198 : vector<16xf32>
        %add3A_200 = arith.addf %broadcast_in_dim3A_189, %mul3A_199 : vector<16xf32>
        %get3A_201 = arith.index_cast %scan3A_188 : i32 to index
        %get3A_202 = arith.constant 16 : index
        %get3A_203 = tpu.vector_load %arg10[%get3A_201, %get3A_202] {strides = array<i32>} : memref<128x128xf32, #tpu.memory_space<vmem>>, vector<16xf32>,
        %get3A_204 = arith.index_cast %scan3A_188 : i32 to index
        %get3A_205 = arith.constant 16 : index
        %get3A_206 = tpu.vector_load %arg12[%get3A_204, %get3A_205] {strides = array<i32>} : memref<128x128xf32, #tpu.memory_space<vmem>>, vector<16xf32>,
        %mul3A_207 = arith.mulf %get3A_203, %get3A_206 : vector<16xf32>
        %get3A_208 = arith.index_cast %scan3A_188 : i32 to index
        %get3A_209 = arith.constant 16 : index
        %get3A_210 = tpu.vector_load %arg11[%get3A_208, %get3A_209] {strides = array<i32>} : memref<128x128xf32, #tpu.memory_space<vmem>>, vector<16xf32>,
        %mul3A_211 = arith.mulf %mul3A_207, %get3A_210 : vector<16xf32>
        %add3A_212 = arith.addf %add3A_200, %mul3A_211 : vector<16xf32>
        %get3A_213 = arith.index_cast %scan3A_188 : i32 to index
        %get3A_214 = arith.constant 32 : index
        %get3A_215 = tpu.vector_load %arg10[%get3A_213, %get3A_214] {strides = array<i32>} : memref<128x128xf32, #tpu.memory_space<vmem>>, vector<16xf32>,
        %get3A_216 = arith.index_cast %scan3A_188 : i32 to index
        %get3A_217 = arith.constant 32 : index
        %get3A_218 = tpu.vector_load %arg12[%get3A_216, %get3A_217] {strides = array<i32>} : memref<128x128xf32, #tpu.memory_space<vmem>>, vector<16xf32>,
        %mul3A_219 = arith.mulf %get3A_215, %get3A_218 : vector<16xf32>
        %get3A_220 = arith.index_cast %scan3A_188 : i32 to index
        %get3A_221 = arith.constant 32 : index
        %get3A_222 = tpu.vector_load %arg11[%get3A_220, %get3A_221] {strides = array<i32>} : memref<128x128xf32, #tpu.memory_space<vmem>>, vector<16xf32>,
        %mul3A_223 = arith.mulf %mul3A_219, %get3A_222 : vector<16xf32>
        %add3A_224 = arith.addf %add3A_212, %mul3A_223 : vector<16xf32>
        %get3A_225 = arith.index_cast %scan3A_188 : i32 to index
        %get3A_226 = arith.constant 48 : index
        %get3A_227 = tpu.vector_load %arg10[%get3A_225, %get3A_226] {strides = array<i32>} : memref<128x128xf32, #tpu.memory_space<vmem>>, vector<16xf32>,
        %get3A_228 = arith.index_cast %scan3A_188 : i32 to index
        %get3A_229 = arith.constant 48 : index
        %get3A_230 = tpu.vector_load %arg12[%get3A_228, %get3A_229] {strides = array<i32>} : memref<128x128xf32, #tpu.memory_space<vmem>>, vector<16xf32>,
        %mul3A_231 = arith.mulf %get3A_227, %get3A_230 : vector<16xf32>
        %get3A_232 = arith.index_cast %scan3A_188 : i32 to index
        %get3A_233 = arith.constant 48 : index
        %get3A_234 = tpu.vector_load %arg11[%get3A_232, %get3A_233] {strides = array<i32>} : memref<128x128xf32, #tpu.memory_space<vmem>>, vector<16xf32>,
        %mul3A_235 = arith.mulf %mul3A_231, %get3A_234 : vector<16xf32>
        %add3A_236 = arith.addf %add3A_224, %mul3A_235 : vector<16xf32>
        %get3A_237 = arith.index_cast %scan3A_188 : i32 to index
        %get3A_238 = arith.constant 64 : index
        %get3A_239 = tpu.vector_load %arg10[%get3A_237, %get3A_238] {strides = array<i32>} : memref<128x128xf32, #tpu.memory_space<vmem>>, vector<16xf32>,
        %get3A_240 = arith.index_cast %scan3A_188 : i32 to index
        %get3A_241 = arith.constant 64 : index
        %get3A_242 = tpu.vector_load %arg12[%get3A_240, %get3A_241] {strides = array<i32>} : memref<128x128xf32, #tpu.memory_space<vmem>>, vector<16xf32>,
        %mul3A_243 = arith.mulf %get3A_239, %get3A_242 : vector<16xf32>
        %get3A_244 = arith.index_cast %scan3A_188 : i32 to index
        %get3A_245 = arith.constant 64 : index
        %get3A_246 = tpu.vector_load %arg11[%get3A_244, %get3A_245] {strides = array<i32>} : memref<128x128xf32, #tpu.memory_space<vmem>>, vector<16xf32>,
        %mul3A_247 = arith.mulf %mul3A_243, %get3A_246 : vector<16xf32>
        %add3A_248 = arith.addf %add3A_236, %mul3A_247 : vector<16xf32>
        %get3A_249 = arith.index_cast %scan3A_188 : i32 to index
        %get3A_250 = arith.constant 80 : index
        %get3A_251 = tpu.vector_load %arg10[%get3A_249, %get3A_250] {strides = array<i32>} : memref<128x128xf32, #tpu.memory_space<vmem>>, vector<16xf32>,
        %get3A_252 = arith.index_cast %scan3A_188 : i32 to index
        %get3A_253 = arith.constant 80 : index
        %get3A_254 = tpu.vector_load %arg12[%get3A_252, %get3A_253] {strides = array<i32>} : memref<128x128xf32, #tpu.memory_space<vmem>>, vector<16xf32>,
        %mul3A_255 = arith.mulf %get3A_251, %get3A_254 : vector<16xf32>
        %get3A_256 = arith.index_cast %scan3A_188 : i32 to index
        %get3A_257 = arith.constant 80 : index
        %get3A_258 = tpu.vector_load %arg11[%get3A_256, %get3A_257] {strides = array<i32>} : memref<128x128xf32, #tpu.memory_space<vmem>>, vector<16xf32>,
        %mul3A_259 = arith.mulf %mul3A_255, %get3A_258 : vector<16xf32>
        %add3A_260 = arith.addf %add3A_248, %mul3A_259 : vector<16xf32>
        %add3A_261 = arith.constant 0 : i32
        %add3A_262 = arith.addi %add3A_261, %scan3A_188 : i32
        %get3A_263 = arith.index_cast %add3A_262 : i32 to index
        %get3A_264 = tpu.vector_load %arg9[%get3A_263] {strides = array<i32>} : memref<400xf32, #tpu.memory_space<vmem>>, vector<16xf32>,
        %slice3A = vector.extract_strided_slice %get3A_264 {offsets = [0], sizes = [1], strides = [1]} : vector<16xf32> to vector<1xf32>
        %squeeze3A = vector.extract %slice3A[0] : f32 from vector<1xf32>
        %broadcast_in_dim3A_265 = vector.broadcast %squeeze3A : f32 to vector<16xf32>
        %add3A_266 = arith.constant 128 : i32
        %add3A_267 = arith.addi %add3A_266, %scan3A_188 : i32
        %get3A_268 = arith.index_cast %add3A_267 : i32 to index
        %get3A_269 = tpu.vector_load %arg9[%get3A_268] {strides = array<i32>} : memref<400xf32, #tpu.memory_space<vmem>>, vector<16xf32>,
        %slice3A_270 = vector.extract_strided_slice %get3A_269 {offsets = [0], sizes = [1], strides = [1]} : vector<16xf32> to vector<1xf32>
        %squeeze3A_271 = vector.extract %slice3A_270[0] : f32 from vector<1xf32>
        %broadcast_in_dim3A_272 = vector.broadcast %squeeze3A_271 : f32 to vector<16xf32>
        %add3A_273 = arith.constant 256 : i32
        %add3A_274 = arith.addi %add3A_273, %scan3A_188 : i32
        %get3A_275 = arith.index_cast %add3A_274 : i32 to index
        %get3A_276 = tpu.vector_load %arg9[%get3A_275] {strides = array<i32>} : memref<400xf32, #tpu.memory_space<vmem>>, vector<16xf32>,
        %slice3A_277 = vector.extract_strided_slice %get3A_276 {offsets = [0], sizes = [1], strides = [1]} : vector<16xf32> to vector<1xf32>
        %squeeze3A_278 = vector.extract %slice3A_277[0] : f32 from vector<1xf32>
        %broadcast_in_dim3A_279 = vector.broadcast %squeeze3A_278 : f32 to vector<16xf32>
        %broadcast_in_dim3A_280 = arith.constant 0.000000e+00 : f32
        %broadcast_in_dim3A_281 = vector.broadcast %broadcast_in_dim3A_280 : f32 to vector<16xf32>
        %get3A_282 = arith.index_cast %scan3A_188 : i32 to index
        %get3A_283 = arith.constant 0 : index
        %get3A_284 = tpu.vector_load %arg13[%get3A_282, %get3A_283] {strides = array<i32>} : memref<128x128xf32, #tpu.memory_space<vmem>>, vector<16xf32>,
        %get3A_285 = arith.index_cast %scan3A_188 : i32 to index
        %get3A_286 = arith.constant 0 : index
        %get3A_287 = tpu.vector_load %arg14[%get3A_285, %get3A_286] {strides = array<i32>} : memref<128x128xf32, #tpu.memory_space<vmem>>, vector<16xf32>,
        %get3A_288 = arith.index_cast %scan3A_188 : i32 to index
        %get3A_289 = arith.constant 0 : index
        %get3A_290 = tpu.vector_load %arg15[%get3A_288, %get3A_289] {strides = array<i32>} : memref<128x128xf32, #tpu.memory_space<vmem>>, vector<16xf32>,
        %mul3A_291 = arith.mulf %get3A_284, %broadcast_in_dim3A_265 : vector<16xf32>
        %add3A_292 = arith.addf %mul3A_291, %get3A_287 : vector<16xf32>
        %mul3A_293 = arith.mulf %add3A_292, %add3A_292 : vector<16xf32>
        %mul3A_294 = arith.constant 2.75573188E-6 : f32
        %mul3A_295 = vector.broadcast %mul3A_294 : f32 to vector<16xf32>
        %mul3A_296 = arith.mulf %mul3A_293, %mul3A_295 : vector<16xf32>
        %add3A_297 = arith.constant -1.98412701E-4 : f32
        %add3A_298 = vector.broadcast %add3A_297 : f32 to vector<16xf32>
        %add3A_299 = arith.addf %mul3A_296, %add3A_298 : vector<16xf32>
        %mul3A_300 = arith.mulf %mul3A_293, %add3A_299 : vector<16xf32>
        %add3A_301 = arith.constant 0.00833333377 : f32
        %add3A_302 = vector.broadcast %add3A_301 : f32 to vector<16xf32>
        %add3A_303 = arith.addf %mul3A_300, %add3A_302 : vector<16xf32>
        %mul3A_304 = arith.mulf %mul3A_293, %add3A_303 : vector<16xf32>
        %add3A_305 = arith.constant -0.166666672 : f32
        %add3A_306 = vector.broadcast %add3A_305 : f32 to vector<16xf32>
        %add3A_307 = arith.addf %mul3A_304, %add3A_306 : vector<16xf32>
        %mul3A_308 = arith.mulf %mul3A_293, %add3A_307 : vector<16xf32>
        %add3A_309 = arith.constant 1.000000e+00 : f32
        %add3A_310 = vector.broadcast %add3A_309 : f32 to vector<16xf32>
        %add3A_311 = arith.addf %mul3A_308, %add3A_310 : vector<16xf32>
        %mul3A_312 = arith.mulf %add3A_292, %add3A_311 : vector<16xf32>
        %mul3A_313 = arith.mulf %get3A_290, %mul3A_312 : vector<16xf32>
        %add3A_314 = arith.addf %broadcast_in_dim3A_281, %mul3A_313 : vector<16xf32>
        %get3A_315 = arith.index_cast %scan3A_188 : i32 to index
        %get3A_316 = arith.constant 32 : index
        %get3A_317 = tpu.vector_load %arg13[%get3A_315, %get3A_316] {strides = array<i32>} : memref<128x128xf32, #tpu.memory_space<vmem>>, vector<16xf32>,
        %get3A_318 = arith.index_cast %scan3A_188 : i32 to index
        %get3A_319 = arith.constant 32 : index
        %get3A_320 = tpu.vector_load %arg14[%get3A_318, %get3A_319] {strides = array<i32>} : memref<128x128xf32, #tpu.memory_space<vmem>>, vector<16xf32>,
        %get3A_321 = arith.index_cast %scan3A_188 : i32 to index
        %get3A_322 = arith.constant 32 : index
        %get3A_323 = tpu.vector_load %arg15[%get3A_321, %get3A_322] {strides = array<i32>} : memref<128x128xf32, #tpu.memory_space<vmem>>, vector<16xf32>,
        %mul3A_324 = arith.mulf %get3A_317, %broadcast_in_dim3A_272 : vector<16xf32>
        %add3A_325 = arith.addf %mul3A_324, %get3A_320 : vector<16xf32>
        %mul3A_326 = arith.mulf %add3A_325, %add3A_325 : vector<16xf32>
        %mul3A_327 = arith.constant 2.75573188E-6 : f32
        %mul3A_328 = vector.broadcast %mul3A_327 : f32 to vector<16xf32>
        %mul3A_329 = arith.mulf %mul3A_326, %mul3A_328 : vector<16xf32>
        %add3A_330 = arith.constant -1.98412701E-4 : f32
        %add3A_331 = vector.broadcast %add3A_330 : f32 to vector<16xf32>
        %add3A_332 = arith.addf %mul3A_329, %add3A_331 : vector<16xf32>
        %mul3A_333 = arith.mulf %mul3A_326, %add3A_332 : vector<16xf32>
        %add3A_334 = arith.constant 0.00833333377 : f32
        %add3A_335 = vector.broadcast %add3A_334 : f32 to vector<16xf32>
        %add3A_336 = arith.addf %mul3A_333, %add3A_335 : vector<16xf32>
        %mul3A_337 = arith.mulf %mul3A_326, %add3A_336 : vector<16xf32>
        %add3A_338 = arith.constant -0.166666672 : f32
        %add3A_339 = vector.broadcast %add3A_338 : f32 to vector<16xf32>
        %add3A_340 = arith.addf %mul3A_337, %add3A_339 : vector<16xf32>
        %mul3A_341 = arith.mulf %mul3A_326, %add3A_340 : vector<16xf32>
        %add3A_342 = arith.constant 1.000000e+00 : f32
        %add3A_343 = vector.broadcast %add3A_342 : f32 to vector<16xf32>
        %add3A_344 = arith.addf %mul3A_341, %add3A_343 : vector<16xf32>
        %mul3A_345 = arith.mulf %add3A_325, %add3A_344 : vector<16xf32>
        %mul3A_346 = arith.mulf %get3A_323, %mul3A_345 : vector<16xf32>
        %add3A_347 = arith.addf %add3A_314, %mul3A_346 : vector<16xf32>
        %get3A_348 = arith.index_cast %scan3A_188 : i32 to index
        %get3A_349 = arith.constant 64 : index
        %get3A_350 = tpu.vector_load %arg13[%get3A_348, %get3A_349] {strides = array<i32>} : memref<128x128xf32, #tpu.memory_space<vmem>>, vector<16xf32>,
        %get3A_351 = arith.index_cast %scan3A_188 : i32 to index
        %get3A_352 = arith.constant 64 : index
        %get3A_353 = tpu.vector_load %arg14[%get3A_351, %get3A_352] {strides = array<i32>} : memref<128x128xf32, #tpu.memory_space<vmem>>, vector<16xf32>,
        %get3A_354 = arith.index_cast %scan3A_188 : i32 to index
        %get3A_355 = arith.constant 64 : index
        %get3A_356 = tpu.vector_load %arg15[%get3A_354, %get3A_355] {strides = array<i32>} : memref<128x128xf32, #tpu.memory_space<vmem>>, vector<16xf32>,
        %mul3A_357 = arith.mulf %get3A_350, %broadcast_in_dim3A_279 : vector<16xf32>
        %add3A_358 = arith.addf %mul3A_357, %get3A_353 : vector<16xf32>
        %mul3A_359 = arith.mulf %add3A_358, %add3A_358 : vector<16xf32>
        %mul3A_360 = arith.constant 2.75573188E-6 : f32
        %mul3A_361 = vector.broadcast %mul3A_360 : f32 to vector<16xf32>
        %mul3A_362 = arith.mulf %mul3A_359, %mul3A_361 : vector<16xf32>
        %add3A_363 = arith.constant -1.98412701E-4 : f32
        %add3A_364 = vector.broadcast %add3A_363 : f32 to vector<16xf32>
        %add3A_365 = arith.addf %mul3A_362, %add3A_364 : vector<16xf32>
        %mul3A_366 = arith.mulf %mul3A_359, %add3A_365 : vector<16xf32>
        %add3A_367 = arith.constant 0.00833333377 : f32
        %add3A_368 = vector.broadcast %add3A_367 : f32 to vector<16xf32>
        %add3A_369 = arith.addf %mul3A_366, %add3A_368 : vector<16xf32>
        %mul3A_370 = arith.mulf %mul3A_359, %add3A_369 : vector<16xf32>
        %add3A_371 = arith.constant -0.166666672 : f32
        %add3A_372 = vector.broadcast %add3A_371 : f32 to vector<16xf32>
        %add3A_373 = arith.addf %mul3A_370, %add3A_372 : vector<16xf32>
        %mul3A_374 = arith.mulf %mul3A_359, %add3A_373 : vector<16xf32>
        %add3A_375 = arith.constant 1.000000e+00 : f32
        %add3A_376 = vector.broadcast %add3A_375 : f32 to vector<16xf32>
        %add3A_377 = arith.addf %mul3A_374, %add3A_376 : vector<16xf32>
        %mul3A_378 = arith.mulf %add3A_358, %add3A_377 : vector<16xf32>
        %mul3A_379 = arith.mulf %get3A_356, %mul3A_378 : vector<16xf32>
        %add3A_380 = arith.addf %add3A_347, %mul3A_379 : vector<16xf32>
        %swap3A = arith.index_cast %scan3A_188 : i32 to index
        %swap3A_381 = arith.constant 96 : index
        %swap3A_382 = tpu.vector_load %arg10[%swap3A, %swap3A_381] {strides = array<i32>} : memref<128x128xf32, #tpu.memory_space<vmem>>, vector<16xf32>,
        tpu.vector_store %arg10[%swap3A, %swap3A_381], %add3A_380 {strides = array<i32>} : memref<128x128xf32, #tpu.memory_space<vmem>>, vector<16xf32>,
        %broadcast_in_dim3A_383 = arith.constant 0.000000e+00 : f32
        %broadcast_in_dim3A_384 = vector.broadcast %broadcast_in_dim3A_383 : f32 to vector<16xf32>
        %get3A_385 = arith.index_cast %scan3A_188 : i32 to index
        %get3A_386 = arith.constant 16 : index
        %get3A_387 = tpu.vector_load %arg13[%get3A_385, %get3A_386] {strides = array<i32>} : memref<128x128xf32, #tpu.memory_space<vmem>>, vector<16xf32>,
        %get3A_388 = arith.index_cast %scan3A_188 : i32 to index
        %get3A_389 = arith.constant 16 : index
        %get3A_390 = tpu.vector_load %arg14[%get3A_388, %get3A_389] {strides = array<i32>} : memref<128x128xf32, #tpu.memory_space<vmem>>, vector<16xf32>,
        %get3A_391 = arith.index_cast %scan3A_188 : i32 to index
        %get3A_392 = arith.constant 16 : index
        %get3A_393 = tpu.vector_load %arg15[%get3A_391, %get3A_392] {strides = array<i32>} : memref<128x128xf32, #tpu.memory_space<vmem>>, vector<16xf32>,
        %mul3A_394 = arith.mulf %get3A_387, %broadcast_in_dim3A_265 : vector<16xf32>
        %add3A_395 = arith.addf %mul3A_394, %get3A_390 : vector<16xf32>
        %mul3A_396 = arith.mulf %add3A_395, %add3A_395 : vector<16xf32>
        %mul3A_397 = arith.constant 2.75573188E-6 : f32
        %mul3A_398 = vector.broadcast %mul3A_397 : f32 to vector<16xf32>
        %mul3A_399 = arith.mulf %mul3A_396, %mul3A_398 : vector<16xf32>
        %add3A_400 = arith.constant -1.98412701E-4 : f32
        %add3A_401 = vector.broadcast %add3A_400 : f32 to vector<16xf32>
        %add3A_402 = arith.addf %mul3A_399, %add3A_401 : vector<16xf32>
        %mul3A_403 = arith.mulf %mul3A_396, %add3A_402 : vector<16xf32>
        %add3A_404 = arith.constant 0.00833333377 : f32
        %add3A_405 = vector.broadcast %add3A_404 : f32 to vector<16xf32>
        %add3A_406 = arith.addf %mul3A_403, %add3A_405 : vector<16xf32>
        %mul3A_407 = arith.mulf %mul3A_396, %add3A_406 : vector<16xf32>
        %add3A_408 = arith.constant -0.166666672 : f32
        %add3A_409 = vector.broadcast %add3A_408 : f32 to vector<16xf32>
        %add3A_410 = arith.addf %mul3A_407, %add3A_409 : vector<16xf32>
        %mul3A_411 = arith.mulf %mul3A_396, %add3A_410 : vector<16xf32>
        %add3A_412 = arith.constant 1.000000e+00 : f32
        %add3A_413 = vector.broadcast %add3A_412 : f32 to vector<16xf32>
        %add3A_414 = arith.addf %mul3A_411, %add3A_413 : vector<16xf32>
        %mul3A_415 = arith.mulf %add3A_395, %add3A_414 : vector<16xf32>
        %mul3A_416 = arith.mulf %get3A_393, %mul3A_415 : vector<16xf32>
        %add3A_417 = arith.addf %broadcast_in_dim3A_384, %mul3A_416 : vector<16xf32>
        %get3A_418 = arith.index_cast %scan3A_188 : i32 to index
        %get3A_419 = arith.constant 48 : index
        %get3A_420 = tpu.vector_load %arg13[%get3A_418, %get3A_419] {strides = array<i32>} : memref<128x128xf32, #tpu.memory_space<vmem>>, vector<16xf32>,
        %get3A_421 = arith.index_cast %scan3A_188 : i32 to index
        %get3A_422 = arith.constant 48 : index
        %get3A_423 = tpu.vector_load %arg14[%get3A_421, %get3A_422] {strides = array<i32>} : memref<128x128xf32, #tpu.memory_space<vmem>>, vector<16xf32>,
        %get3A_424 = arith.index_cast %scan3A_188 : i32 to index
        %get3A_425 = arith.constant 48 : index
        %get3A_426 = tpu.vector_load %arg15[%get3A_424, %get3A_425] {strides = array<i32>} : memref<128x128xf32, #tpu.memory_space<vmem>>, vector<16xf32>,
        %mul3A_427 = arith.mulf %get3A_420, %broadcast_in_dim3A_272 : vector<16xf32>
        %add3A_428 = arith.addf %mul3A_427, %get3A_423 : vector<16xf32>
        %mul3A_429 = arith.mulf %add3A_428, %add3A_428 : vector<16xf32>
        %mul3A_430 = arith.constant 2.75573188E-6 : f32
        %mul3A_431 = vector.broadcast %mul3A_430 : f32 to vector<16xf32>
        %mul3A_432 = arith.mulf %mul3A_429, %mul3A_431 : vector<16xf32>
        %add3A_433 = arith.constant -1.98412701E-4 : f32
        %add3A_434 = vector.broadcast %add3A_433 : f32 to vector<16xf32>
        %add3A_435 = arith.addf %mul3A_432, %add3A_434 : vector<16xf32>
        %mul3A_436 = arith.mulf %mul3A_429, %add3A_435 : vector<16xf32>
        %add3A_437 = arith.constant 0.00833333377 : f32
        %add3A_438 = vector.broadcast %add3A_437 : f32 to vector<16xf32>
        %add3A_439 = arith.addf %mul3A_436, %add3A_438 : vector<16xf32>
        %mul3A_440 = arith.mulf %mul3A_429, %add3A_439 : vector<16xf32>
        %add3A_441 = arith.constant -0.166666672 : f32
        %add3A_442 = vector.broadcast %add3A_441 : f32 to vector<16xf32>
        %add3A_443 = arith.addf %mul3A_440, %add3A_442 : vector<16xf32>
        %mul3A_444 = arith.mulf %mul3A_429, %add3A_443 : vector<16xf32>
        %add3A_445 = arith.constant 1.000000e+00 : f32
        %add3A_446 = vector.broadcast %add3A_445 : f32 to vector<16xf32>
        %add3A_447 = arith.addf %mul3A_444, %add3A_446 : vector<16xf32>
        %mul3A_448 = arith.mulf %add3A_428, %add3A_447 : vector<16xf32>
        %mul3A_449 = arith.mulf %get3A_426, %mul3A_448 : vector<16xf32>
        %add3A_450 = arith.addf %add3A_417, %mul3A_449 : vector<16xf32>
        %get3A_451 = arith.index_cast %scan3A_188 : i32 to index
        %get3A_452 = arith.constant 80 : index
        %get3A_453 = tpu.vector_load %arg13[%get3A_451, %get3A_452] {strides = array<i32>} : memref<128x128xf32, #tpu.memory_space<vmem>>, vector<16xf32>,
        %get3A_454 = arith.index_cast %scan3A_188 : i32 to index
        %get3A_455 = arith.constant 80 : index
        %get3A_456 = tpu.vector_load %arg14[%get3A_454, %get3A_455] {strides = array<i32>} : memref<128x128xf32, #tpu.memory_space<vmem>>, vector<16xf32>,
        %get3A_457 = arith.index_cast %scan3A_188 : i32 to index
        %get3A_458 = arith.constant 80 : index
        %get3A_459 = tpu.vector_load %arg15[%get3A_457, %get3A_458] {strides = array<i32>} : memref<128x128xf32, #tpu.memory_space<vmem>>, vector<16xf32>,
        %mul3A_460 = arith.mulf %get3A_453, %broadcast_in_dim3A_279 : vector<16xf32>
        %add3A_461 = arith.addf %mul3A_460, %get3A_456 : vector<16xf32>
        %mul3A_462 = arith.mulf %add3A_461, %add3A_461 : vector<16xf32>
        %mul3A_463 = arith.constant 2.75573188E-6 : f32
        %mul3A_464 = vector.broadcast %mul3A_463 : f32 to vector<16xf32>
        %mul3A_465 = arith.mulf %mul3A_462, %mul3A_464 : vector<16xf32>
        %add3A_466 = arith.constant -1.98412701E-4 : f32
        %add3A_467 = vector.broadcast %add3A_466 : f32 to vector<16xf32>
        %add3A_468 = arith.addf %mul3A_465, %add3A_467 : vector<16xf32>
        %mul3A_469 = arith.mulf %mul3A_462, %add3A_468 : vector<16xf32>
        %add3A_470 = arith.constant 0.00833333377 : f32
        %add3A_471 = vector.broadcast %add3A_470 : f32 to vector<16xf32>
        %add3A_472 = arith.addf %mul3A_469, %add3A_471 : vector<16xf32>
        %mul3A_473 = arith.mulf %mul3A_462, %add3A_472 : vector<16xf32>
        %add3A_474 = arith.constant -0.166666672 : f32
        %add3A_475 = vector.broadcast %add3A_474 : f32 to vector<16xf32>
        %add3A_476 = arith.addf %mul3A_473, %add3A_475 : vector<16xf32>
        %mul3A_477 = arith.mulf %mul3A_462, %add3A_476 : vector<16xf32>
        %add3A_478 = arith.constant 1.000000e+00 : f32
        %add3A_479 = vector.broadcast %add3A_478 : f32 to vector<16xf32>
        %add3A_480 = arith.addf %mul3A_477, %add3A_479 : vector<16xf32>
        %mul3A_481 = arith.mulf %add3A_461, %add3A_480 : vector<16xf32>
        %mul3A_482 = arith.mulf %get3A_459, %mul3A_481 : vector<16xf32>
        %add3A_483 = arith.addf %add3A_450, %mul3A_482 : vector<16xf32>
        %swap3A_484 = arith.index_cast %scan3A_188 : i32 to index
        %swap3A_485 = arith.constant 112 : index
        %swap3A_486 = tpu.vector_load %arg10[%swap3A_484, %swap3A_485] {strides = array<i32>} : memref<128x128xf32, #tpu.memory_space<vmem>>, vector<16xf32>,
        tpu.vector_store %arg10[%swap3A_484, %swap3A_485], %add3A_483 {strides = array<i32>} : memref<128x128xf32, #tpu.memory_space<vmem>>, vector<16xf32>,
        %swap3A_487 = arith.index_cast %scan3A_188 : i32 to index
        %swap3A_488 = arith.constant 0 : index
        %swap3A_489 = tpu.vector_load %arg16[%swap3A_487, %swap3A_488] {strides = array<i32>} : memref<128x16xf32, #tpu.memory_space<vmem>>, vector<16xf32>,
        tpu.vector_store %arg16[%swap3A_487, %swap3A_488], %add3A_260 {strides = array<i32>} : memref<128x16xf32, #tpu.memory_space<vmem>>, vector<16xf32>,
      }
      %scan3A_69 = arith.constant 128 : i32
      %dma_start3A_70 = arith.constant 640 : i32
      %dma_start3A_71 = tpu.memref_slice %arg6[%add3A_13, %dma_start3A_70] : memref<32768x1024xf32, #tpu.memory_space<hbm>> -> memref<128x128xf32, #tpu.memory_space<hbm>>
      %dma_start3A_72 = arith.constant 640 : i32
      %dma_start3A_73 = tpu.memref_slice %arg6[%add3A_13, %dma_start3A_72] : memref<32768x1024xf32, #tpu.memory_space<hbm>> -> memref<128x128xf32, #tpu.memory_space<hbm>>
      tpu.enqueue_dma source(%dma_start3A_73 : memref<128x128xf32, #tpu.memory_space<hbm>>) target(%arg13 : memref<128x128xf32, #tpu.memory_space<vmem>>) target_semaphore(%arg18 : memref<!tpu.dma_semaphore, #tpu.memory_space<semaphore_mem>>)
      %dma_start3A_74 = arith.constant 768 : i32
      %dma_start3A_75 = tpu.memref_slice %arg6[%add3A_13, %dma_start3A_74] : memref<32768x1024xf32, #tpu.memory_space<hbm>> -> memref<128x128xf32, #tpu.memory_space<hbm>>
      %dma_start3A_76 = arith.constant 768 : i32
      %dma_start3A_77 = tpu.memref_slice %arg6[%add3A_13, %dma_start3A_76] : memref<32768x1024xf32, #tpu.memory_space<hbm>> -> memref<128x128xf32, #tpu.memory_space<hbm>>
      tpu.enqueue_dma source(%dma_start3A_77 : memref<128x128xf32, #tpu.memory_space<hbm>>) target(%arg14 : memref<128x128xf32, #tpu.memory_space<vmem>>) target_semaphore(%arg18 : memref<!tpu.dma_semaphore, #tpu.memory_space<semaphore_mem>>)
      %dma_start3A_78 = arith.constant 896 : i32
      %dma_start3A_79 = tpu.memref_slice %arg6[%add3A_13, %dma_start3A_78] : memref<32768x1024xf32, #tpu.memory_space<hbm>> -> memref<128x128xf32, #tpu.memory_space<hbm>>
      %dma_start3A_80 = arith.constant 896 : i32
      %dma_start3A_81 = tpu.memref_slice %arg6[%add3A_13, %dma_start3A_80] : memref<32768x1024xf32, #tpu.memory_space<hbm>> -> memref<128x128xf32, #tpu.memory_space<hbm>>
      tpu.enqueue_dma source(%dma_start3A_81 : memref<128x128xf32, #tpu.memory_space<hbm>>) target(%arg15 : memref<128x128xf32, #tpu.memory_space<vmem>>) target_semaphore(%arg18 : memref<!tpu.dma_semaphore, #tpu.memory_space<semaphore_mem>>)
      %dma_wait3A_82 = arith.constant 640 : i32
      %dma_wait3A_83 = tpu.memref_slice %arg6[%add3A_13, %dma_wait3A_82] : memref<32768x1024xf32, #tpu.memory_space<hbm>> -> memref<128x128xf32, #tpu.memory_space<hbm>>
      %dma_wait3A_84 = arith.constant 640 : i32
      %dma_wait3A_85 = tpu.memref_slice %arg6[%add3A_13, %dma_wait3A_84] : memref<32768x1024xf32, #tpu.memory_space<hbm>> -> memref<128x128xf32, #tpu.memory_space<hbm>>
      tpu.wait_dma2 semaphore(%arg18 : memref<!tpu.dma_semaphore, #tpu.memory_space<semaphore_mem>>) src(%dma_wait3A_85 : memref<128x128xf32, #tpu.memory_space<hbm>>) dst(%arg13 : memref<128x128xf32, #tpu.memory_space<vmem>>)
      %dma_wait3A_86 = arith.constant 768 : i32
      %dma_wait3A_87 = tpu.memref_slice %arg6[%add3A_13, %dma_wait3A_86] : memref<32768x1024xf32, #tpu.memory_space<hbm>> -> memref<128x128xf32, #tpu.memory_space<hbm>>
      %dma_wait3A_88 = arith.constant 768 : i32
      %dma_wait3A_89 = tpu.memref_slice %arg6[%add3A_13, %dma_wait3A_88] : memref<32768x1024xf32, #tpu.memory_space<hbm>> -> memref<128x128xf32, #tpu.memory_space<hbm>>
      tpu.wait_dma2 semaphore(%arg18 : memref<!tpu.dma_semaphore, #tpu.memory_space<semaphore_mem>>) src(%dma_wait3A_89 : memref<128x128xf32, #tpu.memory_space<hbm>>) dst(%arg14 : memref<128x128xf32, #tpu.memory_space<vmem>>)
      %dma_wait3A_90 = arith.constant 896 : i32
      %dma_wait3A_91 = tpu.memref_slice %arg6[%add3A_13, %dma_wait3A_90] : memref<32768x1024xf32, #tpu.memory_space<hbm>> -> memref<128x128xf32, #tpu.memory_space<hbm>>
      %dma_wait3A_92 = arith.constant 896 : i32
      %dma_wait3A_93 = tpu.memref_slice %arg6[%add3A_13, %dma_wait3A_92] : memref<32768x1024xf32, #tpu.memory_space<hbm>> -> memref<128x128xf32, #tpu.memory_space<hbm>>
      tpu.wait_dma2 semaphore(%arg18 : memref<!tpu.dma_semaphore, #tpu.memory_space<semaphore_mem>>) src(%dma_wait3A_93 : memref<128x128xf32, #tpu.memory_space<hbm>>) dst(%arg15 : memref<128x128xf32, #tpu.memory_space<vmem>>)
      %scan3A_94 = arith.constant 0 : i32
      %scan3A_95 = arith.constant 0 : i32
      %scan3A_96 = arith.constant 128 : i32
      %scan3A_97 = arith.addi %scan3A_95, %scan3A_96 : i32
      %scan3A_98 = arith.constant 1 : i32
      scf.for %scan3A_188 = %scan3A_95 to %scan3A_97 step %scan3A_98  : i32 {
        %get3A = arith.index_cast %scan3A_188 : i32 to index
        %get3A_189 = arith.constant 0 : index
        %get3A_190 = tpu.vector_load %arg16[%get3A, %get3A_189] {strides = array<i32>} : memref<128x16xf32, #tpu.memory_space<vmem>>, vector<16xf32>,
        %add3A_191 = arith.constant 0 : i32
        %add3A_192 = arith.addi %add3A_191, %scan3A_188 : i32
        %get3A_193 = arith.index_cast %add3A_192 : i32 to index
        %get3A_194 = tpu.vector_load %arg9[%get3A_193] {strides = array<i32>} : memref<400xf32, #tpu.memory_space<vmem>>, vector<16xf32>,
        %slice3A = vector.extract_strided_slice %get3A_194 {offsets = [0], sizes = [1], strides = [1]} : vector<16xf32> to vector<1xf32>
        %squeeze3A = vector.extract %slice3A[0] : f32 from vector<1xf32>
        %broadcast_in_dim3A = vector.broadcast %squeeze3A : f32 to vector<16xf32>
        %add3A_195 = arith.constant 128 : i32
        %add3A_196 = arith.addi %add3A_195, %scan3A_188 : i32
        %get3A_197 = arith.index_cast %add3A_196 : i32 to index
        %get3A_198 = tpu.vector_load %arg9[%get3A_197] {strides = array<i32>} : memref<400xf32, #tpu.memory_space<vmem>>, vector<16xf32>,
        %slice3A_199 = vector.extract_strided_slice %get3A_198 {offsets = [0], sizes = [1], strides = [1]} : vector<16xf32> to vector<1xf32>
        %squeeze3A_200 = vector.extract %slice3A_199[0] : f32 from vector<1xf32>
        %broadcast_in_dim3A_201 = vector.broadcast %squeeze3A_200 : f32 to vector<16xf32>
        %add3A_202 = arith.constant 256 : i32
        %add3A_203 = arith.addi %add3A_202, %scan3A_188 : i32
        %get3A_204 = arith.index_cast %add3A_203 : i32 to index
        %get3A_205 = tpu.vector_load %arg9[%get3A_204] {strides = array<i32>} : memref<400xf32, #tpu.memory_space<vmem>>, vector<16xf32>,
        %slice3A_206 = vector.extract_strided_slice %get3A_205 {offsets = [0], sizes = [1], strides = [1]} : vector<16xf32> to vector<1xf32>
        %squeeze3A_207 = vector.extract %slice3A_206[0] : f32 from vector<1xf32>
        %broadcast_in_dim3A_208 = vector.broadcast %squeeze3A_207 : f32 to vector<16xf32>
        %broadcast_in_dim3A_209 = arith.constant 0.000000e+00 : f32
        %broadcast_in_dim3A_210 = vector.broadcast %broadcast_in_dim3A_209 : f32 to vector<16xf32>
        %get3A_211 = arith.index_cast %scan3A_188 : i32 to index
        %get3A_212 = arith.constant 0 : index
        %get3A_213 = tpu.vector_load %arg13[%get3A_211, %get3A_212] {strides = array<i32>} : memref<128x128xf32, #tpu.memory_space<vmem>>, vector<16xf32>,
        %get3A_214 = arith.index_cast %scan3A_188 : i32 to index
        %get3A_215 = arith.constant 0 : index
        %get3A_216 = tpu.vector_load %arg14[%get3A_214, %get3A_215] {strides = array<i32>} : memref<128x128xf32, #tpu.memory_space<vmem>>, vector<16xf32>,
        %get3A_217 = arith.index_cast %scan3A_188 : i32 to index
        %get3A_218 = arith.constant 0 : index
        %get3A_219 = tpu.vector_load %arg15[%get3A_217, %get3A_218] {strides = array<i32>} : memref<128x128xf32, #tpu.memory_space<vmem>>, vector<16xf32>,
        %mul3A_220 = arith.mulf %get3A_213, %broadcast_in_dim3A : vector<16xf32>
        %add3A_221 = arith.addf %mul3A_220, %get3A_216 : vector<16xf32>
        %mul3A_222 = arith.mulf %add3A_221, %add3A_221 : vector<16xf32>
        %mul3A_223 = arith.constant 2.75573188E-6 : f32
        %mul3A_224 = vector.broadcast %mul3A_223 : f32 to vector<16xf32>
        %mul3A_225 = arith.mulf %mul3A_222, %mul3A_224 : vector<16xf32>
        %add3A_226 = arith.constant -1.98412701E-4 : f32
        %add3A_227 = vector.broadcast %add3A_226 : f32 to vector<16xf32>
        %add3A_228 = arith.addf %mul3A_225, %add3A_227 : vector<16xf32>
        %mul3A_229 = arith.mulf %mul3A_222, %add3A_228 : vector<16xf32>
        %add3A_230 = arith.constant 0.00833333377 : f32
        %add3A_231 = vector.broadcast %add3A_230 : f32 to vector<16xf32>
        %add3A_232 = arith.addf %mul3A_229, %add3A_231 : vector<16xf32>
        %mul3A_233 = arith.mulf %mul3A_222, %add3A_232 : vector<16xf32>
        %add3A_234 = arith.constant -0.166666672 : f32
        %add3A_235 = vector.broadcast %add3A_234 : f32 to vector<16xf32>
        %add3A_236 = arith.addf %mul3A_233, %add3A_235 : vector<16xf32>
        %mul3A_237 = arith.mulf %mul3A_222, %add3A_236 : vector<16xf32>
        %add3A_238 = arith.constant 1.000000e+00 : f32
        %add3A_239 = vector.broadcast %add3A_238 : f32 to vector<16xf32>
        %add3A_240 = arith.addf %mul3A_237, %add3A_239 : vector<16xf32>
        %mul3A_241 = arith.mulf %add3A_221, %add3A_240 : vector<16xf32>
        %mul3A_242 = arith.mulf %get3A_219, %mul3A_241 : vector<16xf32>
        %add3A_243 = arith.addf %broadcast_in_dim3A_210, %mul3A_242 : vector<16xf32>
        %get3A_244 = arith.index_cast %scan3A_188 : i32 to index
        %get3A_245 = arith.constant 32 : index
        %get3A_246 = tpu.vector_load %arg13[%get3A_244, %get3A_245] {strides = array<i32>} : memref<128x128xf32, #tpu.memory_space<vmem>>, vector<16xf32>,
        %get3A_247 = arith.index_cast %scan3A_188 : i32 to index
        %get3A_248 = arith.constant 32 : index
        %get3A_249 = tpu.vector_load %arg14[%get3A_247, %get3A_248] {strides = array<i32>} : memref<128x128xf32, #tpu.memory_space<vmem>>, vector<16xf32>,
        %get3A_250 = arith.index_cast %scan3A_188 : i32 to index
        %get3A_251 = arith.constant 32 : index
        %get3A_252 = tpu.vector_load %arg15[%get3A_250, %get3A_251] {strides = array<i32>} : memref<128x128xf32, #tpu.memory_space<vmem>>, vector<16xf32>,
        %mul3A_253 = arith.mulf %get3A_246, %broadcast_in_dim3A_201 : vector<16xf32>
        %add3A_254 = arith.addf %mul3A_253, %get3A_249 : vector<16xf32>
        %mul3A_255 = arith.mulf %add3A_254, %add3A_254 : vector<16xf32>
        %mul3A_256 = arith.constant 2.75573188E-6 : f32
        %mul3A_257 = vector.broadcast %mul3A_256 : f32 to vector<16xf32>
        %mul3A_258 = arith.mulf %mul3A_255, %mul3A_257 : vector<16xf32>
        %add3A_259 = arith.constant -1.98412701E-4 : f32
        %add3A_260 = vector.broadcast %add3A_259 : f32 to vector<16xf32>
        %add3A_261 = arith.addf %mul3A_258, %add3A_260 : vector<16xf32>
        %mul3A_262 = arith.mulf %mul3A_255, %add3A_261 : vector<16xf32>
        %add3A_263 = arith.constant 0.00833333377 : f32
        %add3A_264 = vector.broadcast %add3A_263 : f32 to vector<16xf32>
        %add3A_265 = arith.addf %mul3A_262, %add3A_264 : vector<16xf32>
        %mul3A_266 = arith.mulf %mul3A_255, %add3A_265 : vector<16xf32>
        %add3A_267 = arith.constant -0.166666672 : f32
        %add3A_268 = vector.broadcast %add3A_267 : f32 to vector<16xf32>
        %add3A_269 = arith.addf %mul3A_266, %add3A_268 : vector<16xf32>
        %mul3A_270 = arith.mulf %mul3A_255, %add3A_269 : vector<16xf32>
        %add3A_271 = arith.constant 1.000000e+00 : f32
        %add3A_272 = vector.broadcast %add3A_271 : f32 to vector<16xf32>
        %add3A_273 = arith.addf %mul3A_270, %add3A_272 : vector<16xf32>
        %mul3A_274 = arith.mulf %add3A_254, %add3A_273 : vector<16xf32>
        %mul3A_275 = arith.mulf %get3A_252, %mul3A_274 : vector<16xf32>
        %add3A_276 = arith.addf %add3A_243, %mul3A_275 : vector<16xf32>
        %get3A_277 = arith.index_cast %scan3A_188 : i32 to index
        %get3A_278 = arith.constant 64 : index
        %get3A_279 = tpu.vector_load %arg13[%get3A_277, %get3A_278] {strides = array<i32>} : memref<128x128xf32, #tpu.memory_space<vmem>>, vector<16xf32>,
        %get3A_280 = arith.index_cast %scan3A_188 : i32 to index
        %get3A_281 = arith.constant 64 : index
        %get3A_282 = tpu.vector_load %arg14[%get3A_280, %get3A_281] {strides = array<i32>} : memref<128x128xf32, #tpu.memory_space<vmem>>, vector<16xf32>,
        %get3A_283 = arith.index_cast %scan3A_188 : i32 to index
        %get3A_284 = arith.constant 64 : index
        %get3A_285 = tpu.vector_load %arg15[%get3A_283, %get3A_284] {strides = array<i32>} : memref<128x128xf32, #tpu.memory_space<vmem>>, vector<16xf32>,
        %mul3A_286 = arith.mulf %get3A_279, %broadcast_in_dim3A_208 : vector<16xf32>
        %add3A_287 = arith.addf %mul3A_286, %get3A_282 : vector<16xf32>
        %mul3A_288 = arith.mulf %add3A_287, %add3A_287 : vector<16xf32>
        %mul3A_289 = arith.constant 2.75573188E-6 : f32
        %mul3A_290 = vector.broadcast %mul3A_289 : f32 to vector<16xf32>
        %mul3A_291 = arith.mulf %mul3A_288, %mul3A_290 : vector<16xf32>
        %add3A_292 = arith.constant -1.98412701E-4 : f32
        %add3A_293 = vector.broadcast %add3A_292 : f32 to vector<16xf32>
        %add3A_294 = arith.addf %mul3A_291, %add3A_293 : vector<16xf32>
        %mul3A_295 = arith.mulf %mul3A_288, %add3A_294 : vector<16xf32>
        %add3A_296 = arith.constant 0.00833333377 : f32
        %add3A_297 = vector.broadcast %add3A_296 : f32 to vector<16xf32>
        %add3A_298 = arith.addf %mul3A_295, %add3A_297 : vector<16xf32>
        %mul3A_299 = arith.mulf %mul3A_288, %add3A_298 : vector<16xf32>
        %add3A_300 = arith.constant -0.166666672 : f32
        %add3A_301 = vector.broadcast %add3A_300 : f32 to vector<16xf32>
        %add3A_302 = arith.addf %mul3A_299, %add3A_301 : vector<16xf32>
        %mul3A_303 = arith.mulf %mul3A_288, %add3A_302 : vector<16xf32>
        %add3A_304 = arith.constant 1.000000e+00 : f32
        %add3A_305 = vector.broadcast %add3A_304 : f32 to vector<16xf32>
        %add3A_306 = arith.addf %mul3A_303, %add3A_305 : vector<16xf32>
        %mul3A_307 = arith.mulf %add3A_287, %add3A_306 : vector<16xf32>
        %mul3A_308 = arith.mulf %get3A_285, %mul3A_307 : vector<16xf32>
        %add3A_309 = arith.addf %add3A_276, %mul3A_308 : vector<16xf32>
        %get3A_310 = arith.index_cast %scan3A_188 : i32 to index
        %get3A_311 = arith.constant 96 : index
        %get3A_312 = tpu.vector_load %arg10[%get3A_310, %get3A_311] {strides = array<i32>} : memref<128x128xf32, #tpu.memory_space<vmem>>, vector<16xf32>,
        %get3A_313 = arith.index_cast %scan3A_188 : i32 to index
        %get3A_314 = arith.constant 96 : index
        %get3A_315 = tpu.vector_load %arg12[%get3A_313, %get3A_314] {strides = array<i32>} : memref<128x128xf32, #tpu.memory_space<vmem>>, vector<16xf32>,
        %mul3A_316 = arith.mulf %get3A_312, %get3A_315 : vector<16xf32>
        %mul3A_317 = arith.mulf %mul3A_316, %add3A_309 : vector<16xf32>
        %add3A_318 = arith.addf %get3A_190, %mul3A_317 : vector<16xf32>
        %broadcast_in_dim3A_319 = arith.constant 0.000000e+00 : f32
        %broadcast_in_dim3A_320 = vector.broadcast %broadcast_in_dim3A_319 : f32 to vector<16xf32>
        %get3A_321 = arith.index_cast %scan3A_188 : i32 to index
        %get3A_322 = arith.constant 16 : index
        %get3A_323 = tpu.vector_load %arg13[%get3A_321, %get3A_322] {strides = array<i32>} : memref<128x128xf32, #tpu.memory_space<vmem>>, vector<16xf32>,
        %get3A_324 = arith.index_cast %scan3A_188 : i32 to index
        %get3A_325 = arith.constant 16 : index
        %get3A_326 = tpu.vector_load %arg14[%get3A_324, %get3A_325] {strides = array<i32>} : memref<128x128xf32, #tpu.memory_space<vmem>>, vector<16xf32>,
        %get3A_327 = arith.index_cast %scan3A_188 : i32 to index
        %get3A_328 = arith.constant 16 : index
        %get3A_329 = tpu.vector_load %arg15[%get3A_327, %get3A_328] {strides = array<i32>} : memref<128x128xf32, #tpu.memory_space<vmem>>, vector<16xf32>,
        %mul3A_330 = arith.mulf %get3A_323, %broadcast_in_dim3A : vector<16xf32>
        %add3A_331 = arith.addf %mul3A_330, %get3A_326 : vector<16xf32>
        %mul3A_332 = arith.mulf %add3A_331, %add3A_331 : vector<16xf32>
        %mul3A_333 = arith.constant 2.75573188E-6 : f32
        %mul3A_334 = vector.broadcast %mul3A_333 : f32 to vector<16xf32>
        %mul3A_335 = arith.mulf %mul3A_332, %mul3A_334 : vector<16xf32>
        %add3A_336 = arith.constant -1.98412701E-4 : f32
        %add3A_337 = vector.broadcast %add3A_336 : f32 to vector<16xf32>
        %add3A_338 = arith.addf %mul3A_335, %add3A_337 : vector<16xf32>
        %mul3A_339 = arith.mulf %mul3A_332, %add3A_338 : vector<16xf32>
        %add3A_340 = arith.constant 0.00833333377 : f32
        %add3A_341 = vector.broadcast %add3A_340 : f32 to vector<16xf32>
        %add3A_342 = arith.addf %mul3A_339, %add3A_341 : vector<16xf32>
        %mul3A_343 = arith.mulf %mul3A_332, %add3A_342 : vector<16xf32>
        %add3A_344 = arith.constant -0.166666672 : f32
        %add3A_345 = vector.broadcast %add3A_344 : f32 to vector<16xf32>
        %add3A_346 = arith.addf %mul3A_343, %add3A_345 : vector<16xf32>
        %mul3A_347 = arith.mulf %mul3A_332, %add3A_346 : vector<16xf32>
        %add3A_348 = arith.constant 1.000000e+00 : f32
        %add3A_349 = vector.broadcast %add3A_348 : f32 to vector<16xf32>
        %add3A_350 = arith.addf %mul3A_347, %add3A_349 : vector<16xf32>
        %mul3A_351 = arith.mulf %add3A_331, %add3A_350 : vector<16xf32>
        %mul3A_352 = arith.mulf %get3A_329, %mul3A_351 : vector<16xf32>
        %add3A_353 = arith.addf %broadcast_in_dim3A_320, %mul3A_352 : vector<16xf32>
        %get3A_354 = arith.index_cast %scan3A_188 : i32 to index
        %get3A_355 = arith.constant 48 : index
        %get3A_356 = tpu.vector_load %arg13[%get3A_354, %get3A_355] {strides = array<i32>} : memref<128x128xf32, #tpu.memory_space<vmem>>, vector<16xf32>,
        %get3A_357 = arith.index_cast %scan3A_188 : i32 to index
        %get3A_358 = arith.constant 48 : index
        %get3A_359 = tpu.vector_load %arg14[%get3A_357, %get3A_358] {strides = array<i32>} : memref<128x128xf32, #tpu.memory_space<vmem>>, vector<16xf32>,
        %get3A_360 = arith.index_cast %scan3A_188 : i32 to index
        %get3A_361 = arith.constant 48 : index
        %get3A_362 = tpu.vector_load %arg15[%get3A_360, %get3A_361] {strides = array<i32>} : memref<128x128xf32, #tpu.memory_space<vmem>>, vector<16xf32>,
        %mul3A_363 = arith.mulf %get3A_356, %broadcast_in_dim3A_201 : vector<16xf32>
        %add3A_364 = arith.addf %mul3A_363, %get3A_359 : vector<16xf32>
        %mul3A_365 = arith.mulf %add3A_364, %add3A_364 : vector<16xf32>
        %mul3A_366 = arith.constant 2.75573188E-6 : f32
        %mul3A_367 = vector.broadcast %mul3A_366 : f32 to vector<16xf32>
        %mul3A_368 = arith.mulf %mul3A_365, %mul3A_367 : vector<16xf32>
        %add3A_369 = arith.constant -1.98412701E-4 : f32
        %add3A_370 = vector.broadcast %add3A_369 : f32 to vector<16xf32>
        %add3A_371 = arith.addf %mul3A_368, %add3A_370 : vector<16xf32>
        %mul3A_372 = arith.mulf %mul3A_365, %add3A_371 : vector<16xf32>
        %add3A_373 = arith.constant 0.00833333377 : f32
        %add3A_374 = vector.broadcast %add3A_373 : f32 to vector<16xf32>
        %add3A_375 = arith.addf %mul3A_372, %add3A_374 : vector<16xf32>
        %mul3A_376 = arith.mulf %mul3A_365, %add3A_375 : vector<16xf32>
        %add3A_377 = arith.constant -0.166666672 : f32
        %add3A_378 = vector.broadcast %add3A_377 : f32 to vector<16xf32>
        %add3A_379 = arith.addf %mul3A_376, %add3A_378 : vector<16xf32>
        %mul3A_380 = arith.mulf %mul3A_365, %add3A_379 : vector<16xf32>
        %add3A_381 = arith.constant 1.000000e+00 : f32
        %add3A_382 = vector.broadcast %add3A_381 : f32 to vector<16xf32>
        %add3A_383 = arith.addf %mul3A_380, %add3A_382 : vector<16xf32>
        %mul3A_384 = arith.mulf %add3A_364, %add3A_383 : vector<16xf32>
        %mul3A_385 = arith.mulf %get3A_362, %mul3A_384 : vector<16xf32>
        %add3A_386 = arith.addf %add3A_353, %mul3A_385 : vector<16xf32>
        %get3A_387 = arith.index_cast %scan3A_188 : i32 to index
        %get3A_388 = arith.constant 80 : index
        %get3A_389 = tpu.vector_load %arg13[%get3A_387, %get3A_388] {strides = array<i32>} : memref<128x128xf32, #tpu.memory_space<vmem>>, vector<16xf32>,
        %get3A_390 = arith.index_cast %scan3A_188 : i32 to index
        %get3A_391 = arith.constant 80 : index
        %get3A_392 = tpu.vector_load %arg14[%get3A_390, %get3A_391] {strides = array<i32>} : memref<128x128xf32, #tpu.memory_space<vmem>>, vector<16xf32>,
        %get3A_393 = arith.index_cast %scan3A_188 : i32 to index
        %get3A_394 = arith.constant 80 : index
        %get3A_395 = tpu.vector_load %arg15[%get3A_393, %get3A_394] {strides = array<i32>} : memref<128x128xf32, #tpu.memory_space<vmem>>, vector<16xf32>,
        %mul3A_396 = arith.mulf %get3A_389, %broadcast_in_dim3A_208 : vector<16xf32>
        %add3A_397 = arith.addf %mul3A_396, %get3A_392 : vector<16xf32>
        %mul3A_398 = arith.mulf %add3A_397, %add3A_397 : vector<16xf32>
        %mul3A_399 = arith.constant 2.75573188E-6 : f32
        %mul3A_400 = vector.broadcast %mul3A_399 : f32 to vector<16xf32>
        %mul3A_401 = arith.mulf %mul3A_398, %mul3A_400 : vector<16xf32>
        %add3A_402 = arith.constant -1.98412701E-4 : f32
        %add3A_403 = vector.broadcast %add3A_402 : f32 to vector<16xf32>
        %add3A_404 = arith.addf %mul3A_401, %add3A_403 : vector<16xf32>
        %mul3A_405 = arith.mulf %mul3A_398, %add3A_404 : vector<16xf32>
        %add3A_406 = arith.constant 0.00833333377 : f32
        %add3A_407 = vector.broadcast %add3A_406 : f32 to vector<16xf32>
        %add3A_408 = arith.addf %mul3A_405, %add3A_407 : vector<16xf32>
        %mul3A_409 = arith.mulf %mul3A_398, %add3A_408 : vector<16xf32>
        %add3A_410 = arith.constant -0.166666672 : f32
        %add3A_411 = vector.broadcast %add3A_410 : f32 to vector<16xf32>
        %add3A_412 = arith.addf %mul3A_409, %add3A_411 : vector<16xf32>
        %mul3A_413 = arith.mulf %mul3A_398, %add3A_412 : vector<16xf32>
        %add3A_414 = arith.constant 1.000000e+00 : f32
        %add3A_415 = vector.broadcast %add3A_414 : f32 to vector<16xf32>
        %add3A_416 = arith.addf %mul3A_413, %add3A_415 : vector<16xf32>
        %mul3A_417 = arith.mulf %add3A_397, %add3A_416 : vector<16xf32>
        %mul3A_418 = arith.mulf %get3A_395, %mul3A_417 : vector<16xf32>
        %add3A_419 = arith.addf %add3A_386, %mul3A_418 : vector<16xf32>
        %get3A_420 = arith.index_cast %scan3A_188 : i32 to index
        %get3A_421 = arith.constant 112 : index
        %get3A_422 = tpu.vector_load %arg10[%get3A_420, %get3A_421] {strides = array<i32>} : memref<128x128xf32, #tpu.memory_space<vmem>>, vector<16xf32>,
        %get3A_423 = arith.index_cast %scan3A_188 : i32 to index
        %get3A_424 = arith.constant 112 : index
        %get3A_425 = tpu.vector_load %arg12[%get3A_423, %get3A_424] {strides = array<i32>} : memref<128x128xf32, #tpu.memory_space<vmem>>, vector<16xf32>,
        %mul3A_426 = arith.mulf %get3A_422, %get3A_425 : vector<16xf32>
        %mul3A_427 = arith.mulf %mul3A_426, %add3A_419 : vector<16xf32>
        %add3A_428 = arith.addf %add3A_318, %mul3A_427 : vector<16xf32>
        %swap3A = arith.index_cast %scan3A_188 : i32 to index
        %swap3A_429 = arith.constant 0 : index
        %swap3A_430 = tpu.vector_load %arg16[%swap3A, %swap3A_429] {strides = array<i32>} : memref<128x16xf32, #tpu.memory_space<vmem>>, vector<16xf32>,
        tpu.vector_store %arg16[%swap3A, %swap3A_429], %add3A_428 {strides = array<i32>} : memref<128x16xf32, #tpu.memory_space<vmem>>, vector<16xf32>,
      }
      %scan3A_99 = arith.constant 128 : i32
      %dma_start3A_100 = arith.constant 0 : i32
      %dma_start3A_101 = tpu.memref_slice %arg6[%add3A_13, %dma_start3A_100] : memref<32768x1024xf32, #tpu.memory_space<hbm>> -> memref<128x128xf32, #tpu.memory_space<hbm>>
      %dma_start3A_102 = arith.constant 0 : i32
      %dma_start3A_103 = tpu.memref_slice %arg6[%add3A_13, %dma_start3A_102] : memref<32768x1024xf32, #tpu.memory_space<hbm>> -> memref<128x128xf32, #tpu.memory_space<hbm>>
      tpu.enqueue_dma source(%dma_start3A_103 : memref<128x128xf32, #tpu.memory_space<hbm>>) target(%arg10 : memref<128x128xf32, #tpu.memory_space<vmem>>) target_semaphore(%arg18 : memref<!tpu.dma_semaphore, #tpu.memory_space<semaphore_mem>>)
      %dma_start3A_104 = arith.constant 128 : i32
      %dma_start3A_105 = tpu.memref_slice %arg6[%add3A_11, %dma_start3A_104] : memref<32768x1024xf32, #tpu.memory_space<hbm>> -> memref<128x128xf32, #tpu.memory_space<hbm>>
      %dma_start3A_106 = arith.constant 128 : i32
      %dma_start3A_107 = tpu.memref_slice %arg6[%add3A_11, %dma_start3A_106] : memref<32768x1024xf32, #tpu.memory_space<hbm>> -> memref<128x128xf32, #tpu.memory_space<hbm>>
      tpu.enqueue_dma source(%dma_start3A_107 : memref<128x128xf32, #tpu.memory_space<hbm>>) target(%arg11 : memref<128x128xf32, #tpu.memory_space<vmem>>) target_semaphore(%arg18 : memref<!tpu.dma_semaphore, #tpu.memory_space<semaphore_mem>>)
      %dma_start3A_108 = arith.constant 0 : i32
      %dma_start3A_109 = arith.constant 0 : i32
      %dma_start3A_110 = tpu.memref_slice %arg5[%dma_start3A_108, %dma_start3A_109] : memref<1000x128xf32, #tpu.memory_space<hbm>> -> memref<1000x128xf32, #tpu.memory_space<hbm>>
      tpu.enqueue_indirect_dma source(%dma_start3A_110 : memref<1000x128xf32, #tpu.memory_space<hbm>>) target(%arg12 : memref<128x128xf32, #tpu.memory_space<vmem>>) offsets(%arg8 : memref<128xi32, #tpu.memory_space<vmem>>) semaphore(%arg18 : memref<!tpu.dma_semaphore, #tpu.memory_space<semaphore_mem>>)
      %dma_start3A_111 = arith.constant 256 : i32
      %dma_start3A_112 = tpu.memref_slice %arg6[%add3A_13, %dma_start3A_111] : memref<32768x1024xf32, #tpu.memory_space<hbm>> -> memref<128x128xf32, #tpu.memory_space<hbm>>
      %dma_start3A_113 = arith.constant 256 : i32
      %dma_start3A_114 = tpu.memref_slice %arg6[%add3A_13, %dma_start3A_113] : memref<32768x1024xf32, #tpu.memory_space<hbm>> -> memref<128x128xf32, #tpu.memory_space<hbm>>
      tpu.enqueue_dma source(%dma_start3A_114 : memref<128x128xf32, #tpu.memory_space<hbm>>) target(%arg13 : memref<128x128xf32, #tpu.memory_space<vmem>>) target_semaphore(%arg18 : memref<!tpu.dma_semaphore, #tpu.memory_space<semaphore_mem>>)
      %dma_start3A_115 = arith.constant 384 : i32
      %dma_start3A_116 = tpu.memref_slice %arg6[%add3A_13, %dma_start3A_115] : memref<32768x1024xf32, #tpu.memory_space<hbm>> -> memref<128x128xf32, #tpu.memory_space<hbm>>
      %dma_start3A_117 = arith.constant 384 : i32
      %dma_start3A_118 = tpu.memref_slice %arg6[%add3A_13, %dma_start3A_117] : memref<32768x1024xf32, #tpu.memory_space<hbm>> -> memref<128x128xf32, #tpu.memory_space<hbm>>
      tpu.enqueue_dma source(%dma_start3A_118 : memref<128x128xf32, #tpu.memory_space<hbm>>) target(%arg14 : memref<128x128xf32, #tpu.memory_space<vmem>>) target_semaphore(%arg18 : memref<!tpu.dma_semaphore, #tpu.memory_space<semaphore_mem>>)
      %dma_start3A_119 = arith.constant 512 : i32
      %dma_start3A_120 = tpu.memref_slice %arg6[%add3A_13, %dma_start3A_119] : memref<32768x1024xf32, #tpu.memory_space<hbm>> -> memref<128x128xf32, #tpu.memory_space<hbm>>
      %dma_start3A_121 = arith.constant 512 : i32
      %dma_start3A_122 = tpu.memref_slice %arg6[%add3A_13, %dma_start3A_121] : memref<32768x1024xf32, #tpu.memory_space<hbm>> -> memref<128x128xf32, #tpu.memory_space<hbm>>
      tpu.enqueue_dma source(%dma_start3A_122 : memref<128x128xf32, #tpu.memory_space<hbm>>) target(%arg15 : memref<128x128xf32, #tpu.memory_space<vmem>>) target_semaphore(%arg18 : memref<!tpu.dma_semaphore, #tpu.memory_space<semaphore_mem>>)
      %dma_wait3A_123 = arith.constant 0 : i32
      %dma_wait3A_124 = tpu.memref_slice %arg6[%add3A_13, %dma_wait3A_123] : memref<32768x1024xf32, #tpu.memory_space<hbm>> -> memref<128x128xf32, #tpu.memory_space<hbm>>
      %dma_wait3A_125 = arith.constant 0 : i32
      %dma_wait3A_126 = tpu.memref_slice %arg6[%add3A_13, %dma_wait3A_125] : memref<32768x1024xf32, #tpu.memory_space<hbm>> -> memref<128x128xf32, #tpu.memory_space<hbm>>
      tpu.wait_dma2 semaphore(%arg18 : memref<!tpu.dma_semaphore, #tpu.memory_space<semaphore_mem>>) src(%dma_wait3A_126 : memref<128x128xf32, #tpu.memory_space<hbm>>) dst(%arg10 : memref<128x128xf32, #tpu.memory_space<vmem>>)
      %dma_wait3A_127 = arith.constant 128 : i32
      %dma_wait3A_128 = tpu.memref_slice %arg6[%add3A_11, %dma_wait3A_127] : memref<32768x1024xf32, #tpu.memory_space<hbm>> -> memref<128x128xf32, #tpu.memory_space<hbm>>
      %dma_wait3A_129 = arith.constant 128 : i32
      %dma_wait3A_130 = tpu.memref_slice %arg6[%add3A_11, %dma_wait3A_129] : memref<32768x1024xf32, #tpu.memory_space<hbm>> -> memref<128x128xf32, #tpu.memory_space<hbm>>
      tpu.wait_dma2 semaphore(%arg18 : memref<!tpu.dma_semaphore, #tpu.memory_space<semaphore_mem>>) src(%dma_wait3A_130 : memref<128x128xf32, #tpu.memory_space<hbm>>) dst(%arg11 : memref<128x128xf32, #tpu.memory_space<vmem>>)
      %dma_wait3A_131 = arith.constant 0 : i32
      %dma_wait3A_132 = arith.constant 0 : i32
      %dma_wait3A_133 = tpu.memref_slice %arg5[%dma_wait3A_131, %dma_wait3A_132] : memref<1000x128xf32, #tpu.memory_space<hbm>> -> memref<1000x128xf32, #tpu.memory_space<hbm>>
      tpu.wait_indirect_dma semaphore(%arg18 : memref<!tpu.dma_semaphore, #tpu.memory_space<semaphore_mem>>) src(%dma_wait3A_133 : memref<1000x128xf32, #tpu.memory_space<hbm>>) dst(%arg12 : memref<128x128xf32, #tpu.memory_space<vmem>>)
      %dma_wait3A_134 = arith.constant 256 : i32
      %dma_wait3A_135 = tpu.memref_slice %arg6[%add3A_13, %dma_wait3A_134] : memref<32768x1024xf32, #tpu.memory_space<hbm>> -> memref<128x128xf32, #tpu.memory_space<hbm>>
      %dma_wait3A_136 = arith.constant 256 : i32
      %dma_wait3A_137 = tpu.memref_slice %arg6[%add3A_13, %dma_wait3A_136] : memref<32768x1024xf32, #tpu.memory_space<hbm>> -> memref<128x128xf32, #tpu.memory_space<hbm>>
      tpu.wait_dma2 semaphore(%arg18 : memref<!tpu.dma_semaphore, #tpu.memory_space<semaphore_mem>>) src(%dma_wait3A_137 : memref<128x128xf32, #tpu.memory_space<hbm>>) dst(%arg13 : memref<128x128xf32, #tpu.memory_space<vmem>>)
      %dma_wait3A_138 = arith.constant 384 : i32
      %dma_wait3A_139 = tpu.memref_slice %arg6[%add3A_13, %dma_wait3A_138] : memref<32768x1024xf32, #tpu.memory_space<hbm>> -> memref<128x128xf32, #tpu.memory_space<hbm>>
      %dma_wait3A_140 = arith.constant 384 : i32
      %dma_wait3A_141 = tpu.memref_slice %arg6[%add3A_13, %dma_wait3A_140] : memref<32768x1024xf32, #tpu.memory_space<hbm>> -> memref<128x128xf32, #tpu.memory_space<hbm>>
      tpu.wait_dma2 semaphore(%arg18 : memref<!tpu.dma_semaphore, #tpu.memory_space<semaphore_mem>>) src(%dma_wait3A_141 : memref<128x128xf32, #tpu.memory_space<hbm>>) dst(%arg14 : memref<128x128xf32, #tpu.memory_space<vmem>>)
      %dma_wait3A_142 = arith.constant 512 : i32
      %dma_wait3A_143 = tpu.memref_slice %arg6[%add3A_13, %dma_wait3A_142] : memref<32768x1024xf32, #tpu.memory_space<hbm>> -> memref<128x128xf32, #tpu.memory_space<hbm>>
      %dma_wait3A_144 = arith.constant 512 : i32
      %dma_wait3A_145 = tpu.memref_slice %arg6[%add3A_13, %dma_wait3A_144] : memref<32768x1024xf32, #tpu.memory_space<hbm>> -> memref<128x128xf32, #tpu.memory_space<hbm>>
      tpu.wait_dma2 semaphore(%arg18 : memref<!tpu.dma_semaphore, #tpu.memory_space<semaphore_mem>>) src(%dma_wait3A_145 : memref<128x128xf32, #tpu.memory_space<hbm>>) dst(%arg15 : memref<128x128xf32, #tpu.memory_space<vmem>>)
      %scan3A_146 = arith.constant 0 : i32
      %scan3A_147 = arith.constant 0 : i32
      %scan3A_148 = arith.constant 128 : i32
      %scan3A_149 = arith.addi %scan3A_147, %scan3A_148 : i32
      %scan3A_150 = arith.constant 1 : i32
      scf.for %scan3A_188 = %scan3A_147 to %scan3A_149 step %scan3A_150  : i32 {
        %get3A = arith.index_cast %scan3A_188 : i32 to index
        %get3A_189 = arith.constant 0 : index
        %get3A_190 = tpu.vector_load %arg16[%get3A, %get3A_189] {strides = array<i32>} : memref<128x16xf32, #tpu.memory_space<vmem>>, vector<16xf32>,
        %get3A_191 = arith.index_cast %scan3A_188 : i32 to index
        %get3A_192 = arith.constant 0 : index
        %get3A_193 = tpu.vector_load %arg10[%get3A_191, %get3A_192] {strides = array<i32>} : memref<128x128xf32, #tpu.memory_space<vmem>>, vector<16xf32>,
        %get3A_194 = arith.index_cast %scan3A_188 : i32 to index
        %get3A_195 = arith.constant 0 : index
        %get3A_196 = tpu.vector_load %arg12[%get3A_194, %get3A_195] {strides = array<i32>} : memref<128x128xf32, #tpu.memory_space<vmem>>, vector<16xf32>,
        %mul3A_197 = arith.mulf %get3A_193, %get3A_196 : vector<16xf32>
        %get3A_198 = arith.index_cast %scan3A_188 : i32 to index
        %get3A_199 = arith.constant 0 : index
        %get3A_200 = tpu.vector_load %arg11[%get3A_198, %get3A_199] {strides = array<i32>} : memref<128x128xf32, #tpu.memory_space<vmem>>, vector<16xf32>,
        %mul3A_201 = arith.mulf %mul3A_197, %get3A_200 : vector<16xf32>
        %add3A_202 = arith.addf %get3A_190, %mul3A_201 : vector<16xf32>
        %get3A_203 = arith.index_cast %scan3A_188 : i32 to index
        %get3A_204 = arith.constant 16 : index
        %get3A_205 = tpu.vector_load %arg10[%get3A_203, %get3A_204] {strides = array<i32>} : memref<128x128xf32, #tpu.memory_space<vmem>>, vector<16xf32>,
        %get3A_206 = arith.index_cast %scan3A_188 : i32 to index
        %get3A_207 = arith.constant 16 : index
        %get3A_208 = tpu.vector_load %arg12[%get3A_206, %get3A_207] {strides = array<i32>} : memref<128x128xf32, #tpu.memory_space<vmem>>, vector<16xf32>,
        %mul3A_209 = arith.mulf %get3A_205, %get3A_208 : vector<16xf32>
        %get3A_210 = arith.index_cast %scan3A_188 : i32 to index
        %get3A_211 = arith.constant 16 : index
        %get3A_212 = tpu.vector_load %arg11[%get3A_210, %get3A_211] {strides = array<i32>} : memref<128x128xf32, #tpu.memory_space<vmem>>, vector<16xf32>,
        %mul3A_213 = arith.mulf %mul3A_209, %get3A_212 : vector<16xf32>
        %add3A_214 = arith.addf %add3A_202, %mul3A_213 : vector<16xf32>
        %get3A_215 = arith.index_cast %scan3A_188 : i32 to index
        %get3A_216 = arith.constant 32 : index
        %get3A_217 = tpu.vector_load %arg10[%get3A_215, %get3A_216] {strides = array<i32>} : memref<128x128xf32, #tpu.memory_space<vmem>>, vector<16xf32>,
        %get3A_218 = arith.index_cast %scan3A_188 : i32 to index
        %get3A_219 = arith.constant 32 : index
        %get3A_220 = tpu.vector_load %arg12[%get3A_218, %get3A_219] {strides = array<i32>} : memref<128x128xf32, #tpu.memory_space<vmem>>, vector<16xf32>,
        %mul3A_221 = arith.mulf %get3A_217, %get3A_220 : vector<16xf32>
        %get3A_222 = arith.index_cast %scan3A_188 : i32 to index
        %get3A_223 = arith.constant 32 : index
        %get3A_224 = tpu.vector_load %arg11[%get3A_222, %get3A_223] {strides = array<i32>} : memref<128x128xf32, #tpu.memory_space<vmem>>, vector<16xf32>,
        %mul3A_225 = arith.mulf %mul3A_221, %get3A_224 : vector<16xf32>
        %add3A_226 = arith.addf %add3A_214, %mul3A_225 : vector<16xf32>
        %get3A_227 = arith.index_cast %scan3A_188 : i32 to index
        %get3A_228 = arith.constant 48 : index
        %get3A_229 = tpu.vector_load %arg10[%get3A_227, %get3A_228] {strides = array<i32>} : memref<128x128xf32, #tpu.memory_space<vmem>>, vector<16xf32>,
        %get3A_230 = arith.index_cast %scan3A_188 : i32 to index
        %get3A_231 = arith.constant 48 : index
        %get3A_232 = tpu.vector_load %arg12[%get3A_230, %get3A_231] {strides = array<i32>} : memref<128x128xf32, #tpu.memory_space<vmem>>, vector<16xf32>,
        %mul3A_233 = arith.mulf %get3A_229, %get3A_232 : vector<16xf32>
        %get3A_234 = arith.index_cast %scan3A_188 : i32 to index
        %get3A_235 = arith.constant 48 : index
        %get3A_236 = tpu.vector_load %arg11[%get3A_234, %get3A_235] {strides = array<i32>} : memref<128x128xf32, #tpu.memory_space<vmem>>, vector<16xf32>,
        %mul3A_237 = arith.mulf %mul3A_233, %get3A_236 : vector<16xf32>
        %add3A_238 = arith.addf %add3A_226, %mul3A_237 : vector<16xf32>
        %get3A_239 = arith.index_cast %scan3A_188 : i32 to index
        %get3A_240 = arith.constant 64 : index
        %get3A_241 = tpu.vector_load %arg10[%get3A_239, %get3A_240] {strides = array<i32>} : memref<128x128xf32, #tpu.memory_space<vmem>>, vector<16xf32>,
        %get3A_242 = arith.index_cast %scan3A_188 : i32 to index
        %get3A_243 = arith.constant 64 : index
        %get3A_244 = tpu.vector_load %arg12[%get3A_242, %get3A_243] {strides = array<i32>} : memref<128x128xf32, #tpu.memory_space<vmem>>, vector<16xf32>,
        %mul3A_245 = arith.mulf %get3A_241, %get3A_244 : vector<16xf32>
        %get3A_246 = arith.index_cast %scan3A_188 : i32 to index
        %get3A_247 = arith.constant 64 : index
        %get3A_248 = tpu.vector_load %arg11[%get3A_246, %get3A_247] {strides = array<i32>} : memref<128x128xf32, #tpu.memory_space<vmem>>, vector<16xf32>,
        %mul3A_249 = arith.mulf %mul3A_245, %get3A_248 : vector<16xf32>
        %add3A_250 = arith.addf %add3A_238, %mul3A_249 : vector<16xf32>
        %get3A_251 = arith.index_cast %scan3A_188 : i32 to index
        %get3A_252 = arith.constant 80 : index
        %get3A_253 = tpu.vector_load %arg10[%get3A_251, %get3A_252] {strides = array<i32>} : memref<128x128xf32, #tpu.memory_space<vmem>>, vector<16xf32>,
        %get3A_254 = arith.index_cast %scan3A_188 : i32 to index
        %get3A_255 = arith.constant 80 : index
        %get3A_256 = tpu.vector_load %arg12[%get3A_254, %get3A_255] {strides = array<i32>} : memref<128x128xf32, #tpu.memory_space<vmem>>, vector<16xf32>,
        %mul3A_257 = arith.mulf %get3A_253, %get3A_256 : vector<16xf32>
        %get3A_258 = arith.index_cast %scan3A_188 : i32 to index
        %get3A_259 = arith.constant 80 : index
        %get3A_260 = tpu.vector_load %arg11[%get3A_258, %get3A_259] {strides = array<i32>} : memref<128x128xf32, #tpu.memory_space<vmem>>, vector<16xf32>,
        %mul3A_261 = arith.mulf %mul3A_257, %get3A_260 : vector<16xf32>
        %add3A_262 = arith.addf %add3A_250, %mul3A_261 : vector<16xf32>
        %add3A_263 = arith.constant 0 : i32
        %add3A_264 = arith.addi %add3A_263, %scan3A_188 : i32
        %get3A_265 = arith.index_cast %add3A_264 : i32 to index
        %get3A_266 = tpu.vector_load %arg9[%get3A_265] {strides = array<i32>} : memref<400xf32, #tpu.memory_space<vmem>>, vector<16xf32>,
        %slice3A = vector.extract_strided_slice %get3A_266 {offsets = [0], sizes = [1], strides = [1]} : vector<16xf32> to vector<1xf32>
        %squeeze3A = vector.extract %slice3A[0] : f32 from vector<1xf32>
        %broadcast_in_dim3A = vector.broadcast %squeeze3A : f32 to vector<16xf32>
        %add3A_267 = arith.constant 128 : i32
        %add3A_268 = arith.addi %add3A_267, %scan3A_188 : i32
        %get3A_269 = arith.index_cast %add3A_268 : i32 to index
        %get3A_270 = tpu.vector_load %arg9[%get3A_269] {strides = array<i32>} : memref<400xf32, #tpu.memory_space<vmem>>, vector<16xf32>,
        %slice3A_271 = vector.extract_strided_slice %get3A_270 {offsets = [0], sizes = [1], strides = [1]} : vector<16xf32> to vector<1xf32>
        %squeeze3A_272 = vector.extract %slice3A_271[0] : f32 from vector<1xf32>
        %broadcast_in_dim3A_273 = vector.broadcast %squeeze3A_272 : f32 to vector<16xf32>
        %add3A_274 = arith.constant 256 : i32
        %add3A_275 = arith.addi %add3A_274, %scan3A_188 : i32
        %get3A_276 = arith.index_cast %add3A_275 : i32 to index
        %get3A_277 = tpu.vector_load %arg9[%get3A_276] {strides = array<i32>} : memref<400xf32, #tpu.memory_space<vmem>>, vector<16xf32>,
        %slice3A_278 = vector.extract_strided_slice %get3A_277 {offsets = [0], sizes = [1], strides = [1]} : vector<16xf32> to vector<1xf32>
        %squeeze3A_279 = vector.extract %slice3A_278[0] : f32 from vector<1xf32>
        %broadcast_in_dim3A_280 = vector.broadcast %squeeze3A_279 : f32 to vector<16xf32>
        %broadcast_in_dim3A_281 = arith.constant 0.000000e+00 : f32
        %broadcast_in_dim3A_282 = vector.broadcast %broadcast_in_dim3A_281 : f32 to vector<16xf32>
        %get3A_283 = arith.index_cast %scan3A_188 : i32 to index
        %get3A_284 = arith.constant 0 : index
        %get3A_285 = tpu.vector_load %arg13[%get3A_283, %get3A_284] {strides = array<i32>} : memref<128x128xf32, #tpu.memory_space<vmem>>, vector<16xf32>,
        %get3A_286 = arith.index_cast %scan3A_188 : i32 to index
        %get3A_287 = arith.constant 0 : index
        %get3A_288 = tpu.vector_load %arg14[%get3A_286, %get3A_287] {strides = array<i32>} : memref<128x128xf32, #tpu.memory_space<vmem>>, vector<16xf32>,
        %get3A_289 = arith.index_cast %scan3A_188 : i32 to index
        %get3A_290 = arith.constant 0 : index
        %get3A_291 = tpu.vector_load %arg15[%get3A_289, %get3A_290] {strides = array<i32>} : memref<128x128xf32, #tpu.memory_space<vmem>>, vector<16xf32>,
        %mul3A_292 = arith.mulf %get3A_285, %broadcast_in_dim3A : vector<16xf32>
        %add3A_293 = arith.addf %mul3A_292, %get3A_288 : vector<16xf32>
        %mul3A_294 = arith.mulf %add3A_293, %add3A_293 : vector<16xf32>
        %mul3A_295 = arith.constant 2.75573188E-6 : f32
        %mul3A_296 = vector.broadcast %mul3A_295 : f32 to vector<16xf32>
        %mul3A_297 = arith.mulf %mul3A_294, %mul3A_296 : vector<16xf32>
        %add3A_298 = arith.constant -1.98412701E-4 : f32
        %add3A_299 = vector.broadcast %add3A_298 : f32 to vector<16xf32>
        %add3A_300 = arith.addf %mul3A_297, %add3A_299 : vector<16xf32>
        %mul3A_301 = arith.mulf %mul3A_294, %add3A_300 : vector<16xf32>
        %add3A_302 = arith.constant 0.00833333377 : f32
        %add3A_303 = vector.broadcast %add3A_302 : f32 to vector<16xf32>
        %add3A_304 = arith.addf %mul3A_301, %add3A_303 : vector<16xf32>
        %mul3A_305 = arith.mulf %mul3A_294, %add3A_304 : vector<16xf32>
        %add3A_306 = arith.constant -0.166666672 : f32
        %add3A_307 = vector.broadcast %add3A_306 : f32 to vector<16xf32>
        %add3A_308 = arith.addf %mul3A_305, %add3A_307 : vector<16xf32>
        %mul3A_309 = arith.mulf %mul3A_294, %add3A_308 : vector<16xf32>
        %add3A_310 = arith.constant 1.000000e+00 : f32
        %add3A_311 = vector.broadcast %add3A_310 : f32 to vector<16xf32>
        %add3A_312 = arith.addf %mul3A_309, %add3A_311 : vector<16xf32>
        %mul3A_313 = arith.mulf %add3A_293, %add3A_312 : vector<16xf32>
        %mul3A_314 = arith.mulf %get3A_291, %mul3A_313 : vector<16xf32>
        %add3A_315 = arith.addf %broadcast_in_dim3A_282, %mul3A_314 : vector<16xf32>
        %get3A_316 = arith.index_cast %scan3A_188 : i32 to index
        %get3A_317 = arith.constant 32 : index
        %get3A_318 = tpu.vector_load %arg13[%get3A_316, %get3A_317] {strides = array<i32>} : memref<128x128xf32, #tpu.memory_space<vmem>>, vector<16xf32>,
        %get3A_319 = arith.index_cast %scan3A_188 : i32 to index
        %get3A_320 = arith.constant 32 : index
        %get3A_321 = tpu.vector_load %arg14[%get3A_319, %get3A_320] {strides = array<i32>} : memref<128x128xf32, #tpu.memory_space<vmem>>, vector<16xf32>,
        %get3A_322 = arith.index_cast %scan3A_188 : i32 to index
        %get3A_323 = arith.constant 32 : index
        %get3A_324 = tpu.vector_load %arg15[%get3A_322, %get3A_323] {strides = array<i32>} : memref<128x128xf32, #tpu.memory_space<vmem>>, vector<16xf32>,
        %mul3A_325 = arith.mulf %get3A_318, %broadcast_in_dim3A_273 : vector<16xf32>
        %add3A_326 = arith.addf %mul3A_325, %get3A_321 : vector<16xf32>
        %mul3A_327 = arith.mulf %add3A_326, %add3A_326 : vector<16xf32>
        %mul3A_328 = arith.constant 2.75573188E-6 : f32
        %mul3A_329 = vector.broadcast %mul3A_328 : f32 to vector<16xf32>
        %mul3A_330 = arith.mulf %mul3A_327, %mul3A_329 : vector<16xf32>
        %add3A_331 = arith.constant -1.98412701E-4 : f32
        %add3A_332 = vector.broadcast %add3A_331 : f32 to vector<16xf32>
        %add3A_333 = arith.addf %mul3A_330, %add3A_332 : vector<16xf32>
        %mul3A_334 = arith.mulf %mul3A_327, %add3A_333 : vector<16xf32>
        %add3A_335 = arith.constant 0.00833333377 : f32
        %add3A_336 = vector.broadcast %add3A_335 : f32 to vector<16xf32>
        %add3A_337 = arith.addf %mul3A_334, %add3A_336 : vector<16xf32>
        %mul3A_338 = arith.mulf %mul3A_327, %add3A_337 : vector<16xf32>
        %add3A_339 = arith.constant -0.166666672 : f32
        %add3A_340 = vector.broadcast %add3A_339 : f32 to vector<16xf32>
        %add3A_341 = arith.addf %mul3A_338, %add3A_340 : vector<16xf32>
        %mul3A_342 = arith.mulf %mul3A_327, %add3A_341 : vector<16xf32>
        %add3A_343 = arith.constant 1.000000e+00 : f32
        %add3A_344 = vector.broadcast %add3A_343 : f32 to vector<16xf32>
        %add3A_345 = arith.addf %mul3A_342, %add3A_344 : vector<16xf32>
        %mul3A_346 = arith.mulf %add3A_326, %add3A_345 : vector<16xf32>
        %mul3A_347 = arith.mulf %get3A_324, %mul3A_346 : vector<16xf32>
        %add3A_348 = arith.addf %add3A_315, %mul3A_347 : vector<16xf32>
        %get3A_349 = arith.index_cast %scan3A_188 : i32 to index
        %get3A_350 = arith.constant 64 : index
        %get3A_351 = tpu.vector_load %arg13[%get3A_349, %get3A_350] {strides = array<i32>} : memref<128x128xf32, #tpu.memory_space<vmem>>, vector<16xf32>,
        %get3A_352 = arith.index_cast %scan3A_188 : i32 to index
        %get3A_353 = arith.constant 64 : index
        %get3A_354 = tpu.vector_load %arg14[%get3A_352, %get3A_353] {strides = array<i32>} : memref<128x128xf32, #tpu.memory_space<vmem>>, vector<16xf32>,
        %get3A_355 = arith.index_cast %scan3A_188 : i32 to index
        %get3A_356 = arith.constant 64 : index
        %get3A_357 = tpu.vector_load %arg15[%get3A_355, %get3A_356] {strides = array<i32>} : memref<128x128xf32, #tpu.memory_space<vmem>>, vector<16xf32>,
        %mul3A_358 = arith.mulf %get3A_351, %broadcast_in_dim3A_280 : vector<16xf32>
        %add3A_359 = arith.addf %mul3A_358, %get3A_354 : vector<16xf32>
        %mul3A_360 = arith.mulf %add3A_359, %add3A_359 : vector<16xf32>
        %mul3A_361 = arith.constant 2.75573188E-6 : f32
        %mul3A_362 = vector.broadcast %mul3A_361 : f32 to vector<16xf32>
        %mul3A_363 = arith.mulf %mul3A_360, %mul3A_362 : vector<16xf32>
        %add3A_364 = arith.constant -1.98412701E-4 : f32
        %add3A_365 = vector.broadcast %add3A_364 : f32 to vector<16xf32>
        %add3A_366 = arith.addf %mul3A_363, %add3A_365 : vector<16xf32>
        %mul3A_367 = arith.mulf %mul3A_360, %add3A_366 : vector<16xf32>
        %add3A_368 = arith.constant 0.00833333377 : f32
        %add3A_369 = vector.broadcast %add3A_368 : f32 to vector<16xf32>
        %add3A_370 = arith.addf %mul3A_367, %add3A_369 : vector<16xf32>
        %mul3A_371 = arith.mulf %mul3A_360, %add3A_370 : vector<16xf32>
        %add3A_372 = arith.constant -0.166666672 : f32
        %add3A_373 = vector.broadcast %add3A_372 : f32 to vector<16xf32>
        %add3A_374 = arith.addf %mul3A_371, %add3A_373 : vector<16xf32>
        %mul3A_375 = arith.mulf %mul3A_360, %add3A_374 : vector<16xf32>
        %add3A_376 = arith.constant 1.000000e+00 : f32
        %add3A_377 = vector.broadcast %add3A_376 : f32 to vector<16xf32>
        %add3A_378 = arith.addf %mul3A_375, %add3A_377 : vector<16xf32>
        %mul3A_379 = arith.mulf %add3A_359, %add3A_378 : vector<16xf32>
        %mul3A_380 = arith.mulf %get3A_357, %mul3A_379 : vector<16xf32>
        %add3A_381 = arith.addf %add3A_348, %mul3A_380 : vector<16xf32>
        %swap3A = arith.index_cast %scan3A_188 : i32 to index
        %swap3A_382 = arith.constant 96 : index
        %swap3A_383 = tpu.vector_load %arg10[%swap3A, %swap3A_382] {strides = array<i32>} : memref<128x128xf32, #tpu.memory_space<vmem>>, vector<16xf32>,
        tpu.vector_store %arg10[%swap3A, %swap3A_382], %add3A_381 {strides = array<i32>} : memref<128x128xf32, #tpu.memory_space<vmem>>, vector<16xf32>,
        %broadcast_in_dim3A_384 = arith.constant 0.000000e+00 : f32
        %broadcast_in_dim3A_385 = vector.broadcast %broadcast_in_dim3A_384 : f32 to vector<16xf32>
        %get3A_386 = arith.index_cast %scan3A_188 : i32 to index
        %get3A_387 = arith.constant 16 : index
        %get3A_388 = tpu.vector_load %arg13[%get3A_386, %get3A_387] {strides = array<i32>} : memref<128x128xf32, #tpu.memory_space<vmem>>, vector<16xf32>,
        %get3A_389 = arith.index_cast %scan3A_188 : i32 to index
        %get3A_390 = arith.constant 16 : index
        %get3A_391 = tpu.vector_load %arg14[%get3A_389, %get3A_390] {strides = array<i32>} : memref<128x128xf32, #tpu.memory_space<vmem>>, vector<16xf32>,
        %get3A_392 = arith.index_cast %scan3A_188 : i32 to index
        %get3A_393 = arith.constant 16 : index
        %get3A_394 = tpu.vector_load %arg15[%get3A_392, %get3A_393] {strides = array<i32>} : memref<128x128xf32, #tpu.memory_space<vmem>>, vector<16xf32>,
        %mul3A_395 = arith.mulf %get3A_388, %broadcast_in_dim3A : vector<16xf32>
        %add3A_396 = arith.addf %mul3A_395, %get3A_391 : vector<16xf32>
        %mul3A_397 = arith.mulf %add3A_396, %add3A_396 : vector<16xf32>
        %mul3A_398 = arith.constant 2.75573188E-6 : f32
        %mul3A_399 = vector.broadcast %mul3A_398 : f32 to vector<16xf32>
        %mul3A_400 = arith.mulf %mul3A_397, %mul3A_399 : vector<16xf32>
        %add3A_401 = arith.constant -1.98412701E-4 : f32
        %add3A_402 = vector.broadcast %add3A_401 : f32 to vector<16xf32>
        %add3A_403 = arith.addf %mul3A_400, %add3A_402 : vector<16xf32>
        %mul3A_404 = arith.mulf %mul3A_397, %add3A_403 : vector<16xf32>
        %add3A_405 = arith.constant 0.00833333377 : f32
        %add3A_406 = vector.broadcast %add3A_405 : f32 to vector<16xf32>
        %add3A_407 = arith.addf %mul3A_404, %add3A_406 : vector<16xf32>
        %mul3A_408 = arith.mulf %mul3A_397, %add3A_407 : vector<16xf32>
        %add3A_409 = arith.constant -0.166666672 : f32
        %add3A_410 = vector.broadcast %add3A_409 : f32 to vector<16xf32>
        %add3A_411 = arith.addf %mul3A_408, %add3A_410 : vector<16xf32>
        %mul3A_412 = arith.mulf %mul3A_397, %add3A_411 : vector<16xf32>
        %add3A_413 = arith.constant 1.000000e+00 : f32
        %add3A_414 = vector.broadcast %add3A_413 : f32 to vector<16xf32>
        %add3A_415 = arith.addf %mul3A_412, %add3A_414 : vector<16xf32>
        %mul3A_416 = arith.mulf %add3A_396, %add3A_415 : vector<16xf32>
        %mul3A_417 = arith.mulf %get3A_394, %mul3A_416 : vector<16xf32>
        %add3A_418 = arith.addf %broadcast_in_dim3A_385, %mul3A_417 : vector<16xf32>
        %get3A_419 = arith.index_cast %scan3A_188 : i32 to index
        %get3A_420 = arith.constant 48 : index
        %get3A_421 = tpu.vector_load %arg13[%get3A_419, %get3A_420] {strides = array<i32>} : memref<128x128xf32, #tpu.memory_space<vmem>>, vector<16xf32>,
        %get3A_422 = arith.index_cast %scan3A_188 : i32 to index
        %get3A_423 = arith.constant 48 : index
        %get3A_424 = tpu.vector_load %arg14[%get3A_422, %get3A_423] {strides = array<i32>} : memref<128x128xf32, #tpu.memory_space<vmem>>, vector<16xf32>,
        %get3A_425 = arith.index_cast %scan3A_188 : i32 to index
        %get3A_426 = arith.constant 48 : index
        %get3A_427 = tpu.vector_load %arg15[%get3A_425, %get3A_426] {strides = array<i32>} : memref<128x128xf32, #tpu.memory_space<vmem>>, vector<16xf32>,
        %mul3A_428 = arith.mulf %get3A_421, %broadcast_in_dim3A_273 : vector<16xf32>
        %add3A_429 = arith.addf %mul3A_428, %get3A_424 : vector<16xf32>
        %mul3A_430 = arith.mulf %add3A_429, %add3A_429 : vector<16xf32>
        %mul3A_431 = arith.constant 2.75573188E-6 : f32
        %mul3A_432 = vector.broadcast %mul3A_431 : f32 to vector<16xf32>
        %mul3A_433 = arith.mulf %mul3A_430, %mul3A_432 : vector<16xf32>
        %add3A_434 = arith.constant -1.98412701E-4 : f32
        %add3A_435 = vector.broadcast %add3A_434 : f32 to vector<16xf32>
        %add3A_436 = arith.addf %mul3A_433, %add3A_435 : vector<16xf32>
        %mul3A_437 = arith.mulf %mul3A_430, %add3A_436 : vector<16xf32>
        %add3A_438 = arith.constant 0.00833333377 : f32
        %add3A_439 = vector.broadcast %add3A_438 : f32 to vector<16xf32>
        %add3A_440 = arith.addf %mul3A_437, %add3A_439 : vector<16xf32>
        %mul3A_441 = arith.mulf %mul3A_430, %add3A_440 : vector<16xf32>
        %add3A_442 = arith.constant -0.166666672 : f32
        %add3A_443 = vector.broadcast %add3A_442 : f32 to vector<16xf32>
        %add3A_444 = arith.addf %mul3A_441, %add3A_443 : vector<16xf32>
        %mul3A_445 = arith.mulf %mul3A_430, %add3A_444 : vector<16xf32>
        %add3A_446 = arith.constant 1.000000e+00 : f32
        %add3A_447 = vector.broadcast %add3A_446 : f32 to vector<16xf32>
        %add3A_448 = arith.addf %mul3A_445, %add3A_447 : vector<16xf32>
        %mul3A_449 = arith.mulf %add3A_429, %add3A_448 : vector<16xf32>
        %mul3A_450 = arith.mulf %get3A_427, %mul3A_449 : vector<16xf32>
        %add3A_451 = arith.addf %add3A_418, %mul3A_450 : vector<16xf32>
        %get3A_452 = arith.index_cast %scan3A_188 : i32 to index
        %get3A_453 = arith.constant 80 : index
        %get3A_454 = tpu.vector_load %arg13[%get3A_452, %get3A_453] {strides = array<i32>} : memref<128x128xf32, #tpu.memory_space<vmem>>, vector<16xf32>,
        %get3A_455 = arith.index_cast %scan3A_188 : i32 to index
        %get3A_456 = arith.constant 80 : index
        %get3A_457 = tpu.vector_load %arg14[%get3A_455, %get3A_456] {strides = array<i32>} : memref<128x128xf32, #tpu.memory_space<vmem>>, vector<16xf32>,
        %get3A_458 = arith.index_cast %scan3A_188 : i32 to index
        %get3A_459 = arith.constant 80 : index
        %get3A_460 = tpu.vector_load %arg15[%get3A_458, %get3A_459] {strides = array<i32>} : memref<128x128xf32, #tpu.memory_space<vmem>>, vector<16xf32>,
        %mul3A_461 = arith.mulf %get3A_454, %broadcast_in_dim3A_280 : vector<16xf32>
        %add3A_462 = arith.addf %mul3A_461, %get3A_457 : vector<16xf32>
        %mul3A_463 = arith.mulf %add3A_462, %add3A_462 : vector<16xf32>
        %mul3A_464 = arith.constant 2.75573188E-6 : f32
        %mul3A_465 = vector.broadcast %mul3A_464 : f32 to vector<16xf32>
        %mul3A_466 = arith.mulf %mul3A_463, %mul3A_465 : vector<16xf32>
        %add3A_467 = arith.constant -1.98412701E-4 : f32
        %add3A_468 = vector.broadcast %add3A_467 : f32 to vector<16xf32>
        %add3A_469 = arith.addf %mul3A_466, %add3A_468 : vector<16xf32>
        %mul3A_470 = arith.mulf %mul3A_463, %add3A_469 : vector<16xf32>
        %add3A_471 = arith.constant 0.00833333377 : f32
        %add3A_472 = vector.broadcast %add3A_471 : f32 to vector<16xf32>
        %add3A_473 = arith.addf %mul3A_470, %add3A_472 : vector<16xf32>
        %mul3A_474 = arith.mulf %mul3A_463, %add3A_473 : vector<16xf32>
        %add3A_475 = arith.constant -0.166666672 : f32
        %add3A_476 = vector.broadcast %add3A_475 : f32 to vector<16xf32>
        %add3A_477 = arith.addf %mul3A_474, %add3A_476 : vector<16xf32>
        %mul3A_478 = arith.mulf %mul3A_463, %add3A_477 : vector<16xf32>
        %add3A_479 = arith.constant 1.000000e+00 : f32
        %add3A_480 = vector.broadcast %add3A_479 : f32 to vector<16xf32>
        %add3A_481 = arith.addf %mul3A_478, %add3A_480 : vector<16xf32>
        %mul3A_482 = arith.mulf %add3A_462, %add3A_481 : vector<16xf32>
        %mul3A_483 = arith.mulf %get3A_460, %mul3A_482 : vector<16xf32>
        %add3A_484 = arith.addf %add3A_451, %mul3A_483 : vector<16xf32>
        %swap3A_485 = arith.index_cast %scan3A_188 : i32 to index
        %swap3A_486 = arith.constant 112 : index
        %swap3A_487 = tpu.vector_load %arg10[%swap3A_485, %swap3A_486] {strides = array<i32>} : memref<128x128xf32, #tpu.memory_space<vmem>>, vector<16xf32>,
        tpu.vector_store %arg10[%swap3A_485, %swap3A_486], %add3A_484 {strides = array<i32>} : memref<128x128xf32, #tpu.memory_space<vmem>>, vector<16xf32>,
        %swap3A_488 = arith.index_cast %scan3A_188 : i32 to index
        %swap3A_489 = arith.constant 0 : index
        %swap3A_490 = tpu.vector_load %arg16[%swap3A_488, %swap3A_489] {strides = array<i32>} : memref<128x16xf32, #tpu.memory_space<vmem>>, vector<16xf32>,
        tpu.vector_store %arg16[%swap3A_488, %swap3A_489], %add3A_262 {strides = array<i32>} : memref<128x16xf32, #tpu.memory_space<vmem>>, vector<16xf32>,
      }
      %scan3A_151 = arith.constant 128 : i32
      %dma_start3A_152 = arith.constant 640 : i32
      %dma_start3A_153 = tpu.memref_slice %arg6[%add3A_11, %dma_start3A_152] : memref<32768x1024xf32, #tpu.memory_space<hbm>> -> memref<128x128xf32, #tpu.memory_space<hbm>>
      %dma_start3A_154 = arith.constant 640 : i32
      %dma_start3A_155 = tpu.memref_slice %arg6[%add3A_11, %dma_start3A_154] : memref<32768x1024xf32, #tpu.memory_space<hbm>> -> memref<128x128xf32, #tpu.memory_space<hbm>>
      tpu.enqueue_dma source(%dma_start3A_155 : memref<128x128xf32, #tpu.memory_space<hbm>>) target(%arg13 : memref<128x128xf32, #tpu.memory_space<vmem>>) target_semaphore(%arg18 : memref<!tpu.dma_semaphore, #tpu.memory_space<semaphore_mem>>)
      %dma_start3A_156 = arith.constant 768 : i32
      %dma_start3A_157 = tpu.memref_slice %arg6[%add3A_11, %dma_start3A_156] : memref<32768x1024xf32, #tpu.memory_space<hbm>> -> memref<128x128xf32, #tpu.memory_space<hbm>>
      %dma_start3A_158 = arith.constant 768 : i32
      %dma_start3A_159 = tpu.memref_slice %arg6[%add3A_11, %dma_start3A_158] : memref<32768x1024xf32, #tpu.memory_space<hbm>> -> memref<128x128xf32, #tpu.memory_space<hbm>>
      tpu.enqueue_dma source(%dma_start3A_159 : memref<128x128xf32, #tpu.memory_space<hbm>>) target(%arg14 : memref<128x128xf32, #tpu.memory_space<vmem>>) target_semaphore(%arg18 : memref<!tpu.dma_semaphore, #tpu.memory_space<semaphore_mem>>)
      %dma_start3A_160 = arith.constant 896 : i32
      %dma_start3A_161 = tpu.memref_slice %arg6[%add3A_11, %dma_start3A_160] : memref<32768x1024xf32, #tpu.memory_space<hbm>> -> memref<128x128xf32, #tpu.memory_space<hbm>>
      %dma_start3A_162 = arith.constant 896 : i32
      %dma_start3A_163 = tpu.memref_slice %arg6[%add3A_11, %dma_start3A_162] : memref<32768x1024xf32, #tpu.memory_space<hbm>> -> memref<128x128xf32, #tpu.memory_space<hbm>>
      tpu.enqueue_dma source(%dma_start3A_163 : memref<128x128xf32, #tpu.memory_space<hbm>>) target(%arg15 : memref<128x128xf32, #tpu.memory_space<vmem>>) target_semaphore(%arg18 : memref<!tpu.dma_semaphore, #tpu.memory_space<semaphore_mem>>)
      %dma_wait3A_164 = arith.constant 640 : i32
      %dma_wait3A_165 = tpu.memref_slice %arg6[%add3A_11, %dma_wait3A_164] : memref<32768x1024xf32, #tpu.memory_space<hbm>> -> memref<128x128xf32, #tpu.memory_space<hbm>>
      %dma_wait3A_166 = arith.constant 640 : i32
      %dma_wait3A_167 = tpu.memref_slice %arg6[%add3A_11, %dma_wait3A_166] : memref<32768x1024xf32, #tpu.memory_space<hbm>> -> memref<128x128xf32, #tpu.memory_space<hbm>>
      tpu.wait_dma2 semaphore(%arg18 : memref<!tpu.dma_semaphore, #tpu.memory_space<semaphore_mem>>) src(%dma_wait3A_167 : memref<128x128xf32, #tpu.memory_space<hbm>>) dst(%arg13 : memref<128x128xf32, #tpu.memory_space<vmem>>)
      %dma_wait3A_168 = arith.constant 768 : i32
      %dma_wait3A_169 = tpu.memref_slice %arg6[%add3A_11, %dma_wait3A_168] : memref<32768x1024xf32, #tpu.memory_space<hbm>> -> memref<128x128xf32, #tpu.memory_space<hbm>>
      %dma_wait3A_170 = arith.constant 768 : i32
      %dma_wait3A_171 = tpu.memref_slice %arg6[%add3A_11, %dma_wait3A_170] : memref<32768x1024xf32, #tpu.memory_space<hbm>> -> memref<128x128xf32, #tpu.memory_space<hbm>>
      tpu.wait_dma2 semaphore(%arg18 : memref<!tpu.dma_semaphore, #tpu.memory_space<semaphore_mem>>) src(%dma_wait3A_171 : memref<128x128xf32, #tpu.memory_space<hbm>>) dst(%arg14 : memref<128x128xf32, #tpu.memory_space<vmem>>)
      %dma_wait3A_172 = arith.constant 896 : i32
      %dma_wait3A_173 = tpu.memref_slice %arg6[%add3A_11, %dma_wait3A_172] : memref<32768x1024xf32, #tpu.memory_space<hbm>> -> memref<128x128xf32, #tpu.memory_space<hbm>>
      %dma_wait3A_174 = arith.constant 896 : i32
      %dma_wait3A_175 = tpu.memref_slice %arg6[%add3A_11, %dma_wait3A_174] : memref<32768x1024xf32, #tpu.memory_space<hbm>> -> memref<128x128xf32, #tpu.memory_space<hbm>>
      tpu.wait_dma2 semaphore(%arg18 : memref<!tpu.dma_semaphore, #tpu.memory_space<semaphore_mem>>) src(%dma_wait3A_175 : memref<128x128xf32, #tpu.memory_space<hbm>>) dst(%arg15 : memref<128x128xf32, #tpu.memory_space<vmem>>)
      %scan3A_176 = arith.constant 0 : i32
      %scan3A_177 = arith.constant 0 : i32
      %scan3A_178 = arith.constant 128 : i32
      %scan3A_179 = arith.addi %scan3A_177, %scan3A_178 : i32
      %scan3A_180 = arith.constant 1 : i32
      scf.for %scan3A_188 = %scan3A_177 to %scan3A_179 step %scan3A_180  : i32 {
        %get3A = arith.index_cast %scan3A_188 : i32 to index
        %get3A_189 = arith.constant 0 : index
        %get3A_190 = tpu.vector_load %arg16[%get3A, %get3A_189] {strides = array<i32>} : memref<128x16xf32, #tpu.memory_space<vmem>>, vector<16xf32>,
        %add3A_191 = arith.constant 0 : i32
        %add3A_192 = arith.addi %add3A_191, %scan3A_188 : i32
        %get3A_193 = arith.index_cast %add3A_192 : i32 to index
        %get3A_194 = tpu.vector_load %arg9[%get3A_193] {strides = array<i32>} : memref<400xf32, #tpu.memory_space<vmem>>, vector<16xf32>,
        %slice3A = vector.extract_strided_slice %get3A_194 {offsets = [0], sizes = [1], strides = [1]} : vector<16xf32> to vector<1xf32>
        %squeeze3A = vector.extract %slice3A[0] : f32 from vector<1xf32>
        %broadcast_in_dim3A = vector.broadcast %squeeze3A : f32 to vector<16xf32>
        %add3A_195 = arith.constant 128 : i32
        %add3A_196 = arith.addi %add3A_195, %scan3A_188 : i32
        %get3A_197 = arith.index_cast %add3A_196 : i32 to index
        %get3A_198 = tpu.vector_load %arg9[%get3A_197] {strides = array<i32>} : memref<400xf32, #tpu.memory_space<vmem>>, vector<16xf32>,
        %slice3A_199 = vector.extract_strided_slice %get3A_198 {offsets = [0], sizes = [1], strides = [1]} : vector<16xf32> to vector<1xf32>
        %squeeze3A_200 = vector.extract %slice3A_199[0] : f32 from vector<1xf32>
        %broadcast_in_dim3A_201 = vector.broadcast %squeeze3A_200 : f32 to vector<16xf32>
        %add3A_202 = arith.constant 256 : i32
        %add3A_203 = arith.addi %add3A_202, %scan3A_188 : i32
        %get3A_204 = arith.index_cast %add3A_203 : i32 to index
        %get3A_205 = tpu.vector_load %arg9[%get3A_204] {strides = array<i32>} : memref<400xf32, #tpu.memory_space<vmem>>, vector<16xf32>,
        %slice3A_206 = vector.extract_strided_slice %get3A_205 {offsets = [0], sizes = [1], strides = [1]} : vector<16xf32> to vector<1xf32>
        %squeeze3A_207 = vector.extract %slice3A_206[0] : f32 from vector<1xf32>
        %broadcast_in_dim3A_208 = vector.broadcast %squeeze3A_207 : f32 to vector<16xf32>
        %broadcast_in_dim3A_209 = arith.constant 0.000000e+00 : f32
        %broadcast_in_dim3A_210 = vector.broadcast %broadcast_in_dim3A_209 : f32 to vector<16xf32>
        %get3A_211 = arith.index_cast %scan3A_188 : i32 to index
        %get3A_212 = arith.constant 0 : index
        %get3A_213 = tpu.vector_load %arg13[%get3A_211, %get3A_212] {strides = array<i32>} : memref<128x128xf32, #tpu.memory_space<vmem>>, vector<16xf32>,
        %get3A_214 = arith.index_cast %scan3A_188 : i32 to index
        %get3A_215 = arith.constant 0 : index
        %get3A_216 = tpu.vector_load %arg14[%get3A_214, %get3A_215] {strides = array<i32>} : memref<128x128xf32, #tpu.memory_space<vmem>>, vector<16xf32>,
        %get3A_217 = arith.index_cast %scan3A_188 : i32 to index
        %get3A_218 = arith.constant 0 : index
        %get3A_219 = tpu.vector_load %arg15[%get3A_217, %get3A_218] {strides = array<i32>} : memref<128x128xf32, #tpu.memory_space<vmem>>, vector<16xf32>,
        %mul3A_220 = arith.mulf %get3A_213, %broadcast_in_dim3A : vector<16xf32>
        %add3A_221 = arith.addf %mul3A_220, %get3A_216 : vector<16xf32>
        %mul3A_222 = arith.mulf %add3A_221, %add3A_221 : vector<16xf32>
        %mul3A_223 = arith.constant 2.75573188E-6 : f32
        %mul3A_224 = vector.broadcast %mul3A_223 : f32 to vector<16xf32>
        %mul3A_225 = arith.mulf %mul3A_222, %mul3A_224 : vector<16xf32>
        %add3A_226 = arith.constant -1.98412701E-4 : f32
        %add3A_227 = vector.broadcast %add3A_226 : f32 to vector<16xf32>
        %add3A_228 = arith.addf %mul3A_225, %add3A_227 : vector<16xf32>
        %mul3A_229 = arith.mulf %mul3A_222, %add3A_228 : vector<16xf32>
        %add3A_230 = arith.constant 0.00833333377 : f32
        %add3A_231 = vector.broadcast %add3A_230 : f32 to vector<16xf32>
        %add3A_232 = arith.addf %mul3A_229, %add3A_231 : vector<16xf32>
        %mul3A_233 = arith.mulf %mul3A_222, %add3A_232 : vector<16xf32>
        %add3A_234 = arith.constant -0.166666672 : f32
        %add3A_235 = vector.broadcast %add3A_234 : f32 to vector<16xf32>
        %add3A_236 = arith.addf %mul3A_233, %add3A_235 : vector<16xf32>
        %mul3A_237 = arith.mulf %mul3A_222, %add3A_236 : vector<16xf32>
        %add3A_238 = arith.constant 1.000000e+00 : f32
        %add3A_239 = vector.broadcast %add3A_238 : f32 to vector<16xf32>
        %add3A_240 = arith.addf %mul3A_237, %add3A_239 : vector<16xf32>
        %mul3A_241 = arith.mulf %add3A_221, %add3A_240 : vector<16xf32>
        %mul3A_242 = arith.mulf %get3A_219, %mul3A_241 : vector<16xf32>
        %add3A_243 = arith.addf %broadcast_in_dim3A_210, %mul3A_242 : vector<16xf32>
        %get3A_244 = arith.index_cast %scan3A_188 : i32 to index
        %get3A_245 = arith.constant 32 : index
        %get3A_246 = tpu.vector_load %arg13[%get3A_244, %get3A_245] {strides = array<i32>} : memref<128x128xf32, #tpu.memory_space<vmem>>, vector<16xf32>,
        %get3A_247 = arith.index_cast %scan3A_188 : i32 to index
        %get3A_248 = arith.constant 32 : index
        %get3A_249 = tpu.vector_load %arg14[%get3A_247, %get3A_248] {strides = array<i32>} : memref<128x128xf32, #tpu.memory_space<vmem>>, vector<16xf32>,
        %get3A_250 = arith.index_cast %scan3A_188 : i32 to index
        %get3A_251 = arith.constant 32 : index
        %get3A_252 = tpu.vector_load %arg15[%get3A_250, %get3A_251] {strides = array<i32>} : memref<128x128xf32, #tpu.memory_space<vmem>>, vector<16xf32>,
        %mul3A_253 = arith.mulf %get3A_246, %broadcast_in_dim3A_201 : vector<16xf32>
        %add3A_254 = arith.addf %mul3A_253, %get3A_249 : vector<16xf32>
        %mul3A_255 = arith.mulf %add3A_254, %add3A_254 : vector<16xf32>
        %mul3A_256 = arith.constant 2.75573188E-6 : f32
        %mul3A_257 = vector.broadcast %mul3A_256 : f32 to vector<16xf32>
        %mul3A_258 = arith.mulf %mul3A_255, %mul3A_257 : vector<16xf32>
        %add3A_259 = arith.constant -1.98412701E-4 : f32
        %add3A_260 = vector.broadcast %add3A_259 : f32 to vector<16xf32>
        %add3A_261 = arith.addf %mul3A_258, %add3A_260 : vector<16xf32>
        %mul3A_262 = arith.mulf %mul3A_255, %add3A_261 : vector<16xf32>
        %add3A_263 = arith.constant 0.00833333377 : f32
        %add3A_264 = vector.broadcast %add3A_263 : f32 to vector<16xf32>
        %add3A_265 = arith.addf %mul3A_262, %add3A_264 : vector<16xf32>
        %mul3A_266 = arith.mulf %mul3A_255, %add3A_265 : vector<16xf32>
        %add3A_267 = arith.constant -0.166666672 : f32
        %add3A_268 = vector.broadcast %add3A_267 : f32 to vector<16xf32>
        %add3A_269 = arith.addf %mul3A_266, %add3A_268 : vector<16xf32>
        %mul3A_270 = arith.mulf %mul3A_255, %add3A_269 : vector<16xf32>
        %add3A_271 = arith.constant 1.000000e+00 : f32
        %add3A_272 = vector.broadcast %add3A_271 : f32 to vector<16xf32>
        %add3A_273 = arith.addf %mul3A_270, %add3A_272 : vector<16xf32>
        %mul3A_274 = arith.mulf %add3A_254, %add3A_273 : vector<16xf32>
        %mul3A_275 = arith.mulf %get3A_252, %mul3A_274 : vector<16xf32>
        %add3A_276 = arith.addf %add3A_243, %mul3A_275 : vector<16xf32>
        %get3A_277 = arith.index_cast %scan3A_188 : i32 to index
        %get3A_278 = arith.constant 64 : index
        %get3A_279 = tpu.vector_load %arg13[%get3A_277, %get3A_278] {strides = array<i32>} : memref<128x128xf32, #tpu.memory_space<vmem>>, vector<16xf32>,
        %get3A_280 = arith.index_cast %scan3A_188 : i32 to index
        %get3A_281 = arith.constant 64 : index
        %get3A_282 = tpu.vector_load %arg14[%get3A_280, %get3A_281] {strides = array<i32>} : memref<128x128xf32, #tpu.memory_space<vmem>>, vector<16xf32>,
        %get3A_283 = arith.index_cast %scan3A_188 : i32 to index
        %get3A_284 = arith.constant 64 : index
        %get3A_285 = tpu.vector_load %arg15[%get3A_283, %get3A_284] {strides = array<i32>} : memref<128x128xf32, #tpu.memory_space<vmem>>, vector<16xf32>,
        %mul3A_286 = arith.mulf %get3A_279, %broadcast_in_dim3A_208 : vector<16xf32>
        %add3A_287 = arith.addf %mul3A_286, %get3A_282 : vector<16xf32>
        %mul3A_288 = arith.mulf %add3A_287, %add3A_287 : vector<16xf32>
        %mul3A_289 = arith.constant 2.75573188E-6 : f32
        %mul3A_290 = vector.broadcast %mul3A_289 : f32 to vector<16xf32>
        %mul3A_291 = arith.mulf %mul3A_288, %mul3A_290 : vector<16xf32>
        %add3A_292 = arith.constant -1.98412701E-4 : f32
        %add3A_293 = vector.broadcast %add3A_292 : f32 to vector<16xf32>
        %add3A_294 = arith.addf %mul3A_291, %add3A_293 : vector<16xf32>
        %mul3A_295 = arith.mulf %mul3A_288, %add3A_294 : vector<16xf32>
        %add3A_296 = arith.constant 0.00833333377 : f32
        %add3A_297 = vector.broadcast %add3A_296 : f32 to vector<16xf32>
        %add3A_298 = arith.addf %mul3A_295, %add3A_297 : vector<16xf32>
        %mul3A_299 = arith.mulf %mul3A_288, %add3A_298 : vector<16xf32>
        %add3A_300 = arith.constant -0.166666672 : f32
        %add3A_301 = vector.broadcast %add3A_300 : f32 to vector<16xf32>
        %add3A_302 = arith.addf %mul3A_299, %add3A_301 : vector<16xf32>
        %mul3A_303 = arith.mulf %mul3A_288, %add3A_302 : vector<16xf32>
        %add3A_304 = arith.constant 1.000000e+00 : f32
        %add3A_305 = vector.broadcast %add3A_304 : f32 to vector<16xf32>
        %add3A_306 = arith.addf %mul3A_303, %add3A_305 : vector<16xf32>
        %mul3A_307 = arith.mulf %add3A_287, %add3A_306 : vector<16xf32>
        %mul3A_308 = arith.mulf %get3A_285, %mul3A_307 : vector<16xf32>
        %add3A_309 = arith.addf %add3A_276, %mul3A_308 : vector<16xf32>
        %get3A_310 = arith.index_cast %scan3A_188 : i32 to index
        %get3A_311 = arith.constant 96 : index
        %get3A_312 = tpu.vector_load %arg10[%get3A_310, %get3A_311] {strides = array<i32>} : memref<128x128xf32, #tpu.memory_space<vmem>>, vector<16xf32>,
        %get3A_313 = arith.index_cast %scan3A_188 : i32 to index
        %get3A_314 = arith.constant 96 : index
        %get3A_315 = tpu.vector_load %arg12[%get3A_313, %get3A_314] {strides = array<i32>} : memref<128x128xf32, #tpu.memory_space<vmem>>, vector<16xf32>,
        %mul3A_316 = arith.mulf %get3A_312, %get3A_315 : vector<16xf32>
        %mul3A_317 = arith.mulf %mul3A_316, %add3A_309 : vector<16xf32>
        %add3A_318 = arith.addf %get3A_190, %mul3A_317 : vector<16xf32>
        %broadcast_in_dim3A_319 = arith.constant 0.000000e+00 : f32
        %broadcast_in_dim3A_320 = vector.broadcast %broadcast_in_dim3A_319 : f32 to vector<16xf32>
        %get3A_321 = arith.index_cast %scan3A_188 : i32 to index
        %get3A_322 = arith.constant 16 : index
        %get3A_323 = tpu.vector_load %arg13[%get3A_321, %get3A_322] {strides = array<i32>} : memref<128x128xf32, #tpu.memory_space<vmem>>, vector<16xf32>,
        %get3A_324 = arith.index_cast %scan3A_188 : i32 to index
        %get3A_325 = arith.constant 16 : index
        %get3A_326 = tpu.vector_load %arg14[%get3A_324, %get3A_325] {strides = array<i32>} : memref<128x128xf32, #tpu.memory_space<vmem>>, vector<16xf32>,
        %get3A_327 = arith.index_cast %scan3A_188 : i32 to index
        %get3A_328 = arith.constant 16 : index
        %get3A_329 = tpu.vector_load %arg15[%get3A_327, %get3A_328] {strides = array<i32>} : memref<128x128xf32, #tpu.memory_space<vmem>>, vector<16xf32>,
        %mul3A_330 = arith.mulf %get3A_323, %broadcast_in_dim3A : vector<16xf32>
        %add3A_331 = arith.addf %mul3A_330, %get3A_326 : vector<16xf32>
        %mul3A_332 = arith.mulf %add3A_331, %add3A_331 : vector<16xf32>
        %mul3A_333 = arith.constant 2.75573188E-6 : f32
        %mul3A_334 = vector.broadcast %mul3A_333 : f32 to vector<16xf32>
        %mul3A_335 = arith.mulf %mul3A_332, %mul3A_334 : vector<16xf32>
        %add3A_336 = arith.constant -1.98412701E-4 : f32
        %add3A_337 = vector.broadcast %add3A_336 : f32 to vector<16xf32>
        %add3A_338 = arith.addf %mul3A_335, %add3A_337 : vector<16xf32>
        %mul3A_339 = arith.mulf %mul3A_332, %add3A_338 : vector<16xf32>
        %add3A_340 = arith.constant 0.00833333377 : f32
        %add3A_341 = vector.broadcast %add3A_340 : f32 to vector<16xf32>
        %add3A_342 = arith.addf %mul3A_339, %add3A_341 : vector<16xf32>
        %mul3A_343 = arith.mulf %mul3A_332, %add3A_342 : vector<16xf32>
        %add3A_344 = arith.constant -0.166666672 : f32
        %add3A_345 = vector.broadcast %add3A_344 : f32 to vector<16xf32>
        %add3A_346 = arith.addf %mul3A_343, %add3A_345 : vector<16xf32>
        %mul3A_347 = arith.mulf %mul3A_332, %add3A_346 : vector<16xf32>
        %add3A_348 = arith.constant 1.000000e+00 : f32
        %add3A_349 = vector.broadcast %add3A_348 : f32 to vector<16xf32>
        %add3A_350 = arith.addf %mul3A_347, %add3A_349 : vector<16xf32>
        %mul3A_351 = arith.mulf %add3A_331, %add3A_350 : vector<16xf32>
        %mul3A_352 = arith.mulf %get3A_329, %mul3A_351 : vector<16xf32>
        %add3A_353 = arith.addf %broadcast_in_dim3A_320, %mul3A_352 : vector<16xf32>
        %get3A_354 = arith.index_cast %scan3A_188 : i32 to index
        %get3A_355 = arith.constant 48 : index
        %get3A_356 = tpu.vector_load %arg13[%get3A_354, %get3A_355] {strides = array<i32>} : memref<128x128xf32, #tpu.memory_space<vmem>>, vector<16xf32>,
        %get3A_357 = arith.index_cast %scan3A_188 : i32 to index
        %get3A_358 = arith.constant 48 : index
        %get3A_359 = tpu.vector_load %arg14[%get3A_357, %get3A_358] {strides = array<i32>} : memref<128x128xf32, #tpu.memory_space<vmem>>, vector<16xf32>,
        %get3A_360 = arith.index_cast %scan3A_188 : i32 to index
        %get3A_361 = arith.constant 48 : index
        %get3A_362 = tpu.vector_load %arg15[%get3A_360, %get3A_361] {strides = array<i32>} : memref<128x128xf32, #tpu.memory_space<vmem>>, vector<16xf32>,
        %mul3A_363 = arith.mulf %get3A_356, %broadcast_in_dim3A_201 : vector<16xf32>
        %add3A_364 = arith.addf %mul3A_363, %get3A_359 : vector<16xf32>
        %mul3A_365 = arith.mulf %add3A_364, %add3A_364 : vector<16xf32>
        %mul3A_366 = arith.constant 2.75573188E-6 : f32
        %mul3A_367 = vector.broadcast %mul3A_366 : f32 to vector<16xf32>
        %mul3A_368 = arith.mulf %mul3A_365, %mul3A_367 : vector<16xf32>
        %add3A_369 = arith.constant -1.98412701E-4 : f32
        %add3A_370 = vector.broadcast %add3A_369 : f32 to vector<16xf32>
        %add3A_371 = arith.addf %mul3A_368, %add3A_370 : vector<16xf32>
        %mul3A_372 = arith.mulf %mul3A_365, %add3A_371 : vector<16xf32>
        %add3A_373 = arith.constant 0.00833333377 : f32
        %add3A_374 = vector.broadcast %add3A_373 : f32 to vector<16xf32>
        %add3A_375 = arith.addf %mul3A_372, %add3A_374 : vector<16xf32>
        %mul3A_376 = arith.mulf %mul3A_365, %add3A_375 : vector<16xf32>
        %add3A_377 = arith.constant -0.166666672 : f32
        %add3A_378 = vector.broadcast %add3A_377 : f32 to vector<16xf32>
        %add3A_379 = arith.addf %mul3A_376, %add3A_378 : vector<16xf32>
        %mul3A_380 = arith.mulf %mul3A_365, %add3A_379 : vector<16xf32>
        %add3A_381 = arith.constant 1.000000e+00 : f32
        %add3A_382 = vector.broadcast %add3A_381 : f32 to vector<16xf32>
        %add3A_383 = arith.addf %mul3A_380, %add3A_382 : vector<16xf32>
        %mul3A_384 = arith.mulf %add3A_364, %add3A_383 : vector<16xf32>
        %mul3A_385 = arith.mulf %get3A_362, %mul3A_384 : vector<16xf32>
        %add3A_386 = arith.addf %add3A_353, %mul3A_385 : vector<16xf32>
        %get3A_387 = arith.index_cast %scan3A_188 : i32 to index
        %get3A_388 = arith.constant 80 : index
        %get3A_389 = tpu.vector_load %arg13[%get3A_387, %get3A_388] {strides = array<i32>} : memref<128x128xf32, #tpu.memory_space<vmem>>, vector<16xf32>,
        %get3A_390 = arith.index_cast %scan3A_188 : i32 to index
        %get3A_391 = arith.constant 80 : index
        %get3A_392 = tpu.vector_load %arg14[%get3A_390, %get3A_391] {strides = array<i32>} : memref<128x128xf32, #tpu.memory_space<vmem>>, vector<16xf32>,
        %get3A_393 = arith.index_cast %scan3A_188 : i32 to index
        %get3A_394 = arith.constant 80 : index
        %get3A_395 = tpu.vector_load %arg15[%get3A_393, %get3A_394] {strides = array<i32>} : memref<128x128xf32, #tpu.memory_space<vmem>>, vector<16xf32>,
        %mul3A_396 = arith.mulf %get3A_389, %broadcast_in_dim3A_208 : vector<16xf32>
        %add3A_397 = arith.addf %mul3A_396, %get3A_392 : vector<16xf32>
        %mul3A_398 = arith.mulf %add3A_397, %add3A_397 : vector<16xf32>
        %mul3A_399 = arith.constant 2.75573188E-6 : f32
        %mul3A_400 = vector.broadcast %mul3A_399 : f32 to vector<16xf32>
        %mul3A_401 = arith.mulf %mul3A_398, %mul3A_400 : vector<16xf32>
        %add3A_402 = arith.constant -1.98412701E-4 : f32
        %add3A_403 = vector.broadcast %add3A_402 : f32 to vector<16xf32>
        %add3A_404 = arith.addf %mul3A_401, %add3A_403 : vector<16xf32>
        %mul3A_405 = arith.mulf %mul3A_398, %add3A_404 : vector<16xf32>
        %add3A_406 = arith.constant 0.00833333377 : f32
        %add3A_407 = vector.broadcast %add3A_406 : f32 to vector<16xf32>
        %add3A_408 = arith.addf %mul3A_405, %add3A_407 : vector<16xf32>
        %mul3A_409 = arith.mulf %mul3A_398, %add3A_408 : vector<16xf32>
        %add3A_410 = arith.constant -0.166666672 : f32
        %add3A_411 = vector.broadcast %add3A_410 : f32 to vector<16xf32>
        %add3A_412 = arith.addf %mul3A_409, %add3A_411 : vector<16xf32>
        %mul3A_413 = arith.mulf %mul3A_398, %add3A_412 : vector<16xf32>
        %add3A_414 = arith.constant 1.000000e+00 : f32
        %add3A_415 = vector.broadcast %add3A_414 : f32 to vector<16xf32>
        %add3A_416 = arith.addf %mul3A_413, %add3A_415 : vector<16xf32>
        %mul3A_417 = arith.mulf %add3A_397, %add3A_416 : vector<16xf32>
        %mul3A_418 = arith.mulf %get3A_395, %mul3A_417 : vector<16xf32>
        %add3A_419 = arith.addf %add3A_386, %mul3A_418 : vector<16xf32>
        %get3A_420 = arith.index_cast %scan3A_188 : i32 to index
        %get3A_421 = arith.constant 112 : index
        %get3A_422 = tpu.vector_load %arg10[%get3A_420, %get3A_421] {strides = array<i32>} : memref<128x128xf32, #tpu.memory_space<vmem>>, vector<16xf32>,
        %get3A_423 = arith.index_cast %scan3A_188 : i32 to index
        %get3A_424 = arith.constant 112 : index
        %get3A_425 = tpu.vector_load %arg12[%get3A_423, %get3A_424] {strides = array<i32>} : memref<128x128xf32, #tpu.memory_space<vmem>>, vector<16xf32>,
        %mul3A_426 = arith.mulf %get3A_422, %get3A_425 : vector<16xf32>
        %mul3A_427 = arith.mulf %mul3A_426, %add3A_419 : vector<16xf32>
        %add3A_428 = arith.addf %add3A_318, %mul3A_427 : vector<16xf32>
        %swap3A = arith.index_cast %scan3A_188 : i32 to index
        %swap3A_429 = arith.constant 0 : index
        %swap3A_430 = tpu.vector_load %arg16[%swap3A, %swap3A_429] {strides = array<i32>} : memref<128x16xf32, #tpu.memory_space<vmem>>, vector<16xf32>,
        tpu.vector_store %arg16[%swap3A, %swap3A_429], %add3A_428 {strides = array<i32>} : memref<128x16xf32, #tpu.memory_space<vmem>>, vector<16xf32>,
      }
      %scan3A_181 = arith.constant 128 : i32
      %iota3A = tpu.iota {dimensions = array<i32: 0>} : vector<16xi32>
      %scan3A_182 = arith.constant 0 : i32
      %scan3A_183 = arith.constant 0 : i32
      %scan3A_184 = arith.constant 8 : i32
      %scan3A_185 = arith.addi %scan3A_183, %scan3A_184 : i32
      %scan3A_186 = arith.constant 1 : i32
      scf.for %scan3A_188 = %scan3A_183 to %scan3A_185 step %scan3A_186  : i32 {
        %mul3A_189 = arith.constant 16 : i32
        %mul3A_190 = arith.muli %scan3A_188, %mul3A_189 : i32
        %broadcast_in_dim3A = arith.constant 0.000000e+00 : f32
        %broadcast_in_dim3A_191 = vector.broadcast %broadcast_in_dim3A : f32 to vector<16xf32>
        %add3A_192 = arith.constant 0 : i32
        %add3A_193 = arith.addi %mul3A_190, %add3A_192 : i32
        %get3A = arith.index_cast %add3A_193 : i32 to index
        %get3A_194 = arith.constant 0 : index
        %get3A_195 = tpu.vector_load %arg16[%get3A, %get3A_194] {strides = array<i32>} : memref<128x16xf32, #tpu.memory_space<vmem>>, vector<16xf32>,
        %reduce_sum3A = arith.constant true
        %reduce_sum3A_196 = vector.broadcast %reduce_sum3A : i1 to vector<16xi1>
        %reduce_sum3A_197 = tpu.scan <sum>, %get3A_195 masked %reduce_sum3A_196 : vector<16xf32>, vector<16xi1> -> vector<16xf32>
        %reduce_sum3A_198 = vector.extract %reduce_sum3A_197[15] : f32 from vector<16xf32>
        %mul3A_199 = arith.constant 5.000000e-01 : f32
        %mul3A_200 = arith.mulf %reduce_sum3A_198, %mul3A_199 : f32
        %eq3A = arith.constant 0 : i32
        %eq3A_201 = vector.broadcast %eq3A : i32 to vector<16xi32>
        %eq3A_202 = arith.cmpi eq, %iota3A, %eq3A_201 : vector<16xi32>
        %broadcast_in_dim3A_203 = vector.broadcast %mul3A_200 : f32 to vector<16xf32>
        %select_n3A = arith.select %eq3A_202, %broadcast_in_dim3A_203, %broadcast_in_dim3A_191 : vector<16xi1>, vector<16xf32>
        %add3A_204 = arith.constant 1 : i32
        %add3A_205 = arith.addi %mul3A_190, %add3A_204 : i32
        %get3A_206 = arith.index_cast %add3A_205 : i32 to index
        %get3A_207 = arith.constant 0 : index
        %get3A_208 = tpu.vector_load %arg16[%get3A_206, %get3A_207] {strides = array<i32>} : memref<128x16xf32, #tpu.memory_space<vmem>>, vector<16xf32>,
        %reduce_sum3A_209 = arith.constant true
        %reduce_sum3A_210 = vector.broadcast %reduce_sum3A_209 : i1 to vector<16xi1>
        %reduce_sum3A_211 = tpu.scan <sum>, %get3A_208 masked %reduce_sum3A_210 : vector<16xf32>, vector<16xi1> -> vector<16xf32>
        %reduce_sum3A_212 = vector.extract %reduce_sum3A_211[15] : f32 from vector<16xf32>
        %mul3A_213 = arith.constant 5.000000e-01 : f32
        %mul3A_214 = arith.mulf %reduce_sum3A_212, %mul3A_213 : f32
        %eq3A_215 = arith.constant 1 : i32
        %eq3A_216 = vector.broadcast %eq3A_215 : i32 to vector<16xi32>
        %eq3A_217 = arith.cmpi eq, %iota3A, %eq3A_216 : vector<16xi32>
        %broadcast_in_dim3A_218 = vector.broadcast %mul3A_214 : f32 to vector<16xf32>
        %select_n3A_219 = arith.select %eq3A_217, %broadcast_in_dim3A_218, %select_n3A : vector<16xi1>, vector<16xf32>
        %add3A_220 = arith.constant 2 : i32
        %add3A_221 = arith.addi %mul3A_190, %add3A_220 : i32
        %get3A_222 = arith.index_cast %add3A_221 : i32 to index
        %get3A_223 = arith.constant 0 : index
        %get3A_224 = tpu.vector_load %arg16[%get3A_222, %get3A_223] {strides = array<i32>} : memref<128x16xf32, #tpu.memory_space<vmem>>, vector<16xf32>,
        %reduce_sum3A_225 = arith.constant true
        %reduce_sum3A_226 = vector.broadcast %reduce_sum3A_225 : i1 to vector<16xi1>
        %reduce_sum3A_227 = tpu.scan <sum>, %get3A_224 masked %reduce_sum3A_226 : vector<16xf32>, vector<16xi1> -> vector<16xf32>
        %reduce_sum3A_228 = vector.extract %reduce_sum3A_227[15] : f32 from vector<16xf32>
        %mul3A_229 = arith.constant 5.000000e-01 : f32
        %mul3A_230 = arith.mulf %reduce_sum3A_228, %mul3A_229 : f32
        %eq3A_231 = arith.constant 2 : i32
        %eq3A_232 = vector.broadcast %eq3A_231 : i32 to vector<16xi32>
        %eq3A_233 = arith.cmpi eq, %iota3A, %eq3A_232 : vector<16xi32>
        %broadcast_in_dim3A_234 = vector.broadcast %mul3A_230 : f32 to vector<16xf32>
        %select_n3A_235 = arith.select %eq3A_233, %broadcast_in_dim3A_234, %select_n3A_219 : vector<16xi1>, vector<16xf32>
        %add3A_236 = arith.constant 3 : i32
        %add3A_237 = arith.addi %mul3A_190, %add3A_236 : i32
        %get3A_238 = arith.index_cast %add3A_237 : i32 to index
        %get3A_239 = arith.constant 0 : index
        %get3A_240 = tpu.vector_load %arg16[%get3A_238, %get3A_239] {strides = array<i32>} : memref<128x16xf32, #tpu.memory_space<vmem>>, vector<16xf32>,
        %reduce_sum3A_241 = arith.constant true
        %reduce_sum3A_242 = vector.broadcast %reduce_sum3A_241 : i1 to vector<16xi1>
        %reduce_sum3A_243 = tpu.scan <sum>, %get3A_240 masked %reduce_sum3A_242 : vector<16xf32>, vector<16xi1> -> vector<16xf32>
        %reduce_sum3A_244 = vector.extract %reduce_sum3A_243[15] : f32 from vector<16xf32>
        %mul3A_245 = arith.constant 5.000000e-01 : f32
        %mul3A_246 = arith.mulf %reduce_sum3A_244, %mul3A_245 : f32
        %eq3A_247 = arith.constant 3 : i32
        %eq3A_248 = vector.broadcast %eq3A_247 : i32 to vector<16xi32>
        %eq3A_249 = arith.cmpi eq, %iota3A, %eq3A_248 : vector<16xi32>
        %broadcast_in_dim3A_250 = vector.broadcast %mul3A_246 : f32 to vector<16xf32>
        %select_n3A_251 = arith.select %eq3A_249, %broadcast_in_dim3A_250, %select_n3A_235 : vector<16xi1>, vector<16xf32>
        %add3A_252 = arith.constant 4 : i32
        %add3A_253 = arith.addi %mul3A_190, %add3A_252 : i32
        %get3A_254 = arith.index_cast %add3A_253 : i32 to index
        %get3A_255 = arith.constant 0 : index
        %get3A_256 = tpu.vector_load %arg16[%get3A_254, %get3A_255] {strides = array<i32>} : memref<128x16xf32, #tpu.memory_space<vmem>>, vector<16xf32>,
        %reduce_sum3A_257 = arith.constant true
        %reduce_sum3A_258 = vector.broadcast %reduce_sum3A_257 : i1 to vector<16xi1>
        %reduce_sum3A_259 = tpu.scan <sum>, %get3A_256 masked %reduce_sum3A_258 : vector<16xf32>, vector<16xi1> -> vector<16xf32>
        %reduce_sum3A_260 = vector.extract %reduce_sum3A_259[15] : f32 from vector<16xf32>
        %mul3A_261 = arith.constant 5.000000e-01 : f32
        %mul3A_262 = arith.mulf %reduce_sum3A_260, %mul3A_261 : f32
        %eq3A_263 = arith.constant 4 : i32
        %eq3A_264 = vector.broadcast %eq3A_263 : i32 to vector<16xi32>
        %eq3A_265 = arith.cmpi eq, %iota3A, %eq3A_264 : vector<16xi32>
        %broadcast_in_dim3A_266 = vector.broadcast %mul3A_262 : f32 to vector<16xf32>
        %select_n3A_267 = arith.select %eq3A_265, %broadcast_in_dim3A_266, %select_n3A_251 : vector<16xi1>, vector<16xf32>
        %add3A_268 = arith.constant 5 : i32
        %add3A_269 = arith.addi %mul3A_190, %add3A_268 : i32
        %get3A_270 = arith.index_cast %add3A_269 : i32 to index
        %get3A_271 = arith.constant 0 : index
        %get3A_272 = tpu.vector_load %arg16[%get3A_270, %get3A_271] {strides = array<i32>} : memref<128x16xf32, #tpu.memory_space<vmem>>, vector<16xf32>,
        %reduce_sum3A_273 = arith.constant true
        %reduce_sum3A_274 = vector.broadcast %reduce_sum3A_273 : i1 to vector<16xi1>
        %reduce_sum3A_275 = tpu.scan <sum>, %get3A_272 masked %reduce_sum3A_274 : vector<16xf32>, vector<16xi1> -> vector<16xf32>
        %reduce_sum3A_276 = vector.extract %reduce_sum3A_275[15] : f32 from vector<16xf32>
        %mul3A_277 = arith.constant 5.000000e-01 : f32
        %mul3A_278 = arith.mulf %reduce_sum3A_276, %mul3A_277 : f32
        %eq3A_279 = arith.constant 5 : i32
        %eq3A_280 = vector.broadcast %eq3A_279 : i32 to vector<16xi32>
        %eq3A_281 = arith.cmpi eq, %iota3A, %eq3A_280 : vector<16xi32>
        %broadcast_in_dim3A_282 = vector.broadcast %mul3A_278 : f32 to vector<16xf32>
        %select_n3A_283 = arith.select %eq3A_281, %broadcast_in_dim3A_282, %select_n3A_267 : vector<16xi1>, vector<16xf32>
        %add3A_284 = arith.constant 6 : i32
        %add3A_285 = arith.addi %mul3A_190, %add3A_284 : i32
        %get3A_286 = arith.index_cast %add3A_285 : i32 to index
        %get3A_287 = arith.constant 0 : index
        %get3A_288 = tpu.vector_load %arg16[%get3A_286, %get3A_287] {strides = array<i32>} : memref<128x16xf32, #tpu.memory_space<vmem>>, vector<16xf32>,
        %reduce_sum3A_289 = arith.constant true
        %reduce_sum3A_290 = vector.broadcast %reduce_sum3A_289 : i1 to vector<16xi1>
        %reduce_sum3A_291 = tpu.scan <sum>, %get3A_288 masked %reduce_sum3A_290 : vector<16xf32>, vector<16xi1> -> vector<16xf32>
        %reduce_sum3A_292 = vector.extract %reduce_sum3A_291[15] : f32 from vector<16xf32>
        %mul3A_293 = arith.constant 5.000000e-01 : f32
        %mul3A_294 = arith.mulf %reduce_sum3A_292, %mul3A_293 : f32
        %eq3A_295 = arith.constant 6 : i32
        %eq3A_296 = vector.broadcast %eq3A_295 : i32 to vector<16xi32>
        %eq3A_297 = arith.cmpi eq, %iota3A, %eq3A_296 : vector<16xi32>
        %broadcast_in_dim3A_298 = vector.broadcast %mul3A_294 : f32 to vector<16xf32>
        %select_n3A_299 = arith.select %eq3A_297, %broadcast_in_dim3A_298, %select_n3A_283 : vector<16xi1>, vector<16xf32>
        %add3A_300 = arith.constant 7 : i32
        %add3A_301 = arith.addi %mul3A_190, %add3A_300 : i32
        %get3A_302 = arith.index_cast %add3A_301 : i32 to index
        %get3A_303 = arith.constant 0 : index
        %get3A_304 = tpu.vector_load %arg16[%get3A_302, %get3A_303] {strides = array<i32>} : memref<128x16xf32, #tpu.memory_space<vmem>>, vector<16xf32>,
        %reduce_sum3A_305 = arith.constant true
        %reduce_sum3A_306 = vector.broadcast %reduce_sum3A_305 : i1 to vector<16xi1>
        %reduce_sum3A_307 = tpu.scan <sum>, %get3A_304 masked %reduce_sum3A_306 : vector<16xf32>, vector<16xi1> -> vector<16xf32>
        %reduce_sum3A_308 = vector.extract %reduce_sum3A_307[15] : f32 from vector<16xf32>
        %mul3A_309 = arith.constant 5.000000e-01 : f32
        %mul3A_310 = arith.mulf %reduce_sum3A_308, %mul3A_309 : f32
        %eq3A_311 = arith.constant 7 : i32
        %eq3A_312 = vector.broadcast %eq3A_311 : i32 to vector<16xi32>
        %eq3A_313 = arith.cmpi eq, %iota3A, %eq3A_312 : vector<16xi32>
        %broadcast_in_dim3A_314 = vector.broadcast %mul3A_310 : f32 to vector<16xf32>
        %select_n3A_315 = arith.select %eq3A_313, %broadcast_in_dim3A_314, %select_n3A_299 : vector<16xi1>, vector<16xf32>
        %add3A_316 = arith.constant 8 : i32
        %add3A_317 = arith.addi %mul3A_190, %add3A_316 : i32
        %get3A_318 = arith.index_cast %add3A_317 : i32 to index
        %get3A_319 = arith.constant 0 : index
        %get3A_320 = tpu.vector_load %arg16[%get3A_318, %get3A_319] {strides = array<i32>} : memref<128x16xf32, #tpu.memory_space<vmem>>, vector<16xf32>,
        %reduce_sum3A_321 = arith.constant true
        %reduce_sum3A_322 = vector.broadcast %reduce_sum3A_321 : i1 to vector<16xi1>
        %reduce_sum3A_323 = tpu.scan <sum>, %get3A_320 masked %reduce_sum3A_322 : vector<16xf32>, vector<16xi1> -> vector<16xf32>
        %reduce_sum3A_324 = vector.extract %reduce_sum3A_323[15] : f32 from vector<16xf32>
        %mul3A_325 = arith.constant 5.000000e-01 : f32
        %mul3A_326 = arith.mulf %reduce_sum3A_324, %mul3A_325 : f32
        %eq3A_327 = arith.constant 8 : i32
        %eq3A_328 = vector.broadcast %eq3A_327 : i32 to vector<16xi32>
        %eq3A_329 = arith.cmpi eq, %iota3A, %eq3A_328 : vector<16xi32>
        %broadcast_in_dim3A_330 = vector.broadcast %mul3A_326 : f32 to vector<16xf32>
        %select_n3A_331 = arith.select %eq3A_329, %broadcast_in_dim3A_330, %select_n3A_315 : vector<16xi1>, vector<16xf32>
        %add3A_332 = arith.constant 9 : i32
        %add3A_333 = arith.addi %mul3A_190, %add3A_332 : i32
        %get3A_334 = arith.index_cast %add3A_333 : i32 to index
        %get3A_335 = arith.constant 0 : index
        %get3A_336 = tpu.vector_load %arg16[%get3A_334, %get3A_335] {strides = array<i32>} : memref<128x16xf32, #tpu.memory_space<vmem>>, vector<16xf32>,
        %reduce_sum3A_337 = arith.constant true
        %reduce_sum3A_338 = vector.broadcast %reduce_sum3A_337 : i1 to vector<16xi1>
        %reduce_sum3A_339 = tpu.scan <sum>, %get3A_336 masked %reduce_sum3A_338 : vector<16xf32>, vector<16xi1> -> vector<16xf32>
        %reduce_sum3A_340 = vector.extract %reduce_sum3A_339[15] : f32 from vector<16xf32>
        %mul3A_341 = arith.constant 5.000000e-01 : f32
        %mul3A_342 = arith.mulf %reduce_sum3A_340, %mul3A_341 : f32
        %eq3A_343 = arith.constant 9 : i32
        %eq3A_344 = vector.broadcast %eq3A_343 : i32 to vector<16xi32>
        %eq3A_345 = arith.cmpi eq, %iota3A, %eq3A_344 : vector<16xi32>
        %broadcast_in_dim3A_346 = vector.broadcast %mul3A_342 : f32 to vector<16xf32>
        %select_n3A_347 = arith.select %eq3A_345, %broadcast_in_dim3A_346, %select_n3A_331 : vector<16xi1>, vector<16xf32>
        %add3A_348 = arith.constant 10 : i32
        %add3A_349 = arith.addi %mul3A_190, %add3A_348 : i32
        %get3A_350 = arith.index_cast %add3A_349 : i32 to index
        %get3A_351 = arith.constant 0 : index
        %get3A_352 = tpu.vector_load %arg16[%get3A_350, %get3A_351] {strides = array<i32>} : memref<128x16xf32, #tpu.memory_space<vmem>>, vector<16xf32>,
        %reduce_sum3A_353 = arith.constant true
        %reduce_sum3A_354 = vector.broadcast %reduce_sum3A_353 : i1 to vector<16xi1>
        %reduce_sum3A_355 = tpu.scan <sum>, %get3A_352 masked %reduce_sum3A_354 : vector<16xf32>, vector<16xi1> -> vector<16xf32>
        %reduce_sum3A_356 = vector.extract %reduce_sum3A_355[15] : f32 from vector<16xf32>
        %mul3A_357 = arith.constant 5.000000e-01 : f32
        %mul3A_358 = arith.mulf %reduce_sum3A_356, %mul3A_357 : f32
        %eq3A_359 = arith.constant 10 : i32
        %eq3A_360 = vector.broadcast %eq3A_359 : i32 to vector<16xi32>
        %eq3A_361 = arith.cmpi eq, %iota3A, %eq3A_360 : vector<16xi32>
        %broadcast_in_dim3A_362 = vector.broadcast %mul3A_358 : f32 to vector<16xf32>
        %select_n3A_363 = arith.select %eq3A_361, %broadcast_in_dim3A_362, %select_n3A_347 : vector<16xi1>, vector<16xf32>
        %add3A_364 = arith.constant 11 : i32
        %add3A_365 = arith.addi %mul3A_190, %add3A_364 : i32
        %get3A_366 = arith.index_cast %add3A_365 : i32 to index
        %get3A_367 = arith.constant 0 : index
        %get3A_368 = tpu.vector_load %arg16[%get3A_366, %get3A_367] {strides = array<i32>} : memref<128x16xf32, #tpu.memory_space<vmem>>, vector<16xf32>,
        %reduce_sum3A_369 = arith.constant true
        %reduce_sum3A_370 = vector.broadcast %reduce_sum3A_369 : i1 to vector<16xi1>
        %reduce_sum3A_371 = tpu.scan <sum>, %get3A_368 masked %reduce_sum3A_370 : vector<16xf32>, vector<16xi1> -> vector<16xf32>
        %reduce_sum3A_372 = vector.extract %reduce_sum3A_371[15] : f32 from vector<16xf32>
        %mul3A_373 = arith.constant 5.000000e-01 : f32
        %mul3A_374 = arith.mulf %reduce_sum3A_372, %mul3A_373 : f32
        %eq3A_375 = arith.constant 11 : i32
        %eq3A_376 = vector.broadcast %eq3A_375 : i32 to vector<16xi32>
        %eq3A_377 = arith.cmpi eq, %iota3A, %eq3A_376 : vector<16xi32>
        %broadcast_in_dim3A_378 = vector.broadcast %mul3A_374 : f32 to vector<16xf32>
        %select_n3A_379 = arith.select %eq3A_377, %broadcast_in_dim3A_378, %select_n3A_363 : vector<16xi1>, vector<16xf32>
        %add3A_380 = arith.constant 12 : i32
        %add3A_381 = arith.addi %mul3A_190, %add3A_380 : i32
        %get3A_382 = arith.index_cast %add3A_381 : i32 to index
        %get3A_383 = arith.constant 0 : index
        %get3A_384 = tpu.vector_load %arg16[%get3A_382, %get3A_383] {strides = array<i32>} : memref<128x16xf32, #tpu.memory_space<vmem>>, vector<16xf32>,
        %reduce_sum3A_385 = arith.constant true
        %reduce_sum3A_386 = vector.broadcast %reduce_sum3A_385 : i1 to vector<16xi1>
        %reduce_sum3A_387 = tpu.scan <sum>, %get3A_384 masked %reduce_sum3A_386 : vector<16xf32>, vector<16xi1> -> vector<16xf32>
        %reduce_sum3A_388 = vector.extract %reduce_sum3A_387[15] : f32 from vector<16xf32>
        %mul3A_389 = arith.constant 5.000000e-01 : f32
        %mul3A_390 = arith.mulf %reduce_sum3A_388, %mul3A_389 : f32
        %eq3A_391 = arith.constant 12 : i32
        %eq3A_392 = vector.broadcast %eq3A_391 : i32 to vector<16xi32>
        %eq3A_393 = arith.cmpi eq, %iota3A, %eq3A_392 : vector<16xi32>
        %broadcast_in_dim3A_394 = vector.broadcast %mul3A_390 : f32 to vector<16xf32>
        %select_n3A_395 = arith.select %eq3A_393, %broadcast_in_dim3A_394, %select_n3A_379 : vector<16xi1>, vector<16xf32>
        %add3A_396 = arith.constant 13 : i32
        %add3A_397 = arith.addi %mul3A_190, %add3A_396 : i32
        %get3A_398 = arith.index_cast %add3A_397 : i32 to index
        %get3A_399 = arith.constant 0 : index
        %get3A_400 = tpu.vector_load %arg16[%get3A_398, %get3A_399] {strides = array<i32>} : memref<128x16xf32, #tpu.memory_space<vmem>>, vector<16xf32>,
        %reduce_sum3A_401 = arith.constant true
        %reduce_sum3A_402 = vector.broadcast %reduce_sum3A_401 : i1 to vector<16xi1>
        %reduce_sum3A_403 = tpu.scan <sum>, %get3A_400 masked %reduce_sum3A_402 : vector<16xf32>, vector<16xi1> -> vector<16xf32>
        %reduce_sum3A_404 = vector.extract %reduce_sum3A_403[15] : f32 from vector<16xf32>
        %mul3A_405 = arith.constant 5.000000e-01 : f32
        %mul3A_406 = arith.mulf %reduce_sum3A_404, %mul3A_405 : f32
        %eq3A_407 = arith.constant 13 : i32
        %eq3A_408 = vector.broadcast %eq3A_407 : i32 to vector<16xi32>
        %eq3A_409 = arith.cmpi eq, %iota3A, %eq3A_408 : vector<16xi32>
        %broadcast_in_dim3A_410 = vector.broadcast %mul3A_406 : f32 to vector<16xf32>
        %select_n3A_411 = arith.select %eq3A_409, %broadcast_in_dim3A_410, %select_n3A_395 : vector<16xi1>, vector<16xf32>
        %add3A_412 = arith.constant 14 : i32
        %add3A_413 = arith.addi %mul3A_190, %add3A_412 : i32
        %get3A_414 = arith.index_cast %add3A_413 : i32 to index
        %get3A_415 = arith.constant 0 : index
        %get3A_416 = tpu.vector_load %arg16[%get3A_414, %get3A_415] {strides = array<i32>} : memref<128x16xf32, #tpu.memory_space<vmem>>, vector<16xf32>,
        %reduce_sum3A_417 = arith.constant true
        %reduce_sum3A_418 = vector.broadcast %reduce_sum3A_417 : i1 to vector<16xi1>
        %reduce_sum3A_419 = tpu.scan <sum>, %get3A_416 masked %reduce_sum3A_418 : vector<16xf32>, vector<16xi1> -> vector<16xf32>
        %reduce_sum3A_420 = vector.extract %reduce_sum3A_419[15] : f32 from vector<16xf32>
        %mul3A_421 = arith.constant 5.000000e-01 : f32
        %mul3A_422 = arith.mulf %reduce_sum3A_420, %mul3A_421 : f32
        %eq3A_423 = arith.constant 14 : i32
        %eq3A_424 = vector.broadcast %eq3A_423 : i32 to vector<16xi32>
        %eq3A_425 = arith.cmpi eq, %iota3A, %eq3A_424 : vector<16xi32>
        %broadcast_in_dim3A_426 = vector.broadcast %mul3A_422 : f32 to vector<16xf32>
        %select_n3A_427 = arith.select %eq3A_425, %broadcast_in_dim3A_426, %select_n3A_411 : vector<16xi1>, vector<16xf32>
        %add3A_428 = arith.constant 15 : i32
        %add3A_429 = arith.addi %mul3A_190, %add3A_428 : i32
        %get3A_430 = arith.index_cast %add3A_429 : i32 to index
        %get3A_431 = arith.constant 0 : index
        %get3A_432 = tpu.vector_load %arg16[%get3A_430, %get3A_431] {strides = array<i32>} : memref<128x16xf32, #tpu.memory_space<vmem>>, vector<16xf32>,
        %reduce_sum3A_433 = arith.constant true
        %reduce_sum3A_434 = vector.broadcast %reduce_sum3A_433 : i1 to vector<16xi1>
        %reduce_sum3A_435 = tpu.scan <sum>, %get3A_432 masked %reduce_sum3A_434 : vector<16xf32>, vector<16xi1> -> vector<16xf32>
        %reduce_sum3A_436 = vector.extract %reduce_sum3A_435[15] : f32 from vector<16xf32>
        %mul3A_437 = arith.constant 5.000000e-01 : f32
        %mul3A_438 = arith.mulf %reduce_sum3A_436, %mul3A_437 : f32
        %eq3A_439 = arith.constant 15 : i32
        %eq3A_440 = vector.broadcast %eq3A_439 : i32 to vector<16xi32>
        %eq3A_441 = arith.cmpi eq, %iota3A, %eq3A_440 : vector<16xi32>
        %broadcast_in_dim3A_442 = vector.broadcast %mul3A_438 : f32 to vector<16xf32>
        %select_n3A_443 = arith.select %eq3A_441, %broadcast_in_dim3A_442, %select_n3A_427 : vector<16xi1>, vector<16xf32>
        %swap3A = arith.index_cast %mul3A_190 : i32 to index
        %swap3A_444 = tpu.vector_load %arg17[%swap3A] {strides = array<i32>} : memref<128xf32, #tpu.memory_space<vmem>>, vector<16xf32>,
        tpu.vector_store %arg17[%swap3A], %select_n3A_443 {strides = array<i32>} : memref<128xf32, #tpu.memory_space<vmem>>, vector<16xf32>,
      }
      %scan3A_187 = arith.constant 8 : i32
      "tpu.region"() ({
        %run_scoped3A = tpu.sem_alloc : memref<!tpu.dma_semaphore, #tpu.memory_space<semaphore_mem>>
        %dma_start3A_188 = tpu.memref_slice %arg7[%add3A_11] : memref<16384xf32, #tpu.memory_space<hbm>> -> memref<128xf32, #tpu.memory_space<hbm>>
        %dma_start3A_189 = tpu.memref_slice %arg7[%add3A_11] : memref<16384xf32, #tpu.memory_space<hbm>> -> memref<128xf32, #tpu.memory_space<hbm>>
        tpu.enqueue_dma source(%arg17 : memref<128xf32, #tpu.memory_space<vmem>>) target(%dma_start3A_189 : memref<128xf32, #tpu.memory_space<hbm>>) target_semaphore(%run_scoped3A : memref<!tpu.dma_semaphore, #tpu.memory_space<semaphore_mem>>)
        %dma_wait3A_190 = tpu.memref_slice %arg7[%add3A_11] : memref<16384xf32, #tpu.memory_space<hbm>> -> memref<128xf32, #tpu.memory_space<hbm>>
        %dma_wait3A_191 = tpu.memref_slice %arg7[%add3A_11] : memref<16384xf32, #tpu.memory_space<hbm>> -> memref<128xf32, #tpu.memory_space<hbm>>
        tpu.wait_dma2 semaphore(%run_scoped3A : memref<!tpu.dma_semaphore, #tpu.memory_space<semaphore_mem>>) src(%arg17 : memref<128xf32, #tpu.memory_space<vmem>>) dst(%dma_wait3A_191 : memref<128xf32, #tpu.memory_space<hbm>>)
        tpu.yield
      }) : () -> ()
    }
    %scan3A_5 = arith.constant 4 : i32
    return
  }
}

#map = affine_map<(d0, d1) -> (0)>
#map1 = affine_map<(d0, d1) -> (0, 0)>
module attributes {stable_mosaic.version = 14 : i64} {
  func.func @_stage1_body(%arg0: i32, %arg1: i32, %arg2: memref<32768xi32, #tpu.memory_space<hbm>>, %arg3: memref<800xi32, #tpu.memory_space<hbm>>, %arg4: memref<96x100000xf32, #tpu.memory_space<hbm>>, %arg5: memref<96x100000xf32, #tpu.memory_space<hbm>>, %arg6: memref<96x100000xf32, #tpu.memory_space<hbm>>, %arg7: memref<96x100000xf32, #tpu.memory_space<hbm>>, %arg8: memref<96x100000xf32, #tpu.memory_space<hbm>>, %arg9: memref<96x100000xf32, #tpu.memory_space<hbm>>, %arg10: memref<96x100000xf32, #tpu.memory_space<hbm>>, %arg11: memref<96x100000xf32, #tpu.memory_space<hbm>>, %arg12: memref<32768x1024xf32, #tpu.memory_space<hbm>>, %arg13: memref<1040xi32, #tpu.memory_space<vmem>>, %arg14: memref<800xi32, #tpu.memory_space<vmem>>, %arg15: memref<96x128xf32, #tpu.memory_space<vmem>>, %arg16: memref<96x128xf32, #tpu.memory_space<vmem>>, %arg17: memref<96x128xf32, #tpu.memory_space<vmem>>, %arg18: memref<96x128xf32, #tpu.memory_space<vmem>>, %arg19: memref<96x128xf32, #tpu.memory_space<vmem>>, %arg20: memref<96x128xf32, #tpu.memory_space<vmem>>, %arg21: memref<96x128xf32, #tpu.memory_space<vmem>>, %arg22: memref<96x128xf32, #tpu.memory_space<vmem>>, %arg23: memref<16x1024xf32, #tpu.memory_space<vmem>>, %arg24: memref<!tpu.dma_semaphore, #tpu.memory_space<semaphore_mem>>) attributes {dimension_semantics = [#tpu.dimension_semantics<core_parallel>, #tpu.dimension_semantics<subcore_parallel>], iteration_bounds = array<i64: 2, 16>, scalar_prefetch = 0 : i64, scratch_operands = 12 : i64, tpu.core_type = #tpu.core_type<sc_vector_subcore>, window_params = [{transform_indices = #map}, {transform_indices = #map}, {transform_indices = #map1}, {transform_indices = #map1}, {transform_indices = #map1}, {transform_indices = #map1}, {transform_indices = #map1}, {transform_indices = #map1}, {transform_indices = #map1}, {transform_indices = #map1}, {transform_indices = #map1}]} {
    %mul3A = arith.constant 2 : i32
    %mul3A_0 = arith.muli %arg1, %mul3A : i32
    %add3A = arith.addi %mul3A_0, %arg0 : i32
    %mul3A_1 = arith.constant 1024 : i32
    %mul3A_2 = arith.muli %add3A, %mul3A_1 : i32
    "tpu.region"() ({
      %run_scoped3A = tpu.sem_alloc : memref<!tpu.dma_semaphore, #tpu.memory_space<semaphore_mem>>
      %dma_start3A = arith.constant 0 : i32
      %dma_start3A_61 = tpu.memref_slice %arg13[%dma_start3A] : memref<1040xi32, #tpu.memory_space<vmem>> -> memref<1024xi32, #tpu.memory_space<vmem>>
      %dma_start3A_62 = tpu.memref_slice %arg2[%mul3A_2] : memref<32768xi32, #tpu.memory_space<hbm>> -> memref<1024xi32, #tpu.memory_space<hbm>>
      %dma_start3A_63 = arith.constant 0 : i32
      %dma_start3A_64 = tpu.memref_slice %arg13[%dma_start3A_63] : memref<1040xi32, #tpu.memory_space<vmem>> -> memref<1024xi32, #tpu.memory_space<vmem>>
      %dma_start3A_65 = tpu.memref_slice %arg2[%mul3A_2] : memref<32768xi32, #tpu.memory_space<hbm>> -> memref<1024xi32, #tpu.memory_space<hbm>>
      tpu.enqueue_dma source(%dma_start3A_65 : memref<1024xi32, #tpu.memory_space<hbm>>) target(%dma_start3A_64 : memref<1024xi32, #tpu.memory_space<vmem>>) target_semaphore(%run_scoped3A : memref<!tpu.dma_semaphore, #tpu.memory_space<semaphore_mem>>)
      %dma_wait3A = arith.constant 0 : i32
      %dma_wait3A_66 = tpu.memref_slice %arg13[%dma_wait3A] : memref<1040xi32, #tpu.memory_space<vmem>> -> memref<1024xi32, #tpu.memory_space<vmem>>
      %dma_wait3A_67 = tpu.memref_slice %arg2[%mul3A_2] : memref<32768xi32, #tpu.memory_space<hbm>> -> memref<1024xi32, #tpu.memory_space<hbm>>
      %dma_wait3A_68 = arith.constant 0 : i32
      %dma_wait3A_69 = tpu.memref_slice %arg13[%dma_wait3A_68] : memref<1040xi32, #tpu.memory_space<vmem>> -> memref<1024xi32, #tpu.memory_space<vmem>>
      %dma_wait3A_70 = tpu.memref_slice %arg2[%mul3A_2] : memref<32768xi32, #tpu.memory_space<hbm>> -> memref<1024xi32, #tpu.memory_space<hbm>>
      tpu.wait_dma2 semaphore(%run_scoped3A : memref<!tpu.dma_semaphore, #tpu.memory_space<semaphore_mem>>) src(%dma_wait3A_70 : memref<1024xi32, #tpu.memory_space<hbm>>) dst(%dma_wait3A_69 : memref<1024xi32, #tpu.memory_space<vmem>>)
      tpu.yield
    }) : () -> ()
    "tpu.region"() ({
      %run_scoped3A = tpu.sem_alloc : memref<!tpu.dma_semaphore, #tpu.memory_space<semaphore_mem>>
      tpu.enqueue_dma source(%arg3 : memref<800xi32, #tpu.memory_space<hbm>>) target(%arg14 : memref<800xi32, #tpu.memory_space<vmem>>) target_semaphore(%run_scoped3A : memref<!tpu.dma_semaphore, #tpu.memory_space<semaphore_mem>>)
      tpu.wait_dma2 semaphore(%run_scoped3A : memref<!tpu.dma_semaphore, #tpu.memory_space<semaphore_mem>>) src(%arg3 : memref<800xi32, #tpu.memory_space<hbm>>) dst(%arg14 : memref<800xi32, #tpu.memory_space<vmem>>)
      tpu.yield
    }) : () -> ()
    %get3A = arith.constant 0 : index
    %get3A_3 = tpu.vector_load %arg13[%get3A] {strides = array<i32>} : memref<1040xi32, #tpu.memory_space<vmem>>, vector<16xi32>,
    %slice3A = vector.extract_strided_slice %get3A_3 {offsets = [0], sizes = [1], strides = [1]} : vector<16xi32> to vector<1xi32>
    %squeeze3A = vector.extract %slice3A[0] : i32 from vector<1xi32>
    %shift_right_logical3A = arith.constant 15 : i32
    %shift_right_logical3A_4 = arith.shrui %squeeze3A, %shift_right_logical3A : i32
    %jit3A = arith.constant 128 : i32
    %div3A = arith.divsi %shift_right_logical3A_4, %jit3A : i32
    %sign3A = arith.constant 0 : i32
    %sign3A_5 = arith.cmpi sgt, %shift_right_logical3A_4, %sign3A : i32
    %sign3A_6 = arith.extui %sign3A_5 : i1 to i32
    %sign3A_7 = arith.constant 0 : i32
    %sign3A_8 = arith.cmpi slt, %shift_right_logical3A_4, %sign3A_7 : i32
    %sign3A_9 = arith.extui %sign3A_8 : i1 to i32
    %sign3A_10 = arith.subi %sign3A_6, %sign3A_9 : i32
    %sign3A_11 = arith.constant 0 : i32
    %sign3A_12 = arith.cmpi sgt, %jit3A, %sign3A_11 : i32
    %sign3A_13 = arith.extui %sign3A_12 : i1 to i32
    %sign3A_14 = arith.constant 0 : i32
    %sign3A_15 = arith.cmpi slt, %jit3A, %sign3A_14 : i32
    %sign3A_16 = arith.extui %sign3A_15 : i1 to i32
    %sign3A_17 = arith.subi %sign3A_13, %sign3A_16 : i32
    %ne3A = arith.cmpi ne, %sign3A_10, %sign3A_17 : i32
    %rem3A = arith.remsi %shift_right_logical3A_4, %jit3A : i32
    %ne3A_18 = arith.constant 0 : i32
    %ne3A_19 = arith.cmpi ne, %rem3A, %ne3A_18 : i32
    %and3A = arith.andi %ne3A, %ne3A_19 : i1
    %sub3A = arith.constant 1 : i32
    %sub3A_20 = arith.subi %div3A, %sub3A : i32
    %select_n3A = arith.select %and3A, %sub3A_20, %div3A : i32
    %get3A_21 = arith.constant 1008 : index
    %get3A_22 = tpu.vector_load %arg13[%get3A_21] {strides = array<i32>} : memref<1040xi32, #tpu.memory_space<vmem>>, vector<16xi32>,
    %slice3A_23 = vector.extract_strided_slice %get3A_22 {offsets = [15], sizes = [1], strides = [1]} : vector<16xi32> to vector<1xi32>
    %squeeze3A_24 = vector.extract %slice3A_23[0] : i32 from vector<1xi32>
    %shift_right_logical3A_25 = arith.constant 15 : i32
    %shift_right_logical3A_26 = arith.shrui %squeeze3A_24, %shift_right_logical3A_25 : i32
    %jit3A_27 = arith.constant 128 : i32
    %div3A_28 = arith.divsi %shift_right_logical3A_26, %jit3A_27 : i32
    %sign3A_29 = arith.constant 0 : i32
    %sign3A_30 = arith.cmpi sgt, %shift_right_logical3A_26, %sign3A_29 : i32
    %sign3A_31 = arith.extui %sign3A_30 : i1 to i32
    %sign3A_32 = arith.constant 0 : i32
    %sign3A_33 = arith.cmpi slt, %shift_right_logical3A_26, %sign3A_32 : i32
    %sign3A_34 = arith.extui %sign3A_33 : i1 to i32
    %sign3A_35 = arith.subi %sign3A_31, %sign3A_34 : i32
    %sign3A_36 = arith.constant 0 : i32
    %sign3A_37 = arith.cmpi sgt, %jit3A_27, %sign3A_36 : i32
    %sign3A_38 = arith.extui %sign3A_37 : i1 to i32
    %sign3A_39 = arith.constant 0 : i32
    %sign3A_40 = arith.cmpi slt, %jit3A_27, %sign3A_39 : i32
    %sign3A_41 = arith.extui %sign3A_40 : i1 to i32
    %sign3A_42 = arith.subi %sign3A_38, %sign3A_41 : i32
    %ne3A_43 = arith.cmpi ne, %sign3A_35, %sign3A_42 : i32
    %rem3A_44 = arith.remsi %shift_right_logical3A_26, %jit3A_27 : i32
    %ne3A_45 = arith.constant 0 : i32
    %ne3A_46 = arith.cmpi ne, %rem3A_44, %ne3A_45 : i32
    %and3A_47 = arith.andi %ne3A_43, %ne3A_46 : i1
    %sub3A_48 = arith.constant 1 : i32
    %sub3A_49 = arith.subi %div3A_28, %sub3A_48 : i32
    %select_n3A_50 = arith.select %and3A_47, %sub3A_49, %div3A_28 : i32
    %iota3A = tpu.iota {dimensions = array<i32: 0>} : vector<16xi32>
    %add3A_51 = arith.constant 1 : i32
    %add3A_52 = arith.addi %select_n3A_50, %add3A_51 : i32
    %while3A = arith.constant 0 : i32
    %while3A_53 = arith.subi %add3A_52, %select_n3A : i32
    %while3A_54 = arith.addi %select_n3A, %while3A_53 : i32
    %while3A_55 = arith.constant 1 : i32
    %while3A_56 = arith.divsi %while3A_53, %while3A_55 : i32
    %while3A_57 = arith.muli %while3A_56, %while3A_55 : i32
    %while3A_58 = arith.addi %select_n3A, %while3A_57 : i32
    %while3A_59 = arith.constant 1 : i32
    scf.for %while3A_61 = %select_n3A to %while3A_58 step %while3A_59  : i32 {
      %get3A_62 = arith.index_cast %while3A_61 : i32 to index
      %get3A_63 = tpu.vector_load %arg14[%get3A_62] {strides = array<i32>} : memref<800xi32, #tpu.memory_space<vmem>>, vector<16xi32>,
      %slice3A_64 = vector.extract_strided_slice %get3A_63 {offsets = [0], sizes = [1], strides = [1]} : vector<16xi32> to vector<1xi32>
      %squeeze3A_65 = vector.extract %slice3A_64[0] : i32 from vector<1xi32>
      %max3A = arith.maxsi %squeeze3A_65, %mul3A_2 : i32
      %slice3A_66 = vector.extract_strided_slice %get3A_63 {offsets = [1], sizes = [1], strides = [1]} : vector<16xi32> to vector<1xi32>
      %squeeze3A_67 = vector.extract %slice3A_66[0] : i32 from vector<1xi32>
      %add3A_68 = arith.constant 1024 : i32
      %add3A_69 = arith.addi %mul3A_2, %add3A_68 : i32
      %min3A = arith.minsi %squeeze3A_67, %add3A_69 : i32
      %gt3A = arith.cmpi sgt, %min3A, %max3A : i32
      %convert_element_type3A = arith.extui %gt3A : i1 to i32
      %cond3A = arith.constant 0 : i32
      %cond3A_70 = arith.cmpi ne, %convert_element_type3A, %cond3A : i32
      scf.if %cond3A_70 {
        %mul3A_71 = arith.constant 128 : i32
        %mul3A_72 = arith.muli %while3A_61, %mul3A_71 : i32
        %multiple_of3A = tpu.assume_multiple %mul3A_72, 128 : i32
        %dma_start3A = arith.constant 0 : i32
        %dma_start3A_73 = tpu.memref_slice %arg4[%dma_start3A, %multiple_of3A] : memref<96x100000xf32, #tpu.memory_space<hbm>> -> memref<96x128xf32, #tpu.memory_space<hbm>>
        %dma_start3A_74 = arith.constant 0 : i32
        %dma_start3A_75 = tpu.memref_slice %arg4[%dma_start3A_74, %multiple_of3A] : memref<96x100000xf32, #tpu.memory_space<hbm>> -> memref<96x128xf32, #tpu.memory_space<hbm>>
        tpu.enqueue_dma source(%dma_start3A_75 : memref<96x128xf32, #tpu.memory_space<hbm>>) target(%arg15 : memref<96x128xf32, #tpu.memory_space<vmem>>) target_semaphore(%arg24 : memref<!tpu.dma_semaphore, #tpu.memory_space<semaphore_mem>>)
        %dma_start3A_76 = arith.constant 0 : i32
        %dma_start3A_77 = tpu.memref_slice %arg5[%dma_start3A_76, %multiple_of3A] : memref<96x100000xf32, #tpu.memory_space<hbm>> -> memref<96x128xf32, #tpu.memory_space<hbm>>
        %dma_start3A_78 = arith.constant 0 : i32
        %dma_start3A_79 = tpu.memref_slice %arg5[%dma_start3A_78, %multiple_of3A] : memref<96x100000xf32, #tpu.memory_space<hbm>> -> memref<96x128xf32, #tpu.memory_space<hbm>>
        tpu.enqueue_dma source(%dma_start3A_79 : memref<96x128xf32, #tpu.memory_space<hbm>>) target(%arg16 : memref<96x128xf32, #tpu.memory_space<vmem>>) target_semaphore(%arg24 : memref<!tpu.dma_semaphore, #tpu.memory_space<semaphore_mem>>)
        %dma_start3A_80 = arith.constant 0 : i32
        %dma_start3A_81 = tpu.memref_slice %arg6[%dma_start3A_80, %multiple_of3A] : memref<96x100000xf32, #tpu.memory_space<hbm>> -> memref<96x128xf32, #tpu.memory_space<hbm>>
        %dma_start3A_82 = arith.constant 0 : i32
        %dma_start3A_83 = tpu.memref_slice %arg6[%dma_start3A_82, %multiple_of3A] : memref<96x100000xf32, #tpu.memory_space<hbm>> -> memref<96x128xf32, #tpu.memory_space<hbm>>
        tpu.enqueue_dma source(%dma_start3A_83 : memref<96x128xf32, #tpu.memory_space<hbm>>) target(%arg17 : memref<96x128xf32, #tpu.memory_space<vmem>>) target_semaphore(%arg24 : memref<!tpu.dma_semaphore, #tpu.memory_space<semaphore_mem>>)
        %dma_start3A_84 = arith.constant 0 : i32
        %dma_start3A_85 = tpu.memref_slice %arg7[%dma_start3A_84, %multiple_of3A] : memref<96x100000xf32, #tpu.memory_space<hbm>> -> memref<96x128xf32, #tpu.memory_space<hbm>>
        %dma_start3A_86 = arith.constant 0 : i32
        %dma_start3A_87 = tpu.memref_slice %arg7[%dma_start3A_86, %multiple_of3A] : memref<96x100000xf32, #tpu.memory_space<hbm>> -> memref<96x128xf32, #tpu.memory_space<hbm>>
        tpu.enqueue_dma source(%dma_start3A_87 : memref<96x128xf32, #tpu.memory_space<hbm>>) target(%arg18 : memref<96x128xf32, #tpu.memory_space<vmem>>) target_semaphore(%arg24 : memref<!tpu.dma_semaphore, #tpu.memory_space<semaphore_mem>>)
        %dma_start3A_88 = arith.constant 0 : i32
        %dma_start3A_89 = tpu.memref_slice %arg8[%dma_start3A_88, %multiple_of3A] : memref<96x100000xf32, #tpu.memory_space<hbm>> -> memref<96x128xf32, #tpu.memory_space<hbm>>
        %dma_start3A_90 = arith.constant 0 : i32
        %dma_start3A_91 = tpu.memref_slice %arg8[%dma_start3A_90, %multiple_of3A] : memref<96x100000xf32, #tpu.memory_space<hbm>> -> memref<96x128xf32, #tpu.memory_space<hbm>>
        tpu.enqueue_dma source(%dma_start3A_91 : memref<96x128xf32, #tpu.memory_space<hbm>>) target(%arg19 : memref<96x128xf32, #tpu.memory_space<vmem>>) target_semaphore(%arg24 : memref<!tpu.dma_semaphore, #tpu.memory_space<semaphore_mem>>)
        %dma_start3A_92 = arith.constant 0 : i32
        %dma_start3A_93 = tpu.memref_slice %arg9[%dma_start3A_92, %multiple_of3A] : memref<96x100000xf32, #tpu.memory_space<hbm>> -> memref<96x128xf32, #tpu.memory_space<hbm>>
        %dma_start3A_94 = arith.constant 0 : i32
        %dma_start3A_95 = tpu.memref_slice %arg9[%dma_start3A_94, %multiple_of3A] : memref<96x100000xf32, #tpu.memory_space<hbm>> -> memref<96x128xf32, #tpu.memory_space<hbm>>
        tpu.enqueue_dma source(%dma_start3A_95 : memref<96x128xf32, #tpu.memory_space<hbm>>) target(%arg20 : memref<96x128xf32, #tpu.memory_space<vmem>>) target_semaphore(%arg24 : memref<!tpu.dma_semaphore, #tpu.memory_space<semaphore_mem>>)
        %dma_start3A_96 = arith.constant 0 : i32
        %dma_start3A_97 = tpu.memref_slice %arg10[%dma_start3A_96, %multiple_of3A] : memref<96x100000xf32, #tpu.memory_space<hbm>> -> memref<96x128xf32, #tpu.memory_space<hbm>>
        %dma_start3A_98 = arith.constant 0 : i32
        %dma_start3A_99 = tpu.memref_slice %arg10[%dma_start3A_98, %multiple_of3A] : memref<96x100000xf32, #tpu.memory_space<hbm>> -> memref<96x128xf32, #tpu.memory_space<hbm>>
        tpu.enqueue_dma source(%dma_start3A_99 : memref<96x128xf32, #tpu.memory_space<hbm>>) target(%arg21 : memref<96x128xf32, #tpu.memory_space<vmem>>) target_semaphore(%arg24 : memref<!tpu.dma_semaphore, #tpu.memory_space<semaphore_mem>>)
        %dma_start3A_100 = arith.constant 0 : i32
        %dma_start3A_101 = tpu.memref_slice %arg11[%dma_start3A_100, %multiple_of3A] : memref<96x100000xf32, #tpu.memory_space<hbm>> -> memref<96x128xf32, #tpu.memory_space<hbm>>
        %dma_start3A_102 = arith.constant 0 : i32
        %dma_start3A_103 = tpu.memref_slice %arg11[%dma_start3A_102, %multiple_of3A] : memref<96x100000xf32, #tpu.memory_space<hbm>> -> memref<96x128xf32, #tpu.memory_space<hbm>>
        tpu.enqueue_dma source(%dma_start3A_103 : memref<96x128xf32, #tpu.memory_space<hbm>>) target(%arg22 : memref<96x128xf32, #tpu.memory_space<vmem>>) target_semaphore(%arg24 : memref<!tpu.dma_semaphore, #tpu.memory_space<semaphore_mem>>)
        %dma_wait3A = arith.constant 0 : i32
        %dma_wait3A_104 = tpu.memref_slice %arg4[%dma_wait3A, %multiple_of3A] : memref<96x100000xf32, #tpu.memory_space<hbm>> -> memref<96x128xf32, #tpu.memory_space<hbm>>
        %dma_wait3A_105 = arith.constant 0 : i32
        %dma_wait3A_106 = tpu.memref_slice %arg4[%dma_wait3A_105, %multiple_of3A] : memref<96x100000xf32, #tpu.memory_space<hbm>> -> memref<96x128xf32, #tpu.memory_space<hbm>>
        tpu.wait_dma2 semaphore(%arg24 : memref<!tpu.dma_semaphore, #tpu.memory_space<semaphore_mem>>) src(%dma_wait3A_106 : memref<96x128xf32, #tpu.memory_space<hbm>>) dst(%arg15 : memref<96x128xf32, #tpu.memory_space<vmem>>)
        %dma_wait3A_107 = arith.constant 0 : i32
        %dma_wait3A_108 = tpu.memref_slice %arg5[%dma_wait3A_107, %multiple_of3A] : memref<96x100000xf32, #tpu.memory_space<hbm>> -> memref<96x128xf32, #tpu.memory_space<hbm>>
        %dma_wait3A_109 = arith.constant 0 : i32
        %dma_wait3A_110 = tpu.memref_slice %arg5[%dma_wait3A_109, %multiple_of3A] : memref<96x100000xf32, #tpu.memory_space<hbm>> -> memref<96x128xf32, #tpu.memory_space<hbm>>
        tpu.wait_dma2 semaphore(%arg24 : memref<!tpu.dma_semaphore, #tpu.memory_space<semaphore_mem>>) src(%dma_wait3A_110 : memref<96x128xf32, #tpu.memory_space<hbm>>) dst(%arg16 : memref<96x128xf32, #tpu.memory_space<vmem>>)
        %dma_wait3A_111 = arith.constant 0 : i32
        %dma_wait3A_112 = tpu.memref_slice %arg6[%dma_wait3A_111, %multiple_of3A] : memref<96x100000xf32, #tpu.memory_space<hbm>> -> memref<96x128xf32, #tpu.memory_space<hbm>>
        %dma_wait3A_113 = arith.constant 0 : i32
        %dma_wait3A_114 = tpu.memref_slice %arg6[%dma_wait3A_113, %multiple_of3A] : memref<96x100000xf32, #tpu.memory_space<hbm>> -> memref<96x128xf32, #tpu.memory_space<hbm>>
        tpu.wait_dma2 semaphore(%arg24 : memref<!tpu.dma_semaphore, #tpu.memory_space<semaphore_mem>>) src(%dma_wait3A_114 : memref<96x128xf32, #tpu.memory_space<hbm>>) dst(%arg17 : memref<96x128xf32, #tpu.memory_space<vmem>>)
        %dma_wait3A_115 = arith.constant 0 : i32
        %dma_wait3A_116 = tpu.memref_slice %arg7[%dma_wait3A_115, %multiple_of3A] : memref<96x100000xf32, #tpu.memory_space<hbm>> -> memref<96x128xf32, #tpu.memory_space<hbm>>
        %dma_wait3A_117 = arith.constant 0 : i32
        %dma_wait3A_118 = tpu.memref_slice %arg7[%dma_wait3A_117, %multiple_of3A] : memref<96x100000xf32, #tpu.memory_space<hbm>> -> memref<96x128xf32, #tpu.memory_space<hbm>>
        tpu.wait_dma2 semaphore(%arg24 : memref<!tpu.dma_semaphore, #tpu.memory_space<semaphore_mem>>) src(%dma_wait3A_118 : memref<96x128xf32, #tpu.memory_space<hbm>>) dst(%arg18 : memref<96x128xf32, #tpu.memory_space<vmem>>)
        %dma_wait3A_119 = arith.constant 0 : i32
        %dma_wait3A_120 = tpu.memref_slice %arg8[%dma_wait3A_119, %multiple_of3A] : memref<96x100000xf32, #tpu.memory_space<hbm>> -> memref<96x128xf32, #tpu.memory_space<hbm>>
        %dma_wait3A_121 = arith.constant 0 : i32
        %dma_wait3A_122 = tpu.memref_slice %arg8[%dma_wait3A_121, %multiple_of3A] : memref<96x100000xf32, #tpu.memory_space<hbm>> -> memref<96x128xf32, #tpu.memory_space<hbm>>
        tpu.wait_dma2 semaphore(%arg24 : memref<!tpu.dma_semaphore, #tpu.memory_space<semaphore_mem>>) src(%dma_wait3A_122 : memref<96x128xf32, #tpu.memory_space<hbm>>) dst(%arg19 : memref<96x128xf32, #tpu.memory_space<vmem>>)
        %dma_wait3A_123 = arith.constant 0 : i32
        %dma_wait3A_124 = tpu.memref_slice %arg9[%dma_wait3A_123, %multiple_of3A] : memref<96x100000xf32, #tpu.memory_space<hbm>> -> memref<96x128xf32, #tpu.memory_space<hbm>>
        %dma_wait3A_125 = arith.constant 0 : i32
        %dma_wait3A_126 = tpu.memref_slice %arg9[%dma_wait3A_125, %multiple_of3A] : memref<96x100000xf32, #tpu.memory_space<hbm>> -> memref<96x128xf32, #tpu.memory_space<hbm>>
        tpu.wait_dma2 semaphore(%arg24 : memref<!tpu.dma_semaphore, #tpu.memory_space<semaphore_mem>>) src(%dma_wait3A_126 : memref<96x128xf32, #tpu.memory_space<hbm>>) dst(%arg20 : memref<96x128xf32, #tpu.memory_space<vmem>>)
        %dma_wait3A_127 = arith.constant 0 : i32
        %dma_wait3A_128 = tpu.memref_slice %arg10[%dma_wait3A_127, %multiple_of3A] : memref<96x100000xf32, #tpu.memory_space<hbm>> -> memref<96x128xf32, #tpu.memory_space<hbm>>
        %dma_wait3A_129 = arith.constant 0 : i32
        %dma_wait3A_130 = tpu.memref_slice %arg10[%dma_wait3A_129, %multiple_of3A] : memref<96x100000xf32, #tpu.memory_space<hbm>> -> memref<96x128xf32, #tpu.memory_space<hbm>>
        tpu.wait_dma2 semaphore(%arg24 : memref<!tpu.dma_semaphore, #tpu.memory_space<semaphore_mem>>) src(%dma_wait3A_130 : memref<96x128xf32, #tpu.memory_space<hbm>>) dst(%arg21 : memref<96x128xf32, #tpu.memory_space<vmem>>)
        %dma_wait3A_131 = arith.constant 0 : i32
        %dma_wait3A_132 = tpu.memref_slice %arg11[%dma_wait3A_131, %multiple_of3A] : memref<96x100000xf32, #tpu.memory_space<hbm>> -> memref<96x128xf32, #tpu.memory_space<hbm>>
        %dma_wait3A_133 = arith.constant 0 : i32
        %dma_wait3A_134 = tpu.memref_slice %arg11[%dma_wait3A_133, %multiple_of3A] : memref<96x100000xf32, #tpu.memory_space<hbm>> -> memref<96x128xf32, #tpu.memory_space<hbm>>
        tpu.wait_dma2 semaphore(%arg24 : memref<!tpu.dma_semaphore, #tpu.memory_space<semaphore_mem>>) src(%dma_wait3A_134 : memref<96x128xf32, #tpu.memory_space<hbm>>) dst(%arg22 : memref<96x128xf32, #tpu.memory_space<vmem>>)
        %sub3A_135 = arith.subi %min3A, %max3A : i32
        %add3A_136 = arith.constant 15 : i32
        %add3A_137 = arith.addi %sub3A_135, %add3A_136 : i32
        %jit3A_138 = arith.constant 16 : i32
        %div3A_139 = arith.divsi %add3A_137, %jit3A_138 : i32
        %sign3A_140 = arith.constant 0 : i32
        %sign3A_141 = arith.cmpi sgt, %add3A_137, %sign3A_140 : i32
        %sign3A_142 = arith.extui %sign3A_141 : i1 to i32
        %sign3A_143 = arith.constant 0 : i32
        %sign3A_144 = arith.cmpi slt, %add3A_137, %sign3A_143 : i32
        %sign3A_145 = arith.extui %sign3A_144 : i1 to i32
        %sign3A_146 = arith.subi %sign3A_142, %sign3A_145 : i32
        %sign3A_147 = arith.constant 0 : i32
        %sign3A_148 = arith.cmpi sgt, %jit3A_138, %sign3A_147 : i32
        %sign3A_149 = arith.extui %sign3A_148 : i1 to i32
        %sign3A_150 = arith.constant 0 : i32
        %sign3A_151 = arith.cmpi slt, %jit3A_138, %sign3A_150 : i32
        %sign3A_152 = arith.extui %sign3A_151 : i1 to i32
        %sign3A_153 = arith.subi %sign3A_149, %sign3A_152 : i32
        %ne3A_154 = arith.cmpi ne, %sign3A_146, %sign3A_153 : i32
        %rem3A_155 = arith.remsi %add3A_137, %jit3A_138 : i32
        %ne3A_156 = arith.constant 0 : i32
        %ne3A_157 = arith.cmpi ne, %rem3A_155, %ne3A_156 : i32
        %and3A_158 = arith.andi %ne3A_154, %ne3A_157 : i1
        %sub3A_159 = arith.constant 1 : i32
        %sub3A_160 = arith.subi %div3A_139, %sub3A_159 : i32
        %select_n3A_161 = arith.select %and3A_158, %sub3A_160, %div3A_139 : i32
        %while3A_162 = arith.constant 0 : i32
        %while3A_163 = arith.constant 0 : i32
        %while3A_164 = arith.subi %select_n3A_161, %while3A_163 : i32
        %while3A_165 = arith.addi %while3A_163, %while3A_164 : i32
        %while3A_166 = arith.constant 1 : i32
        %while3A_167 = arith.divsi %while3A_164, %while3A_166 : i32
        %while3A_168 = arith.muli %while3A_167, %while3A_166 : i32
        %while3A_169 = arith.addi %while3A_163, %while3A_168 : i32
        %while3A_170 = arith.constant 1 : i32
        scf.for %while3A_172 = %while3A_163 to %while3A_169 step %while3A_170  : i32 {
          %mul3A_173 = arith.constant 16 : i32
          %mul3A_174 = arith.muli %while3A_172, %mul3A_173 : i32
          %add3A_175 = arith.addi %max3A, %mul3A_174 : i32
          %sub3A_176 = arith.subi %min3A, %add3A_175 : i32
          %min3A_177 = arith.constant 16 : i32
          %min3A_178 = arith.minsi %sub3A_176, %min3A_177 : i32
          %broadcast_in_dim3A = arith.constant 0 : i32
          %broadcast_in_dim3A_179 = vector.broadcast %broadcast_in_dim3A : i32 to vector<16xi32>
          %scan3A = arith.constant 0 : i32
          %scan3A_180 = arith.constant 16 : i32
          %scan3A_181 = arith.addi %scan3A, %scan3A_180 : i32
          %scan3A_182 = arith.constant 1 : i32
          %scan3A_183 = scf.for %scan3A_191 = %scan3A to %scan3A_181 step %scan3A_182 iter_args(%scan3A_192 = %broadcast_in_dim3A_179) -> (vector<16xi32>)  : i32 {
            %sub3A_193 = arith.constant 1 : i32
            %sub3A_194 = arith.subi %min3A_178, %sub3A_193 : i32
            %min3A_195 = arith.minsi %scan3A_191, %sub3A_194 : i32
            %add3A_196 = arith.addi %add3A_175, %min3A_195 : i32
            %sub3A_197 = arith.subi %add3A_196, %mul3A_2 : i32
            %get3A_198 = arith.index_cast %sub3A_197 : i32 to index
            %get3A_199 = tpu.vector_load %arg13[%get3A_198] {strides = array<i32>} : memref<1040xi32, #tpu.memory_space<vmem>>, vector<16xi32>,
            %slice3A_200 = vector.extract_strided_slice %get3A_199 {offsets = [0], sizes = [1], strides = [1]} : vector<16xi32> to vector<1xi32>
            %squeeze3A_201 = vector.extract %slice3A_200[0] : i32 from vector<1xi32>
            %shift_right_logical3A_202 = arith.constant 15 : i32
            %shift_right_logical3A_203 = arith.shrui %squeeze3A_201, %shift_right_logical3A_202 : i32
            %and3A_204 = arith.constant 32767 : i32
            %and3A_205 = arith.andi %squeeze3A_201, %and3A_204 : i32
            %sub3A_206 = arith.subi %shift_right_logical3A_203, %multiple_of3A : i32
            %broadcast_in_dim3A_207 = vector.broadcast %sub3A_206 : i32 to vector<16xi32>
            %add3A_208 = arith.constant 0 : i32
            %add3A_209 = vector.broadcast %add3A_208 : i32 to vector<16xi32>
            %add3A_210 = arith.addi %iota3A, %add3A_209 : vector<16xi32>
            %gather3A = tpu.vector_load_idx %arg15[%add3A_210, %broadcast_in_dim3A_207] : memref<96x128xf32, #tpu.memory_space<vmem>>[vector<16xi32>, vector<16xi32>], vector<16xf32>,
            %add3A_211 = arith.constant 16 : i32
            %add3A_212 = vector.broadcast %add3A_211 : i32 to vector<16xi32>
            %add3A_213 = arith.addi %iota3A, %add3A_212 : vector<16xi32>
            %gather3A_214 = tpu.vector_load_idx %arg15[%add3A_213, %broadcast_in_dim3A_207] : memref<96x128xf32, #tpu.memory_space<vmem>>[vector<16xi32>, vector<16xi32>], vector<16xf32>,
            %add3A_215 = arith.constant 32 : i32
            %add3A_216 = vector.broadcast %add3A_215 : i32 to vector<16xi32>
            %add3A_217 = arith.addi %iota3A, %add3A_216 : vector<16xi32>
            %gather3A_218 = tpu.vector_load_idx %arg15[%add3A_217, %broadcast_in_dim3A_207] : memref<96x128xf32, #tpu.memory_space<vmem>>[vector<16xi32>, vector<16xi32>], vector<16xf32>,
            %add3A_219 = arith.constant 48 : i32
            %add3A_220 = vector.broadcast %add3A_219 : i32 to vector<16xi32>
            %add3A_221 = arith.addi %iota3A, %add3A_220 : vector<16xi32>
            %gather3A_222 = tpu.vector_load_idx %arg15[%add3A_221, %broadcast_in_dim3A_207] : memref<96x128xf32, #tpu.memory_space<vmem>>[vector<16xi32>, vector<16xi32>], vector<16xf32>,
            %add3A_223 = arith.constant 64 : i32
            %add3A_224 = vector.broadcast %add3A_223 : i32 to vector<16xi32>
            %add3A_225 = arith.addi %iota3A, %add3A_224 : vector<16xi32>
            %gather3A_226 = tpu.vector_load_idx %arg15[%add3A_225, %broadcast_in_dim3A_207] : memref<96x128xf32, #tpu.memory_space<vmem>>[vector<16xi32>, vector<16xi32>], vector<16xf32>,
            %add3A_227 = arith.constant 80 : i32
            %add3A_228 = vector.broadcast %add3A_227 : i32 to vector<16xi32>
            %add3A_229 = arith.addi %iota3A, %add3A_228 : vector<16xi32>
            %gather3A_230 = tpu.vector_load_idx %arg15[%add3A_229, %broadcast_in_dim3A_207] : memref<96x128xf32, #tpu.memory_space<vmem>>[vector<16xi32>, vector<16xi32>], vector<16xf32>,
            %swap3A = arith.index_cast %scan3A_191 : i32 to index
            %swap3A_231 = arith.constant 0 : index
            %swap3A_232 = tpu.vector_load %arg23[%swap3A, %swap3A_231] {strides = array<i32>} : memref<16x1024xf32, #tpu.memory_space<vmem>>, vector<16xf32>,
            tpu.vector_store %arg23[%swap3A, %swap3A_231], %gather3A {strides = array<i32>} : memref<16x1024xf32, #tpu.memory_space<vmem>>, vector<16xf32>,
            %swap3A_233 = arith.index_cast %scan3A_191 : i32 to index
            %swap3A_234 = arith.constant 16 : index
            %swap3A_235 = tpu.vector_load %arg23[%swap3A_233, %swap3A_234] {strides = array<i32>} : memref<16x1024xf32, #tpu.memory_space<vmem>>, vector<16xf32>,
            tpu.vector_store %arg23[%swap3A_233, %swap3A_234], %gather3A_214 {strides = array<i32>} : memref<16x1024xf32, #tpu.memory_space<vmem>>, vector<16xf32>,
            %swap3A_236 = arith.index_cast %scan3A_191 : i32 to index
            %swap3A_237 = arith.constant 32 : index
            %swap3A_238 = tpu.vector_load %arg23[%swap3A_236, %swap3A_237] {strides = array<i32>} : memref<16x1024xf32, #tpu.memory_space<vmem>>, vector<16xf32>,
            tpu.vector_store %arg23[%swap3A_236, %swap3A_237], %gather3A_218 {strides = array<i32>} : memref<16x1024xf32, #tpu.memory_space<vmem>>, vector<16xf32>,
            %swap3A_239 = arith.index_cast %scan3A_191 : i32 to index
            %swap3A_240 = arith.constant 48 : index
            %swap3A_241 = tpu.vector_load %arg23[%swap3A_239, %swap3A_240] {strides = array<i32>} : memref<16x1024xf32, #tpu.memory_space<vmem>>, vector<16xf32>,
            tpu.vector_store %arg23[%swap3A_239, %swap3A_240], %gather3A_222 {strides = array<i32>} : memref<16x1024xf32, #tpu.memory_space<vmem>>, vector<16xf32>,
            %swap3A_242 = arith.index_cast %scan3A_191 : i32 to index
            %swap3A_243 = arith.constant 64 : index
            %swap3A_244 = tpu.vector_load %arg23[%swap3A_242, %swap3A_243] {strides = array<i32>} : memref<16x1024xf32, #tpu.memory_space<vmem>>, vector<16xf32>,
            tpu.vector_store %arg23[%swap3A_242, %swap3A_243], %gather3A_226 {strides = array<i32>} : memref<16x1024xf32, #tpu.memory_space<vmem>>, vector<16xf32>,
            %swap3A_245 = arith.index_cast %scan3A_191 : i32 to index
            %swap3A_246 = arith.constant 80 : index
            %swap3A_247 = tpu.vector_load %arg23[%swap3A_245, %swap3A_246] {strides = array<i32>} : memref<16x1024xf32, #tpu.memory_space<vmem>>, vector<16xf32>,
            tpu.vector_store %arg23[%swap3A_245, %swap3A_246], %gather3A_230 {strides = array<i32>} : memref<16x1024xf32, #tpu.memory_space<vmem>>, vector<16xf32>,
            %add3A_248 = arith.constant 0 : i32
            %add3A_249 = vector.broadcast %add3A_248 : i32 to vector<16xi32>
            %add3A_250 = arith.addi %iota3A, %add3A_249 : vector<16xi32>
            %gather3A_251 = tpu.vector_load_idx %arg16[%add3A_250, %broadcast_in_dim3A_207] : memref<96x128xf32, #tpu.memory_space<vmem>>[vector<16xi32>, vector<16xi32>], vector<16xf32>,
            %add3A_252 = arith.constant 16 : i32
            %add3A_253 = vector.broadcast %add3A_252 : i32 to vector<16xi32>
            %add3A_254 = arith.addi %iota3A, %add3A_253 : vector<16xi32>
            %gather3A_255 = tpu.vector_load_idx %arg16[%add3A_254, %broadcast_in_dim3A_207] : memref<96x128xf32, #tpu.memory_space<vmem>>[vector<16xi32>, vector<16xi32>], vector<16xf32>,
            %add3A_256 = arith.constant 32 : i32
            %add3A_257 = vector.broadcast %add3A_256 : i32 to vector<16xi32>
            %add3A_258 = arith.addi %iota3A, %add3A_257 : vector<16xi32>
            %gather3A_259 = tpu.vector_load_idx %arg16[%add3A_258, %broadcast_in_dim3A_207] : memref<96x128xf32, #tpu.memory_space<vmem>>[vector<16xi32>, vector<16xi32>], vector<16xf32>,
            %add3A_260 = arith.constant 48 : i32
            %add3A_261 = vector.broadcast %add3A_260 : i32 to vector<16xi32>
            %add3A_262 = arith.addi %iota3A, %add3A_261 : vector<16xi32>
            %gather3A_263 = tpu.vector_load_idx %arg16[%add3A_262, %broadcast_in_dim3A_207] : memref<96x128xf32, #tpu.memory_space<vmem>>[vector<16xi32>, vector<16xi32>], vector<16xf32>,
            %add3A_264 = arith.constant 64 : i32
            %add3A_265 = vector.broadcast %add3A_264 : i32 to vector<16xi32>
            %add3A_266 = arith.addi %iota3A, %add3A_265 : vector<16xi32>
            %gather3A_267 = tpu.vector_load_idx %arg16[%add3A_266, %broadcast_in_dim3A_207] : memref<96x128xf32, #tpu.memory_space<vmem>>[vector<16xi32>, vector<16xi32>], vector<16xf32>,
            %add3A_268 = arith.constant 80 : i32
            %add3A_269 = vector.broadcast %add3A_268 : i32 to vector<16xi32>
            %add3A_270 = arith.addi %iota3A, %add3A_269 : vector<16xi32>
            %gather3A_271 = tpu.vector_load_idx %arg16[%add3A_270, %broadcast_in_dim3A_207] : memref<96x128xf32, #tpu.memory_space<vmem>>[vector<16xi32>, vector<16xi32>], vector<16xf32>,
            %swap3A_272 = arith.index_cast %scan3A_191 : i32 to index
            %swap3A_273 = arith.constant 128 : index
            %swap3A_274 = tpu.vector_load %arg23[%swap3A_272, %swap3A_273] {strides = array<i32>} : memref<16x1024xf32, #tpu.memory_space<vmem>>, vector<16xf32>,
            tpu.vector_store %arg23[%swap3A_272, %swap3A_273], %gather3A_251 {strides = array<i32>} : memref<16x1024xf32, #tpu.memory_space<vmem>>, vector<16xf32>,
            %swap3A_275 = arith.index_cast %scan3A_191 : i32 to index
            %swap3A_276 = arith.constant 144 : index
            %swap3A_277 = tpu.vector_load %arg23[%swap3A_275, %swap3A_276] {strides = array<i32>} : memref<16x1024xf32, #tpu.memory_space<vmem>>, vector<16xf32>,
            tpu.vector_store %arg23[%swap3A_275, %swap3A_276], %gather3A_255 {strides = array<i32>} : memref<16x1024xf32, #tpu.memory_space<vmem>>, vector<16xf32>,
            %swap3A_278 = arith.index_cast %scan3A_191 : i32 to index
            %swap3A_279 = arith.constant 160 : index
            %swap3A_280 = tpu.vector_load %arg23[%swap3A_278, %swap3A_279] {strides = array<i32>} : memref<16x1024xf32, #tpu.memory_space<vmem>>, vector<16xf32>,
            tpu.vector_store %arg23[%swap3A_278, %swap3A_279], %gather3A_259 {strides = array<i32>} : memref<16x1024xf32, #tpu.memory_space<vmem>>, vector<16xf32>,
            %swap3A_281 = arith.index_cast %scan3A_191 : i32 to index
            %swap3A_282 = arith.constant 176 : index
            %swap3A_283 = tpu.vector_load %arg23[%swap3A_281, %swap3A_282] {strides = array<i32>} : memref<16x1024xf32, #tpu.memory_space<vmem>>, vector<16xf32>,
            tpu.vector_store %arg23[%swap3A_281, %swap3A_282], %gather3A_263 {strides = array<i32>} : memref<16x1024xf32, #tpu.memory_space<vmem>>, vector<16xf32>,
            %swap3A_284 = arith.index_cast %scan3A_191 : i32 to index
            %swap3A_285 = arith.constant 192 : index
            %swap3A_286 = tpu.vector_load %arg23[%swap3A_284, %swap3A_285] {strides = array<i32>} : memref<16x1024xf32, #tpu.memory_space<vmem>>, vector<16xf32>,
            tpu.vector_store %arg23[%swap3A_284, %swap3A_285], %gather3A_267 {strides = array<i32>} : memref<16x1024xf32, #tpu.memory_space<vmem>>, vector<16xf32>,
            %swap3A_287 = arith.index_cast %scan3A_191 : i32 to index
            %swap3A_288 = arith.constant 208 : index
            %swap3A_289 = tpu.vector_load %arg23[%swap3A_287, %swap3A_288] {strides = array<i32>} : memref<16x1024xf32, #tpu.memory_space<vmem>>, vector<16xf32>,
            tpu.vector_store %arg23[%swap3A_287, %swap3A_288], %gather3A_271 {strides = array<i32>} : memref<16x1024xf32, #tpu.memory_space<vmem>>, vector<16xf32>,
            %add3A_290 = arith.constant 0 : i32
            %add3A_291 = vector.broadcast %add3A_290 : i32 to vector<16xi32>
            %add3A_292 = arith.addi %iota3A, %add3A_291 : vector<16xi32>
            %gather3A_293 = tpu.vector_load_idx %arg17[%add3A_292, %broadcast_in_dim3A_207] : memref<96x128xf32, #tpu.memory_space<vmem>>[vector<16xi32>, vector<16xi32>], vector<16xf32>,
            %add3A_294 = arith.constant 16 : i32
            %add3A_295 = vector.broadcast %add3A_294 : i32 to vector<16xi32>
            %add3A_296 = arith.addi %iota3A, %add3A_295 : vector<16xi32>
            %gather3A_297 = tpu.vector_load_idx %arg17[%add3A_296, %broadcast_in_dim3A_207] : memref<96x128xf32, #tpu.memory_space<vmem>>[vector<16xi32>, vector<16xi32>], vector<16xf32>,
            %add3A_298 = arith.constant 32 : i32
            %add3A_299 = vector.broadcast %add3A_298 : i32 to vector<16xi32>
            %add3A_300 = arith.addi %iota3A, %add3A_299 : vector<16xi32>
            %gather3A_301 = tpu.vector_load_idx %arg17[%add3A_300, %broadcast_in_dim3A_207] : memref<96x128xf32, #tpu.memory_space<vmem>>[vector<16xi32>, vector<16xi32>], vector<16xf32>,
            %add3A_302 = arith.constant 48 : i32
            %add3A_303 = vector.broadcast %add3A_302 : i32 to vector<16xi32>
            %add3A_304 = arith.addi %iota3A, %add3A_303 : vector<16xi32>
            %gather3A_305 = tpu.vector_load_idx %arg17[%add3A_304, %broadcast_in_dim3A_207] : memref<96x128xf32, #tpu.memory_space<vmem>>[vector<16xi32>, vector<16xi32>], vector<16xf32>,
            %add3A_306 = arith.constant 64 : i32
            %add3A_307 = vector.broadcast %add3A_306 : i32 to vector<16xi32>
            %add3A_308 = arith.addi %iota3A, %add3A_307 : vector<16xi32>
            %gather3A_309 = tpu.vector_load_idx %arg17[%add3A_308, %broadcast_in_dim3A_207] : memref<96x128xf32, #tpu.memory_space<vmem>>[vector<16xi32>, vector<16xi32>], vector<16xf32>,
            %add3A_310 = arith.constant 80 : i32
            %add3A_311 = vector.broadcast %add3A_310 : i32 to vector<16xi32>
            %add3A_312 = arith.addi %iota3A, %add3A_311 : vector<16xi32>
            %gather3A_313 = tpu.vector_load_idx %arg17[%add3A_312, %broadcast_in_dim3A_207] : memref<96x128xf32, #tpu.memory_space<vmem>>[vector<16xi32>, vector<16xi32>], vector<16xf32>,
            %swap3A_314 = arith.index_cast %scan3A_191 : i32 to index
            %swap3A_315 = arith.constant 256 : index
            %swap3A_316 = tpu.vector_load %arg23[%swap3A_314, %swap3A_315] {strides = array<i32>} : memref<16x1024xf32, #tpu.memory_space<vmem>>, vector<16xf32>,
            tpu.vector_store %arg23[%swap3A_314, %swap3A_315], %gather3A_293 {strides = array<i32>} : memref<16x1024xf32, #tpu.memory_space<vmem>>, vector<16xf32>,
            %swap3A_317 = arith.index_cast %scan3A_191 : i32 to index
            %swap3A_318 = arith.constant 272 : index
            %swap3A_319 = tpu.vector_load %arg23[%swap3A_317, %swap3A_318] {strides = array<i32>} : memref<16x1024xf32, #tpu.memory_space<vmem>>, vector<16xf32>,
            tpu.vector_store %arg23[%swap3A_317, %swap3A_318], %gather3A_297 {strides = array<i32>} : memref<16x1024xf32, #tpu.memory_space<vmem>>, vector<16xf32>,
            %swap3A_320 = arith.index_cast %scan3A_191 : i32 to index
            %swap3A_321 = arith.constant 288 : index
            %swap3A_322 = tpu.vector_load %arg23[%swap3A_320, %swap3A_321] {strides = array<i32>} : memref<16x1024xf32, #tpu.memory_space<vmem>>, vector<16xf32>,
            tpu.vector_store %arg23[%swap3A_320, %swap3A_321], %gather3A_301 {strides = array<i32>} : memref<16x1024xf32, #tpu.memory_space<vmem>>, vector<16xf32>,
            %swap3A_323 = arith.index_cast %scan3A_191 : i32 to index
            %swap3A_324 = arith.constant 304 : index
            %swap3A_325 = tpu.vector_load %arg23[%swap3A_323, %swap3A_324] {strides = array<i32>} : memref<16x1024xf32, #tpu.memory_space<vmem>>, vector<16xf32>,
            tpu.vector_store %arg23[%swap3A_323, %swap3A_324], %gather3A_305 {strides = array<i32>} : memref<16x1024xf32, #tpu.memory_space<vmem>>, vector<16xf32>,
            %swap3A_326 = arith.index_cast %scan3A_191 : i32 to index
            %swap3A_327 = arith.constant 320 : index
            %swap3A_328 = tpu.vector_load %arg23[%swap3A_326, %swap3A_327] {strides = array<i32>} : memref<16x1024xf32, #tpu.memory_space<vmem>>, vector<16xf32>,
            tpu.vector_store %arg23[%swap3A_326, %swap3A_327], %gather3A_309 {strides = array<i32>} : memref<16x1024xf32, #tpu.memory_space<vmem>>, vector<16xf32>,
            %swap3A_329 = arith.index_cast %scan3A_191 : i32 to index
            %swap3A_330 = arith.constant 336 : index
            %swap3A_331 = tpu.vector_load %arg23[%swap3A_329, %swap3A_330] {strides = array<i32>} : memref<16x1024xf32, #tpu.memory_space<vmem>>, vector<16xf32>,
            tpu.vector_store %arg23[%swap3A_329, %swap3A_330], %gather3A_313 {strides = array<i32>} : memref<16x1024xf32, #tpu.memory_space<vmem>>, vector<16xf32>,
            %add3A_332 = arith.constant 0 : i32
            %add3A_333 = vector.broadcast %add3A_332 : i32 to vector<16xi32>
            %add3A_334 = arith.addi %iota3A, %add3A_333 : vector<16xi32>
            %gather3A_335 = tpu.vector_load_idx %arg18[%add3A_334, %broadcast_in_dim3A_207] : memref<96x128xf32, #tpu.memory_space<vmem>>[vector<16xi32>, vector<16xi32>], vector<16xf32>,
            %add3A_336 = arith.constant 16 : i32
            %add3A_337 = vector.broadcast %add3A_336 : i32 to vector<16xi32>
            %add3A_338 = arith.addi %iota3A, %add3A_337 : vector<16xi32>
            %gather3A_339 = tpu.vector_load_idx %arg18[%add3A_338, %broadcast_in_dim3A_207] : memref<96x128xf32, #tpu.memory_space<vmem>>[vector<16xi32>, vector<16xi32>], vector<16xf32>,
            %add3A_340 = arith.constant 32 : i32
            %add3A_341 = vector.broadcast %add3A_340 : i32 to vector<16xi32>
            %add3A_342 = arith.addi %iota3A, %add3A_341 : vector<16xi32>
            %gather3A_343 = tpu.vector_load_idx %arg18[%add3A_342, %broadcast_in_dim3A_207] : memref<96x128xf32, #tpu.memory_space<vmem>>[vector<16xi32>, vector<16xi32>], vector<16xf32>,
            %add3A_344 = arith.constant 48 : i32
            %add3A_345 = vector.broadcast %add3A_344 : i32 to vector<16xi32>
            %add3A_346 = arith.addi %iota3A, %add3A_345 : vector<16xi32>
            %gather3A_347 = tpu.vector_load_idx %arg18[%add3A_346, %broadcast_in_dim3A_207] : memref<96x128xf32, #tpu.memory_space<vmem>>[vector<16xi32>, vector<16xi32>], vector<16xf32>,
            %add3A_348 = arith.constant 64 : i32
            %add3A_349 = vector.broadcast %add3A_348 : i32 to vector<16xi32>
            %add3A_350 = arith.addi %iota3A, %add3A_349 : vector<16xi32>
            %gather3A_351 = tpu.vector_load_idx %arg18[%add3A_350, %broadcast_in_dim3A_207] : memref<96x128xf32, #tpu.memory_space<vmem>>[vector<16xi32>, vector<16xi32>], vector<16xf32>,
            %add3A_352 = arith.constant 80 : i32
            %add3A_353 = vector.broadcast %add3A_352 : i32 to vector<16xi32>
            %add3A_354 = arith.addi %iota3A, %add3A_353 : vector<16xi32>
            %gather3A_355 = tpu.vector_load_idx %arg18[%add3A_354, %broadcast_in_dim3A_207] : memref<96x128xf32, #tpu.memory_space<vmem>>[vector<16xi32>, vector<16xi32>], vector<16xf32>,
            %swap3A_356 = arith.index_cast %scan3A_191 : i32 to index
            %swap3A_357 = arith.constant 384 : index
            %swap3A_358 = tpu.vector_load %arg23[%swap3A_356, %swap3A_357] {strides = array<i32>} : memref<16x1024xf32, #tpu.memory_space<vmem>>, vector<16xf32>,
            tpu.vector_store %arg23[%swap3A_356, %swap3A_357], %gather3A_335 {strides = array<i32>} : memref<16x1024xf32, #tpu.memory_space<vmem>>, vector<16xf32>,
            %swap3A_359 = arith.index_cast %scan3A_191 : i32 to index
            %swap3A_360 = arith.constant 400 : index
            %swap3A_361 = tpu.vector_load %arg23[%swap3A_359, %swap3A_360] {strides = array<i32>} : memref<16x1024xf32, #tpu.memory_space<vmem>>, vector<16xf32>,
            tpu.vector_store %arg23[%swap3A_359, %swap3A_360], %gather3A_339 {strides = array<i32>} : memref<16x1024xf32, #tpu.memory_space<vmem>>, vector<16xf32>,
            %swap3A_362 = arith.index_cast %scan3A_191 : i32 to index
            %swap3A_363 = arith.constant 416 : index
            %swap3A_364 = tpu.vector_load %arg23[%swap3A_362, %swap3A_363] {strides = array<i32>} : memref<16x1024xf32, #tpu.memory_space<vmem>>, vector<16xf32>,
            tpu.vector_store %arg23[%swap3A_362, %swap3A_363], %gather3A_343 {strides = array<i32>} : memref<16x1024xf32, #tpu.memory_space<vmem>>, vector<16xf32>,
            %swap3A_365 = arith.index_cast %scan3A_191 : i32 to index
            %swap3A_366 = arith.constant 432 : index
            %swap3A_367 = tpu.vector_load %arg23[%swap3A_365, %swap3A_366] {strides = array<i32>} : memref<16x1024xf32, #tpu.memory_space<vmem>>, vector<16xf32>,
            tpu.vector_store %arg23[%swap3A_365, %swap3A_366], %gather3A_347 {strides = array<i32>} : memref<16x1024xf32, #tpu.memory_space<vmem>>, vector<16xf32>,
            %swap3A_368 = arith.index_cast %scan3A_191 : i32 to index
            %swap3A_369 = arith.constant 448 : index
            %swap3A_370 = tpu.vector_load %arg23[%swap3A_368, %swap3A_369] {strides = array<i32>} : memref<16x1024xf32, #tpu.memory_space<vmem>>, vector<16xf32>,
            tpu.vector_store %arg23[%swap3A_368, %swap3A_369], %gather3A_351 {strides = array<i32>} : memref<16x1024xf32, #tpu.memory_space<vmem>>, vector<16xf32>,
            %swap3A_371 = arith.index_cast %scan3A_191 : i32 to index
            %swap3A_372 = arith.constant 464 : index
            %swap3A_373 = tpu.vector_load %arg23[%swap3A_371, %swap3A_372] {strides = array<i32>} : memref<16x1024xf32, #tpu.memory_space<vmem>>, vector<16xf32>,
            tpu.vector_store %arg23[%swap3A_371, %swap3A_372], %gather3A_355 {strides = array<i32>} : memref<16x1024xf32, #tpu.memory_space<vmem>>, vector<16xf32>,
            %add3A_374 = arith.constant 0 : i32
            %add3A_375 = vector.broadcast %add3A_374 : i32 to vector<16xi32>
            %add3A_376 = arith.addi %iota3A, %add3A_375 : vector<16xi32>
            %gather3A_377 = tpu.vector_load_idx %arg19[%add3A_376, %broadcast_in_dim3A_207] : memref<96x128xf32, #tpu.memory_space<vmem>>[vector<16xi32>, vector<16xi32>], vector<16xf32>,
            %add3A_378 = arith.constant 16 : i32
            %add3A_379 = vector.broadcast %add3A_378 : i32 to vector<16xi32>
            %add3A_380 = arith.addi %iota3A, %add3A_379 : vector<16xi32>
            %gather3A_381 = tpu.vector_load_idx %arg19[%add3A_380, %broadcast_in_dim3A_207] : memref<96x128xf32, #tpu.memory_space<vmem>>[vector<16xi32>, vector<16xi32>], vector<16xf32>,
            %add3A_382 = arith.constant 32 : i32
            %add3A_383 = vector.broadcast %add3A_382 : i32 to vector<16xi32>
            %add3A_384 = arith.addi %iota3A, %add3A_383 : vector<16xi32>
            %gather3A_385 = tpu.vector_load_idx %arg19[%add3A_384, %broadcast_in_dim3A_207] : memref<96x128xf32, #tpu.memory_space<vmem>>[vector<16xi32>, vector<16xi32>], vector<16xf32>,
            %add3A_386 = arith.constant 48 : i32
            %add3A_387 = vector.broadcast %add3A_386 : i32 to vector<16xi32>
            %add3A_388 = arith.addi %iota3A, %add3A_387 : vector<16xi32>
            %gather3A_389 = tpu.vector_load_idx %arg19[%add3A_388, %broadcast_in_dim3A_207] : memref<96x128xf32, #tpu.memory_space<vmem>>[vector<16xi32>, vector<16xi32>], vector<16xf32>,
            %add3A_390 = arith.constant 64 : i32
            %add3A_391 = vector.broadcast %add3A_390 : i32 to vector<16xi32>
            %add3A_392 = arith.addi %iota3A, %add3A_391 : vector<16xi32>
            %gather3A_393 = tpu.vector_load_idx %arg19[%add3A_392, %broadcast_in_dim3A_207] : memref<96x128xf32, #tpu.memory_space<vmem>>[vector<16xi32>, vector<16xi32>], vector<16xf32>,
            %add3A_394 = arith.constant 80 : i32
            %add3A_395 = vector.broadcast %add3A_394 : i32 to vector<16xi32>
            %add3A_396 = arith.addi %iota3A, %add3A_395 : vector<16xi32>
            %gather3A_397 = tpu.vector_load_idx %arg19[%add3A_396, %broadcast_in_dim3A_207] : memref<96x128xf32, #tpu.memory_space<vmem>>[vector<16xi32>, vector<16xi32>], vector<16xf32>,
            %swap3A_398 = arith.index_cast %scan3A_191 : i32 to index
            %swap3A_399 = arith.constant 512 : index
            %swap3A_400 = tpu.vector_load %arg23[%swap3A_398, %swap3A_399] {strides = array<i32>} : memref<16x1024xf32, #tpu.memory_space<vmem>>, vector<16xf32>,
            tpu.vector_store %arg23[%swap3A_398, %swap3A_399], %gather3A_377 {strides = array<i32>} : memref<16x1024xf32, #tpu.memory_space<vmem>>, vector<16xf32>,
            %swap3A_401 = arith.index_cast %scan3A_191 : i32 to index
            %swap3A_402 = arith.constant 528 : index
            %swap3A_403 = tpu.vector_load %arg23[%swap3A_401, %swap3A_402] {strides = array<i32>} : memref<16x1024xf32, #tpu.memory_space<vmem>>, vector<16xf32>,
            tpu.vector_store %arg23[%swap3A_401, %swap3A_402], %gather3A_381 {strides = array<i32>} : memref<16x1024xf32, #tpu.memory_space<vmem>>, vector<16xf32>,
            %swap3A_404 = arith.index_cast %scan3A_191 : i32 to index
            %swap3A_405 = arith.constant 544 : index
            %swap3A_406 = tpu.vector_load %arg23[%swap3A_404, %swap3A_405] {strides = array<i32>} : memref<16x1024xf32, #tpu.memory_space<vmem>>, vector<16xf32>,
            tpu.vector_store %arg23[%swap3A_404, %swap3A_405], %gather3A_385 {strides = array<i32>} : memref<16x1024xf32, #tpu.memory_space<vmem>>, vector<16xf32>,
            %swap3A_407 = arith.index_cast %scan3A_191 : i32 to index
            %swap3A_408 = arith.constant 560 : index
            %swap3A_409 = tpu.vector_load %arg23[%swap3A_407, %swap3A_408] {strides = array<i32>} : memref<16x1024xf32, #tpu.memory_space<vmem>>, vector<16xf32>,
            tpu.vector_store %arg23[%swap3A_407, %swap3A_408], %gather3A_389 {strides = array<i32>} : memref<16x1024xf32, #tpu.memory_space<vmem>>, vector<16xf32>,
            %swap3A_410 = arith.index_cast %scan3A_191 : i32 to index
            %swap3A_411 = arith.constant 576 : index
            %swap3A_412 = tpu.vector_load %arg23[%swap3A_410, %swap3A_411] {strides = array<i32>} : memref<16x1024xf32, #tpu.memory_space<vmem>>, vector<16xf32>,
            tpu.vector_store %arg23[%swap3A_410, %swap3A_411], %gather3A_393 {strides = array<i32>} : memref<16x1024xf32, #tpu.memory_space<vmem>>, vector<16xf32>,
            %swap3A_413 = arith.index_cast %scan3A_191 : i32 to index
            %swap3A_414 = arith.constant 592 : index
            %swap3A_415 = tpu.vector_load %arg23[%swap3A_413, %swap3A_414] {strides = array<i32>} : memref<16x1024xf32, #tpu.memory_space<vmem>>, vector<16xf32>,
            tpu.vector_store %arg23[%swap3A_413, %swap3A_414], %gather3A_397 {strides = array<i32>} : memref<16x1024xf32, #tpu.memory_space<vmem>>, vector<16xf32>,
            %add3A_416 = arith.constant 0 : i32
            %add3A_417 = vector.broadcast %add3A_416 : i32 to vector<16xi32>
            %add3A_418 = arith.addi %iota3A, %add3A_417 : vector<16xi32>
            %gather3A_419 = tpu.vector_load_idx %arg20[%add3A_418, %broadcast_in_dim3A_207] : memref<96x128xf32, #tpu.memory_space<vmem>>[vector<16xi32>, vector<16xi32>], vector<16xf32>,
            %add3A_420 = arith.constant 16 : i32
            %add3A_421 = vector.broadcast %add3A_420 : i32 to vector<16xi32>
            %add3A_422 = arith.addi %iota3A, %add3A_421 : vector<16xi32>
            %gather3A_423 = tpu.vector_load_idx %arg20[%add3A_422, %broadcast_in_dim3A_207] : memref<96x128xf32, #tpu.memory_space<vmem>>[vector<16xi32>, vector<16xi32>], vector<16xf32>,
            %add3A_424 = arith.constant 32 : i32
            %add3A_425 = vector.broadcast %add3A_424 : i32 to vector<16xi32>
            %add3A_426 = arith.addi %iota3A, %add3A_425 : vector<16xi32>
            %gather3A_427 = tpu.vector_load_idx %arg20[%add3A_426, %broadcast_in_dim3A_207] : memref<96x128xf32, #tpu.memory_space<vmem>>[vector<16xi32>, vector<16xi32>], vector<16xf32>,
            %add3A_428 = arith.constant 48 : i32
            %add3A_429 = vector.broadcast %add3A_428 : i32 to vector<16xi32>
            %add3A_430 = arith.addi %iota3A, %add3A_429 : vector<16xi32>
            %gather3A_431 = tpu.vector_load_idx %arg20[%add3A_430, %broadcast_in_dim3A_207] : memref<96x128xf32, #tpu.memory_space<vmem>>[vector<16xi32>, vector<16xi32>], vector<16xf32>,
            %add3A_432 = arith.constant 64 : i32
            %add3A_433 = vector.broadcast %add3A_432 : i32 to vector<16xi32>
            %add3A_434 = arith.addi %iota3A, %add3A_433 : vector<16xi32>
            %gather3A_435 = tpu.vector_load_idx %arg20[%add3A_434, %broadcast_in_dim3A_207] : memref<96x128xf32, #tpu.memory_space<vmem>>[vector<16xi32>, vector<16xi32>], vector<16xf32>,
            %add3A_436 = arith.constant 80 : i32
            %add3A_437 = vector.broadcast %add3A_436 : i32 to vector<16xi32>
            %add3A_438 = arith.addi %iota3A, %add3A_437 : vector<16xi32>
            %gather3A_439 = tpu.vector_load_idx %arg20[%add3A_438, %broadcast_in_dim3A_207] : memref<96x128xf32, #tpu.memory_space<vmem>>[vector<16xi32>, vector<16xi32>], vector<16xf32>,
            %swap3A_440 = arith.index_cast %scan3A_191 : i32 to index
            %swap3A_441 = arith.constant 640 : index
            %swap3A_442 = tpu.vector_load %arg23[%swap3A_440, %swap3A_441] {strides = array<i32>} : memref<16x1024xf32, #tpu.memory_space<vmem>>, vector<16xf32>,
            tpu.vector_store %arg23[%swap3A_440, %swap3A_441], %gather3A_419 {strides = array<i32>} : memref<16x1024xf32, #tpu.memory_space<vmem>>, vector<16xf32>,
            %swap3A_443 = arith.index_cast %scan3A_191 : i32 to index
            %swap3A_444 = arith.constant 656 : index
            %swap3A_445 = tpu.vector_load %arg23[%swap3A_443, %swap3A_444] {strides = array<i32>} : memref<16x1024xf32, #tpu.memory_space<vmem>>, vector<16xf32>,
            tpu.vector_store %arg23[%swap3A_443, %swap3A_444], %gather3A_423 {strides = array<i32>} : memref<16x1024xf32, #tpu.memory_space<vmem>>, vector<16xf32>,
            %swap3A_446 = arith.index_cast %scan3A_191 : i32 to index
            %swap3A_447 = arith.constant 672 : index
            %swap3A_448 = tpu.vector_load %arg23[%swap3A_446, %swap3A_447] {strides = array<i32>} : memref<16x1024xf32, #tpu.memory_space<vmem>>, vector<16xf32>,
            tpu.vector_store %arg23[%swap3A_446, %swap3A_447], %gather3A_427 {strides = array<i32>} : memref<16x1024xf32, #tpu.memory_space<vmem>>, vector<16xf32>,
            %swap3A_449 = arith.index_cast %scan3A_191 : i32 to index
            %swap3A_450 = arith.constant 688 : index
            %swap3A_451 = tpu.vector_load %arg23[%swap3A_449, %swap3A_450] {strides = array<i32>} : memref<16x1024xf32, #tpu.memory_space<vmem>>, vector<16xf32>,
            tpu.vector_store %arg23[%swap3A_449, %swap3A_450], %gather3A_431 {strides = array<i32>} : memref<16x1024xf32, #tpu.memory_space<vmem>>, vector<16xf32>,
            %swap3A_452 = arith.index_cast %scan3A_191 : i32 to index
            %swap3A_453 = arith.constant 704 : index
            %swap3A_454 = tpu.vector_load %arg23[%swap3A_452, %swap3A_453] {strides = array<i32>} : memref<16x1024xf32, #tpu.memory_space<vmem>>, vector<16xf32>,
            tpu.vector_store %arg23[%swap3A_452, %swap3A_453], %gather3A_435 {strides = array<i32>} : memref<16x1024xf32, #tpu.memory_space<vmem>>, vector<16xf32>,
            %swap3A_455 = arith.index_cast %scan3A_191 : i32 to index
            %swap3A_456 = arith.constant 720 : index
            %swap3A_457 = tpu.vector_load %arg23[%swap3A_455, %swap3A_456] {strides = array<i32>} : memref<16x1024xf32, #tpu.memory_space<vmem>>, vector<16xf32>,
            tpu.vector_store %arg23[%swap3A_455, %swap3A_456], %gather3A_439 {strides = array<i32>} : memref<16x1024xf32, #tpu.memory_space<vmem>>, vector<16xf32>,
            %add3A_458 = arith.constant 0 : i32
            %add3A_459 = vector.broadcast %add3A_458 : i32 to vector<16xi32>
            %add3A_460 = arith.addi %iota3A, %add3A_459 : vector<16xi32>
            %gather3A_461 = tpu.vector_load_idx %arg21[%add3A_460, %broadcast_in_dim3A_207] : memref<96x128xf32, #tpu.memory_space<vmem>>[vector<16xi32>, vector<16xi32>], vector<16xf32>,
            %add3A_462 = arith.constant 16 : i32
            %add3A_463 = vector.broadcast %add3A_462 : i32 to vector<16xi32>
            %add3A_464 = arith.addi %iota3A, %add3A_463 : vector<16xi32>
            %gather3A_465 = tpu.vector_load_idx %arg21[%add3A_464, %broadcast_in_dim3A_207] : memref<96x128xf32, #tpu.memory_space<vmem>>[vector<16xi32>, vector<16xi32>], vector<16xf32>,
            %add3A_466 = arith.constant 32 : i32
            %add3A_467 = vector.broadcast %add3A_466 : i32 to vector<16xi32>
            %add3A_468 = arith.addi %iota3A, %add3A_467 : vector<16xi32>
            %gather3A_469 = tpu.vector_load_idx %arg21[%add3A_468, %broadcast_in_dim3A_207] : memref<96x128xf32, #tpu.memory_space<vmem>>[vector<16xi32>, vector<16xi32>], vector<16xf32>,
            %add3A_470 = arith.constant 48 : i32
            %add3A_471 = vector.broadcast %add3A_470 : i32 to vector<16xi32>
            %add3A_472 = arith.addi %iota3A, %add3A_471 : vector<16xi32>
            %gather3A_473 = tpu.vector_load_idx %arg21[%add3A_472, %broadcast_in_dim3A_207] : memref<96x128xf32, #tpu.memory_space<vmem>>[vector<16xi32>, vector<16xi32>], vector<16xf32>,
            %add3A_474 = arith.constant 64 : i32
            %add3A_475 = vector.broadcast %add3A_474 : i32 to vector<16xi32>
            %add3A_476 = arith.addi %iota3A, %add3A_475 : vector<16xi32>
            %gather3A_477 = tpu.vector_load_idx %arg21[%add3A_476, %broadcast_in_dim3A_207] : memref<96x128xf32, #tpu.memory_space<vmem>>[vector<16xi32>, vector<16xi32>], vector<16xf32>,
            %add3A_478 = arith.constant 80 : i32
            %add3A_479 = vector.broadcast %add3A_478 : i32 to vector<16xi32>
            %add3A_480 = arith.addi %iota3A, %add3A_479 : vector<16xi32>
            %gather3A_481 = tpu.vector_load_idx %arg21[%add3A_480, %broadcast_in_dim3A_207] : memref<96x128xf32, #tpu.memory_space<vmem>>[vector<16xi32>, vector<16xi32>], vector<16xf32>,
            %swap3A_482 = arith.index_cast %scan3A_191 : i32 to index
            %swap3A_483 = arith.constant 768 : index
            %swap3A_484 = tpu.vector_load %arg23[%swap3A_482, %swap3A_483] {strides = array<i32>} : memref<16x1024xf32, #tpu.memory_space<vmem>>, vector<16xf32>,
            tpu.vector_store %arg23[%swap3A_482, %swap3A_483], %gather3A_461 {strides = array<i32>} : memref<16x1024xf32, #tpu.memory_space<vmem>>, vector<16xf32>,
            %swap3A_485 = arith.index_cast %scan3A_191 : i32 to index
            %swap3A_486 = arith.constant 784 : index
            %swap3A_487 = tpu.vector_load %arg23[%swap3A_485, %swap3A_486] {strides = array<i32>} : memref<16x1024xf32, #tpu.memory_space<vmem>>, vector<16xf32>,
            tpu.vector_store %arg23[%swap3A_485, %swap3A_486], %gather3A_465 {strides = array<i32>} : memref<16x1024xf32, #tpu.memory_space<vmem>>, vector<16xf32>,
            %swap3A_488 = arith.index_cast %scan3A_191 : i32 to index
            %swap3A_489 = arith.constant 800 : index
            %swap3A_490 = tpu.vector_load %arg23[%swap3A_488, %swap3A_489] {strides = array<i32>} : memref<16x1024xf32, #tpu.memory_space<vmem>>, vector<16xf32>,
            tpu.vector_store %arg23[%swap3A_488, %swap3A_489], %gather3A_469 {strides = array<i32>} : memref<16x1024xf32, #tpu.memory_space<vmem>>, vector<16xf32>,
            %swap3A_491 = arith.index_cast %scan3A_191 : i32 to index
            %swap3A_492 = arith.constant 816 : index
            %swap3A_493 = tpu.vector_load %arg23[%swap3A_491, %swap3A_492] {strides = array<i32>} : memref<16x1024xf32, #tpu.memory_space<vmem>>, vector<16xf32>,
            tpu.vector_store %arg23[%swap3A_491, %swap3A_492], %gather3A_473 {strides = array<i32>} : memref<16x1024xf32, #tpu.memory_space<vmem>>, vector<16xf32>,
            %swap3A_494 = arith.index_cast %scan3A_191 : i32 to index
            %swap3A_495 = arith.constant 832 : index
            %swap3A_496 = tpu.vector_load %arg23[%swap3A_494, %swap3A_495] {strides = array<i32>} : memref<16x1024xf32, #tpu.memory_space<vmem>>, vector<16xf32>,
            tpu.vector_store %arg23[%swap3A_494, %swap3A_495], %gather3A_477 {strides = array<i32>} : memref<16x1024xf32, #tpu.memory_space<vmem>>, vector<16xf32>,
            %swap3A_497 = arith.index_cast %scan3A_191 : i32 to index
            %swap3A_498 = arith.constant 848 : index
            %swap3A_499 = tpu.vector_load %arg23[%swap3A_497, %swap3A_498] {strides = array<i32>} : memref<16x1024xf32, #tpu.memory_space<vmem>>, vector<16xf32>,
            tpu.vector_store %arg23[%swap3A_497, %swap3A_498], %gather3A_481 {strides = array<i32>} : memref<16x1024xf32, #tpu.memory_space<vmem>>, vector<16xf32>,
            %add3A_500 = arith.constant 0 : i32
            %add3A_501 = vector.broadcast %add3A_500 : i32 to vector<16xi32>
            %add3A_502 = arith.addi %iota3A, %add3A_501 : vector<16xi32>
            %gather3A_503 = tpu.vector_load_idx %arg22[%add3A_502, %broadcast_in_dim3A_207] : memref<96x128xf32, #tpu.memory_space<vmem>>[vector<16xi32>, vector<16xi32>], vector<16xf32>,
            %add3A_504 = arith.constant 16 : i32
            %add3A_505 = vector.broadcast %add3A_504 : i32 to vector<16xi32>
            %add3A_506 = arith.addi %iota3A, %add3A_505 : vector<16xi32>
            %gather3A_507 = tpu.vector_load_idx %arg22[%add3A_506, %broadcast_in_dim3A_207] : memref<96x128xf32, #tpu.memory_space<vmem>>[vector<16xi32>, vector<16xi32>], vector<16xf32>,
            %add3A_508 = arith.constant 32 : i32
            %add3A_509 = vector.broadcast %add3A_508 : i32 to vector<16xi32>
            %add3A_510 = arith.addi %iota3A, %add3A_509 : vector<16xi32>
            %gather3A_511 = tpu.vector_load_idx %arg22[%add3A_510, %broadcast_in_dim3A_207] : memref<96x128xf32, #tpu.memory_space<vmem>>[vector<16xi32>, vector<16xi32>], vector<16xf32>,
            %add3A_512 = arith.constant 48 : i32
            %add3A_513 = vector.broadcast %add3A_512 : i32 to vector<16xi32>
            %add3A_514 = arith.addi %iota3A, %add3A_513 : vector<16xi32>
            %gather3A_515 = tpu.vector_load_idx %arg22[%add3A_514, %broadcast_in_dim3A_207] : memref<96x128xf32, #tpu.memory_space<vmem>>[vector<16xi32>, vector<16xi32>], vector<16xf32>,
            %add3A_516 = arith.constant 64 : i32
            %add3A_517 = vector.broadcast %add3A_516 : i32 to vector<16xi32>
            %add3A_518 = arith.addi %iota3A, %add3A_517 : vector<16xi32>
            %gather3A_519 = tpu.vector_load_idx %arg22[%add3A_518, %broadcast_in_dim3A_207] : memref<96x128xf32, #tpu.memory_space<vmem>>[vector<16xi32>, vector<16xi32>], vector<16xf32>,
            %add3A_520 = arith.constant 80 : i32
            %add3A_521 = vector.broadcast %add3A_520 : i32 to vector<16xi32>
            %add3A_522 = arith.addi %iota3A, %add3A_521 : vector<16xi32>
            %gather3A_523 = tpu.vector_load_idx %arg22[%add3A_522, %broadcast_in_dim3A_207] : memref<96x128xf32, #tpu.memory_space<vmem>>[vector<16xi32>, vector<16xi32>], vector<16xf32>,
            %swap3A_524 = arith.index_cast %scan3A_191 : i32 to index
            %swap3A_525 = arith.constant 896 : index
            %swap3A_526 = tpu.vector_load %arg23[%swap3A_524, %swap3A_525] {strides = array<i32>} : memref<16x1024xf32, #tpu.memory_space<vmem>>, vector<16xf32>,
            tpu.vector_store %arg23[%swap3A_524, %swap3A_525], %gather3A_503 {strides = array<i32>} : memref<16x1024xf32, #tpu.memory_space<vmem>>, vector<16xf32>,
            %swap3A_527 = arith.index_cast %scan3A_191 : i32 to index
            %swap3A_528 = arith.constant 912 : index
            %swap3A_529 = tpu.vector_load %arg23[%swap3A_527, %swap3A_528] {strides = array<i32>} : memref<16x1024xf32, #tpu.memory_space<vmem>>, vector<16xf32>,
            tpu.vector_store %arg23[%swap3A_527, %swap3A_528], %gather3A_507 {strides = array<i32>} : memref<16x1024xf32, #tpu.memory_space<vmem>>, vector<16xf32>,
            %swap3A_530 = arith.index_cast %scan3A_191 : i32 to index
            %swap3A_531 = arith.constant 928 : index
            %swap3A_532 = tpu.vector_load %arg23[%swap3A_530, %swap3A_531] {strides = array<i32>} : memref<16x1024xf32, #tpu.memory_space<vmem>>, vector<16xf32>,
            tpu.vector_store %arg23[%swap3A_530, %swap3A_531], %gather3A_511 {strides = array<i32>} : memref<16x1024xf32, #tpu.memory_space<vmem>>, vector<16xf32>,
            %swap3A_533 = arith.index_cast %scan3A_191 : i32 to index
            %swap3A_534 = arith.constant 944 : index
            %swap3A_535 = tpu.vector_load %arg23[%swap3A_533, %swap3A_534] {strides = array<i32>} : memref<16x1024xf32, #tpu.memory_space<vmem>>, vector<16xf32>,
            tpu.vector_store %arg23[%swap3A_533, %swap3A_534], %gather3A_515 {strides = array<i32>} : memref<16x1024xf32, #tpu.memory_space<vmem>>, vector<16xf32>,
            %swap3A_536 = arith.index_cast %scan3A_191 : i32 to index
            %swap3A_537 = arith.constant 960 : index
            %swap3A_538 = tpu.vector_load %arg23[%swap3A_536, %swap3A_537] {strides = array<i32>} : memref<16x1024xf32, #tpu.memory_space<vmem>>, vector<16xf32>,
            tpu.vector_store %arg23[%swap3A_536, %swap3A_537], %gather3A_519 {strides = array<i32>} : memref<16x1024xf32, #tpu.memory_space<vmem>>, vector<16xf32>,
            %swap3A_539 = arith.index_cast %scan3A_191 : i32 to index
            %swap3A_540 = arith.constant 976 : index
            %swap3A_541 = tpu.vector_load %arg23[%swap3A_539, %swap3A_540] {strides = array<i32>} : memref<16x1024xf32, #tpu.memory_space<vmem>>, vector<16xf32>,
            tpu.vector_store %arg23[%swap3A_539, %swap3A_540], %gather3A_523 {strides = array<i32>} : memref<16x1024xf32, #tpu.memory_space<vmem>>, vector<16xf32>,
            %eq3A = vector.broadcast %scan3A_191 : i32 to vector<16xi32>
            %eq3A_542 = arith.cmpi eq, %iota3A, %eq3A : vector<16xi32>
            %broadcast_in_dim3A_543 = vector.broadcast %and3A_205 : i32 to vector<16xi32>
            %select_n3A_544 = arith.select %eq3A_542, %broadcast_in_dim3A_543, %scan3A_192 : vector<16xi1>, vector<16xi32>
            scf.yield %select_n3A_544 : vector<16xi32>
          }
          %scan3A_184 = arith.constant 16 : i32
          %dma_start3A_185 = arith.constant 0 : i32
          %dma_start3A_186 = arith.constant 0 : i32
          %dma_start3A_187 = tpu.memref_slice %arg12[%dma_start3A_185, %dma_start3A_186] : memref<32768x1024xf32, #tpu.memory_space<hbm>> -> memref<32768x1024xf32, #tpu.memory_space<hbm>>
          tpu.enqueue_indirect_dma source(%arg23 : memref<16x1024xf32, #tpu.memory_space<vmem>>) target(%dma_start3A_187 : memref<32768x1024xf32, #tpu.memory_space<hbm>>) offsets(%scan3A_183 : vector<16xi32>) semaphore(%arg24 : memref<!tpu.dma_semaphore, #tpu.memory_space<semaphore_mem>>)
          %dma_wait3A_188 = arith.constant 0 : i32
          %dma_wait3A_189 = arith.constant 0 : i32
          %dma_wait3A_190 = tpu.memref_slice %arg12[%dma_wait3A_188, %dma_wait3A_189] : memref<32768x1024xf32, #tpu.memory_space<hbm>> -> memref<32768x1024xf32, #tpu.memory_space<hbm>>
          tpu.wait_indirect_dma semaphore(%arg24 : memref<!tpu.dma_semaphore, #tpu.memory_space<semaphore_mem>>) src(%arg23 : memref<16x1024xf32, #tpu.memory_space<vmem>>) dst(%dma_wait3A_190 : memref<32768x1024xf32, #tpu.memory_space<hbm>>)
        }
        %while3A_171 = arith.constant 1 : i32
        scf.for %while3A_172 = %while3A_169 to %while3A_165 step %while3A_171  : i32 {
          %mul3A_173 = arith.constant 16 : i32
          %mul3A_174 = arith.muli %while3A_172, %mul3A_173 : i32
          %add3A_175 = arith.addi %max3A, %mul3A_174 : i32
          %sub3A_176 = arith.subi %min3A, %add3A_175 : i32
          %min3A_177 = arith.constant 16 : i32
          %min3A_178 = arith.minsi %sub3A_176, %min3A_177 : i32
          %broadcast_in_dim3A = arith.constant 0 : i32
          %broadcast_in_dim3A_179 = vector.broadcast %broadcast_in_dim3A : i32 to vector<16xi32>
          %scan3A = arith.constant 0 : i32
          %scan3A_180 = arith.constant 16 : i32
          %scan3A_181 = arith.addi %scan3A, %scan3A_180 : i32
          %scan3A_182 = arith.constant 1 : i32
          %scan3A_183 = scf.for %scan3A_191 = %scan3A to %scan3A_181 step %scan3A_182 iter_args(%scan3A_192 = %broadcast_in_dim3A_179) -> (vector<16xi32>)  : i32 {
            %sub3A_193 = arith.constant 1 : i32
            %sub3A_194 = arith.subi %min3A_178, %sub3A_193 : i32
            %min3A_195 = arith.minsi %scan3A_191, %sub3A_194 : i32
            %add3A_196 = arith.addi %add3A_175, %min3A_195 : i32
            %sub3A_197 = arith.subi %add3A_196, %mul3A_2 : i32
            %get3A_198 = arith.index_cast %sub3A_197 : i32 to index
            %get3A_199 = tpu.vector_load %arg13[%get3A_198] {strides = array<i32>} : memref<1040xi32, #tpu.memory_space<vmem>>, vector<16xi32>,
            %slice3A_200 = vector.extract_strided_slice %get3A_199 {offsets = [0], sizes = [1], strides = [1]} : vector<16xi32> to vector<1xi32>
            %squeeze3A_201 = vector.extract %slice3A_200[0] : i32 from vector<1xi32>
            %shift_right_logical3A_202 = arith.constant 15 : i32
            %shift_right_logical3A_203 = arith.shrui %squeeze3A_201, %shift_right_logical3A_202 : i32
            %and3A_204 = arith.constant 32767 : i32
            %and3A_205 = arith.andi %squeeze3A_201, %and3A_204 : i32
            %sub3A_206 = arith.subi %shift_right_logical3A_203, %multiple_of3A : i32
            %broadcast_in_dim3A_207 = vector.broadcast %sub3A_206 : i32 to vector<16xi32>
            %add3A_208 = arith.constant 0 : i32
            %add3A_209 = vector.broadcast %add3A_208 : i32 to vector<16xi32>
            %add3A_210 = arith.addi %iota3A, %add3A_209 : vector<16xi32>
            %gather3A = tpu.vector_load_idx %arg15[%add3A_210, %broadcast_in_dim3A_207] : memref<96x128xf32, #tpu.memory_space<vmem>>[vector<16xi32>, vector<16xi32>], vector<16xf32>,
            %add3A_211 = arith.constant 16 : i32
            %add3A_212 = vector.broadcast %add3A_211 : i32 to vector<16xi32>
            %add3A_213 = arith.addi %iota3A, %add3A_212 : vector<16xi32>
            %gather3A_214 = tpu.vector_load_idx %arg15[%add3A_213, %broadcast_in_dim3A_207] : memref<96x128xf32, #tpu.memory_space<vmem>>[vector<16xi32>, vector<16xi32>], vector<16xf32>,
            %add3A_215 = arith.constant 32 : i32
            %add3A_216 = vector.broadcast %add3A_215 : i32 to vector<16xi32>
            %add3A_217 = arith.addi %iota3A, %add3A_216 : vector<16xi32>
            %gather3A_218 = tpu.vector_load_idx %arg15[%add3A_217, %broadcast_in_dim3A_207] : memref<96x128xf32, #tpu.memory_space<vmem>>[vector<16xi32>, vector<16xi32>], vector<16xf32>,
            %add3A_219 = arith.constant 48 : i32
            %add3A_220 = vector.broadcast %add3A_219 : i32 to vector<16xi32>
            %add3A_221 = arith.addi %iota3A, %add3A_220 : vector<16xi32>
            %gather3A_222 = tpu.vector_load_idx %arg15[%add3A_221, %broadcast_in_dim3A_207] : memref<96x128xf32, #tpu.memory_space<vmem>>[vector<16xi32>, vector<16xi32>], vector<16xf32>,
            %add3A_223 = arith.constant 64 : i32
            %add3A_224 = vector.broadcast %add3A_223 : i32 to vector<16xi32>
            %add3A_225 = arith.addi %iota3A, %add3A_224 : vector<16xi32>
            %gather3A_226 = tpu.vector_load_idx %arg15[%add3A_225, %broadcast_in_dim3A_207] : memref<96x128xf32, #tpu.memory_space<vmem>>[vector<16xi32>, vector<16xi32>], vector<16xf32>,
            %add3A_227 = arith.constant 80 : i32
            %add3A_228 = vector.broadcast %add3A_227 : i32 to vector<16xi32>
            %add3A_229 = arith.addi %iota3A, %add3A_228 : vector<16xi32>
            %gather3A_230 = tpu.vector_load_idx %arg15[%add3A_229, %broadcast_in_dim3A_207] : memref<96x128xf32, #tpu.memory_space<vmem>>[vector<16xi32>, vector<16xi32>], vector<16xf32>,
            %swap3A = arith.index_cast %scan3A_191 : i32 to index
            %swap3A_231 = arith.constant 0 : index
            %swap3A_232 = tpu.vector_load %arg23[%swap3A, %swap3A_231] {strides = array<i32>} : memref<16x1024xf32, #tpu.memory_space<vmem>>, vector<16xf32>,
            tpu.vector_store %arg23[%swap3A, %swap3A_231], %gather3A {strides = array<i32>} : memref<16x1024xf32, #tpu.memory_space<vmem>>, vector<16xf32>,
            %swap3A_233 = arith.index_cast %scan3A_191 : i32 to index
            %swap3A_234 = arith.constant 16 : index
            %swap3A_235 = tpu.vector_load %arg23[%swap3A_233, %swap3A_234] {strides = array<i32>} : memref<16x1024xf32, #tpu.memory_space<vmem>>, vector<16xf32>,
            tpu.vector_store %arg23[%swap3A_233, %swap3A_234], %gather3A_214 {strides = array<i32>} : memref<16x1024xf32, #tpu.memory_space<vmem>>, vector<16xf32>,
            %swap3A_236 = arith.index_cast %scan3A_191 : i32 to index
            %swap3A_237 = arith.constant 32 : index
            %swap3A_238 = tpu.vector_load %arg23[%swap3A_236, %swap3A_237] {strides = array<i32>} : memref<16x1024xf32, #tpu.memory_space<vmem>>, vector<16xf32>,
            tpu.vector_store %arg23[%swap3A_236, %swap3A_237], %gather3A_218 {strides = array<i32>} : memref<16x1024xf32, #tpu.memory_space<vmem>>, vector<16xf32>,
            %swap3A_239 = arith.index_cast %scan3A_191 : i32 to index
            %swap3A_240 = arith.constant 48 : index
            %swap3A_241 = tpu.vector_load %arg23[%swap3A_239, %swap3A_240] {strides = array<i32>} : memref<16x1024xf32, #tpu.memory_space<vmem>>, vector<16xf32>,
            tpu.vector_store %arg23[%swap3A_239, %swap3A_240], %gather3A_222 {strides = array<i32>} : memref<16x1024xf32, #tpu.memory_space<vmem>>, vector<16xf32>,
            %swap3A_242 = arith.index_cast %scan3A_191 : i32 to index
            %swap3A_243 = arith.constant 64 : index
            %swap3A_244 = tpu.vector_load %arg23[%swap3A_242, %swap3A_243] {strides = array<i32>} : memref<16x1024xf32, #tpu.memory_space<vmem>>, vector<16xf32>,
            tpu.vector_store %arg23[%swap3A_242, %swap3A_243], %gather3A_226 {strides = array<i32>} : memref<16x1024xf32, #tpu.memory_space<vmem>>, vector<16xf32>,
            %swap3A_245 = arith.index_cast %scan3A_191 : i32 to index
            %swap3A_246 = arith.constant 80 : index
            %swap3A_247 = tpu.vector_load %arg23[%swap3A_245, %swap3A_246] {strides = array<i32>} : memref<16x1024xf32, #tpu.memory_space<vmem>>, vector<16xf32>,
            tpu.vector_store %arg23[%swap3A_245, %swap3A_246], %gather3A_230 {strides = array<i32>} : memref<16x1024xf32, #tpu.memory_space<vmem>>, vector<16xf32>,
            %add3A_248 = arith.constant 0 : i32
            %add3A_249 = vector.broadcast %add3A_248 : i32 to vector<16xi32>
            %add3A_250 = arith.addi %iota3A, %add3A_249 : vector<16xi32>
            %gather3A_251 = tpu.vector_load_idx %arg16[%add3A_250, %broadcast_in_dim3A_207] : memref<96x128xf32, #tpu.memory_space<vmem>>[vector<16xi32>, vector<16xi32>], vector<16xf32>,
            %add3A_252 = arith.constant 16 : i32
            %add3A_253 = vector.broadcast %add3A_252 : i32 to vector<16xi32>
            %add3A_254 = arith.addi %iota3A, %add3A_253 : vector<16xi32>
            %gather3A_255 = tpu.vector_load_idx %arg16[%add3A_254, %broadcast_in_dim3A_207] : memref<96x128xf32, #tpu.memory_space<vmem>>[vector<16xi32>, vector<16xi32>], vector<16xf32>,
            %add3A_256 = arith.constant 32 : i32
            %add3A_257 = vector.broadcast %add3A_256 : i32 to vector<16xi32>
            %add3A_258 = arith.addi %iota3A, %add3A_257 : vector<16xi32>
            %gather3A_259 = tpu.vector_load_idx %arg16[%add3A_258, %broadcast_in_dim3A_207] : memref<96x128xf32, #tpu.memory_space<vmem>>[vector<16xi32>, vector<16xi32>], vector<16xf32>,
            %add3A_260 = arith.constant 48 : i32
            %add3A_261 = vector.broadcast %add3A_260 : i32 to vector<16xi32>
            %add3A_262 = arith.addi %iota3A, %add3A_261 : vector<16xi32>
            %gather3A_263 = tpu.vector_load_idx %arg16[%add3A_262, %broadcast_in_dim3A_207] : memref<96x128xf32, #tpu.memory_space<vmem>>[vector<16xi32>, vector<16xi32>], vector<16xf32>,
            %add3A_264 = arith.constant 64 : i32
            %add3A_265 = vector.broadcast %add3A_264 : i32 to vector<16xi32>
            %add3A_266 = arith.addi %iota3A, %add3A_265 : vector<16xi32>
            %gather3A_267 = tpu.vector_load_idx %arg16[%add3A_266, %broadcast_in_dim3A_207] : memref<96x128xf32, #tpu.memory_space<vmem>>[vector<16xi32>, vector<16xi32>], vector<16xf32>,
            %add3A_268 = arith.constant 80 : i32
            %add3A_269 = vector.broadcast %add3A_268 : i32 to vector<16xi32>
            %add3A_270 = arith.addi %iota3A, %add3A_269 : vector<16xi32>
            %gather3A_271 = tpu.vector_load_idx %arg16[%add3A_270, %broadcast_in_dim3A_207] : memref<96x128xf32, #tpu.memory_space<vmem>>[vector<16xi32>, vector<16xi32>], vector<16xf32>,
            %swap3A_272 = arith.index_cast %scan3A_191 : i32 to index
            %swap3A_273 = arith.constant 128 : index
            %swap3A_274 = tpu.vector_load %arg23[%swap3A_272, %swap3A_273] {strides = array<i32>} : memref<16x1024xf32, #tpu.memory_space<vmem>>, vector<16xf32>,
            tpu.vector_store %arg23[%swap3A_272, %swap3A_273], %gather3A_251 {strides = array<i32>} : memref<16x1024xf32, #tpu.memory_space<vmem>>, vector<16xf32>,
            %swap3A_275 = arith.index_cast %scan3A_191 : i32 to index
            %swap3A_276 = arith.constant 144 : index
            %swap3A_277 = tpu.vector_load %arg23[%swap3A_275, %swap3A_276] {strides = array<i32>} : memref<16x1024xf32, #tpu.memory_space<vmem>>, vector<16xf32>,
            tpu.vector_store %arg23[%swap3A_275, %swap3A_276], %gather3A_255 {strides = array<i32>} : memref<16x1024xf32, #tpu.memory_space<vmem>>, vector<16xf32>,
            %swap3A_278 = arith.index_cast %scan3A_191 : i32 to index
            %swap3A_279 = arith.constant 160 : index
            %swap3A_280 = tpu.vector_load %arg23[%swap3A_278, %swap3A_279] {strides = array<i32>} : memref<16x1024xf32, #tpu.memory_space<vmem>>, vector<16xf32>,
            tpu.vector_store %arg23[%swap3A_278, %swap3A_279], %gather3A_259 {strides = array<i32>} : memref<16x1024xf32, #tpu.memory_space<vmem>>, vector<16xf32>,
            %swap3A_281 = arith.index_cast %scan3A_191 : i32 to index
            %swap3A_282 = arith.constant 176 : index
            %swap3A_283 = tpu.vector_load %arg23[%swap3A_281, %swap3A_282] {strides = array<i32>} : memref<16x1024xf32, #tpu.memory_space<vmem>>, vector<16xf32>,
            tpu.vector_store %arg23[%swap3A_281, %swap3A_282], %gather3A_263 {strides = array<i32>} : memref<16x1024xf32, #tpu.memory_space<vmem>>, vector<16xf32>,
            %swap3A_284 = arith.index_cast %scan3A_191 : i32 to index
            %swap3A_285 = arith.constant 192 : index
            %swap3A_286 = tpu.vector_load %arg23[%swap3A_284, %swap3A_285] {strides = array<i32>} : memref<16x1024xf32, #tpu.memory_space<vmem>>, vector<16xf32>,
            tpu.vector_store %arg23[%swap3A_284, %swap3A_285], %gather3A_267 {strides = array<i32>} : memref<16x1024xf32, #tpu.memory_space<vmem>>, vector<16xf32>,
            %swap3A_287 = arith.index_cast %scan3A_191 : i32 to index
            %swap3A_288 = arith.constant 208 : index
            %swap3A_289 = tpu.vector_load %arg23[%swap3A_287, %swap3A_288] {strides = array<i32>} : memref<16x1024xf32, #tpu.memory_space<vmem>>, vector<16xf32>,
            tpu.vector_store %arg23[%swap3A_287, %swap3A_288], %gather3A_271 {strides = array<i32>} : memref<16x1024xf32, #tpu.memory_space<vmem>>, vector<16xf32>,
            %add3A_290 = arith.constant 0 : i32
            %add3A_291 = vector.broadcast %add3A_290 : i32 to vector<16xi32>
            %add3A_292 = arith.addi %iota3A, %add3A_291 : vector<16xi32>
            %gather3A_293 = tpu.vector_load_idx %arg17[%add3A_292, %broadcast_in_dim3A_207] : memref<96x128xf32, #tpu.memory_space<vmem>>[vector<16xi32>, vector<16xi32>], vector<16xf32>,
            %add3A_294 = arith.constant 16 : i32
            %add3A_295 = vector.broadcast %add3A_294 : i32 to vector<16xi32>
            %add3A_296 = arith.addi %iota3A, %add3A_295 : vector<16xi32>
            %gather3A_297 = tpu.vector_load_idx %arg17[%add3A_296, %broadcast_in_dim3A_207] : memref<96x128xf32, #tpu.memory_space<vmem>>[vector<16xi32>, vector<16xi32>], vector<16xf32>,
            %add3A_298 = arith.constant 32 : i32
            %add3A_299 = vector.broadcast %add3A_298 : i32 to vector<16xi32>
            %add3A_300 = arith.addi %iota3A, %add3A_299 : vector<16xi32>
            %gather3A_301 = tpu.vector_load_idx %arg17[%add3A_300, %broadcast_in_dim3A_207] : memref<96x128xf32, #tpu.memory_space<vmem>>[vector<16xi32>, vector<16xi32>], vector<16xf32>,
            %add3A_302 = arith.constant 48 : i32
            %add3A_303 = vector.broadcast %add3A_302 : i32 to vector<16xi32>
            %add3A_304 = arith.addi %iota3A, %add3A_303 : vector<16xi32>
            %gather3A_305 = tpu.vector_load_idx %arg17[%add3A_304, %broadcast_in_dim3A_207] : memref<96x128xf32, #tpu.memory_space<vmem>>[vector<16xi32>, vector<16xi32>], vector<16xf32>,
            %add3A_306 = arith.constant 64 : i32
            %add3A_307 = vector.broadcast %add3A_306 : i32 to vector<16xi32>
            %add3A_308 = arith.addi %iota3A, %add3A_307 : vector<16xi32>
            %gather3A_309 = tpu.vector_load_idx %arg17[%add3A_308, %broadcast_in_dim3A_207] : memref<96x128xf32, #tpu.memory_space<vmem>>[vector<16xi32>, vector<16xi32>], vector<16xf32>,
            %add3A_310 = arith.constant 80 : i32
            %add3A_311 = vector.broadcast %add3A_310 : i32 to vector<16xi32>
            %add3A_312 = arith.addi %iota3A, %add3A_311 : vector<16xi32>
            %gather3A_313 = tpu.vector_load_idx %arg17[%add3A_312, %broadcast_in_dim3A_207] : memref<96x128xf32, #tpu.memory_space<vmem>>[vector<16xi32>, vector<16xi32>], vector<16xf32>,
            %swap3A_314 = arith.index_cast %scan3A_191 : i32 to index
            %swap3A_315 = arith.constant 256 : index
            %swap3A_316 = tpu.vector_load %arg23[%swap3A_314, %swap3A_315] {strides = array<i32>} : memref<16x1024xf32, #tpu.memory_space<vmem>>, vector<16xf32>,
            tpu.vector_store %arg23[%swap3A_314, %swap3A_315], %gather3A_293 {strides = array<i32>} : memref<16x1024xf32, #tpu.memory_space<vmem>>, vector<16xf32>,
            %swap3A_317 = arith.index_cast %scan3A_191 : i32 to index
            %swap3A_318 = arith.constant 272 : index
            %swap3A_319 = tpu.vector_load %arg23[%swap3A_317, %swap3A_318] {strides = array<i32>} : memref<16x1024xf32, #tpu.memory_space<vmem>>, vector<16xf32>,
            tpu.vector_store %arg23[%swap3A_317, %swap3A_318], %gather3A_297 {strides = array<i32>} : memref<16x1024xf32, #tpu.memory_space<vmem>>, vector<16xf32>,
            %swap3A_320 = arith.index_cast %scan3A_191 : i32 to index
            %swap3A_321 = arith.constant 288 : index
            %swap3A_322 = tpu.vector_load %arg23[%swap3A_320, %swap3A_321] {strides = array<i32>} : memref<16x1024xf32, #tpu.memory_space<vmem>>, vector<16xf32>,
            tpu.vector_store %arg23[%swap3A_320, %swap3A_321], %gather3A_301 {strides = array<i32>} : memref<16x1024xf32, #tpu.memory_space<vmem>>, vector<16xf32>,
            %swap3A_323 = arith.index_cast %scan3A_191 : i32 to index
            %swap3A_324 = arith.constant 304 : index
            %swap3A_325 = tpu.vector_load %arg23[%swap3A_323, %swap3A_324] {strides = array<i32>} : memref<16x1024xf32, #tpu.memory_space<vmem>>, vector<16xf32>,
            tpu.vector_store %arg23[%swap3A_323, %swap3A_324], %gather3A_305 {strides = array<i32>} : memref<16x1024xf32, #tpu.memory_space<vmem>>, vector<16xf32>,
            %swap3A_326 = arith.index_cast %scan3A_191 : i32 to index
            %swap3A_327 = arith.constant 320 : index
            %swap3A_328 = tpu.vector_load %arg23[%swap3A_326, %swap3A_327] {strides = array<i32>} : memref<16x1024xf32, #tpu.memory_space<vmem>>, vector<16xf32>,
            tpu.vector_store %arg23[%swap3A_326, %swap3A_327], %gather3A_309 {strides = array<i32>} : memref<16x1024xf32, #tpu.memory_space<vmem>>, vector<16xf32>,
            %swap3A_329 = arith.index_cast %scan3A_191 : i32 to index
            %swap3A_330 = arith.constant 336 : index
            %swap3A_331 = tpu.vector_load %arg23[%swap3A_329, %swap3A_330] {strides = array<i32>} : memref<16x1024xf32, #tpu.memory_space<vmem>>, vector<16xf32>,
            tpu.vector_store %arg23[%swap3A_329, %swap3A_330], %gather3A_313 {strides = array<i32>} : memref<16x1024xf32, #tpu.memory_space<vmem>>, vector<16xf32>,
            %add3A_332 = arith.constant 0 : i32
            %add3A_333 = vector.broadcast %add3A_332 : i32 to vector<16xi32>
            %add3A_334 = arith.addi %iota3A, %add3A_333 : vector<16xi32>
            %gather3A_335 = tpu.vector_load_idx %arg18[%add3A_334, %broadcast_in_dim3A_207] : memref<96x128xf32, #tpu.memory_space<vmem>>[vector<16xi32>, vector<16xi32>], vector<16xf32>,
            %add3A_336 = arith.constant 16 : i32
            %add3A_337 = vector.broadcast %add3A_336 : i32 to vector<16xi32>
            %add3A_338 = arith.addi %iota3A, %add3A_337 : vector<16xi32>
            %gather3A_339 = tpu.vector_load_idx %arg18[%add3A_338, %broadcast_in_dim3A_207] : memref<96x128xf32, #tpu.memory_space<vmem>>[vector<16xi32>, vector<16xi32>], vector<16xf32>,
            %add3A_340 = arith.constant 32 : i32
            %add3A_341 = vector.broadcast %add3A_340 : i32 to vector<16xi32>
            %add3A_342 = arith.addi %iota3A, %add3A_341 : vector<16xi32>
            %gather3A_343 = tpu.vector_load_idx %arg18[%add3A_342, %broadcast_in_dim3A_207] : memref<96x128xf32, #tpu.memory_space<vmem>>[vector<16xi32>, vector<16xi32>], vector<16xf32>,
            %add3A_344 = arith.constant 48 : i32
            %add3A_345 = vector.broadcast %add3A_344 : i32 to vector<16xi32>
            %add3A_346 = arith.addi %iota3A, %add3A_345 : vector<16xi32>
            %gather3A_347 = tpu.vector_load_idx %arg18[%add3A_346, %broadcast_in_dim3A_207] : memref<96x128xf32, #tpu.memory_space<vmem>>[vector<16xi32>, vector<16xi32>], vector<16xf32>,
            %add3A_348 = arith.constant 64 : i32
            %add3A_349 = vector.broadcast %add3A_348 : i32 to vector<16xi32>
            %add3A_350 = arith.addi %iota3A, %add3A_349 : vector<16xi32>
            %gather3A_351 = tpu.vector_load_idx %arg18[%add3A_350, %broadcast_in_dim3A_207] : memref<96x128xf32, #tpu.memory_space<vmem>>[vector<16xi32>, vector<16xi32>], vector<16xf32>,
            %add3A_352 = arith.constant 80 : i32
            %add3A_353 = vector.broadcast %add3A_352 : i32 to vector<16xi32>
            %add3A_354 = arith.addi %iota3A, %add3A_353 : vector<16xi32>
            %gather3A_355 = tpu.vector_load_idx %arg18[%add3A_354, %broadcast_in_dim3A_207] : memref<96x128xf32, #tpu.memory_space<vmem>>[vector<16xi32>, vector<16xi32>], vector<16xf32>,
            %swap3A_356 = arith.index_cast %scan3A_191 : i32 to index
            %swap3A_357 = arith.constant 384 : index
            %swap3A_358 = tpu.vector_load %arg23[%swap3A_356, %swap3A_357] {strides = array<i32>} : memref<16x1024xf32, #tpu.memory_space<vmem>>, vector<16xf32>,
            tpu.vector_store %arg23[%swap3A_356, %swap3A_357], %gather3A_335 {strides = array<i32>} : memref<16x1024xf32, #tpu.memory_space<vmem>>, vector<16xf32>,
            %swap3A_359 = arith.index_cast %scan3A_191 : i32 to index
            %swap3A_360 = arith.constant 400 : index
            %swap3A_361 = tpu.vector_load %arg23[%swap3A_359, %swap3A_360] {strides = array<i32>} : memref<16x1024xf32, #tpu.memory_space<vmem>>, vector<16xf32>,
            tpu.vector_store %arg23[%swap3A_359, %swap3A_360], %gather3A_339 {strides = array<i32>} : memref<16x1024xf32, #tpu.memory_space<vmem>>, vector<16xf32>,
            %swap3A_362 = arith.index_cast %scan3A_191 : i32 to index
            %swap3A_363 = arith.constant 416 : index
            %swap3A_364 = tpu.vector_load %arg23[%swap3A_362, %swap3A_363] {strides = array<i32>} : memref<16x1024xf32, #tpu.memory_space<vmem>>, vector<16xf32>,
            tpu.vector_store %arg23[%swap3A_362, %swap3A_363], %gather3A_343 {strides = array<i32>} : memref<16x1024xf32, #tpu.memory_space<vmem>>, vector<16xf32>,
            %swap3A_365 = arith.index_cast %scan3A_191 : i32 to index
            %swap3A_366 = arith.constant 432 : index
            %swap3A_367 = tpu.vector_load %arg23[%swap3A_365, %swap3A_366] {strides = array<i32>} : memref<16x1024xf32, #tpu.memory_space<vmem>>, vector<16xf32>,
            tpu.vector_store %arg23[%swap3A_365, %swap3A_366], %gather3A_347 {strides = array<i32>} : memref<16x1024xf32, #tpu.memory_space<vmem>>, vector<16xf32>,
            %swap3A_368 = arith.index_cast %scan3A_191 : i32 to index
            %swap3A_369 = arith.constant 448 : index
            %swap3A_370 = tpu.vector_load %arg23[%swap3A_368, %swap3A_369] {strides = array<i32>} : memref<16x1024xf32, #tpu.memory_space<vmem>>, vector<16xf32>,
            tpu.vector_store %arg23[%swap3A_368, %swap3A_369], %gather3A_351 {strides = array<i32>} : memref<16x1024xf32, #tpu.memory_space<vmem>>, vector<16xf32>,
            %swap3A_371 = arith.index_cast %scan3A_191 : i32 to index
            %swap3A_372 = arith.constant 464 : index
            %swap3A_373 = tpu.vector_load %arg23[%swap3A_371, %swap3A_372] {strides = array<i32>} : memref<16x1024xf32, #tpu.memory_space<vmem>>, vector<16xf32>,
            tpu.vector_store %arg23[%swap3A_371, %swap3A_372], %gather3A_355 {strides = array<i32>} : memref<16x1024xf32, #tpu.memory_space<vmem>>, vector<16xf32>,
            %add3A_374 = arith.constant 0 : i32
            %add3A_375 = vector.broadcast %add3A_374 : i32 to vector<16xi32>
            %add3A_376 = arith.addi %iota3A, %add3A_375 : vector<16xi32>
            %gather3A_377 = tpu.vector_load_idx %arg19[%add3A_376, %broadcast_in_dim3A_207] : memref<96x128xf32, #tpu.memory_space<vmem>>[vector<16xi32>, vector<16xi32>], vector<16xf32>,
            %add3A_378 = arith.constant 16 : i32
            %add3A_379 = vector.broadcast %add3A_378 : i32 to vector<16xi32>
            %add3A_380 = arith.addi %iota3A, %add3A_379 : vector<16xi32>
            %gather3A_381 = tpu.vector_load_idx %arg19[%add3A_380, %broadcast_in_dim3A_207] : memref<96x128xf32, #tpu.memory_space<vmem>>[vector<16xi32>, vector<16xi32>], vector<16xf32>,
            %add3A_382 = arith.constant 32 : i32
            %add3A_383 = vector.broadcast %add3A_382 : i32 to vector<16xi32>
            %add3A_384 = arith.addi %iota3A, %add3A_383 : vector<16xi32>
            %gather3A_385 = tpu.vector_load_idx %arg19[%add3A_384, %broadcast_in_dim3A_207] : memref<96x128xf32, #tpu.memory_space<vmem>>[vector<16xi32>, vector<16xi32>], vector<16xf32>,
            %add3A_386 = arith.constant 48 : i32
            %add3A_387 = vector.broadcast %add3A_386 : i32 to vector<16xi32>
            %add3A_388 = arith.addi %iota3A, %add3A_387 : vector<16xi32>
            %gather3A_389 = tpu.vector_load_idx %arg19[%add3A_388, %broadcast_in_dim3A_207] : memref<96x128xf32, #tpu.memory_space<vmem>>[vector<16xi32>, vector<16xi32>], vector<16xf32>,
            %add3A_390 = arith.constant 64 : i32
            %add3A_391 = vector.broadcast %add3A_390 : i32 to vector<16xi32>
            %add3A_392 = arith.addi %iota3A, %add3A_391 : vector<16xi32>
            %gather3A_393 = tpu.vector_load_idx %arg19[%add3A_392, %broadcast_in_dim3A_207] : memref<96x128xf32, #tpu.memory_space<vmem>>[vector<16xi32>, vector<16xi32>], vector<16xf32>,
            %add3A_394 = arith.constant 80 : i32
            %add3A_395 = vector.broadcast %add3A_394 : i32 to vector<16xi32>
            %add3A_396 = arith.addi %iota3A, %add3A_395 : vector<16xi32>
            %gather3A_397 = tpu.vector_load_idx %arg19[%add3A_396, %broadcast_in_dim3A_207] : memref<96x128xf32, #tpu.memory_space<vmem>>[vector<16xi32>, vector<16xi32>], vector<16xf32>,
            %swap3A_398 = arith.index_cast %scan3A_191 : i32 to index
            %swap3A_399 = arith.constant 512 : index
            %swap3A_400 = tpu.vector_load %arg23[%swap3A_398, %swap3A_399] {strides = array<i32>} : memref<16x1024xf32, #tpu.memory_space<vmem>>, vector<16xf32>,
            tpu.vector_store %arg23[%swap3A_398, %swap3A_399], %gather3A_377 {strides = array<i32>} : memref<16x1024xf32, #tpu.memory_space<vmem>>, vector<16xf32>,
            %swap3A_401 = arith.index_cast %scan3A_191 : i32 to index
            %swap3A_402 = arith.constant 528 : index
            %swap3A_403 = tpu.vector_load %arg23[%swap3A_401, %swap3A_402] {strides = array<i32>} : memref<16x1024xf32, #tpu.memory_space<vmem>>, vector<16xf32>,
            tpu.vector_store %arg23[%swap3A_401, %swap3A_402], %gather3A_381 {strides = array<i32>} : memref<16x1024xf32, #tpu.memory_space<vmem>>, vector<16xf32>,
            %swap3A_404 = arith.index_cast %scan3A_191 : i32 to index
            %swap3A_405 = arith.constant 544 : index
            %swap3A_406 = tpu.vector_load %arg23[%swap3A_404, %swap3A_405] {strides = array<i32>} : memref<16x1024xf32, #tpu.memory_space<vmem>>, vector<16xf32>,
            tpu.vector_store %arg23[%swap3A_404, %swap3A_405], %gather3A_385 {strides = array<i32>} : memref<16x1024xf32, #tpu.memory_space<vmem>>, vector<16xf32>,
            %swap3A_407 = arith.index_cast %scan3A_191 : i32 to index
            %swap3A_408 = arith.constant 560 : index
            %swap3A_409 = tpu.vector_load %arg23[%swap3A_407, %swap3A_408] {strides = array<i32>} : memref<16x1024xf32, #tpu.memory_space<vmem>>, vector<16xf32>,
            tpu.vector_store %arg23[%swap3A_407, %swap3A_408], %gather3A_389 {strides = array<i32>} : memref<16x1024xf32, #tpu.memory_space<vmem>>, vector<16xf32>,
            %swap3A_410 = arith.index_cast %scan3A_191 : i32 to index
            %swap3A_411 = arith.constant 576 : index
            %swap3A_412 = tpu.vector_load %arg23[%swap3A_410, %swap3A_411] {strides = array<i32>} : memref<16x1024xf32, #tpu.memory_space<vmem>>, vector<16xf32>,
            tpu.vector_store %arg23[%swap3A_410, %swap3A_411], %gather3A_393 {strides = array<i32>} : memref<16x1024xf32, #tpu.memory_space<vmem>>, vector<16xf32>,
            %swap3A_413 = arith.index_cast %scan3A_191 : i32 to index
            %swap3A_414 = arith.constant 592 : index
            %swap3A_415 = tpu.vector_load %arg23[%swap3A_413, %swap3A_414] {strides = array<i32>} : memref<16x1024xf32, #tpu.memory_space<vmem>>, vector<16xf32>,
            tpu.vector_store %arg23[%swap3A_413, %swap3A_414], %gather3A_397 {strides = array<i32>} : memref<16x1024xf32, #tpu.memory_space<vmem>>, vector<16xf32>,
            %add3A_416 = arith.constant 0 : i32
            %add3A_417 = vector.broadcast %add3A_416 : i32 to vector<16xi32>
            %add3A_418 = arith.addi %iota3A, %add3A_417 : vector<16xi32>
            %gather3A_419 = tpu.vector_load_idx %arg20[%add3A_418, %broadcast_in_dim3A_207] : memref<96x128xf32, #tpu.memory_space<vmem>>[vector<16xi32>, vector<16xi32>], vector<16xf32>,
            %add3A_420 = arith.constant 16 : i32
            %add3A_421 = vector.broadcast %add3A_420 : i32 to vector<16xi32>
            %add3A_422 = arith.addi %iota3A, %add3A_421 : vector<16xi32>
            %gather3A_423 = tpu.vector_load_idx %arg20[%add3A_422, %broadcast_in_dim3A_207] : memref<96x128xf32, #tpu.memory_space<vmem>>[vector<16xi32>, vector<16xi32>], vector<16xf32>,
            %add3A_424 = arith.constant 32 : i32
            %add3A_425 = vector.broadcast %add3A_424 : i32 to vector<16xi32>
            %add3A_426 = arith.addi %iota3A, %add3A_425 : vector<16xi32>
            %gather3A_427 = tpu.vector_load_idx %arg20[%add3A_426, %broadcast_in_dim3A_207] : memref<96x128xf32, #tpu.memory_space<vmem>>[vector<16xi32>, vector<16xi32>], vector<16xf32>,
            %add3A_428 = arith.constant 48 : i32
            %add3A_429 = vector.broadcast %add3A_428 : i32 to vector<16xi32>
            %add3A_430 = arith.addi %iota3A, %add3A_429 : vector<16xi32>
            %gather3A_431 = tpu.vector_load_idx %arg20[%add3A_430, %broadcast_in_dim3A_207] : memref<96x128xf32, #tpu.memory_space<vmem>>[vector<16xi32>, vector<16xi32>], vector<16xf32>,
            %add3A_432 = arith.constant 64 : i32
            %add3A_433 = vector.broadcast %add3A_432 : i32 to vector<16xi32>
            %add3A_434 = arith.addi %iota3A, %add3A_433 : vector<16xi32>
            %gather3A_435 = tpu.vector_load_idx %arg20[%add3A_434, %broadcast_in_dim3A_207] : memref<96x128xf32, #tpu.memory_space<vmem>>[vector<16xi32>, vector<16xi32>], vector<16xf32>,
            %add3A_436 = arith.constant 80 : i32
            %add3A_437 = vector.broadcast %add3A_436 : i32 to vector<16xi32>
            %add3A_438 = arith.addi %iota3A, %add3A_437 : vector<16xi32>
            %gather3A_439 = tpu.vector_load_idx %arg20[%add3A_438, %broadcast_in_dim3A_207] : memref<96x128xf32, #tpu.memory_space<vmem>>[vector<16xi32>, vector<16xi32>], vector<16xf32>,
            %swap3A_440 = arith.index_cast %scan3A_191 : i32 to index
            %swap3A_441 = arith.constant 640 : index
            %swap3A_442 = tpu.vector_load %arg23[%swap3A_440, %swap3A_441] {strides = array<i32>} : memref<16x1024xf32, #tpu.memory_space<vmem>>, vector<16xf32>,
            tpu.vector_store %arg23[%swap3A_440, %swap3A_441], %gather3A_419 {strides = array<i32>} : memref<16x1024xf32, #tpu.memory_space<vmem>>, vector<16xf32>,
            %swap3A_443 = arith.index_cast %scan3A_191 : i32 to index
            %swap3A_444 = arith.constant 656 : index
            %swap3A_445 = tpu.vector_load %arg23[%swap3A_443, %swap3A_444] {strides = array<i32>} : memref<16x1024xf32, #tpu.memory_space<vmem>>, vector<16xf32>,
            tpu.vector_store %arg23[%swap3A_443, %swap3A_444], %gather3A_423 {strides = array<i32>} : memref<16x1024xf32, #tpu.memory_space<vmem>>, vector<16xf32>,
            %swap3A_446 = arith.index_cast %scan3A_191 : i32 to index
            %swap3A_447 = arith.constant 672 : index
            %swap3A_448 = tpu.vector_load %arg23[%swap3A_446, %swap3A_447] {strides = array<i32>} : memref<16x1024xf32, #tpu.memory_space<vmem>>, vector<16xf32>,
            tpu.vector_store %arg23[%swap3A_446, %swap3A_447], %gather3A_427 {strides = array<i32>} : memref<16x1024xf32, #tpu.memory_space<vmem>>, vector<16xf32>,
            %swap3A_449 = arith.index_cast %scan3A_191 : i32 to index
            %swap3A_450 = arith.constant 688 : index
            %swap3A_451 = tpu.vector_load %arg23[%swap3A_449, %swap3A_450] {strides = array<i32>} : memref<16x1024xf32, #tpu.memory_space<vmem>>, vector<16xf32>,
            tpu.vector_store %arg23[%swap3A_449, %swap3A_450], %gather3A_431 {strides = array<i32>} : memref<16x1024xf32, #tpu.memory_space<vmem>>, vector<16xf32>,
            %swap3A_452 = arith.index_cast %scan3A_191 : i32 to index
            %swap3A_453 = arith.constant 704 : index
            %swap3A_454 = tpu.vector_load %arg23[%swap3A_452, %swap3A_453] {strides = array<i32>} : memref<16x1024xf32, #tpu.memory_space<vmem>>, vector<16xf32>,
            tpu.vector_store %arg23[%swap3A_452, %swap3A_453], %gather3A_435 {strides = array<i32>} : memref<16x1024xf32, #tpu.memory_space<vmem>>, vector<16xf32>,
            %swap3A_455 = arith.index_cast %scan3A_191 : i32 to index
            %swap3A_456 = arith.constant 720 : index
            %swap3A_457 = tpu.vector_load %arg23[%swap3A_455, %swap3A_456] {strides = array<i32>} : memref<16x1024xf32, #tpu.memory_space<vmem>>, vector<16xf32>,
            tpu.vector_store %arg23[%swap3A_455, %swap3A_456], %gather3A_439 {strides = array<i32>} : memref<16x1024xf32, #tpu.memory_space<vmem>>, vector<16xf32>,
            %add3A_458 = arith.constant 0 : i32
            %add3A_459 = vector.broadcast %add3A_458 : i32 to vector<16xi32>
            %add3A_460 = arith.addi %iota3A, %add3A_459 : vector<16xi32>
            %gather3A_461 = tpu.vector_load_idx %arg21[%add3A_460, %broadcast_in_dim3A_207] : memref<96x128xf32, #tpu.memory_space<vmem>>[vector<16xi32>, vector<16xi32>], vector<16xf32>,
            %add3A_462 = arith.constant 16 : i32
            %add3A_463 = vector.broadcast %add3A_462 : i32 to vector<16xi32>
            %add3A_464 = arith.addi %iota3A, %add3A_463 : vector<16xi32>
            %gather3A_465 = tpu.vector_load_idx %arg21[%add3A_464, %broadcast_in_dim3A_207] : memref<96x128xf32, #tpu.memory_space<vmem>>[vector<16xi32>, vector<16xi32>], vector<16xf32>,
            %add3A_466 = arith.constant 32 : i32
            %add3A_467 = vector.broadcast %add3A_466 : i32 to vector<16xi32>
            %add3A_468 = arith.addi %iota3A, %add3A_467 : vector<16xi32>
            %gather3A_469 = tpu.vector_load_idx %arg21[%add3A_468, %broadcast_in_dim3A_207] : memref<96x128xf32, #tpu.memory_space<vmem>>[vector<16xi32>, vector<16xi32>], vector<16xf32>,
            %add3A_470 = arith.constant 48 : i32
            %add3A_471 = vector.broadcast %add3A_470 : i32 to vector<16xi32>
            %add3A_472 = arith.addi %iota3A, %add3A_471 : vector<16xi32>
            %gather3A_473 = tpu.vector_load_idx %arg21[%add3A_472, %broadcast_in_dim3A_207] : memref<96x128xf32, #tpu.memory_space<vmem>>[vector<16xi32>, vector<16xi32>], vector<16xf32>,
            %add3A_474 = arith.constant 64 : i32
            %add3A_475 = vector.broadcast %add3A_474 : i32 to vector<16xi32>
            %add3A_476 = arith.addi %iota3A, %add3A_475 : vector<16xi32>
            %gather3A_477 = tpu.vector_load_idx %arg21[%add3A_476, %broadcast_in_dim3A_207] : memref<96x128xf32, #tpu.memory_space<vmem>>[vector<16xi32>, vector<16xi32>], vector<16xf32>,
            %add3A_478 = arith.constant 80 : i32
            %add3A_479 = vector.broadcast %add3A_478 : i32 to vector<16xi32>
            %add3A_480 = arith.addi %iota3A, %add3A_479 : vector<16xi32>
            %gather3A_481 = tpu.vector_load_idx %arg21[%add3A_480, %broadcast_in_dim3A_207] : memref<96x128xf32, #tpu.memory_space<vmem>>[vector<16xi32>, vector<16xi32>], vector<16xf32>,
            %swap3A_482 = arith.index_cast %scan3A_191 : i32 to index
            %swap3A_483 = arith.constant 768 : index
            %swap3A_484 = tpu.vector_load %arg23[%swap3A_482, %swap3A_483] {strides = array<i32>} : memref<16x1024xf32, #tpu.memory_space<vmem>>, vector<16xf32>,
            tpu.vector_store %arg23[%swap3A_482, %swap3A_483], %gather3A_461 {strides = array<i32>} : memref<16x1024xf32, #tpu.memory_space<vmem>>, vector<16xf32>,
            %swap3A_485 = arith.index_cast %scan3A_191 : i32 to index
            %swap3A_486 = arith.constant 784 : index
            %swap3A_487 = tpu.vector_load %arg23[%swap3A_485, %swap3A_486] {strides = array<i32>} : memref<16x1024xf32, #tpu.memory_space<vmem>>, vector<16xf32>,
            tpu.vector_store %arg23[%swap3A_485, %swap3A_486], %gather3A_465 {strides = array<i32>} : memref<16x1024xf32, #tpu.memory_space<vmem>>, vector<16xf32>,
            %swap3A_488 = arith.index_cast %scan3A_191 : i32 to index
            %swap3A_489 = arith.constant 800 : index
            %swap3A_490 = tpu.vector_load %arg23[%swap3A_488, %swap3A_489] {strides = array<i32>} : memref<16x1024xf32, #tpu.memory_space<vmem>>, vector<16xf32>,
            tpu.vector_store %arg23[%swap3A_488, %swap3A_489], %gather3A_469 {strides = array<i32>} : memref<16x1024xf32, #tpu.memory_space<vmem>>, vector<16xf32>,
            %swap3A_491 = arith.index_cast %scan3A_191 : i32 to index
            %swap3A_492 = arith.constant 816 : index
            %swap3A_493 = tpu.vector_load %arg23[%swap3A_491, %swap3A_492] {strides = array<i32>} : memref<16x1024xf32, #tpu.memory_space<vmem>>, vector<16xf32>,
            tpu.vector_store %arg23[%swap3A_491, %swap3A_492], %gather3A_473 {strides = array<i32>} : memref<16x1024xf32, #tpu.memory_space<vmem>>, vector<16xf32>,
            %swap3A_494 = arith.index_cast %scan3A_191 : i32 to index
            %swap3A_495 = arith.constant 832 : index
            %swap3A_496 = tpu.vector_load %arg23[%swap3A_494, %swap3A_495] {strides = array<i32>} : memref<16x1024xf32, #tpu.memory_space<vmem>>, vector<16xf32>,
            tpu.vector_store %arg23[%swap3A_494, %swap3A_495], %gather3A_477 {strides = array<i32>} : memref<16x1024xf32, #tpu.memory_space<vmem>>, vector<16xf32>,
            %swap3A_497 = arith.index_cast %scan3A_191 : i32 to index
            %swap3A_498 = arith.constant 848 : index
            %swap3A_499 = tpu.vector_load %arg23[%swap3A_497, %swap3A_498] {strides = array<i32>} : memref<16x1024xf32, #tpu.memory_space<vmem>>, vector<16xf32>,
            tpu.vector_store %arg23[%swap3A_497, %swap3A_498], %gather3A_481 {strides = array<i32>} : memref<16x1024xf32, #tpu.memory_space<vmem>>, vector<16xf32>,
            %add3A_500 = arith.constant 0 : i32
            %add3A_501 = vector.broadcast %add3A_500 : i32 to vector<16xi32>
            %add3A_502 = arith.addi %iota3A, %add3A_501 : vector<16xi32>
            %gather3A_503 = tpu.vector_load_idx %arg22[%add3A_502, %broadcast_in_dim3A_207] : memref<96x128xf32, #tpu.memory_space<vmem>>[vector<16xi32>, vector<16xi32>], vector<16xf32>,
            %add3A_504 = arith.constant 16 : i32
            %add3A_505 = vector.broadcast %add3A_504 : i32 to vector<16xi32>
            %add3A_506 = arith.addi %iota3A, %add3A_505 : vector<16xi32>
            %gather3A_507 = tpu.vector_load_idx %arg22[%add3A_506, %broadcast_in_dim3A_207] : memref<96x128xf32, #tpu.memory_space<vmem>>[vector<16xi32>, vector<16xi32>], vector<16xf32>,
            %add3A_508 = arith.constant 32 : i32
            %add3A_509 = vector.broadcast %add3A_508 : i32 to vector<16xi32>
            %add3A_510 = arith.addi %iota3A, %add3A_509 : vector<16xi32>
            %gather3A_511 = tpu.vector_load_idx %arg22[%add3A_510, %broadcast_in_dim3A_207] : memref<96x128xf32, #tpu.memory_space<vmem>>[vector<16xi32>, vector<16xi32>], vector<16xf32>,
            %add3A_512 = arith.constant 48 : i32
            %add3A_513 = vector.broadcast %add3A_512 : i32 to vector<16xi32>
            %add3A_514 = arith.addi %iota3A, %add3A_513 : vector<16xi32>
            %gather3A_515 = tpu.vector_load_idx %arg22[%add3A_514, %broadcast_in_dim3A_207] : memref<96x128xf32, #tpu.memory_space<vmem>>[vector<16xi32>, vector<16xi32>], vector<16xf32>,
            %add3A_516 = arith.constant 64 : i32
            %add3A_517 = vector.broadcast %add3A_516 : i32 to vector<16xi32>
            %add3A_518 = arith.addi %iota3A, %add3A_517 : vector<16xi32>
            %gather3A_519 = tpu.vector_load_idx %arg22[%add3A_518, %broadcast_in_dim3A_207] : memref<96x128xf32, #tpu.memory_space<vmem>>[vector<16xi32>, vector<16xi32>], vector<16xf32>,
            %add3A_520 = arith.constant 80 : i32
            %add3A_521 = vector.broadcast %add3A_520 : i32 to vector<16xi32>
            %add3A_522 = arith.addi %iota3A, %add3A_521 : vector<16xi32>
            %gather3A_523 = tpu.vector_load_idx %arg22[%add3A_522, %broadcast_in_dim3A_207] : memref<96x128xf32, #tpu.memory_space<vmem>>[vector<16xi32>, vector<16xi32>], vector<16xf32>,
            %swap3A_524 = arith.index_cast %scan3A_191 : i32 to index
            %swap3A_525 = arith.constant 896 : index
            %swap3A_526 = tpu.vector_load %arg23[%swap3A_524, %swap3A_525] {strides = array<i32>} : memref<16x1024xf32, #tpu.memory_space<vmem>>, vector<16xf32>,
            tpu.vector_store %arg23[%swap3A_524, %swap3A_525], %gather3A_503 {strides = array<i32>} : memref<16x1024xf32, #tpu.memory_space<vmem>>, vector<16xf32>,
            %swap3A_527 = arith.index_cast %scan3A_191 : i32 to index
            %swap3A_528 = arith.constant 912 : index
            %swap3A_529 = tpu.vector_load %arg23[%swap3A_527, %swap3A_528] {strides = array<i32>} : memref<16x1024xf32, #tpu.memory_space<vmem>>, vector<16xf32>,
            tpu.vector_store %arg23[%swap3A_527, %swap3A_528], %gather3A_507 {strides = array<i32>} : memref<16x1024xf32, #tpu.memory_space<vmem>>, vector<16xf32>,
            %swap3A_530 = arith.index_cast %scan3A_191 : i32 to index
            %swap3A_531 = arith.constant 928 : index
            %swap3A_532 = tpu.vector_load %arg23[%swap3A_530, %swap3A_531] {strides = array<i32>} : memref<16x1024xf32, #tpu.memory_space<vmem>>, vector<16xf32>,
            tpu.vector_store %arg23[%swap3A_530, %swap3A_531], %gather3A_511 {strides = array<i32>} : memref<16x1024xf32, #tpu.memory_space<vmem>>, vector<16xf32>,
            %swap3A_533 = arith.index_cast %scan3A_191 : i32 to index
            %swap3A_534 = arith.constant 944 : index
            %swap3A_535 = tpu.vector_load %arg23[%swap3A_533, %swap3A_534] {strides = array<i32>} : memref<16x1024xf32, #tpu.memory_space<vmem>>, vector<16xf32>,
            tpu.vector_store %arg23[%swap3A_533, %swap3A_534], %gather3A_515 {strides = array<i32>} : memref<16x1024xf32, #tpu.memory_space<vmem>>, vector<16xf32>,
            %swap3A_536 = arith.index_cast %scan3A_191 : i32 to index
            %swap3A_537 = arith.constant 960 : index
            %swap3A_538 = tpu.vector_load %arg23[%swap3A_536, %swap3A_537] {strides = array<i32>} : memref<16x1024xf32, #tpu.memory_space<vmem>>, vector<16xf32>,
            tpu.vector_store %arg23[%swap3A_536, %swap3A_537], %gather3A_519 {strides = array<i32>} : memref<16x1024xf32, #tpu.memory_space<vmem>>, vector<16xf32>,
            %swap3A_539 = arith.index_cast %scan3A_191 : i32 to index
            %swap3A_540 = arith.constant 976 : index
            %swap3A_541 = tpu.vector_load %arg23[%swap3A_539, %swap3A_540] {strides = array<i32>} : memref<16x1024xf32, #tpu.memory_space<vmem>>, vector<16xf32>,
            tpu.vector_store %arg23[%swap3A_539, %swap3A_540], %gather3A_523 {strides = array<i32>} : memref<16x1024xf32, #tpu.memory_space<vmem>>, vector<16xf32>,
            %eq3A = vector.broadcast %scan3A_191 : i32 to vector<16xi32>
            %eq3A_542 = arith.cmpi eq, %iota3A, %eq3A : vector<16xi32>
            %broadcast_in_dim3A_543 = vector.broadcast %and3A_205 : i32 to vector<16xi32>
            %select_n3A_544 = arith.select %eq3A_542, %broadcast_in_dim3A_543, %scan3A_192 : vector<16xi1>, vector<16xi32>
            scf.yield %select_n3A_544 : vector<16xi32>
          }
          %scan3A_184 = arith.constant 16 : i32
          %dma_start3A_185 = arith.constant 0 : i32
          %dma_start3A_186 = arith.constant 0 : i32
          %dma_start3A_187 = tpu.memref_slice %arg12[%dma_start3A_185, %dma_start3A_186] : memref<32768x1024xf32, #tpu.memory_space<hbm>> -> memref<32768x1024xf32, #tpu.memory_space<hbm>>
          tpu.enqueue_indirect_dma source(%arg23 : memref<16x1024xf32, #tpu.memory_space<vmem>>) target(%dma_start3A_187 : memref<32768x1024xf32, #tpu.memory_space<hbm>>) offsets(%scan3A_183 : vector<16xi32>) semaphore(%arg24 : memref<!tpu.dma_semaphore, #tpu.memory_space<semaphore_mem>>)
          %dma_wait3A_188 = arith.constant 0 : i32
          %dma_wait3A_189 = arith.constant 0 : i32
          %dma_wait3A_190 = tpu.memref_slice %arg12[%dma_wait3A_188, %dma_wait3A_189] : memref<32768x1024xf32, #tpu.memory_space<hbm>> -> memref<32768x1024xf32, #tpu.memory_space<hbm>>
          tpu.wait_indirect_dma semaphore(%arg24 : memref<!tpu.dma_semaphore, #tpu.memory_space<semaphore_mem>>) src(%arg23 : memref<16x1024xf32, #tpu.memory_space<vmem>>) dst(%dma_wait3A_190 : memref<32768x1024xf32, #tpu.memory_space<hbm>>)
        }
      } else {
      }
    }
    %while3A_60 = arith.constant 1 : i32
    scf.for %while3A_61 = %while3A_58 to %while3A_54 step %while3A_60  : i32 {
      %get3A_62 = arith.index_cast %while3A_61 : i32 to index
      %get3A_63 = tpu.vector_load %arg14[%get3A_62] {strides = array<i32>} : memref<800xi32, #tpu.memory_space<vmem>>, vector<16xi32>,
      %slice3A_64 = vector.extract_strided_slice %get3A_63 {offsets = [0], sizes = [1], strides = [1]} : vector<16xi32> to vector<1xi32>
      %squeeze3A_65 = vector.extract %slice3A_64[0] : i32 from vector<1xi32>
      %max3A = arith.maxsi %squeeze3A_65, %mul3A_2 : i32
      %slice3A_66 = vector.extract_strided_slice %get3A_63 {offsets = [1], sizes = [1], strides = [1]} : vector<16xi32> to vector<1xi32>
      %squeeze3A_67 = vector.extract %slice3A_66[0] : i32 from vector<1xi32>
      %add3A_68 = arith.constant 1024 : i32
      %add3A_69 = arith.addi %mul3A_2, %add3A_68 : i32
      %min3A = arith.minsi %squeeze3A_67, %add3A_69 : i32
      %gt3A = arith.cmpi sgt, %min3A, %max3A : i32
      %convert_element_type3A = arith.extui %gt3A : i1 to i32
      %cond3A = arith.constant 0 : i32
      %cond3A_70 = arith.cmpi ne, %convert_element_type3A, %cond3A : i32
      scf.if %cond3A_70 {
        %mul3A_71 = arith.constant 128 : i32
        %mul3A_72 = arith.muli %while3A_61, %mul3A_71 : i32
        %multiple_of3A = tpu.assume_multiple %mul3A_72, 128 : i32
        %dma_start3A = arith.constant 0 : i32
        %dma_start3A_73 = tpu.memref_slice %arg4[%dma_start3A, %multiple_of3A] : memref<96x100000xf32, #tpu.memory_space<hbm>> -> memref<96x128xf32, #tpu.memory_space<hbm>>
        %dma_start3A_74 = arith.constant 0 : i32
        %dma_start3A_75 = tpu.memref_slice %arg4[%dma_start3A_74, %multiple_of3A] : memref<96x100000xf32, #tpu.memory_space<hbm>> -> memref<96x128xf32, #tpu.memory_space<hbm>>
        tpu.enqueue_dma source(%dma_start3A_75 : memref<96x128xf32, #tpu.memory_space<hbm>>) target(%arg15 : memref<96x128xf32, #tpu.memory_space<vmem>>) target_semaphore(%arg24 : memref<!tpu.dma_semaphore, #tpu.memory_space<semaphore_mem>>)
        %dma_start3A_76 = arith.constant 0 : i32
        %dma_start3A_77 = tpu.memref_slice %arg5[%dma_start3A_76, %multiple_of3A] : memref<96x100000xf32, #tpu.memory_space<hbm>> -> memref<96x128xf32, #tpu.memory_space<hbm>>
        %dma_start3A_78 = arith.constant 0 : i32
        %dma_start3A_79 = tpu.memref_slice %arg5[%dma_start3A_78, %multiple_of3A] : memref<96x100000xf32, #tpu.memory_space<hbm>> -> memref<96x128xf32, #tpu.memory_space<hbm>>
        tpu.enqueue_dma source(%dma_start3A_79 : memref<96x128xf32, #tpu.memory_space<hbm>>) target(%arg16 : memref<96x128xf32, #tpu.memory_space<vmem>>) target_semaphore(%arg24 : memref<!tpu.dma_semaphore, #tpu.memory_space<semaphore_mem>>)
        %dma_start3A_80 = arith.constant 0 : i32
        %dma_start3A_81 = tpu.memref_slice %arg6[%dma_start3A_80, %multiple_of3A] : memref<96x100000xf32, #tpu.memory_space<hbm>> -> memref<96x128xf32, #tpu.memory_space<hbm>>
        %dma_start3A_82 = arith.constant 0 : i32
        %dma_start3A_83 = tpu.memref_slice %arg6[%dma_start3A_82, %multiple_of3A] : memref<96x100000xf32, #tpu.memory_space<hbm>> -> memref<96x128xf32, #tpu.memory_space<hbm>>
        tpu.enqueue_dma source(%dma_start3A_83 : memref<96x128xf32, #tpu.memory_space<hbm>>) target(%arg17 : memref<96x128xf32, #tpu.memory_space<vmem>>) target_semaphore(%arg24 : memref<!tpu.dma_semaphore, #tpu.memory_space<semaphore_mem>>)
        %dma_start3A_84 = arith.constant 0 : i32
        %dma_start3A_85 = tpu.memref_slice %arg7[%dma_start3A_84, %multiple_of3A] : memref<96x100000xf32, #tpu.memory_space<hbm>> -> memref<96x128xf32, #tpu.memory_space<hbm>>
        %dma_start3A_86 = arith.constant 0 : i32
        %dma_start3A_87 = tpu.memref_slice %arg7[%dma_start3A_86, %multiple_of3A] : memref<96x100000xf32, #tpu.memory_space<hbm>> -> memref<96x128xf32, #tpu.memory_space<hbm>>
        tpu.enqueue_dma source(%dma_start3A_87 : memref<96x128xf32, #tpu.memory_space<hbm>>) target(%arg18 : memref<96x128xf32, #tpu.memory_space<vmem>>) target_semaphore(%arg24 : memref<!tpu.dma_semaphore, #tpu.memory_space<semaphore_mem>>)
        %dma_start3A_88 = arith.constant 0 : i32
        %dma_start3A_89 = tpu.memref_slice %arg8[%dma_start3A_88, %multiple_of3A] : memref<96x100000xf32, #tpu.memory_space<hbm>> -> memref<96x128xf32, #tpu.memory_space<hbm>>
        %dma_start3A_90 = arith.constant 0 : i32
        %dma_start3A_91 = tpu.memref_slice %arg8[%dma_start3A_90, %multiple_of3A] : memref<96x100000xf32, #tpu.memory_space<hbm>> -> memref<96x128xf32, #tpu.memory_space<hbm>>
        tpu.enqueue_dma source(%dma_start3A_91 : memref<96x128xf32, #tpu.memory_space<hbm>>) target(%arg19 : memref<96x128xf32, #tpu.memory_space<vmem>>) target_semaphore(%arg24 : memref<!tpu.dma_semaphore, #tpu.memory_space<semaphore_mem>>)
        %dma_start3A_92 = arith.constant 0 : i32
        %dma_start3A_93 = tpu.memref_slice %arg9[%dma_start3A_92, %multiple_of3A] : memref<96x100000xf32, #tpu.memory_space<hbm>> -> memref<96x128xf32, #tpu.memory_space<hbm>>
        %dma_start3A_94 = arith.constant 0 : i32
        %dma_start3A_95 = tpu.memref_slice %arg9[%dma_start3A_94, %multiple_of3A] : memref<96x100000xf32, #tpu.memory_space<hbm>> -> memref<96x128xf32, #tpu.memory_space<hbm>>
        tpu.enqueue_dma source(%dma_start3A_95 : memref<96x128xf32, #tpu.memory_space<hbm>>) target(%arg20 : memref<96x128xf32, #tpu.memory_space<vmem>>) target_semaphore(%arg24 : memref<!tpu.dma_semaphore, #tpu.memory_space<semaphore_mem>>)
        %dma_start3A_96 = arith.constant 0 : i32
        %dma_start3A_97 = tpu.memref_slice %arg10[%dma_start3A_96, %multiple_of3A] : memref<96x100000xf32, #tpu.memory_space<hbm>> -> memref<96x128xf32, #tpu.memory_space<hbm>>
        %dma_start3A_98 = arith.constant 0 : i32
        %dma_start3A_99 = tpu.memref_slice %arg10[%dma_start3A_98, %multiple_of3A] : memref<96x100000xf32, #tpu.memory_space<hbm>> -> memref<96x128xf32, #tpu.memory_space<hbm>>
        tpu.enqueue_dma source(%dma_start3A_99 : memref<96x128xf32, #tpu.memory_space<hbm>>) target(%arg21 : memref<96x128xf32, #tpu.memory_space<vmem>>) target_semaphore(%arg24 : memref<!tpu.dma_semaphore, #tpu.memory_space<semaphore_mem>>)
        %dma_start3A_100 = arith.constant 0 : i32
        %dma_start3A_101 = tpu.memref_slice %arg11[%dma_start3A_100, %multiple_of3A] : memref<96x100000xf32, #tpu.memory_space<hbm>> -> memref<96x128xf32, #tpu.memory_space<hbm>>
        %dma_start3A_102 = arith.constant 0 : i32
        %dma_start3A_103 = tpu.memref_slice %arg11[%dma_start3A_102, %multiple_of3A] : memref<96x100000xf32, #tpu.memory_space<hbm>> -> memref<96x128xf32, #tpu.memory_space<hbm>>
        tpu.enqueue_dma source(%dma_start3A_103 : memref<96x128xf32, #tpu.memory_space<hbm>>) target(%arg22 : memref<96x128xf32, #tpu.memory_space<vmem>>) target_semaphore(%arg24 : memref<!tpu.dma_semaphore, #tpu.memory_space<semaphore_mem>>)
        %dma_wait3A = arith.constant 0 : i32
        %dma_wait3A_104 = tpu.memref_slice %arg4[%dma_wait3A, %multiple_of3A] : memref<96x100000xf32, #tpu.memory_space<hbm>> -> memref<96x128xf32, #tpu.memory_space<hbm>>
        %dma_wait3A_105 = arith.constant 0 : i32
        %dma_wait3A_106 = tpu.memref_slice %arg4[%dma_wait3A_105, %multiple_of3A] : memref<96x100000xf32, #tpu.memory_space<hbm>> -> memref<96x128xf32, #tpu.memory_space<hbm>>
        tpu.wait_dma2 semaphore(%arg24 : memref<!tpu.dma_semaphore, #tpu.memory_space<semaphore_mem>>) src(%dma_wait3A_106 : memref<96x128xf32, #tpu.memory_space<hbm>>) dst(%arg15 : memref<96x128xf32, #tpu.memory_space<vmem>>)
        %dma_wait3A_107 = arith.constant 0 : i32
        %dma_wait3A_108 = tpu.memref_slice %arg5[%dma_wait3A_107, %multiple_of3A] : memref<96x100000xf32, #tpu.memory_space<hbm>> -> memref<96x128xf32, #tpu.memory_space<hbm>>
        %dma_wait3A_109 = arith.constant 0 : i32
        %dma_wait3A_110 = tpu.memref_slice %arg5[%dma_wait3A_109, %multiple_of3A] : memref<96x100000xf32, #tpu.memory_space<hbm>> -> memref<96x128xf32, #tpu.memory_space<hbm>>
        tpu.wait_dma2 semaphore(%arg24 : memref<!tpu.dma_semaphore, #tpu.memory_space<semaphore_mem>>) src(%dma_wait3A_110 : memref<96x128xf32, #tpu.memory_space<hbm>>) dst(%arg16 : memref<96x128xf32, #tpu.memory_space<vmem>>)
        %dma_wait3A_111 = arith.constant 0 : i32
        %dma_wait3A_112 = tpu.memref_slice %arg6[%dma_wait3A_111, %multiple_of3A] : memref<96x100000xf32, #tpu.memory_space<hbm>> -> memref<96x128xf32, #tpu.memory_space<hbm>>
        %dma_wait3A_113 = arith.constant 0 : i32
        %dma_wait3A_114 = tpu.memref_slice %arg6[%dma_wait3A_113, %multiple_of3A] : memref<96x100000xf32, #tpu.memory_space<hbm>> -> memref<96x128xf32, #tpu.memory_space<hbm>>
        tpu.wait_dma2 semaphore(%arg24 : memref<!tpu.dma_semaphore, #tpu.memory_space<semaphore_mem>>) src(%dma_wait3A_114 : memref<96x128xf32, #tpu.memory_space<hbm>>) dst(%arg17 : memref<96x128xf32, #tpu.memory_space<vmem>>)
        %dma_wait3A_115 = arith.constant 0 : i32
        %dma_wait3A_116 = tpu.memref_slice %arg7[%dma_wait3A_115, %multiple_of3A] : memref<96x100000xf32, #tpu.memory_space<hbm>> -> memref<96x128xf32, #tpu.memory_space<hbm>>
        %dma_wait3A_117 = arith.constant 0 : i32
        %dma_wait3A_118 = tpu.memref_slice %arg7[%dma_wait3A_117, %multiple_of3A] : memref<96x100000xf32, #tpu.memory_space<hbm>> -> memref<96x128xf32, #tpu.memory_space<hbm>>
        tpu.wait_dma2 semaphore(%arg24 : memref<!tpu.dma_semaphore, #tpu.memory_space<semaphore_mem>>) src(%dma_wait3A_118 : memref<96x128xf32, #tpu.memory_space<hbm>>) dst(%arg18 : memref<96x128xf32, #tpu.memory_space<vmem>>)
        %dma_wait3A_119 = arith.constant 0 : i32
        %dma_wait3A_120 = tpu.memref_slice %arg8[%dma_wait3A_119, %multiple_of3A] : memref<96x100000xf32, #tpu.memory_space<hbm>> -> memref<96x128xf32, #tpu.memory_space<hbm>>
        %dma_wait3A_121 = arith.constant 0 : i32
        %dma_wait3A_122 = tpu.memref_slice %arg8[%dma_wait3A_121, %multiple_of3A] : memref<96x100000xf32, #tpu.memory_space<hbm>> -> memref<96x128xf32, #tpu.memory_space<hbm>>
        tpu.wait_dma2 semaphore(%arg24 : memref<!tpu.dma_semaphore, #tpu.memory_space<semaphore_mem>>) src(%dma_wait3A_122 : memref<96x128xf32, #tpu.memory_space<hbm>>) dst(%arg19 : memref<96x128xf32, #tpu.memory_space<vmem>>)
        %dma_wait3A_123 = arith.constant 0 : i32
        %dma_wait3A_124 = tpu.memref_slice %arg9[%dma_wait3A_123, %multiple_of3A] : memref<96x100000xf32, #tpu.memory_space<hbm>> -> memref<96x128xf32, #tpu.memory_space<hbm>>
        %dma_wait3A_125 = arith.constant 0 : i32
        %dma_wait3A_126 = tpu.memref_slice %arg9[%dma_wait3A_125, %multiple_of3A] : memref<96x100000xf32, #tpu.memory_space<hbm>> -> memref<96x128xf32, #tpu.memory_space<hbm>>
        tpu.wait_dma2 semaphore(%arg24 : memref<!tpu.dma_semaphore, #tpu.memory_space<semaphore_mem>>) src(%dma_wait3A_126 : memref<96x128xf32, #tpu.memory_space<hbm>>) dst(%arg20 : memref<96x128xf32, #tpu.memory_space<vmem>>)
        %dma_wait3A_127 = arith.constant 0 : i32
        %dma_wait3A_128 = tpu.memref_slice %arg10[%dma_wait3A_127, %multiple_of3A] : memref<96x100000xf32, #tpu.memory_space<hbm>> -> memref<96x128xf32, #tpu.memory_space<hbm>>
        %dma_wait3A_129 = arith.constant 0 : i32
        %dma_wait3A_130 = tpu.memref_slice %arg10[%dma_wait3A_129, %multiple_of3A] : memref<96x100000xf32, #tpu.memory_space<hbm>> -> memref<96x128xf32, #tpu.memory_space<hbm>>
        tpu.wait_dma2 semaphore(%arg24 : memref<!tpu.dma_semaphore, #tpu.memory_space<semaphore_mem>>) src(%dma_wait3A_130 : memref<96x128xf32, #tpu.memory_space<hbm>>) dst(%arg21 : memref<96x128xf32, #tpu.memory_space<vmem>>)
        %dma_wait3A_131 = arith.constant 0 : i32
        %dma_wait3A_132 = tpu.memref_slice %arg11[%dma_wait3A_131, %multiple_of3A] : memref<96x100000xf32, #tpu.memory_space<hbm>> -> memref<96x128xf32, #tpu.memory_space<hbm>>
        %dma_wait3A_133 = arith.constant 0 : i32
        %dma_wait3A_134 = tpu.memref_slice %arg11[%dma_wait3A_133, %multiple_of3A] : memref<96x100000xf32, #tpu.memory_space<hbm>> -> memref<96x128xf32, #tpu.memory_space<hbm>>
        tpu.wait_dma2 semaphore(%arg24 : memref<!tpu.dma_semaphore, #tpu.memory_space<semaphore_mem>>) src(%dma_wait3A_134 : memref<96x128xf32, #tpu.memory_space<hbm>>) dst(%arg22 : memref<96x128xf32, #tpu.memory_space<vmem>>)
        %sub3A_135 = arith.subi %min3A, %max3A : i32
        %add3A_136 = arith.constant 15 : i32
        %add3A_137 = arith.addi %sub3A_135, %add3A_136 : i32
        %jit3A_138 = arith.constant 16 : i32
        %div3A_139 = arith.divsi %add3A_137, %jit3A_138 : i32
        %sign3A_140 = arith.constant 0 : i32
        %sign3A_141 = arith.cmpi sgt, %add3A_137, %sign3A_140 : i32
        %sign3A_142 = arith.extui %sign3A_141 : i1 to i32
        %sign3A_143 = arith.constant 0 : i32
        %sign3A_144 = arith.cmpi slt, %add3A_137, %sign3A_143 : i32
        %sign3A_145 = arith.extui %sign3A_144 : i1 to i32
        %sign3A_146 = arith.subi %sign3A_142, %sign3A_145 : i32
        %sign3A_147 = arith.constant 0 : i32
        %sign3A_148 = arith.cmpi sgt, %jit3A_138, %sign3A_147 : i32
        %sign3A_149 = arith.extui %sign3A_148 : i1 to i32
        %sign3A_150 = arith.constant 0 : i32
        %sign3A_151 = arith.cmpi slt, %jit3A_138, %sign3A_150 : i32
        %sign3A_152 = arith.extui %sign3A_151 : i1 to i32
        %sign3A_153 = arith.subi %sign3A_149, %sign3A_152 : i32
        %ne3A_154 = arith.cmpi ne, %sign3A_146, %sign3A_153 : i32
        %rem3A_155 = arith.remsi %add3A_137, %jit3A_138 : i32
        %ne3A_156 = arith.constant 0 : i32
        %ne3A_157 = arith.cmpi ne, %rem3A_155, %ne3A_156 : i32
        %and3A_158 = arith.andi %ne3A_154, %ne3A_157 : i1
        %sub3A_159 = arith.constant 1 : i32
        %sub3A_160 = arith.subi %div3A_139, %sub3A_159 : i32
        %select_n3A_161 = arith.select %and3A_158, %sub3A_160, %div3A_139 : i32
        %while3A_162 = arith.constant 0 : i32
        %while3A_163 = arith.constant 0 : i32
        %while3A_164 = arith.subi %select_n3A_161, %while3A_163 : i32
        %while3A_165 = arith.addi %while3A_163, %while3A_164 : i32
        %while3A_166 = arith.constant 1 : i32
        %while3A_167 = arith.divsi %while3A_164, %while3A_166 : i32
        %while3A_168 = arith.muli %while3A_167, %while3A_166 : i32
        %while3A_169 = arith.addi %while3A_163, %while3A_168 : i32
        %while3A_170 = arith.constant 1 : i32
        scf.for %while3A_172 = %while3A_163 to %while3A_169 step %while3A_170  : i32 {
          %mul3A_173 = arith.constant 16 : i32
          %mul3A_174 = arith.muli %while3A_172, %mul3A_173 : i32
          %add3A_175 = arith.addi %max3A, %mul3A_174 : i32
          %sub3A_176 = arith.subi %min3A, %add3A_175 : i32
          %min3A_177 = arith.constant 16 : i32
          %min3A_178 = arith.minsi %sub3A_176, %min3A_177 : i32
          %broadcast_in_dim3A = arith.constant 0 : i32
          %broadcast_in_dim3A_179 = vector.broadcast %broadcast_in_dim3A : i32 to vector<16xi32>
          %scan3A = arith.constant 0 : i32
          %scan3A_180 = arith.constant 16 : i32
          %scan3A_181 = arith.addi %scan3A, %scan3A_180 : i32
          %scan3A_182 = arith.constant 1 : i32
          %scan3A_183 = scf.for %scan3A_191 = %scan3A to %scan3A_181 step %scan3A_182 iter_args(%scan3A_192 = %broadcast_in_dim3A_179) -> (vector<16xi32>)  : i32 {
            %sub3A_193 = arith.constant 1 : i32
            %sub3A_194 = arith.subi %min3A_178, %sub3A_193 : i32
            %min3A_195 = arith.minsi %scan3A_191, %sub3A_194 : i32
            %add3A_196 = arith.addi %add3A_175, %min3A_195 : i32
            %sub3A_197 = arith.subi %add3A_196, %mul3A_2 : i32
            %get3A_198 = arith.index_cast %sub3A_197 : i32 to index
            %get3A_199 = tpu.vector_load %arg13[%get3A_198] {strides = array<i32>} : memref<1040xi32, #tpu.memory_space<vmem>>, vector<16xi32>,
            %slice3A_200 = vector.extract_strided_slice %get3A_199 {offsets = [0], sizes = [1], strides = [1]} : vector<16xi32> to vector<1xi32>
            %squeeze3A_201 = vector.extract %slice3A_200[0] : i32 from vector<1xi32>
            %shift_right_logical3A_202 = arith.constant 15 : i32
            %shift_right_logical3A_203 = arith.shrui %squeeze3A_201, %shift_right_logical3A_202 : i32
            %and3A_204 = arith.constant 32767 : i32
            %and3A_205 = arith.andi %squeeze3A_201, %and3A_204 : i32
            %sub3A_206 = arith.subi %shift_right_logical3A_203, %multiple_of3A : i32
            %broadcast_in_dim3A_207 = vector.broadcast %sub3A_206 : i32 to vector<16xi32>
            %add3A_208 = arith.constant 0 : i32
            %add3A_209 = vector.broadcast %add3A_208 : i32 to vector<16xi32>
            %add3A_210 = arith.addi %iota3A, %add3A_209 : vector<16xi32>
            %gather3A = tpu.vector_load_idx %arg15[%add3A_210, %broadcast_in_dim3A_207] : memref<96x128xf32, #tpu.memory_space<vmem>>[vector<16xi32>, vector<16xi32>], vector<16xf32>,
            %add3A_211 = arith.constant 16 : i32
            %add3A_212 = vector.broadcast %add3A_211 : i32 to vector<16xi32>
            %add3A_213 = arith.addi %iota3A, %add3A_212 : vector<16xi32>
            %gather3A_214 = tpu.vector_load_idx %arg15[%add3A_213, %broadcast_in_dim3A_207] : memref<96x128xf32, #tpu.memory_space<vmem>>[vector<16xi32>, vector<16xi32>], vector<16xf32>,
            %add3A_215 = arith.constant 32 : i32
            %add3A_216 = vector.broadcast %add3A_215 : i32 to vector<16xi32>
            %add3A_217 = arith.addi %iota3A, %add3A_216 : vector<16xi32>
            %gather3A_218 = tpu.vector_load_idx %arg15[%add3A_217, %broadcast_in_dim3A_207] : memref<96x128xf32, #tpu.memory_space<vmem>>[vector<16xi32>, vector<16xi32>], vector<16xf32>,
            %add3A_219 = arith.constant 48 : i32
            %add3A_220 = vector.broadcast %add3A_219 : i32 to vector<16xi32>
            %add3A_221 = arith.addi %iota3A, %add3A_220 : vector<16xi32>
            %gather3A_222 = tpu.vector_load_idx %arg15[%add3A_221, %broadcast_in_dim3A_207] : memref<96x128xf32, #tpu.memory_space<vmem>>[vector<16xi32>, vector<16xi32>], vector<16xf32>,
            %add3A_223 = arith.constant 64 : i32
            %add3A_224 = vector.broadcast %add3A_223 : i32 to vector<16xi32>
            %add3A_225 = arith.addi %iota3A, %add3A_224 : vector<16xi32>
            %gather3A_226 = tpu.vector_load_idx %arg15[%add3A_225, %broadcast_in_dim3A_207] : memref<96x128xf32, #tpu.memory_space<vmem>>[vector<16xi32>, vector<16xi32>], vector<16xf32>,
            %add3A_227 = arith.constant 80 : i32
            %add3A_228 = vector.broadcast %add3A_227 : i32 to vector<16xi32>
            %add3A_229 = arith.addi %iota3A, %add3A_228 : vector<16xi32>
            %gather3A_230 = tpu.vector_load_idx %arg15[%add3A_229, %broadcast_in_dim3A_207] : memref<96x128xf32, #tpu.memory_space<vmem>>[vector<16xi32>, vector<16xi32>], vector<16xf32>,
            %swap3A = arith.index_cast %scan3A_191 : i32 to index
            %swap3A_231 = arith.constant 0 : index
            %swap3A_232 = tpu.vector_load %arg23[%swap3A, %swap3A_231] {strides = array<i32>} : memref<16x1024xf32, #tpu.memory_space<vmem>>, vector<16xf32>,
            tpu.vector_store %arg23[%swap3A, %swap3A_231], %gather3A {strides = array<i32>} : memref<16x1024xf32, #tpu.memory_space<vmem>>, vector<16xf32>,
            %swap3A_233 = arith.index_cast %scan3A_191 : i32 to index
            %swap3A_234 = arith.constant 16 : index
            %swap3A_235 = tpu.vector_load %arg23[%swap3A_233, %swap3A_234] {strides = array<i32>} : memref<16x1024xf32, #tpu.memory_space<vmem>>, vector<16xf32>,
            tpu.vector_store %arg23[%swap3A_233, %swap3A_234], %gather3A_214 {strides = array<i32>} : memref<16x1024xf32, #tpu.memory_space<vmem>>, vector<16xf32>,
            %swap3A_236 = arith.index_cast %scan3A_191 : i32 to index
            %swap3A_237 = arith.constant 32 : index
            %swap3A_238 = tpu.vector_load %arg23[%swap3A_236, %swap3A_237] {strides = array<i32>} : memref<16x1024xf32, #tpu.memory_space<vmem>>, vector<16xf32>,
            tpu.vector_store %arg23[%swap3A_236, %swap3A_237], %gather3A_218 {strides = array<i32>} : memref<16x1024xf32, #tpu.memory_space<vmem>>, vector<16xf32>,
            %swap3A_239 = arith.index_cast %scan3A_191 : i32 to index
            %swap3A_240 = arith.constant 48 : index
            %swap3A_241 = tpu.vector_load %arg23[%swap3A_239, %swap3A_240] {strides = array<i32>} : memref<16x1024xf32, #tpu.memory_space<vmem>>, vector<16xf32>,
            tpu.vector_store %arg23[%swap3A_239, %swap3A_240], %gather3A_222 {strides = array<i32>} : memref<16x1024xf32, #tpu.memory_space<vmem>>, vector<16xf32>,
            %swap3A_242 = arith.index_cast %scan3A_191 : i32 to index
            %swap3A_243 = arith.constant 64 : index
            %swap3A_244 = tpu.vector_load %arg23[%swap3A_242, %swap3A_243] {strides = array<i32>} : memref<16x1024xf32, #tpu.memory_space<vmem>>, vector<16xf32>,
            tpu.vector_store %arg23[%swap3A_242, %swap3A_243], %gather3A_226 {strides = array<i32>} : memref<16x1024xf32, #tpu.memory_space<vmem>>, vector<16xf32>,
            %swap3A_245 = arith.index_cast %scan3A_191 : i32 to index
            %swap3A_246 = arith.constant 80 : index
            %swap3A_247 = tpu.vector_load %arg23[%swap3A_245, %swap3A_246] {strides = array<i32>} : memref<16x1024xf32, #tpu.memory_space<vmem>>, vector<16xf32>,
            tpu.vector_store %arg23[%swap3A_245, %swap3A_246], %gather3A_230 {strides = array<i32>} : memref<16x1024xf32, #tpu.memory_space<vmem>>, vector<16xf32>,
            %add3A_248 = arith.constant 0 : i32
            %add3A_249 = vector.broadcast %add3A_248 : i32 to vector<16xi32>
            %add3A_250 = arith.addi %iota3A, %add3A_249 : vector<16xi32>
            %gather3A_251 = tpu.vector_load_idx %arg16[%add3A_250, %broadcast_in_dim3A_207] : memref<96x128xf32, #tpu.memory_space<vmem>>[vector<16xi32>, vector<16xi32>], vector<16xf32>,
            %add3A_252 = arith.constant 16 : i32
            %add3A_253 = vector.broadcast %add3A_252 : i32 to vector<16xi32>
            %add3A_254 = arith.addi %iota3A, %add3A_253 : vector<16xi32>
            %gather3A_255 = tpu.vector_load_idx %arg16[%add3A_254, %broadcast_in_dim3A_207] : memref<96x128xf32, #tpu.memory_space<vmem>>[vector<16xi32>, vector<16xi32>], vector<16xf32>,
            %add3A_256 = arith.constant 32 : i32
            %add3A_257 = vector.broadcast %add3A_256 : i32 to vector<16xi32>
            %add3A_258 = arith.addi %iota3A, %add3A_257 : vector<16xi32>
            %gather3A_259 = tpu.vector_load_idx %arg16[%add3A_258, %broadcast_in_dim3A_207] : memref<96x128xf32, #tpu.memory_space<vmem>>[vector<16xi32>, vector<16xi32>], vector<16xf32>,
            %add3A_260 = arith.constant 48 : i32
            %add3A_261 = vector.broadcast %add3A_260 : i32 to vector<16xi32>
            %add3A_262 = arith.addi %iota3A, %add3A_261 : vector<16xi32>
            %gather3A_263 = tpu.vector_load_idx %arg16[%add3A_262, %broadcast_in_dim3A_207] : memref<96x128xf32, #tpu.memory_space<vmem>>[vector<16xi32>, vector<16xi32>], vector<16xf32>,
            %add3A_264 = arith.constant 64 : i32
            %add3A_265 = vector.broadcast %add3A_264 : i32 to vector<16xi32>
            %add3A_266 = arith.addi %iota3A, %add3A_265 : vector<16xi32>
            %gather3A_267 = tpu.vector_load_idx %arg16[%add3A_266, %broadcast_in_dim3A_207] : memref<96x128xf32, #tpu.memory_space<vmem>>[vector<16xi32>, vector<16xi32>], vector<16xf32>,
            %add3A_268 = arith.constant 80 : i32
            %add3A_269 = vector.broadcast %add3A_268 : i32 to vector<16xi32>
            %add3A_270 = arith.addi %iota3A, %add3A_269 : vector<16xi32>
            %gather3A_271 = tpu.vector_load_idx %arg16[%add3A_270, %broadcast_in_dim3A_207] : memref<96x128xf32, #tpu.memory_space<vmem>>[vector<16xi32>, vector<16xi32>], vector<16xf32>,
            %swap3A_272 = arith.index_cast %scan3A_191 : i32 to index
            %swap3A_273 = arith.constant 128 : index
            %swap3A_274 = tpu.vector_load %arg23[%swap3A_272, %swap3A_273] {strides = array<i32>} : memref<16x1024xf32, #tpu.memory_space<vmem>>, vector<16xf32>,
            tpu.vector_store %arg23[%swap3A_272, %swap3A_273], %gather3A_251 {strides = array<i32>} : memref<16x1024xf32, #tpu.memory_space<vmem>>, vector<16xf32>,
            %swap3A_275 = arith.index_cast %scan3A_191 : i32 to index
            %swap3A_276 = arith.constant 144 : index
            %swap3A_277 = tpu.vector_load %arg23[%swap3A_275, %swap3A_276] {strides = array<i32>} : memref<16x1024xf32, #tpu.memory_space<vmem>>, vector<16xf32>,
            tpu.vector_store %arg23[%swap3A_275, %swap3A_276], %gather3A_255 {strides = array<i32>} : memref<16x1024xf32, #tpu.memory_space<vmem>>, vector<16xf32>,
            %swap3A_278 = arith.index_cast %scan3A_191 : i32 to index
            %swap3A_279 = arith.constant 160 : index
            %swap3A_280 = tpu.vector_load %arg23[%swap3A_278, %swap3A_279] {strides = array<i32>} : memref<16x1024xf32, #tpu.memory_space<vmem>>, vector<16xf32>,
            tpu.vector_store %arg23[%swap3A_278, %swap3A_279], %gather3A_259 {strides = array<i32>} : memref<16x1024xf32, #tpu.memory_space<vmem>>, vector<16xf32>,
            %swap3A_281 = arith.index_cast %scan3A_191 : i32 to index
            %swap3A_282 = arith.constant 176 : index
            %swap3A_283 = tpu.vector_load %arg23[%swap3A_281, %swap3A_282] {strides = array<i32>} : memref<16x1024xf32, #tpu.memory_space<vmem>>, vector<16xf32>,
            tpu.vector_store %arg23[%swap3A_281, %swap3A_282], %gather3A_263 {strides = array<i32>} : memref<16x1024xf32, #tpu.memory_space<vmem>>, vector<16xf32>,
            %swap3A_284 = arith.index_cast %scan3A_191 : i32 to index
            %swap3A_285 = arith.constant 192 : index
            %swap3A_286 = tpu.vector_load %arg23[%swap3A_284, %swap3A_285] {strides = array<i32>} : memref<16x1024xf32, #tpu.memory_space<vmem>>, vector<16xf32>,
            tpu.vector_store %arg23[%swap3A_284, %swap3A_285], %gather3A_267 {strides = array<i32>} : memref<16x1024xf32, #tpu.memory_space<vmem>>, vector<16xf32>,
            %swap3A_287 = arith.index_cast %scan3A_191 : i32 to index
            %swap3A_288 = arith.constant 208 : index
            %swap3A_289 = tpu.vector_load %arg23[%swap3A_287, %swap3A_288] {strides = array<i32>} : memref<16x1024xf32, #tpu.memory_space<vmem>>, vector<16xf32>,
            tpu.vector_store %arg23[%swap3A_287, %swap3A_288], %gather3A_271 {strides = array<i32>} : memref<16x1024xf32, #tpu.memory_space<vmem>>, vector<16xf32>,
            %add3A_290 = arith.constant 0 : i32
            %add3A_291 = vector.broadcast %add3A_290 : i32 to vector<16xi32>
            %add3A_292 = arith.addi %iota3A, %add3A_291 : vector<16xi32>
            %gather3A_293 = tpu.vector_load_idx %arg17[%add3A_292, %broadcast_in_dim3A_207] : memref<96x128xf32, #tpu.memory_space<vmem>>[vector<16xi32>, vector<16xi32>], vector<16xf32>,
            %add3A_294 = arith.constant 16 : i32
            %add3A_295 = vector.broadcast %add3A_294 : i32 to vector<16xi32>
            %add3A_296 = arith.addi %iota3A, %add3A_295 : vector<16xi32>
            %gather3A_297 = tpu.vector_load_idx %arg17[%add3A_296, %broadcast_in_dim3A_207] : memref<96x128xf32, #tpu.memory_space<vmem>>[vector<16xi32>, vector<16xi32>], vector<16xf32>,
            %add3A_298 = arith.constant 32 : i32
            %add3A_299 = vector.broadcast %add3A_298 : i32 to vector<16xi32>
            %add3A_300 = arith.addi %iota3A, %add3A_299 : vector<16xi32>
            %gather3A_301 = tpu.vector_load_idx %arg17[%add3A_300, %broadcast_in_dim3A_207] : memref<96x128xf32, #tpu.memory_space<vmem>>[vector<16xi32>, vector<16xi32>], vector<16xf32>,
            %add3A_302 = arith.constant 48 : i32
            %add3A_303 = vector.broadcast %add3A_302 : i32 to vector<16xi32>
            %add3A_304 = arith.addi %iota3A, %add3A_303 : vector<16xi32>
            %gather3A_305 = tpu.vector_load_idx %arg17[%add3A_304, %broadcast_in_dim3A_207] : memref<96x128xf32, #tpu.memory_space<vmem>>[vector<16xi32>, vector<16xi32>], vector<16xf32>,
            %add3A_306 = arith.constant 64 : i32
            %add3A_307 = vector.broadcast %add3A_306 : i32 to vector<16xi32>
            %add3A_308 = arith.addi %iota3A, %add3A_307 : vector<16xi32>
            %gather3A_309 = tpu.vector_load_idx %arg17[%add3A_308, %broadcast_in_dim3A_207] : memref<96x128xf32, #tpu.memory_space<vmem>>[vector<16xi32>, vector<16xi32>], vector<16xf32>,
            %add3A_310 = arith.constant 80 : i32
            %add3A_311 = vector.broadcast %add3A_310 : i32 to vector<16xi32>
            %add3A_312 = arith.addi %iota3A, %add3A_311 : vector<16xi32>
            %gather3A_313 = tpu.vector_load_idx %arg17[%add3A_312, %broadcast_in_dim3A_207] : memref<96x128xf32, #tpu.memory_space<vmem>>[vector<16xi32>, vector<16xi32>], vector<16xf32>,
            %swap3A_314 = arith.index_cast %scan3A_191 : i32 to index
            %swap3A_315 = arith.constant 256 : index
            %swap3A_316 = tpu.vector_load %arg23[%swap3A_314, %swap3A_315] {strides = array<i32>} : memref<16x1024xf32, #tpu.memory_space<vmem>>, vector<16xf32>,
            tpu.vector_store %arg23[%swap3A_314, %swap3A_315], %gather3A_293 {strides = array<i32>} : memref<16x1024xf32, #tpu.memory_space<vmem>>, vector<16xf32>,
            %swap3A_317 = arith.index_cast %scan3A_191 : i32 to index
            %swap3A_318 = arith.constant 272 : index
            %swap3A_319 = tpu.vector_load %arg23[%swap3A_317, %swap3A_318] {strides = array<i32>} : memref<16x1024xf32, #tpu.memory_space<vmem>>, vector<16xf32>,
            tpu.vector_store %arg23[%swap3A_317, %swap3A_318], %gather3A_297 {strides = array<i32>} : memref<16x1024xf32, #tpu.memory_space<vmem>>, vector<16xf32>,
            %swap3A_320 = arith.index_cast %scan3A_191 : i32 to index
            %swap3A_321 = arith.constant 288 : index
            %swap3A_322 = tpu.vector_load %arg23[%swap3A_320, %swap3A_321] {strides = array<i32>} : memref<16x1024xf32, #tpu.memory_space<vmem>>, vector<16xf32>,
            tpu.vector_store %arg23[%swap3A_320, %swap3A_321], %gather3A_301 {strides = array<i32>} : memref<16x1024xf32, #tpu.memory_space<vmem>>, vector<16xf32>,
            %swap3A_323 = arith.index_cast %scan3A_191 : i32 to index
            %swap3A_324 = arith.constant 304 : index
            %swap3A_325 = tpu.vector_load %arg23[%swap3A_323, %swap3A_324] {strides = array<i32>} : memref<16x1024xf32, #tpu.memory_space<vmem>>, vector<16xf32>,
            tpu.vector_store %arg23[%swap3A_323, %swap3A_324], %gather3A_305 {strides = array<i32>} : memref<16x1024xf32, #tpu.memory_space<vmem>>, vector<16xf32>,
            %swap3A_326 = arith.index_cast %scan3A_191 : i32 to index
            %swap3A_327 = arith.constant 320 : index
            %swap3A_328 = tpu.vector_load %arg23[%swap3A_326, %swap3A_327] {strides = array<i32>} : memref<16x1024xf32, #tpu.memory_space<vmem>>, vector<16xf32>,
            tpu.vector_store %arg23[%swap3A_326, %swap3A_327], %gather3A_309 {strides = array<i32>} : memref<16x1024xf32, #tpu.memory_space<vmem>>, vector<16xf32>,
            %swap3A_329 = arith.index_cast %scan3A_191 : i32 to index
            %swap3A_330 = arith.constant 336 : index
            %swap3A_331 = tpu.vector_load %arg23[%swap3A_329, %swap3A_330] {strides = array<i32>} : memref<16x1024xf32, #tpu.memory_space<vmem>>, vector<16xf32>,
            tpu.vector_store %arg23[%swap3A_329, %swap3A_330], %gather3A_313 {strides = array<i32>} : memref<16x1024xf32, #tpu.memory_space<vmem>>, vector<16xf32>,
            %add3A_332 = arith.constant 0 : i32
            %add3A_333 = vector.broadcast %add3A_332 : i32 to vector<16xi32>
            %add3A_334 = arith.addi %iota3A, %add3A_333 : vector<16xi32>
            %gather3A_335 = tpu.vector_load_idx %arg18[%add3A_334, %broadcast_in_dim3A_207] : memref<96x128xf32, #tpu.memory_space<vmem>>[vector<16xi32>, vector<16xi32>], vector<16xf32>,
            %add3A_336 = arith.constant 16 : i32
            %add3A_337 = vector.broadcast %add3A_336 : i32 to vector<16xi32>
            %add3A_338 = arith.addi %iota3A, %add3A_337 : vector<16xi32>
            %gather3A_339 = tpu.vector_load_idx %arg18[%add3A_338, %broadcast_in_dim3A_207] : memref<96x128xf32, #tpu.memory_space<vmem>>[vector<16xi32>, vector<16xi32>], vector<16xf32>,
            %add3A_340 = arith.constant 32 : i32
            %add3A_341 = vector.broadcast %add3A_340 : i32 to vector<16xi32>
            %add3A_342 = arith.addi %iota3A, %add3A_341 : vector<16xi32>
            %gather3A_343 = tpu.vector_load_idx %arg18[%add3A_342, %broadcast_in_dim3A_207] : memref<96x128xf32, #tpu.memory_space<vmem>>[vector<16xi32>, vector<16xi32>], vector<16xf32>,
            %add3A_344 = arith.constant 48 : i32
            %add3A_345 = vector.broadcast %add3A_344 : i32 to vector<16xi32>
            %add3A_346 = arith.addi %iota3A, %add3A_345 : vector<16xi32>
            %gather3A_347 = tpu.vector_load_idx %arg18[%add3A_346, %broadcast_in_dim3A_207] : memref<96x128xf32, #tpu.memory_space<vmem>>[vector<16xi32>, vector<16xi32>], vector<16xf32>,
            %add3A_348 = arith.constant 64 : i32
            %add3A_349 = vector.broadcast %add3A_348 : i32 to vector<16xi32>
            %add3A_350 = arith.addi %iota3A, %add3A_349 : vector<16xi32>
            %gather3A_351 = tpu.vector_load_idx %arg18[%add3A_350, %broadcast_in_dim3A_207] : memref<96x128xf32, #tpu.memory_space<vmem>>[vector<16xi32>, vector<16xi32>], vector<16xf32>,
            %add3A_352 = arith.constant 80 : i32
            %add3A_353 = vector.broadcast %add3A_352 : i32 to vector<16xi32>
            %add3A_354 = arith.addi %iota3A, %add3A_353 : vector<16xi32>
            %gather3A_355 = tpu.vector_load_idx %arg18[%add3A_354, %broadcast_in_dim3A_207] : memref<96x128xf32, #tpu.memory_space<vmem>>[vector<16xi32>, vector<16xi32>], vector<16xf32>,
            %swap3A_356 = arith.index_cast %scan3A_191 : i32 to index
            %swap3A_357 = arith.constant 384 : index
            %swap3A_358 = tpu.vector_load %arg23[%swap3A_356, %swap3A_357] {strides = array<i32>} : memref<16x1024xf32, #tpu.memory_space<vmem>>, vector<16xf32>,
            tpu.vector_store %arg23[%swap3A_356, %swap3A_357], %gather3A_335 {strides = array<i32>} : memref<16x1024xf32, #tpu.memory_space<vmem>>, vector<16xf32>,
            %swap3A_359 = arith.index_cast %scan3A_191 : i32 to index
            %swap3A_360 = arith.constant 400 : index
            %swap3A_361 = tpu.vector_load %arg23[%swap3A_359, %swap3A_360] {strides = array<i32>} : memref<16x1024xf32, #tpu.memory_space<vmem>>, vector<16xf32>,
            tpu.vector_store %arg23[%swap3A_359, %swap3A_360], %gather3A_339 {strides = array<i32>} : memref<16x1024xf32, #tpu.memory_space<vmem>>, vector<16xf32>,
            %swap3A_362 = arith.index_cast %scan3A_191 : i32 to index
            %swap3A_363 = arith.constant 416 : index
            %swap3A_364 = tpu.vector_load %arg23[%swap3A_362, %swap3A_363] {strides = array<i32>} : memref<16x1024xf32, #tpu.memory_space<vmem>>, vector<16xf32>,
            tpu.vector_store %arg23[%swap3A_362, %swap3A_363], %gather3A_343 {strides = array<i32>} : memref<16x1024xf32, #tpu.memory_space<vmem>>, vector<16xf32>,
            %swap3A_365 = arith.index_cast %scan3A_191 : i32 to index
            %swap3A_366 = arith.constant 432 : index
            %swap3A_367 = tpu.vector_load %arg23[%swap3A_365, %swap3A_366] {strides = array<i32>} : memref<16x1024xf32, #tpu.memory_space<vmem>>, vector<16xf32>,
            tpu.vector_store %arg23[%swap3A_365, %swap3A_366], %gather3A_347 {strides = array<i32>} : memref<16x1024xf32, #tpu.memory_space<vmem>>, vector<16xf32>,
            %swap3A_368 = arith.index_cast %scan3A_191 : i32 to index
            %swap3A_369 = arith.constant 448 : index
            %swap3A_370 = tpu.vector_load %arg23[%swap3A_368, %swap3A_369] {strides = array<i32>} : memref<16x1024xf32, #tpu.memory_space<vmem>>, vector<16xf32>,
            tpu.vector_store %arg23[%swap3A_368, %swap3A_369], %gather3A_351 {strides = array<i32>} : memref<16x1024xf32, #tpu.memory_space<vmem>>, vector<16xf32>,
            %swap3A_371 = arith.index_cast %scan3A_191 : i32 to index
            %swap3A_372 = arith.constant 464 : index
            %swap3A_373 = tpu.vector_load %arg23[%swap3A_371, %swap3A_372] {strides = array<i32>} : memref<16x1024xf32, #tpu.memory_space<vmem>>, vector<16xf32>,
            tpu.vector_store %arg23[%swap3A_371, %swap3A_372], %gather3A_355 {strides = array<i32>} : memref<16x1024xf32, #tpu.memory_space<vmem>>, vector<16xf32>,
            %add3A_374 = arith.constant 0 : i32
            %add3A_375 = vector.broadcast %add3A_374 : i32 to vector<16xi32>
            %add3A_376 = arith.addi %iota3A, %add3A_375 : vector<16xi32>
            %gather3A_377 = tpu.vector_load_idx %arg19[%add3A_376, %broadcast_in_dim3A_207] : memref<96x128xf32, #tpu.memory_space<vmem>>[vector<16xi32>, vector<16xi32>], vector<16xf32>,
            %add3A_378 = arith.constant 16 : i32
            %add3A_379 = vector.broadcast %add3A_378 : i32 to vector<16xi32>
            %add3A_380 = arith.addi %iota3A, %add3A_379 : vector<16xi32>
            %gather3A_381 = tpu.vector_load_idx %arg19[%add3A_380, %broadcast_in_dim3A_207] : memref<96x128xf32, #tpu.memory_space<vmem>>[vector<16xi32>, vector<16xi32>], vector<16xf32>,
            %add3A_382 = arith.constant 32 : i32
            %add3A_383 = vector.broadcast %add3A_382 : i32 to vector<16xi32>
            %add3A_384 = arith.addi %iota3A, %add3A_383 : vector<16xi32>
            %gather3A_385 = tpu.vector_load_idx %arg19[%add3A_384, %broadcast_in_dim3A_207] : memref<96x128xf32, #tpu.memory_space<vmem>>[vector<16xi32>, vector<16xi32>], vector<16xf32>,
            %add3A_386 = arith.constant 48 : i32
            %add3A_387 = vector.broadcast %add3A_386 : i32 to vector<16xi32>
            %add3A_388 = arith.addi %iota3A, %add3A_387 : vector<16xi32>
            %gather3A_389 = tpu.vector_load_idx %arg19[%add3A_388, %broadcast_in_dim3A_207] : memref<96x128xf32, #tpu.memory_space<vmem>>[vector<16xi32>, vector<16xi32>], vector<16xf32>,
            %add3A_390 = arith.constant 64 : i32
            %add3A_391 = vector.broadcast %add3A_390 : i32 to vector<16xi32>
            %add3A_392 = arith.addi %iota3A, %add3A_391 : vector<16xi32>
            %gather3A_393 = tpu.vector_load_idx %arg19[%add3A_392, %broadcast_in_dim3A_207] : memref<96x128xf32, #tpu.memory_space<vmem>>[vector<16xi32>, vector<16xi32>], vector<16xf32>,
            %add3A_394 = arith.constant 80 : i32
            %add3A_395 = vector.broadcast %add3A_394 : i32 to vector<16xi32>
            %add3A_396 = arith.addi %iota3A, %add3A_395 : vector<16xi32>
            %gather3A_397 = tpu.vector_load_idx %arg19[%add3A_396, %broadcast_in_dim3A_207] : memref<96x128xf32, #tpu.memory_space<vmem>>[vector<16xi32>, vector<16xi32>], vector<16xf32>,
            %swap3A_398 = arith.index_cast %scan3A_191 : i32 to index
            %swap3A_399 = arith.constant 512 : index
            %swap3A_400 = tpu.vector_load %arg23[%swap3A_398, %swap3A_399] {strides = array<i32>} : memref<16x1024xf32, #tpu.memory_space<vmem>>, vector<16xf32>,
            tpu.vector_store %arg23[%swap3A_398, %swap3A_399], %gather3A_377 {strides = array<i32>} : memref<16x1024xf32, #tpu.memory_space<vmem>>, vector<16xf32>,
            %swap3A_401 = arith.index_cast %scan3A_191 : i32 to index
            %swap3A_402 = arith.constant 528 : index
            %swap3A_403 = tpu.vector_load %arg23[%swap3A_401, %swap3A_402] {strides = array<i32>} : memref<16x1024xf32, #tpu.memory_space<vmem>>, vector<16xf32>,
            tpu.vector_store %arg23[%swap3A_401, %swap3A_402], %gather3A_381 {strides = array<i32>} : memref<16x1024xf32, #tpu.memory_space<vmem>>, vector<16xf32>,
            %swap3A_404 = arith.index_cast %scan3A_191 : i32 to index
            %swap3A_405 = arith.constant 544 : index
            %swap3A_406 = tpu.vector_load %arg23[%swap3A_404, %swap3A_405] {strides = array<i32>} : memref<16x1024xf32, #tpu.memory_space<vmem>>, vector<16xf32>,
            tpu.vector_store %arg23[%swap3A_404, %swap3A_405], %gather3A_385 {strides = array<i32>} : memref<16x1024xf32, #tpu.memory_space<vmem>>, vector<16xf32>,
            %swap3A_407 = arith.index_cast %scan3A_191 : i32 to index
            %swap3A_408 = arith.constant 560 : index
            %swap3A_409 = tpu.vector_load %arg23[%swap3A_407, %swap3A_408] {strides = array<i32>} : memref<16x1024xf32, #tpu.memory_space<vmem>>, vector<16xf32>,
            tpu.vector_store %arg23[%swap3A_407, %swap3A_408], %gather3A_389 {strides = array<i32>} : memref<16x1024xf32, #tpu.memory_space<vmem>>, vector<16xf32>,
            %swap3A_410 = arith.index_cast %scan3A_191 : i32 to index
            %swap3A_411 = arith.constant 576 : index
            %swap3A_412 = tpu.vector_load %arg23[%swap3A_410, %swap3A_411] {strides = array<i32>} : memref<16x1024xf32, #tpu.memory_space<vmem>>, vector<16xf32>,
            tpu.vector_store %arg23[%swap3A_410, %swap3A_411], %gather3A_393 {strides = array<i32>} : memref<16x1024xf32, #tpu.memory_space<vmem>>, vector<16xf32>,
            %swap3A_413 = arith.index_cast %scan3A_191 : i32 to index
            %swap3A_414 = arith.constant 592 : index
            %swap3A_415 = tpu.vector_load %arg23[%swap3A_413, %swap3A_414] {strides = array<i32>} : memref<16x1024xf32, #tpu.memory_space<vmem>>, vector<16xf32>,
            tpu.vector_store %arg23[%swap3A_413, %swap3A_414], %gather3A_397 {strides = array<i32>} : memref<16x1024xf32, #tpu.memory_space<vmem>>, vector<16xf32>,
            %add3A_416 = arith.constant 0 : i32
            %add3A_417 = vector.broadcast %add3A_416 : i32 to vector<16xi32>
            %add3A_418 = arith.addi %iota3A, %add3A_417 : vector<16xi32>
            %gather3A_419 = tpu.vector_load_idx %arg20[%add3A_418, %broadcast_in_dim3A_207] : memref<96x128xf32, #tpu.memory_space<vmem>>[vector<16xi32>, vector<16xi32>], vector<16xf32>,
            %add3A_420 = arith.constant 16 : i32
            %add3A_421 = vector.broadcast %add3A_420 : i32 to vector<16xi32>
            %add3A_422 = arith.addi %iota3A, %add3A_421 : vector<16xi32>
            %gather3A_423 = tpu.vector_load_idx %arg20[%add3A_422, %broadcast_in_dim3A_207] : memref<96x128xf32, #tpu.memory_space<vmem>>[vector<16xi32>, vector<16xi32>], vector<16xf32>,
            %add3A_424 = arith.constant 32 : i32
            %add3A_425 = vector.broadcast %add3A_424 : i32 to vector<16xi32>
            %add3A_426 = arith.addi %iota3A, %add3A_425 : vector<16xi32>
            %gather3A_427 = tpu.vector_load_idx %arg20[%add3A_426, %broadcast_in_dim3A_207] : memref<96x128xf32, #tpu.memory_space<vmem>>[vector<16xi32>, vector<16xi32>], vector<16xf32>,
            %add3A_428 = arith.constant 48 : i32
            %add3A_429 = vector.broadcast %add3A_428 : i32 to vector<16xi32>
            %add3A_430 = arith.addi %iota3A, %add3A_429 : vector<16xi32>
            %gather3A_431 = tpu.vector_load_idx %arg20[%add3A_430, %broadcast_in_dim3A_207] : memref<96x128xf32, #tpu.memory_space<vmem>>[vector<16xi32>, vector<16xi32>], vector<16xf32>,
            %add3A_432 = arith.constant 64 : i32
            %add3A_433 = vector.broadcast %add3A_432 : i32 to vector<16xi32>
            %add3A_434 = arith.addi %iota3A, %add3A_433 : vector<16xi32>
            %gather3A_435 = tpu.vector_load_idx %arg20[%add3A_434, %broadcast_in_dim3A_207] : memref<96x128xf32, #tpu.memory_space<vmem>>[vector<16xi32>, vector<16xi32>], vector<16xf32>,
            %add3A_436 = arith.constant 80 : i32
            %add3A_437 = vector.broadcast %add3A_436 : i32 to vector<16xi32>
            %add3A_438 = arith.addi %iota3A, %add3A_437 : vector<16xi32>
            %gather3A_439 = tpu.vector_load_idx %arg20[%add3A_438, %broadcast_in_dim3A_207] : memref<96x128xf32, #tpu.memory_space<vmem>>[vector<16xi32>, vector<16xi32>], vector<16xf32>,
            %swap3A_440 = arith.index_cast %scan3A_191 : i32 to index
            %swap3A_441 = arith.constant 640 : index
            %swap3A_442 = tpu.vector_load %arg23[%swap3A_440, %swap3A_441] {strides = array<i32>} : memref<16x1024xf32, #tpu.memory_space<vmem>>, vector<16xf32>,
            tpu.vector_store %arg23[%swap3A_440, %swap3A_441], %gather3A_419 {strides = array<i32>} : memref<16x1024xf32, #tpu.memory_space<vmem>>, vector<16xf32>,
            %swap3A_443 = arith.index_cast %scan3A_191 : i32 to index
            %swap3A_444 = arith.constant 656 : index
            %swap3A_445 = tpu.vector_load %arg23[%swap3A_443, %swap3A_444] {strides = array<i32>} : memref<16x1024xf32, #tpu.memory_space<vmem>>, vector<16xf32>,
            tpu.vector_store %arg23[%swap3A_443, %swap3A_444], %gather3A_423 {strides = array<i32>} : memref<16x1024xf32, #tpu.memory_space<vmem>>, vector<16xf32>,
            %swap3A_446 = arith.index_cast %scan3A_191 : i32 to index
            %swap3A_447 = arith.constant 672 : index
            %swap3A_448 = tpu.vector_load %arg23[%swap3A_446, %swap3A_447] {strides = array<i32>} : memref<16x1024xf32, #tpu.memory_space<vmem>>, vector<16xf32>,
            tpu.vector_store %arg23[%swap3A_446, %swap3A_447], %gather3A_427 {strides = array<i32>} : memref<16x1024xf32, #tpu.memory_space<vmem>>, vector<16xf32>,
            %swap3A_449 = arith.index_cast %scan3A_191 : i32 to index
            %swap3A_450 = arith.constant 688 : index
            %swap3A_451 = tpu.vector_load %arg23[%swap3A_449, %swap3A_450] {strides = array<i32>} : memref<16x1024xf32, #tpu.memory_space<vmem>>, vector<16xf32>,
            tpu.vector_store %arg23[%swap3A_449, %swap3A_450], %gather3A_431 {strides = array<i32>} : memref<16x1024xf32, #tpu.memory_space<vmem>>, vector<16xf32>,
            %swap3A_452 = arith.index_cast %scan3A_191 : i32 to index
            %swap3A_453 = arith.constant 704 : index
            %swap3A_454 = tpu.vector_load %arg23[%swap3A_452, %swap3A_453] {strides = array<i32>} : memref<16x1024xf32, #tpu.memory_space<vmem>>, vector<16xf32>,
            tpu.vector_store %arg23[%swap3A_452, %swap3A_453], %gather3A_435 {strides = array<i32>} : memref<16x1024xf32, #tpu.memory_space<vmem>>, vector<16xf32>,
            %swap3A_455 = arith.index_cast %scan3A_191 : i32 to index
            %swap3A_456 = arith.constant 720 : index
            %swap3A_457 = tpu.vector_load %arg23[%swap3A_455, %swap3A_456] {strides = array<i32>} : memref<16x1024xf32, #tpu.memory_space<vmem>>, vector<16xf32>,
            tpu.vector_store %arg23[%swap3A_455, %swap3A_456], %gather3A_439 {strides = array<i32>} : memref<16x1024xf32, #tpu.memory_space<vmem>>, vector<16xf32>,
            %add3A_458 = arith.constant 0 : i32
            %add3A_459 = vector.broadcast %add3A_458 : i32 to vector<16xi32>
            %add3A_460 = arith.addi %iota3A, %add3A_459 : vector<16xi32>
            %gather3A_461 = tpu.vector_load_idx %arg21[%add3A_460, %broadcast_in_dim3A_207] : memref<96x128xf32, #tpu.memory_space<vmem>>[vector<16xi32>, vector<16xi32>], vector<16xf32>,
            %add3A_462 = arith.constant 16 : i32
            %add3A_463 = vector.broadcast %add3A_462 : i32 to vector<16xi32>
            %add3A_464 = arith.addi %iota3A, %add3A_463 : vector<16xi32>
            %gather3A_465 = tpu.vector_load_idx %arg21[%add3A_464, %broadcast_in_dim3A_207] : memref<96x128xf32, #tpu.memory_space<vmem>>[vector<16xi32>, vector<16xi32>], vector<16xf32>,
            %add3A_466 = arith.constant 32 : i32
            %add3A_467 = vector.broadcast %add3A_466 : i32 to vector<16xi32>
            %add3A_468 = arith.addi %iota3A, %add3A_467 : vector<16xi32>
            %gather3A_469 = tpu.vector_load_idx %arg21[%add3A_468, %broadcast_in_dim3A_207] : memref<96x128xf32, #tpu.memory_space<vmem>>[vector<16xi32>, vector<16xi32>], vector<16xf32>,
            %add3A_470 = arith.constant 48 : i32
            %add3A_471 = vector.broadcast %add3A_470 : i32 to vector<16xi32>
            %add3A_472 = arith.addi %iota3A, %add3A_471 : vector<16xi32>
            %gather3A_473 = tpu.vector_load_idx %arg21[%add3A_472, %broadcast_in_dim3A_207] : memref<96x128xf32, #tpu.memory_space<vmem>>[vector<16xi32>, vector<16xi32>], vector<16xf32>,
            %add3A_474 = arith.constant 64 : i32
            %add3A_475 = vector.broadcast %add3A_474 : i32 to vector<16xi32>
            %add3A_476 = arith.addi %iota3A, %add3A_475 : vector<16xi32>
            %gather3A_477 = tpu.vector_load_idx %arg21[%add3A_476, %broadcast_in_dim3A_207] : memref<96x128xf32, #tpu.memory_space<vmem>>[vector<16xi32>, vector<16xi32>], vector<16xf32>,
            %add3A_478 = arith.constant 80 : i32
            %add3A_479 = vector.broadcast %add3A_478 : i32 to vector<16xi32>
            %add3A_480 = arith.addi %iota3A, %add3A_479 : vector<16xi32>
            %gather3A_481 = tpu.vector_load_idx %arg21[%add3A_480, %broadcast_in_dim3A_207] : memref<96x128xf32, #tpu.memory_space<vmem>>[vector<16xi32>, vector<16xi32>], vector<16xf32>,
            %swap3A_482 = arith.index_cast %scan3A_191 : i32 to index
            %swap3A_483 = arith.constant 768 : index
            %swap3A_484 = tpu.vector_load %arg23[%swap3A_482, %swap3A_483] {strides = array<i32>} : memref<16x1024xf32, #tpu.memory_space<vmem>>, vector<16xf32>,
            tpu.vector_store %arg23[%swap3A_482, %swap3A_483], %gather3A_461 {strides = array<i32>} : memref<16x1024xf32, #tpu.memory_space<vmem>>, vector<16xf32>,
            %swap3A_485 = arith.index_cast %scan3A_191 : i32 to index
            %swap3A_486 = arith.constant 784 : index
            %swap3A_487 = tpu.vector_load %arg23[%swap3A_485, %swap3A_486] {strides = array<i32>} : memref<16x1024xf32, #tpu.memory_space<vmem>>, vector<16xf32>,
            tpu.vector_store %arg23[%swap3A_485, %swap3A_486], %gather3A_465 {strides = array<i32>} : memref<16x1024xf32, #tpu.memory_space<vmem>>, vector<16xf32>,
            %swap3A_488 = arith.index_cast %scan3A_191 : i32 to index
            %swap3A_489 = arith.constant 800 : index
            %swap3A_490 = tpu.vector_load %arg23[%swap3A_488, %swap3A_489] {strides = array<i32>} : memref<16x1024xf32, #tpu.memory_space<vmem>>, vector<16xf32>,
            tpu.vector_store %arg23[%swap3A_488, %swap3A_489], %gather3A_469 {strides = array<i32>} : memref<16x1024xf32, #tpu.memory_space<vmem>>, vector<16xf32>,
            %swap3A_491 = arith.index_cast %scan3A_191 : i32 to index
            %swap3A_492 = arith.constant 816 : index
            %swap3A_493 = tpu.vector_load %arg23[%swap3A_491, %swap3A_492] {strides = array<i32>} : memref<16x1024xf32, #tpu.memory_space<vmem>>, vector<16xf32>,
            tpu.vector_store %arg23[%swap3A_491, %swap3A_492], %gather3A_473 {strides = array<i32>} : memref<16x1024xf32, #tpu.memory_space<vmem>>, vector<16xf32>,
            %swap3A_494 = arith.index_cast %scan3A_191 : i32 to index
            %swap3A_495 = arith.constant 832 : index
            %swap3A_496 = tpu.vector_load %arg23[%swap3A_494, %swap3A_495] {strides = array<i32>} : memref<16x1024xf32, #tpu.memory_space<vmem>>, vector<16xf32>,
            tpu.vector_store %arg23[%swap3A_494, %swap3A_495], %gather3A_477 {strides = array<i32>} : memref<16x1024xf32, #tpu.memory_space<vmem>>, vector<16xf32>,
            %swap3A_497 = arith.index_cast %scan3A_191 : i32 to index
            %swap3A_498 = arith.constant 848 : index
            %swap3A_499 = tpu.vector_load %arg23[%swap3A_497, %swap3A_498] {strides = array<i32>} : memref<16x1024xf32, #tpu.memory_space<vmem>>, vector<16xf32>,
            tpu.vector_store %arg23[%swap3A_497, %swap3A_498], %gather3A_481 {strides = array<i32>} : memref<16x1024xf32, #tpu.memory_space<vmem>>, vector<16xf32>,
            %add3A_500 = arith.constant 0 : i32
            %add3A_501 = vector.broadcast %add3A_500 : i32 to vector<16xi32>
            %add3A_502 = arith.addi %iota3A, %add3A_501 : vector<16xi32>
            %gather3A_503 = tpu.vector_load_idx %arg22[%add3A_502, %broadcast_in_dim3A_207] : memref<96x128xf32, #tpu.memory_space<vmem>>[vector<16xi32>, vector<16xi32>], vector<16xf32>,
            %add3A_504 = arith.constant 16 : i32
            %add3A_505 = vector.broadcast %add3A_504 : i32 to vector<16xi32>
            %add3A_506 = arith.addi %iota3A, %add3A_505 : vector<16xi32>
            %gather3A_507 = tpu.vector_load_idx %arg22[%add3A_506, %broadcast_in_dim3A_207] : memref<96x128xf32, #tpu.memory_space<vmem>>[vector<16xi32>, vector<16xi32>], vector<16xf32>,
            %add3A_508 = arith.constant 32 : i32
            %add3A_509 = vector.broadcast %add3A_508 : i32 to vector<16xi32>
            %add3A_510 = arith.addi %iota3A, %add3A_509 : vector<16xi32>
            %gather3A_511 = tpu.vector_load_idx %arg22[%add3A_510, %broadcast_in_dim3A_207] : memref<96x128xf32, #tpu.memory_space<vmem>>[vector<16xi32>, vector<16xi32>], vector<16xf32>,
            %add3A_512 = arith.constant 48 : i32
            %add3A_513 = vector.broadcast %add3A_512 : i32 to vector<16xi32>
            %add3A_514 = arith.addi %iota3A, %add3A_513 : vector<16xi32>
            %gather3A_515 = tpu.vector_load_idx %arg22[%add3A_514, %broadcast_in_dim3A_207] : memref<96x128xf32, #tpu.memory_space<vmem>>[vector<16xi32>, vector<16xi32>], vector<16xf32>,
            %add3A_516 = arith.constant 64 : i32
            %add3A_517 = vector.broadcast %add3A_516 : i32 to vector<16xi32>
            %add3A_518 = arith.addi %iota3A, %add3A_517 : vector<16xi32>
            %gather3A_519 = tpu.vector_load_idx %arg22[%add3A_518, %broadcast_in_dim3A_207] : memref<96x128xf32, #tpu.memory_space<vmem>>[vector<16xi32>, vector<16xi32>], vector<16xf32>,
            %add3A_520 = arith.constant 80 : i32
            %add3A_521 = vector.broadcast %add3A_520 : i32 to vector<16xi32>
            %add3A_522 = arith.addi %iota3A, %add3A_521 : vector<16xi32>
            %gather3A_523 = tpu.vector_load_idx %arg22[%add3A_522, %broadcast_in_dim3A_207] : memref<96x128xf32, #tpu.memory_space<vmem>>[vector<16xi32>, vector<16xi32>], vector<16xf32>,
            %swap3A_524 = arith.index_cast %scan3A_191 : i32 to index
            %swap3A_525 = arith.constant 896 : index
            %swap3A_526 = tpu.vector_load %arg23[%swap3A_524, %swap3A_525] {strides = array<i32>} : memref<16x1024xf32, #tpu.memory_space<vmem>>, vector<16xf32>,
            tpu.vector_store %arg23[%swap3A_524, %swap3A_525], %gather3A_503 {strides = array<i32>} : memref<16x1024xf32, #tpu.memory_space<vmem>>, vector<16xf32>,
            %swap3A_527 = arith.index_cast %scan3A_191 : i32 to index
            %swap3A_528 = arith.constant 912 : index
            %swap3A_529 = tpu.vector_load %arg23[%swap3A_527, %swap3A_528] {strides = array<i32>} : memref<16x1024xf32, #tpu.memory_space<vmem>>, vector<16xf32>,
            tpu.vector_store %arg23[%swap3A_527, %swap3A_528], %gather3A_507 {strides = array<i32>} : memref<16x1024xf32, #tpu.memory_space<vmem>>, vector<16xf32>,
            %swap3A_530 = arith.index_cast %scan3A_191 : i32 to index
            %swap3A_531 = arith.constant 928 : index
            %swap3A_532 = tpu.vector_load %arg23[%swap3A_530, %swap3A_531] {strides = array<i32>} : memref<16x1024xf32, #tpu.memory_space<vmem>>, vector<16xf32>,
            tpu.vector_store %arg23[%swap3A_530, %swap3A_531], %gather3A_511 {strides = array<i32>} : memref<16x1024xf32, #tpu.memory_space<vmem>>, vector<16xf32>,
            %swap3A_533 = arith.index_cast %scan3A_191 : i32 to index
            %swap3A_534 = arith.constant 944 : index
            %swap3A_535 = tpu.vector_load %arg23[%swap3A_533, %swap3A_534] {strides = array<i32>} : memref<16x1024xf32, #tpu.memory_space<vmem>>, vector<16xf32>,
            tpu.vector_store %arg23[%swap3A_533, %swap3A_534], %gather3A_515 {strides = array<i32>} : memref<16x1024xf32, #tpu.memory_space<vmem>>, vector<16xf32>,
            %swap3A_536 = arith.index_cast %scan3A_191 : i32 to index
            %swap3A_537 = arith.constant 960 : index
            %swap3A_538 = tpu.vector_load %arg23[%swap3A_536, %swap3A_537] {strides = array<i32>} : memref<16x1024xf32, #tpu.memory_space<vmem>>, vector<16xf32>,
            tpu.vector_store %arg23[%swap3A_536, %swap3A_537], %gather3A_519 {strides = array<i32>} : memref<16x1024xf32, #tpu.memory_space<vmem>>, vector<16xf32>,
            %swap3A_539 = arith.index_cast %scan3A_191 : i32 to index
            %swap3A_540 = arith.constant 976 : index
            %swap3A_541 = tpu.vector_load %arg23[%swap3A_539, %swap3A_540] {strides = array<i32>} : memref<16x1024xf32, #tpu.memory_space<vmem>>, vector<16xf32>,
            tpu.vector_store %arg23[%swap3A_539, %swap3A_540], %gather3A_523 {strides = array<i32>} : memref<16x1024xf32, #tpu.memory_space<vmem>>, vector<16xf32>,
            %eq3A = vector.broadcast %scan3A_191 : i32 to vector<16xi32>
            %eq3A_542 = arith.cmpi eq, %iota3A, %eq3A : vector<16xi32>
            %broadcast_in_dim3A_543 = vector.broadcast %and3A_205 : i32 to vector<16xi32>
            %select_n3A_544 = arith.select %eq3A_542, %broadcast_in_dim3A_543, %scan3A_192 : vector<16xi1>, vector<16xi32>
            scf.yield %select_n3A_544 : vector<16xi32>
          }
          %scan3A_184 = arith.constant 16 : i32
          %dma_start3A_185 = arith.constant 0 : i32
          %dma_start3A_186 = arith.constant 0 : i32
          %dma_start3A_187 = tpu.memref_slice %arg12[%dma_start3A_185, %dma_start3A_186] : memref<32768x1024xf32, #tpu.memory_space<hbm>> -> memref<32768x1024xf32, #tpu.memory_space<hbm>>
          tpu.enqueue_indirect_dma source(%arg23 : memref<16x1024xf32, #tpu.memory_space<vmem>>) target(%dma_start3A_187 : memref<32768x1024xf32, #tpu.memory_space<hbm>>) offsets(%scan3A_183 : vector<16xi32>) semaphore(%arg24 : memref<!tpu.dma_semaphore, #tpu.memory_space<semaphore_mem>>)
          %dma_wait3A_188 = arith.constant 0 : i32
          %dma_wait3A_189 = arith.constant 0 : i32
          %dma_wait3A_190 = tpu.memref_slice %arg12[%dma_wait3A_188, %dma_wait3A_189] : memref<32768x1024xf32, #tpu.memory_space<hbm>> -> memref<32768x1024xf32, #tpu.memory_space<hbm>>
          tpu.wait_indirect_dma semaphore(%arg24 : memref<!tpu.dma_semaphore, #tpu.memory_space<semaphore_mem>>) src(%arg23 : memref<16x1024xf32, #tpu.memory_space<vmem>>) dst(%dma_wait3A_190 : memref<32768x1024xf32, #tpu.memory_space<hbm>>)
        }
        %while3A_171 = arith.constant 1 : i32
        scf.for %while3A_172 = %while3A_169 to %while3A_165 step %while3A_171  : i32 {
          %mul3A_173 = arith.constant 16 : i32
          %mul3A_174 = arith.muli %while3A_172, %mul3A_173 : i32
          %add3A_175 = arith.addi %max3A, %mul3A_174 : i32
          %sub3A_176 = arith.subi %min3A, %add3A_175 : i32
          %min3A_177 = arith.constant 16 : i32
          %min3A_178 = arith.minsi %sub3A_176, %min3A_177 : i32
          %broadcast_in_dim3A = arith.constant 0 : i32
          %broadcast_in_dim3A_179 = vector.broadcast %broadcast_in_dim3A : i32 to vector<16xi32>
          %scan3A = arith.constant 0 : i32
          %scan3A_180 = arith.constant 16 : i32
          %scan3A_181 = arith.addi %scan3A, %scan3A_180 : i32
          %scan3A_182 = arith.constant 1 : i32
          %scan3A_183 = scf.for %scan3A_191 = %scan3A to %scan3A_181 step %scan3A_182 iter_args(%scan3A_192 = %broadcast_in_dim3A_179) -> (vector<16xi32>)  : i32 {
            %sub3A_193 = arith.constant 1 : i32
            %sub3A_194 = arith.subi %min3A_178, %sub3A_193 : i32
            %min3A_195 = arith.minsi %scan3A_191, %sub3A_194 : i32
            %add3A_196 = arith.addi %add3A_175, %min3A_195 : i32
            %sub3A_197 = arith.subi %add3A_196, %mul3A_2 : i32
            %get3A_198 = arith.index_cast %sub3A_197 : i32 to index
            %get3A_199 = tpu.vector_load %arg13[%get3A_198] {strides = array<i32>} : memref<1040xi32, #tpu.memory_space<vmem>>, vector<16xi32>,
            %slice3A_200 = vector.extract_strided_slice %get3A_199 {offsets = [0], sizes = [1], strides = [1]} : vector<16xi32> to vector<1xi32>
            %squeeze3A_201 = vector.extract %slice3A_200[0] : i32 from vector<1xi32>
            %shift_right_logical3A_202 = arith.constant 15 : i32
            %shift_right_logical3A_203 = arith.shrui %squeeze3A_201, %shift_right_logical3A_202 : i32
            %and3A_204 = arith.constant 32767 : i32
            %and3A_205 = arith.andi %squeeze3A_201, %and3A_204 : i32
            %sub3A_206 = arith.subi %shift_right_logical3A_203, %multiple_of3A : i32
            %broadcast_in_dim3A_207 = vector.broadcast %sub3A_206 : i32 to vector<16xi32>
            %add3A_208 = arith.constant 0 : i32
            %add3A_209 = vector.broadcast %add3A_208 : i32 to vector<16xi32>
            %add3A_210 = arith.addi %iota3A, %add3A_209 : vector<16xi32>
            %gather3A = tpu.vector_load_idx %arg15[%add3A_210, %broadcast_in_dim3A_207] : memref<96x128xf32, #tpu.memory_space<vmem>>[vector<16xi32>, vector<16xi32>], vector<16xf32>,
            %add3A_211 = arith.constant 16 : i32
            %add3A_212 = vector.broadcast %add3A_211 : i32 to vector<16xi32>
            %add3A_213 = arith.addi %iota3A, %add3A_212 : vector<16xi32>
            %gather3A_214 = tpu.vector_load_idx %arg15[%add3A_213, %broadcast_in_dim3A_207] : memref<96x128xf32, #tpu.memory_space<vmem>>[vector<16xi32>, vector<16xi32>], vector<16xf32>,
            %add3A_215 = arith.constant 32 : i32
            %add3A_216 = vector.broadcast %add3A_215 : i32 to vector<16xi32>
            %add3A_217 = arith.addi %iota3A, %add3A_216 : vector<16xi32>
            %gather3A_218 = tpu.vector_load_idx %arg15[%add3A_217, %broadcast_in_dim3A_207] : memref<96x128xf32, #tpu.memory_space<vmem>>[vector<16xi32>, vector<16xi32>], vector<16xf32>,
            %add3A_219 = arith.constant 48 : i32
            %add3A_220 = vector.broadcast %add3A_219 : i32 to vector<16xi32>
            %add3A_221 = arith.addi %iota3A, %add3A_220 : vector<16xi32>
            %gather3A_222 = tpu.vector_load_idx %arg15[%add3A_221, %broadcast_in_dim3A_207] : memref<96x128xf32, #tpu.memory_space<vmem>>[vector<16xi32>, vector<16xi32>], vector<16xf32>,
            %add3A_223 = arith.constant 64 : i32
            %add3A_224 = vector.broadcast %add3A_223 : i32 to vector<16xi32>
            %add3A_225 = arith.addi %iota3A, %add3A_224 : vector<16xi32>
            %gather3A_226 = tpu.vector_load_idx %arg15[%add3A_225, %broadcast_in_dim3A_207] : memref<96x128xf32, #tpu.memory_space<vmem>>[vector<16xi32>, vector<16xi32>], vector<16xf32>,
            %add3A_227 = arith.constant 80 : i32
            %add3A_228 = vector.broadcast %add3A_227 : i32 to vector<16xi32>
            %add3A_229 = arith.addi %iota3A, %add3A_228 : vector<16xi32>
            %gather3A_230 = tpu.vector_load_idx %arg15[%add3A_229, %broadcast_in_dim3A_207] : memref<96x128xf32, #tpu.memory_space<vmem>>[vector<16xi32>, vector<16xi32>], vector<16xf32>,
            %swap3A = arith.index_cast %scan3A_191 : i32 to index
            %swap3A_231 = arith.constant 0 : index
            %swap3A_232 = tpu.vector_load %arg23[%swap3A, %swap3A_231] {strides = array<i32>} : memref<16x1024xf32, #tpu.memory_space<vmem>>, vector<16xf32>,
            tpu.vector_store %arg23[%swap3A, %swap3A_231], %gather3A {strides = array<i32>} : memref<16x1024xf32, #tpu.memory_space<vmem>>, vector<16xf32>,
            %swap3A_233 = arith.index_cast %scan3A_191 : i32 to index
            %swap3A_234 = arith.constant 16 : index
            %swap3A_235 = tpu.vector_load %arg23[%swap3A_233, %swap3A_234] {strides = array<i32>} : memref<16x1024xf32, #tpu.memory_space<vmem>>, vector<16xf32>,
            tpu.vector_store %arg23[%swap3A_233, %swap3A_234], %gather3A_214 {strides = array<i32>} : memref<16x1024xf32, #tpu.memory_space<vmem>>, vector<16xf32>,
            %swap3A_236 = arith.index_cast %scan3A_191 : i32 to index
            %swap3A_237 = arith.constant 32 : index
            %swap3A_238 = tpu.vector_load %arg23[%swap3A_236, %swap3A_237] {strides = array<i32>} : memref<16x1024xf32, #tpu.memory_space<vmem>>, vector<16xf32>,
            tpu.vector_store %arg23[%swap3A_236, %swap3A_237], %gather3A_218 {strides = array<i32>} : memref<16x1024xf32, #tpu.memory_space<vmem>>, vector<16xf32>,
            %swap3A_239 = arith.index_cast %scan3A_191 : i32 to index
            %swap3A_240 = arith.constant 48 : index
            %swap3A_241 = tpu.vector_load %arg23[%swap3A_239, %swap3A_240] {strides = array<i32>} : memref<16x1024xf32, #tpu.memory_space<vmem>>, vector<16xf32>,
            tpu.vector_store %arg23[%swap3A_239, %swap3A_240], %gather3A_222 {strides = array<i32>} : memref<16x1024xf32, #tpu.memory_space<vmem>>, vector<16xf32>,
            %swap3A_242 = arith.index_cast %scan3A_191 : i32 to index
            %swap3A_243 = arith.constant 64 : index
            %swap3A_244 = tpu.vector_load %arg23[%swap3A_242, %swap3A_243] {strides = array<i32>} : memref<16x1024xf32, #tpu.memory_space<vmem>>, vector<16xf32>,
            tpu.vector_store %arg23[%swap3A_242, %swap3A_243], %gather3A_226 {strides = array<i32>} : memref<16x1024xf32, #tpu.memory_space<vmem>>, vector<16xf32>,
            %swap3A_245 = arith.index_cast %scan3A_191 : i32 to index
            %swap3A_246 = arith.constant 80 : index
            %swap3A_247 = tpu.vector_load %arg23[%swap3A_245, %swap3A_246] {strides = array<i32>} : memref<16x1024xf32, #tpu.memory_space<vmem>>, vector<16xf32>,
            tpu.vector_store %arg23[%swap3A_245, %swap3A_246], %gather3A_230 {strides = array<i32>} : memref<16x1024xf32, #tpu.memory_space<vmem>>, vector<16xf32>,
            %add3A_248 = arith.constant 0 : i32
            %add3A_249 = vector.broadcast %add3A_248 : i32 to vector<16xi32>
            %add3A_250 = arith.addi %iota3A, %add3A_249 : vector<16xi32>
            %gather3A_251 = tpu.vector_load_idx %arg16[%add3A_250, %broadcast_in_dim3A_207] : memref<96x128xf32, #tpu.memory_space<vmem>>[vector<16xi32>, vector<16xi32>], vector<16xf32>,
            %add3A_252 = arith.constant 16 : i32
            %add3A_253 = vector.broadcast %add3A_252 : i32 to vector<16xi32>
            %add3A_254 = arith.addi %iota3A, %add3A_253 : vector<16xi32>
            %gather3A_255 = tpu.vector_load_idx %arg16[%add3A_254, %broadcast_in_dim3A_207] : memref<96x128xf32, #tpu.memory_space<vmem>>[vector<16xi32>, vector<16xi32>], vector<16xf32>,
            %add3A_256 = arith.constant 32 : i32
            %add3A_257 = vector.broadcast %add3A_256 : i32 to vector<16xi32>
            %add3A_258 = arith.addi %iota3A, %add3A_257 : vector<16xi32>
            %gather3A_259 = tpu.vector_load_idx %arg16[%add3A_258, %broadcast_in_dim3A_207] : memref<96x128xf32, #tpu.memory_space<vmem>>[vector<16xi32>, vector<16xi32>], vector<16xf32>,
            %add3A_260 = arith.constant 48 : i32
            %add3A_261 = vector.broadcast %add3A_260 : i32 to vector<16xi32>
            %add3A_262 = arith.addi %iota3A, %add3A_261 : vector<16xi32>
            %gather3A_263 = tpu.vector_load_idx %arg16[%add3A_262, %broadcast_in_dim3A_207] : memref<96x128xf32, #tpu.memory_space<vmem>>[vector<16xi32>, vector<16xi32>], vector<16xf32>,
            %add3A_264 = arith.constant 64 : i32
            %add3A_265 = vector.broadcast %add3A_264 : i32 to vector<16xi32>
            %add3A_266 = arith.addi %iota3A, %add3A_265 : vector<16xi32>
            %gather3A_267 = tpu.vector_load_idx %arg16[%add3A_266, %broadcast_in_dim3A_207] : memref<96x128xf32, #tpu.memory_space<vmem>>[vector<16xi32>, vector<16xi32>], vector<16xf32>,
            %add3A_268 = arith.constant 80 : i32
            %add3A_269 = vector.broadcast %add3A_268 : i32 to vector<16xi32>
            %add3A_270 = arith.addi %iota3A, %add3A_269 : vector<16xi32>
            %gather3A_271 = tpu.vector_load_idx %arg16[%add3A_270, %broadcast_in_dim3A_207] : memref<96x128xf32, #tpu.memory_space<vmem>>[vector<16xi32>, vector<16xi32>], vector<16xf32>,
            %swap3A_272 = arith.index_cast %scan3A_191 : i32 to index
            %swap3A_273 = arith.constant 128 : index
            %swap3A_274 = tpu.vector_load %arg23[%swap3A_272, %swap3A_273] {strides = array<i32>} : memref<16x1024xf32, #tpu.memory_space<vmem>>, vector<16xf32>,
            tpu.vector_store %arg23[%swap3A_272, %swap3A_273], %gather3A_251 {strides = array<i32>} : memref<16x1024xf32, #tpu.memory_space<vmem>>, vector<16xf32>,
            %swap3A_275 = arith.index_cast %scan3A_191 : i32 to index
            %swap3A_276 = arith.constant 144 : index
            %swap3A_277 = tpu.vector_load %arg23[%swap3A_275, %swap3A_276] {strides = array<i32>} : memref<16x1024xf32, #tpu.memory_space<vmem>>, vector<16xf32>,
            tpu.vector_store %arg23[%swap3A_275, %swap3A_276], %gather3A_255 {strides = array<i32>} : memref<16x1024xf32, #tpu.memory_space<vmem>>, vector<16xf32>,
            %swap3A_278 = arith.index_cast %scan3A_191 : i32 to index
            %swap3A_279 = arith.constant 160 : index
            %swap3A_280 = tpu.vector_load %arg23[%swap3A_278, %swap3A_279] {strides = array<i32>} : memref<16x1024xf32, #tpu.memory_space<vmem>>, vector<16xf32>,
            tpu.vector_store %arg23[%swap3A_278, %swap3A_279], %gather3A_259 {strides = array<i32>} : memref<16x1024xf32, #tpu.memory_space<vmem>>, vector<16xf32>,
            %swap3A_281 = arith.index_cast %scan3A_191 : i32 to index
            %swap3A_282 = arith.constant 176 : index
            %swap3A_283 = tpu.vector_load %arg23[%swap3A_281, %swap3A_282] {strides = array<i32>} : memref<16x1024xf32, #tpu.memory_space<vmem>>, vector<16xf32>,
            tpu.vector_store %arg23[%swap3A_281, %swap3A_282], %gather3A_263 {strides = array<i32>} : memref<16x1024xf32, #tpu.memory_space<vmem>>, vector<16xf32>,
            %swap3A_284 = arith.index_cast %scan3A_191 : i32 to index
            %swap3A_285 = arith.constant 192 : index
            %swap3A_286 = tpu.vector_load %arg23[%swap3A_284, %swap3A_285] {strides = array<i32>} : memref<16x1024xf32, #tpu.memory_space<vmem>>, vector<16xf32>,
            tpu.vector_store %arg23[%swap3A_284, %swap3A_285], %gather3A_267 {strides = array<i32>} : memref<16x1024xf32, #tpu.memory_space<vmem>>, vector<16xf32>,
            %swap3A_287 = arith.index_cast %scan3A_191 : i32 to index
            %swap3A_288 = arith.constant 208 : index
            %swap3A_289 = tpu.vector_load %arg23[%swap3A_287, %swap3A_288] {strides = array<i32>} : memref<16x1024xf32, #tpu.memory_space<vmem>>, vector<16xf32>,
            tpu.vector_store %arg23[%swap3A_287, %swap3A_288], %gather3A_271 {strides = array<i32>} : memref<16x1024xf32, #tpu.memory_space<vmem>>, vector<16xf32>,
            %add3A_290 = arith.constant 0 : i32
            %add3A_291 = vector.broadcast %add3A_290 : i32 to vector<16xi32>
            %add3A_292 = arith.addi %iota3A, %add3A_291 : vector<16xi32>
            %gather3A_293 = tpu.vector_load_idx %arg17[%add3A_292, %broadcast_in_dim3A_207] : memref<96x128xf32, #tpu.memory_space<vmem>>[vector<16xi32>, vector<16xi32>], vector<16xf32>,
            %add3A_294 = arith.constant 16 : i32
            %add3A_295 = vector.broadcast %add3A_294 : i32 to vector<16xi32>
            %add3A_296 = arith.addi %iota3A, %add3A_295 : vector<16xi32>
            %gather3A_297 = tpu.vector_load_idx %arg17[%add3A_296, %broadcast_in_dim3A_207] : memref<96x128xf32, #tpu.memory_space<vmem>>[vector<16xi32>, vector<16xi32>], vector<16xf32>,
            %add3A_298 = arith.constant 32 : i32
            %add3A_299 = vector.broadcast %add3A_298 : i32 to vector<16xi32>
            %add3A_300 = arith.addi %iota3A, %add3A_299 : vector<16xi32>
            %gather3A_301 = tpu.vector_load_idx %arg17[%add3A_300, %broadcast_in_dim3A_207] : memref<96x128xf32, #tpu.memory_space<vmem>>[vector<16xi32>, vector<16xi32>], vector<16xf32>,
            %add3A_302 = arith.constant 48 : i32
            %add3A_303 = vector.broadcast %add3A_302 : i32 to vector<16xi32>
            %add3A_304 = arith.addi %iota3A, %add3A_303 : vector<16xi32>
            %gather3A_305 = tpu.vector_load_idx %arg17[%add3A_304, %broadcast_in_dim3A_207] : memref<96x128xf32, #tpu.memory_space<vmem>>[vector<16xi32>, vector<16xi32>], vector<16xf32>,
            %add3A_306 = arith.constant 64 : i32
            %add3A_307 = vector.broadcast %add3A_306 : i32 to vector<16xi32>
            %add3A_308 = arith.addi %iota3A, %add3A_307 : vector<16xi32>
            %gather3A_309 = tpu.vector_load_idx %arg17[%add3A_308, %broadcast_in_dim3A_207] : memref<96x128xf32, #tpu.memory_space<vmem>>[vector<16xi32>, vector<16xi32>], vector<16xf32>,
            %add3A_310 = arith.constant 80 : i32
            %add3A_311 = vector.broadcast %add3A_310 : i32 to vector<16xi32>
            %add3A_312 = arith.addi %iota3A, %add3A_311 : vector<16xi32>
            %gather3A_313 = tpu.vector_load_idx %arg17[%add3A_312, %broadcast_in_dim3A_207] : memref<96x128xf32, #tpu.memory_space<vmem>>[vector<16xi32>, vector<16xi32>], vector<16xf32>,
            %swap3A_314 = arith.index_cast %scan3A_191 : i32 to index
            %swap3A_315 = arith.constant 256 : index
            %swap3A_316 = tpu.vector_load %arg23[%swap3A_314, %swap3A_315] {strides = array<i32>} : memref<16x1024xf32, #tpu.memory_space<vmem>>, vector<16xf32>,
            tpu.vector_store %arg23[%swap3A_314, %swap3A_315], %gather3A_293 {strides = array<i32>} : memref<16x1024xf32, #tpu.memory_space<vmem>>, vector<16xf32>,
            %swap3A_317 = arith.index_cast %scan3A_191 : i32 to index
            %swap3A_318 = arith.constant 272 : index
            %swap3A_319 = tpu.vector_load %arg23[%swap3A_317, %swap3A_318] {strides = array<i32>} : memref<16x1024xf32, #tpu.memory_space<vmem>>, vector<16xf32>,
            tpu.vector_store %arg23[%swap3A_317, %swap3A_318], %gather3A_297 {strides = array<i32>} : memref<16x1024xf32, #tpu.memory_space<vmem>>, vector<16xf32>,
            %swap3A_320 = arith.index_cast %scan3A_191 : i32 to index
            %swap3A_321 = arith.constant 288 : index
            %swap3A_322 = tpu.vector_load %arg23[%swap3A_320, %swap3A_321] {strides = array<i32>} : memref<16x1024xf32, #tpu.memory_space<vmem>>, vector<16xf32>,
            tpu.vector_store %arg23[%swap3A_320, %swap3A_321], %gather3A_301 {strides = array<i32>} : memref<16x1024xf32, #tpu.memory_space<vmem>>, vector<16xf32>,
            %swap3A_323 = arith.index_cast %scan3A_191 : i32 to index
            %swap3A_324 = arith.constant 304 : index
            %swap3A_325 = tpu.vector_load %arg23[%swap3A_323, %swap3A_324] {strides = array<i32>} : memref<16x1024xf32, #tpu.memory_space<vmem>>, vector<16xf32>,
            tpu.vector_store %arg23[%swap3A_323, %swap3A_324], %gather3A_305 {strides = array<i32>} : memref<16x1024xf32, #tpu.memory_space<vmem>>, vector<16xf32>,
            %swap3A_326 = arith.index_cast %scan3A_191 : i32 to index
            %swap3A_327 = arith.constant 320 : index
            %swap3A_328 = tpu.vector_load %arg23[%swap3A_326, %swap3A_327] {strides = array<i32>} : memref<16x1024xf32, #tpu.memory_space<vmem>>, vector<16xf32>,
            tpu.vector_store %arg23[%swap3A_326, %swap3A_327], %gather3A_309 {strides = array<i32>} : memref<16x1024xf32, #tpu.memory_space<vmem>>, vector<16xf32>,
            %swap3A_329 = arith.index_cast %scan3A_191 : i32 to index
            %swap3A_330 = arith.constant 336 : index
            %swap3A_331 = tpu.vector_load %arg23[%swap3A_329, %swap3A_330] {strides = array<i32>} : memref<16x1024xf32, #tpu.memory_space<vmem>>, vector<16xf32>,
            tpu.vector_store %arg23[%swap3A_329, %swap3A_330], %gather3A_313 {strides = array<i32>} : memref<16x1024xf32, #tpu.memory_space<vmem>>, vector<16xf32>,
            %add3A_332 = arith.constant 0 : i32
            %add3A_333 = vector.broadcast %add3A_332 : i32 to vector<16xi32>
            %add3A_334 = arith.addi %iota3A, %add3A_333 : vector<16xi32>
            %gather3A_335 = tpu.vector_load_idx %arg18[%add3A_334, %broadcast_in_dim3A_207] : memref<96x128xf32, #tpu.memory_space<vmem>>[vector<16xi32>, vector<16xi32>], vector<16xf32>,
            %add3A_336 = arith.constant 16 : i32
            %add3A_337 = vector.broadcast %add3A_336 : i32 to vector<16xi32>
            %add3A_338 = arith.addi %iota3A, %add3A_337 : vector<16xi32>
            %gather3A_339 = tpu.vector_load_idx %arg18[%add3A_338, %broadcast_in_dim3A_207] : memref<96x128xf32, #tpu.memory_space<vmem>>[vector<16xi32>, vector<16xi32>], vector<16xf32>,
            %add3A_340 = arith.constant 32 : i32
            %add3A_341 = vector.broadcast %add3A_340 : i32 to vector<16xi32>
            %add3A_342 = arith.addi %iota3A, %add3A_341 : vector<16xi32>
            %gather3A_343 = tpu.vector_load_idx %arg18[%add3A_342, %broadcast_in_dim3A_207] : memref<96x128xf32, #tpu.memory_space<vmem>>[vector<16xi32>, vector<16xi32>], vector<16xf32>,
            %add3A_344 = arith.constant 48 : i32
            %add3A_345 = vector.broadcast %add3A_344 : i32 to vector<16xi32>
            %add3A_346 = arith.addi %iota3A, %add3A_345 : vector<16xi32>
            %gather3A_347 = tpu.vector_load_idx %arg18[%add3A_346, %broadcast_in_dim3A_207] : memref<96x128xf32, #tpu.memory_space<vmem>>[vector<16xi32>, vector<16xi32>], vector<16xf32>,
            %add3A_348 = arith.constant 64 : i32
            %add3A_349 = vector.broadcast %add3A_348 : i32 to vector<16xi32>
            %add3A_350 = arith.addi %iota3A, %add3A_349 : vector<16xi32>
            %gather3A_351 = tpu.vector_load_idx %arg18[%add3A_350, %broadcast_in_dim3A_207] : memref<96x128xf32, #tpu.memory_space<vmem>>[vector<16xi32>, vector<16xi32>], vector<16xf32>,
            %add3A_352 = arith.constant 80 : i32
            %add3A_353 = vector.broadcast %add3A_352 : i32 to vector<16xi32>
            %add3A_354 = arith.addi %iota3A, %add3A_353 : vector<16xi32>
            %gather3A_355 = tpu.vector_load_idx %arg18[%add3A_354, %broadcast_in_dim3A_207] : memref<96x128xf32, #tpu.memory_space<vmem>>[vector<16xi32>, vector<16xi32>], vector<16xf32>,
            %swap3A_356 = arith.index_cast %scan3A_191 : i32 to index
            %swap3A_357 = arith.constant 384 : index
            %swap3A_358 = tpu.vector_load %arg23[%swap3A_356, %swap3A_357] {strides = array<i32>} : memref<16x1024xf32, #tpu.memory_space<vmem>>, vector<16xf32>,
            tpu.vector_store %arg23[%swap3A_356, %swap3A_357], %gather3A_335 {strides = array<i32>} : memref<16x1024xf32, #tpu.memory_space<vmem>>, vector<16xf32>,
            %swap3A_359 = arith.index_cast %scan3A_191 : i32 to index
            %swap3A_360 = arith.constant 400 : index
            %swap3A_361 = tpu.vector_load %arg23[%swap3A_359, %swap3A_360] {strides = array<i32>} : memref<16x1024xf32, #tpu.memory_space<vmem>>, vector<16xf32>,
            tpu.vector_store %arg23[%swap3A_359, %swap3A_360], %gather3A_339 {strides = array<i32>} : memref<16x1024xf32, #tpu.memory_space<vmem>>, vector<16xf32>,
            %swap3A_362 = arith.index_cast %scan3A_191 : i32 to index
            %swap3A_363 = arith.constant 416 : index
            %swap3A_364 = tpu.vector_load %arg23[%swap3A_362, %swap3A_363] {strides = array<i32>} : memref<16x1024xf32, #tpu.memory_space<vmem>>, vector<16xf32>,
            tpu.vector_store %arg23[%swap3A_362, %swap3A_363], %gather3A_343 {strides = array<i32>} : memref<16x1024xf32, #tpu.memory_space<vmem>>, vector<16xf32>,
            %swap3A_365 = arith.index_cast %scan3A_191 : i32 to index
            %swap3A_366 = arith.constant 432 : index
            %swap3A_367 = tpu.vector_load %arg23[%swap3A_365, %swap3A_366] {strides = array<i32>} : memref<16x1024xf32, #tpu.memory_space<vmem>>, vector<16xf32>,
            tpu.vector_store %arg23[%swap3A_365, %swap3A_366], %gather3A_347 {strides = array<i32>} : memref<16x1024xf32, #tpu.memory_space<vmem>>, vector<16xf32>,
            %swap3A_368 = arith.index_cast %scan3A_191 : i32 to index
            %swap3A_369 = arith.constant 448 : index
            %swap3A_370 = tpu.vector_load %arg23[%swap3A_368, %swap3A_369] {strides = array<i32>} : memref<16x1024xf32, #tpu.memory_space<vmem>>, vector<16xf32>,
            tpu.vector_store %arg23[%swap3A_368, %swap3A_369], %gather3A_351 {strides = array<i32>} : memref<16x1024xf32, #tpu.memory_space<vmem>>, vector<16xf32>,
            %swap3A_371 = arith.index_cast %scan3A_191 : i32 to index
            %swap3A_372 = arith.constant 464 : index
            %swap3A_373 = tpu.vector_load %arg23[%swap3A_371, %swap3A_372] {strides = array<i32>} : memref<16x1024xf32, #tpu.memory_space<vmem>>, vector<16xf32>,
            tpu.vector_store %arg23[%swap3A_371, %swap3A_372], %gather3A_355 {strides = array<i32>} : memref<16x1024xf32, #tpu.memory_space<vmem>>, vector<16xf32>,
            %add3A_374 = arith.constant 0 : i32
            %add3A_375 = vector.broadcast %add3A_374 : i32 to vector<16xi32>
            %add3A_376 = arith.addi %iota3A, %add3A_375 : vector<16xi32>
            %gather3A_377 = tpu.vector_load_idx %arg19[%add3A_376, %broadcast_in_dim3A_207] : memref<96x128xf32, #tpu.memory_space<vmem>>[vector<16xi32>, vector<16xi32>], vector<16xf32>,
            %add3A_378 = arith.constant 16 : i32
            %add3A_379 = vector.broadcast %add3A_378 : i32 to vector<16xi32>
            %add3A_380 = arith.addi %iota3A, %add3A_379 : vector<16xi32>
            %gather3A_381 = tpu.vector_load_idx %arg19[%add3A_380, %broadcast_in_dim3A_207] : memref<96x128xf32, #tpu.memory_space<vmem>>[vector<16xi32>, vector<16xi32>], vector<16xf32>,
            %add3A_382 = arith.constant 32 : i32
            %add3A_383 = vector.broadcast %add3A_382 : i32 to vector<16xi32>
            %add3A_384 = arith.addi %iota3A, %add3A_383 : vector<16xi32>
            %gather3A_385 = tpu.vector_load_idx %arg19[%add3A_384, %broadcast_in_dim3A_207] : memref<96x128xf32, #tpu.memory_space<vmem>>[vector<16xi32>, vector<16xi32>], vector<16xf32>,
            %add3A_386 = arith.constant 48 : i32
            %add3A_387 = vector.broadcast %add3A_386 : i32 to vector<16xi32>
            %add3A_388 = arith.addi %iota3A, %add3A_387 : vector<16xi32>
            %gather3A_389 = tpu.vector_load_idx %arg19[%add3A_388, %broadcast_in_dim3A_207] : memref<96x128xf32, #tpu.memory_space<vmem>>[vector<16xi32>, vector<16xi32>], vector<16xf32>,
            %add3A_390 = arith.constant 64 : i32
            %add3A_391 = vector.broadcast %add3A_390 : i32 to vector<16xi32>
            %add3A_392 = arith.addi %iota3A, %add3A_391 : vector<16xi32>
            %gather3A_393 = tpu.vector_load_idx %arg19[%add3A_392, %broadcast_in_dim3A_207] : memref<96x128xf32, #tpu.memory_space<vmem>>[vector<16xi32>, vector<16xi32>], vector<16xf32>,
            %add3A_394 = arith.constant 80 : i32
            %add3A_395 = vector.broadcast %add3A_394 : i32 to vector<16xi32>
            %add3A_396 = arith.addi %iota3A, %add3A_395 : vector<16xi32>
            %gather3A_397 = tpu.vector_load_idx %arg19[%add3A_396, %broadcast_in_dim3A_207] : memref<96x128xf32, #tpu.memory_space<vmem>>[vector<16xi32>, vector<16xi32>], vector<16xf32>,
            %swap3A_398 = arith.index_cast %scan3A_191 : i32 to index
            %swap3A_399 = arith.constant 512 : index
            %swap3A_400 = tpu.vector_load %arg23[%swap3A_398, %swap3A_399] {strides = array<i32>} : memref<16x1024xf32, #tpu.memory_space<vmem>>, vector<16xf32>,
            tpu.vector_store %arg23[%swap3A_398, %swap3A_399], %gather3A_377 {strides = array<i32>} : memref<16x1024xf32, #tpu.memory_space<vmem>>, vector<16xf32>,
            %swap3A_401 = arith.index_cast %scan3A_191 : i32 to index
            %swap3A_402 = arith.constant 528 : index
            %swap3A_403 = tpu.vector_load %arg23[%swap3A_401, %swap3A_402] {strides = array<i32>} : memref<16x1024xf32, #tpu.memory_space<vmem>>, vector<16xf32>,
            tpu.vector_store %arg23[%swap3A_401, %swap3A_402], %gather3A_381 {strides = array<i32>} : memref<16x1024xf32, #tpu.memory_space<vmem>>, vector<16xf32>,
            %swap3A_404 = arith.index_cast %scan3A_191 : i32 to index
            %swap3A_405 = arith.constant 544 : index
            %swap3A_406 = tpu.vector_load %arg23[%swap3A_404, %swap3A_405] {strides = array<i32>} : memref<16x1024xf32, #tpu.memory_space<vmem>>, vector<16xf32>,
            tpu.vector_store %arg23[%swap3A_404, %swap3A_405], %gather3A_385 {strides = array<i32>} : memref<16x1024xf32, #tpu.memory_space<vmem>>, vector<16xf32>,
            %swap3A_407 = arith.index_cast %scan3A_191 : i32 to index
            %swap3A_408 = arith.constant 560 : index
            %swap3A_409 = tpu.vector_load %arg23[%swap3A_407, %swap3A_408] {strides = array<i32>} : memref<16x1024xf32, #tpu.memory_space<vmem>>, vector<16xf32>,
            tpu.vector_store %arg23[%swap3A_407, %swap3A_408], %gather3A_389 {strides = array<i32>} : memref<16x1024xf32, #tpu.memory_space<vmem>>, vector<16xf32>,
            %swap3A_410 = arith.index_cast %scan3A_191 : i32 to index
            %swap3A_411 = arith.constant 576 : index
            %swap3A_412 = tpu.vector_load %arg23[%swap3A_410, %swap3A_411] {strides = array<i32>} : memref<16x1024xf32, #tpu.memory_space<vmem>>, vector<16xf32>,
            tpu.vector_store %arg23[%swap3A_410, %swap3A_411], %gather3A_393 {strides = array<i32>} : memref<16x1024xf32, #tpu.memory_space<vmem>>, vector<16xf32>,
            %swap3A_413 = arith.index_cast %scan3A_191 : i32 to index
            %swap3A_414 = arith.constant 592 : index
            %swap3A_415 = tpu.vector_load %arg23[%swap3A_413, %swap3A_414] {strides = array<i32>} : memref<16x1024xf32, #tpu.memory_space<vmem>>, vector<16xf32>,
            tpu.vector_store %arg23[%swap3A_413, %swap3A_414], %gather3A_397 {strides = array<i32>} : memref<16x1024xf32, #tpu.memory_space<vmem>>, vector<16xf32>,
            %add3A_416 = arith.constant 0 : i32
            %add3A_417 = vector.broadcast %add3A_416 : i32 to vector<16xi32>
            %add3A_418 = arith.addi %iota3A, %add3A_417 : vector<16xi32>
            %gather3A_419 = tpu.vector_load_idx %arg20[%add3A_418, %broadcast_in_dim3A_207] : memref<96x128xf32, #tpu.memory_space<vmem>>[vector<16xi32>, vector<16xi32>], vector<16xf32>,
            %add3A_420 = arith.constant 16 : i32
            %add3A_421 = vector.broadcast %add3A_420 : i32 to vector<16xi32>
            %add3A_422 = arith.addi %iota3A, %add3A_421 : vector<16xi32>
            %gather3A_423 = tpu.vector_load_idx %arg20[%add3A_422, %broadcast_in_dim3A_207] : memref<96x128xf32, #tpu.memory_space<vmem>>[vector<16xi32>, vector<16xi32>], vector<16xf32>,
            %add3A_424 = arith.constant 32 : i32
            %add3A_425 = vector.broadcast %add3A_424 : i32 to vector<16xi32>
            %add3A_426 = arith.addi %iota3A, %add3A_425 : vector<16xi32>
            %gather3A_427 = tpu.vector_load_idx %arg20[%add3A_426, %broadcast_in_dim3A_207] : memref<96x128xf32, #tpu.memory_space<vmem>>[vector<16xi32>, vector<16xi32>], vector<16xf32>,
            %add3A_428 = arith.constant 48 : i32
            %add3A_429 = vector.broadcast %add3A_428 : i32 to vector<16xi32>
            %add3A_430 = arith.addi %iota3A, %add3A_429 : vector<16xi32>
            %gather3A_431 = tpu.vector_load_idx %arg20[%add3A_430, %broadcast_in_dim3A_207] : memref<96x128xf32, #tpu.memory_space<vmem>>[vector<16xi32>, vector<16xi32>], vector<16xf32>,
            %add3A_432 = arith.constant 64 : i32
            %add3A_433 = vector.broadcast %add3A_432 : i32 to vector<16xi32>
            %add3A_434 = arith.addi %iota3A, %add3A_433 : vector<16xi32>
            %gather3A_435 = tpu.vector_load_idx %arg20[%add3A_434, %broadcast_in_dim3A_207] : memref<96x128xf32, #tpu.memory_space<vmem>>[vector<16xi32>, vector<16xi32>], vector<16xf32>,
            %add3A_436 = arith.constant 80 : i32
            %add3A_437 = vector.broadcast %add3A_436 : i32 to vector<16xi32>
            %add3A_438 = arith.addi %iota3A, %add3A_437 : vector<16xi32>
            %gather3A_439 = tpu.vector_load_idx %arg20[%add3A_438, %broadcast_in_dim3A_207] : memref<96x128xf32, #tpu.memory_space<vmem>>[vector<16xi32>, vector<16xi32>], vector<16xf32>,
            %swap3A_440 = arith.index_cast %scan3A_191 : i32 to index
            %swap3A_441 = arith.constant 640 : index
            %swap3A_442 = tpu.vector_load %arg23[%swap3A_440, %swap3A_441] {strides = array<i32>} : memref<16x1024xf32, #tpu.memory_space<vmem>>, vector<16xf32>,
            tpu.vector_store %arg23[%swap3A_440, %swap3A_441], %gather3A_419 {strides = array<i32>} : memref<16x1024xf32, #tpu.memory_space<vmem>>, vector<16xf32>,
            %swap3A_443 = arith.index_cast %scan3A_191 : i32 to index
            %swap3A_444 = arith.constant 656 : index
            %swap3A_445 = tpu.vector_load %arg23[%swap3A_443, %swap3A_444] {strides = array<i32>} : memref<16x1024xf32, #tpu.memory_space<vmem>>, vector<16xf32>,
            tpu.vector_store %arg23[%swap3A_443, %swap3A_444], %gather3A_423 {strides = array<i32>} : memref<16x1024xf32, #tpu.memory_space<vmem>>, vector<16xf32>,
            %swap3A_446 = arith.index_cast %scan3A_191 : i32 to index
            %swap3A_447 = arith.constant 672 : index
            %swap3A_448 = tpu.vector_load %arg23[%swap3A_446, %swap3A_447] {strides = array<i32>} : memref<16x1024xf32, #tpu.memory_space<vmem>>, vector<16xf32>,
            tpu.vector_store %arg23[%swap3A_446, %swap3A_447], %gather3A_427 {strides = array<i32>} : memref<16x1024xf32, #tpu.memory_space<vmem>>, vector<16xf32>,
            %swap3A_449 = arith.index_cast %scan3A_191 : i32 to index
            %swap3A_450 = arith.constant 688 : index
            %swap3A_451 = tpu.vector_load %arg23[%swap3A_449, %swap3A_450] {strides = array<i32>} : memref<16x1024xf32, #tpu.memory_space<vmem>>, vector<16xf32>,
            tpu.vector_store %arg23[%swap3A_449, %swap3A_450], %gather3A_431 {strides = array<i32>} : memref<16x1024xf32, #tpu.memory_space<vmem>>, vector<16xf32>,
            %swap3A_452 = arith.index_cast %scan3A_191 : i32 to index
            %swap3A_453 = arith.constant 704 : index
            %swap3A_454 = tpu.vector_load %arg23[%swap3A_452, %swap3A_453] {strides = array<i32>} : memref<16x1024xf32, #tpu.memory_space<vmem>>, vector<16xf32>,
            tpu.vector_store %arg23[%swap3A_452, %swap3A_453], %gather3A_435 {strides = array<i32>} : memref<16x1024xf32, #tpu.memory_space<vmem>>, vector<16xf32>,
            %swap3A_455 = arith.index_cast %scan3A_191 : i32 to index
            %swap3A_456 = arith.constant 720 : index
            %swap3A_457 = tpu.vector_load %arg23[%swap3A_455, %swap3A_456] {strides = array<i32>} : memref<16x1024xf32, #tpu.memory_space<vmem>>, vector<16xf32>,
            tpu.vector_store %arg23[%swap3A_455, %swap3A_456], %gather3A_439 {strides = array<i32>} : memref<16x1024xf32, #tpu.memory_space<vmem>>, vector<16xf32>,
            %add3A_458 = arith.constant 0 : i32
            %add3A_459 = vector.broadcast %add3A_458 : i32 to vector<16xi32>
            %add3A_460 = arith.addi %iota3A, %add3A_459 : vector<16xi32>
            %gather3A_461 = tpu.vector_load_idx %arg21[%add3A_460, %broadcast_in_dim3A_207] : memref<96x128xf32, #tpu.memory_space<vmem>>[vector<16xi32>, vector<16xi32>], vector<16xf32>,
            %add3A_462 = arith.constant 16 : i32
            %add3A_463 = vector.broadcast %add3A_462 : i32 to vector<16xi32>
            %add3A_464 = arith.addi %iota3A, %add3A_463 : vector<16xi32>
            %gather3A_465 = tpu.vector_load_idx %arg21[%add3A_464, %broadcast_in_dim3A_207] : memref<96x128xf32, #tpu.memory_space<vmem>>[vector<16xi32>, vector<16xi32>], vector<16xf32>,
            %add3A_466 = arith.constant 32 : i32
            %add3A_467 = vector.broadcast %add3A_466 : i32 to vector<16xi32>
            %add3A_468 = arith.addi %iota3A, %add3A_467 : vector<16xi32>
            %gather3A_469 = tpu.vector_load_idx %arg21[%add3A_468, %broadcast_in_dim3A_207] : memref<96x128xf32, #tpu.memory_space<vmem>>[vector<16xi32>, vector<16xi32>], vector<16xf32>,
            %add3A_470 = arith.constant 48 : i32
            %add3A_471 = vector.broadcast %add3A_470 : i32 to vector<16xi32>
            %add3A_472 = arith.addi %iota3A, %add3A_471 : vector<16xi32>
            %gather3A_473 = tpu.vector_load_idx %arg21[%add3A_472, %broadcast_in_dim3A_207] : memref<96x128xf32, #tpu.memory_space<vmem>>[vector<16xi32>, vector<16xi32>], vector<16xf32>,
            %add3A_474 = arith.constant 64 : i32
            %add3A_475 = vector.broadcast %add3A_474 : i32 to vector<16xi32>
            %add3A_476 = arith.addi %iota3A, %add3A_475 : vector<16xi32>
            %gather3A_477 = tpu.vector_load_idx %arg21[%add3A_476, %broadcast_in_dim3A_207] : memref<96x128xf32, #tpu.memory_space<vmem>>[vector<16xi32>, vector<16xi32>], vector<16xf32>,
            %add3A_478 = arith.constant 80 : i32
            %add3A_479 = vector.broadcast %add3A_478 : i32 to vector<16xi32>
            %add3A_480 = arith.addi %iota3A, %add3A_479 : vector<16xi32>
            %gather3A_481 = tpu.vector_load_idx %arg21[%add3A_480, %broadcast_in_dim3A_207] : memref<96x128xf32, #tpu.memory_space<vmem>>[vector<16xi32>, vector<16xi32>], vector<16xf32>,
            %swap3A_482 = arith.index_cast %scan3A_191 : i32 to index
            %swap3A_483 = arith.constant 768 : index
            %swap3A_484 = tpu.vector_load %arg23[%swap3A_482, %swap3A_483] {strides = array<i32>} : memref<16x1024xf32, #tpu.memory_space<vmem>>, vector<16xf32>,
            tpu.vector_store %arg23[%swap3A_482, %swap3A_483], %gather3A_461 {strides = array<i32>} : memref<16x1024xf32, #tpu.memory_space<vmem>>, vector<16xf32>,
            %swap3A_485 = arith.index_cast %scan3A_191 : i32 to index
            %swap3A_486 = arith.constant 784 : index
            %swap3A_487 = tpu.vector_load %arg23[%swap3A_485, %swap3A_486] {strides = array<i32>} : memref<16x1024xf32, #tpu.memory_space<vmem>>, vector<16xf32>,
            tpu.vector_store %arg23[%swap3A_485, %swap3A_486], %gather3A_465 {strides = array<i32>} : memref<16x1024xf32, #tpu.memory_space<vmem>>, vector<16xf32>,
            %swap3A_488 = arith.index_cast %scan3A_191 : i32 to index
            %swap3A_489 = arith.constant 800 : index
            %swap3A_490 = tpu.vector_load %arg23[%swap3A_488, %swap3A_489] {strides = array<i32>} : memref<16x1024xf32, #tpu.memory_space<vmem>>, vector<16xf32>,
            tpu.vector_store %arg23[%swap3A_488, %swap3A_489], %gather3A_469 {strides = array<i32>} : memref<16x1024xf32, #tpu.memory_space<vmem>>, vector<16xf32>,
            %swap3A_491 = arith.index_cast %scan3A_191 : i32 to index
            %swap3A_492 = arith.constant 816 : index
            %swap3A_493 = tpu.vector_load %arg23[%swap3A_491, %swap3A_492] {strides = array<i32>} : memref<16x1024xf32, #tpu.memory_space<vmem>>, vector<16xf32>,
            tpu.vector_store %arg23[%swap3A_491, %swap3A_492], %gather3A_473 {strides = array<i32>} : memref<16x1024xf32, #tpu.memory_space<vmem>>, vector<16xf32>,
            %swap3A_494 = arith.index_cast %scan3A_191 : i32 to index
            %swap3A_495 = arith.constant 832 : index
            %swap3A_496 = tpu.vector_load %arg23[%swap3A_494, %swap3A_495] {strides = array<i32>} : memref<16x1024xf32, #tpu.memory_space<vmem>>, vector<16xf32>,
            tpu.vector_store %arg23[%swap3A_494, %swap3A_495], %gather3A_477 {strides = array<i32>} : memref<16x1024xf32, #tpu.memory_space<vmem>>, vector<16xf32>,
            %swap3A_497 = arith.index_cast %scan3A_191 : i32 to index
            %swap3A_498 = arith.constant 848 : index
            %swap3A_499 = tpu.vector_load %arg23[%swap3A_497, %swap3A_498] {strides = array<i32>} : memref<16x1024xf32, #tpu.memory_space<vmem>>, vector<16xf32>,
            tpu.vector_store %arg23[%swap3A_497, %swap3A_498], %gather3A_481 {strides = array<i32>} : memref<16x1024xf32, #tpu.memory_space<vmem>>, vector<16xf32>,
            %add3A_500 = arith.constant 0 : i32
            %add3A_501 = vector.broadcast %add3A_500 : i32 to vector<16xi32>
            %add3A_502 = arith.addi %iota3A, %add3A_501 : vector<16xi32>
            %gather3A_503 = tpu.vector_load_idx %arg22[%add3A_502, %broadcast_in_dim3A_207] : memref<96x128xf32, #tpu.memory_space<vmem>>[vector<16xi32>, vector<16xi32>], vector<16xf32>,
            %add3A_504 = arith.constant 16 : i32
            %add3A_505 = vector.broadcast %add3A_504 : i32 to vector<16xi32>
            %add3A_506 = arith.addi %iota3A, %add3A_505 : vector<16xi32>
            %gather3A_507 = tpu.vector_load_idx %arg22[%add3A_506, %broadcast_in_dim3A_207] : memref<96x128xf32, #tpu.memory_space<vmem>>[vector<16xi32>, vector<16xi32>], vector<16xf32>,
            %add3A_508 = arith.constant 32 : i32
            %add3A_509 = vector.broadcast %add3A_508 : i32 to vector<16xi32>
            %add3A_510 = arith.addi %iota3A, %add3A_509 : vector<16xi32>
            %gather3A_511 = tpu.vector_load_idx %arg22[%add3A_510, %broadcast_in_dim3A_207] : memref<96x128xf32, #tpu.memory_space<vmem>>[vector<16xi32>, vector<16xi32>], vector<16xf32>,
            %add3A_512 = arith.constant 48 : i32
            %add3A_513 = vector.broadcast %add3A_512 : i32 to vector<16xi32>
            %add3A_514 = arith.addi %iota3A, %add3A_513 : vector<16xi32>
            %gather3A_515 = tpu.vector_load_idx %arg22[%add3A_514, %broadcast_in_dim3A_207] : memref<96x128xf32, #tpu.memory_space<vmem>>[vector<16xi32>, vector<16xi32>], vector<16xf32>,
            %add3A_516 = arith.constant 64 : i32
            %add3A_517 = vector.broadcast %add3A_516 : i32 to vector<16xi32>
            %add3A_518 = arith.addi %iota3A, %add3A_517 : vector<16xi32>
            %gather3A_519 = tpu.vector_load_idx %arg22[%add3A_518, %broadcast_in_dim3A_207] : memref<96x128xf32, #tpu.memory_space<vmem>>[vector<16xi32>, vector<16xi32>], vector<16xf32>,
            %add3A_520 = arith.constant 80 : i32
            %add3A_521 = vector.broadcast %add3A_520 : i32 to vector<16xi32>
            %add3A_522 = arith.addi %iota3A, %add3A_521 : vector<16xi32>
            %gather3A_523 = tpu.vector_load_idx %arg22[%add3A_522, %broadcast_in_dim3A_207] : memref<96x128xf32, #tpu.memory_space<vmem>>[vector<16xi32>, vector<16xi32>], vector<16xf32>,
            %swap3A_524 = arith.index_cast %scan3A_191 : i32 to index
            %swap3A_525 = arith.constant 896 : index
            %swap3A_526 = tpu.vector_load %arg23[%swap3A_524, %swap3A_525] {strides = array<i32>} : memref<16x1024xf32, #tpu.memory_space<vmem>>, vector<16xf32>,
            tpu.vector_store %arg23[%swap3A_524, %swap3A_525], %gather3A_503 {strides = array<i32>} : memref<16x1024xf32, #tpu.memory_space<vmem>>, vector<16xf32>,
            %swap3A_527 = arith.index_cast %scan3A_191 : i32 to index
            %swap3A_528 = arith.constant 912 : index
            %swap3A_529 = tpu.vector_load %arg23[%swap3A_527, %swap3A_528] {strides = array<i32>} : memref<16x1024xf32, #tpu.memory_space<vmem>>, vector<16xf32>,
            tpu.vector_store %arg23[%swap3A_527, %swap3A_528], %gather3A_507 {strides = array<i32>} : memref<16x1024xf32, #tpu.memory_space<vmem>>, vector<16xf32>,
            %swap3A_530 = arith.index_cast %scan3A_191 : i32 to index
            %swap3A_531 = arith.constant 928 : index
            %swap3A_532 = tpu.vector_load %arg23[%swap3A_530, %swap3A_531] {strides = array<i32>} : memref<16x1024xf32, #tpu.memory_space<vmem>>, vector<16xf32>,
            tpu.vector_store %arg23[%swap3A_530, %swap3A_531], %gather3A_511 {strides = array<i32>} : memref<16x1024xf32, #tpu.memory_space<vmem>>, vector<16xf32>,
            %swap3A_533 = arith.index_cast %scan3A_191 : i32 to index
            %swap3A_534 = arith.constant 944 : index
            %swap3A_535 = tpu.vector_load %arg23[%swap3A_533, %swap3A_534] {strides = array<i32>} : memref<16x1024xf32, #tpu.memory_space<vmem>>, vector<16xf32>,
            tpu.vector_store %arg23[%swap3A_533, %swap3A_534], %gather3A_515 {strides = array<i32>} : memref<16x1024xf32, #tpu.memory_space<vmem>>, vector<16xf32>,
            %swap3A_536 = arith.index_cast %scan3A_191 : i32 to index
            %swap3A_537 = arith.constant 960 : index
            %swap3A_538 = tpu.vector_load %arg23[%swap3A_536, %swap3A_537] {strides = array<i32>} : memref<16x1024xf32, #tpu.memory_space<vmem>>, vector<16xf32>,
            tpu.vector_store %arg23[%swap3A_536, %swap3A_537], %gather3A_519 {strides = array<i32>} : memref<16x1024xf32, #tpu.memory_space<vmem>>, vector<16xf32>,
            %swap3A_539 = arith.index_cast %scan3A_191 : i32 to index
            %swap3A_540 = arith.constant 976 : index
            %swap3A_541 = tpu.vector_load %arg23[%swap3A_539, %swap3A_540] {strides = array<i32>} : memref<16x1024xf32, #tpu.memory_space<vmem>>, vector<16xf32>,
            tpu.vector_store %arg23[%swap3A_539, %swap3A_540], %gather3A_523 {strides = array<i32>} : memref<16x1024xf32, #tpu.memory_space<vmem>>, vector<16xf32>,
            %eq3A = vector.broadcast %scan3A_191 : i32 to vector<16xi32>
            %eq3A_542 = arith.cmpi eq, %iota3A, %eq3A : vector<16xi32>
            %broadcast_in_dim3A_543 = vector.broadcast %and3A_205 : i32 to vector<16xi32>
            %select_n3A_544 = arith.select %eq3A_542, %broadcast_in_dim3A_543, %scan3A_192 : vector<16xi1>, vector<16xi32>
            scf.yield %select_n3A_544 : vector<16xi32>
          }
          %scan3A_184 = arith.constant 16 : i32
          %dma_start3A_185 = arith.constant 0 : i32
          %dma_start3A_186 = arith.constant 0 : i32
          %dma_start3A_187 = tpu.memref_slice %arg12[%dma_start3A_185, %dma_start3A_186] : memref<32768x1024xf32, #tpu.memory_space<hbm>> -> memref<32768x1024xf32, #tpu.memory_space<hbm>>
          tpu.enqueue_indirect_dma source(%arg23 : memref<16x1024xf32, #tpu.memory_space<vmem>>) target(%dma_start3A_187 : memref<32768x1024xf32, #tpu.memory_space<hbm>>) offsets(%scan3A_183 : vector<16xi32>) semaphore(%arg24 : memref<!tpu.dma_semaphore, #tpu.memory_space<semaphore_mem>>)
          %dma_wait3A_188 = arith.constant 0 : i32
          %dma_wait3A_189 = arith.constant 0 : i32
          %dma_wait3A_190 = tpu.memref_slice %arg12[%dma_wait3A_188, %dma_wait3A_189] : memref<32768x1024xf32, #tpu.memory_space<hbm>> -> memref<32768x1024xf32, #tpu.memory_space<hbm>>
          tpu.wait_indirect_dma semaphore(%arg24 : memref<!tpu.dma_semaphore, #tpu.memory_space<semaphore_mem>>) src(%arg23 : memref<16x1024xf32, #tpu.memory_space<vmem>>) dst(%dma_wait3A_190 : memref<32768x1024xf32, #tpu.memory_space<hbm>>)
        }
      } else {
      }
    }
    return
  }
}

</mosaic_0001>

<sc_bundles>
// kernel: gather_offload_async_start
scs
__scs_entry_jumppad:
0x0: {  	(pc) =	sbr.rel $0x88, $3  }
0x1: {  	(tag) =	ssettag $0x0;
	lr =	simm.s32 $0x1  }
0x2: {  	[smem:$0x3F91] =	sst lr;
	_ =	strace $0xD0000000  }
0x3: {  	_ = 	snop  }
0x4: {  	_ = 	snop  }
0x5: {  	_ = 	snop  }
0x6: {  	_ = 	snop  }
0x7: {  	_ = 	snop  }
__scs_overlays_trampoline_lowered:
0x8: {  	[smem:$0x3FA0] =	sst s0  }
0x9: {  	[smem:$0x3FA1] =	sst s1  }
0xa: {  	[smem:$0x3FA2] =	sst s2  }
0xb: {  	[smem:$0x3FA3] =	sst s3  }
0xc: {  	[smem:$0x3FA4] =	sst s4  }
0xd: {  	[smem:$0x3FA5] =	sst s5  }
0xe: {  	[smem:$0x3FA6] =	sst s6  }
0xf: {  	[smem:$0x3FA7] =	sst s7  }
0x10: {  	[smem:$0x3FA8] =	sst s8  }
0x11: {  	[smem:$0x3FA9] =	sst s9;
	s0 =	simm.s32 @!p0 $0x0  }
0x12: {  	s1 =	sld [smem:$0x3F8F];
	s0 =	simm.s32 @p0 $0x1  }
0x13: {  	[smem:$0x3FAA] =	sst s0;
	s0 =	simm.s32 @!p1 $0x0  }
0x14: {  	s2 =	sld [smem:$0x3F8E];
	s0 =	simm.s32 @p1 $0x1  }
0x15: {  	[smem:$0x3FAB] =	sst s0;
	s0 =	simm.s32 @!p2 $0x0  }
0x16: {  	s3 =	sld [smem:$0x3FDB];
	s0 =	simm.s32 @p2 $0x1  }
0x17: {  	s4 =	simm.s32 $0x1BF5;
	[smem:$0x3FAD] =	sst s0  }
0x18: {  	s0 =	sld [smem:$0x3F90];
	_ =	swait.ge [sflag:s4], $0x0  }
0x19: {  	s7 =	sld [smem:$0x3F91]  }
0x1a: {  	s8 =	sadd.s32 $0xFFFFE003, lr  }
0x1b: {  	s9 =	sadd.s32 $0xFFFFFEF7, lr;
	s5 =	simm.s32 $0xFFFFFFFF;
	p2 =	slt.u32 s8, $0xFFFFF086  }
0x1c: {  	p1 =	slt.u32 s9, $0xF7A;
	s5 =	simm.s32 @!p2 $0x0  }
0x1d: {  	s5 =	simm.s32 @p1 $0x1;
	p0 =	seq.s32 s7, s2  }
0x1e: {  	s7 =	smul.u32 @!p0 $0xF7A, s2;
	p2 =	seq.s32 @!p0 s5, $0x0  }
0x1f: {  	s9 =	smul.u32 $0xF7A, s1;
	s8 =	simm.s32 @!p0 $0x1BF5;
	p2 =	por !p2, p0  }
0x20: {  	[sflag:s8] =	ssyncset.s32 @!p0 $0xFFFFF086;
	s6 =	sadd.s32 @!p0 s3, s7;
	s7 =	simm.s32 @!p0 $0x108  }
0x21: {  	s3 =	sadd.s32 s3, s9;
	s6 =	sadd.s32 @!p0 $0x88, s6;
	s7 =	simm.s32 @p2 $0x1082  }
0x22: {  	[simem:s7], [sflag:s8] =	dma.local @!p0 [hbm:s6], $0xF7A  }
0x23: {  	s9 =	sor.u32 $0xD0000000, s2;
	s6 =	simm.s32 $0x108;
	_ =	swait.ge @!p0 [sflag:s8], $0x0  }
0x24: {  	s3 =	sadd.s32 $0x88, s3;
	s6 =	simm.s32 @!p1 $0x1082;
	[sflag:s4] =	ssyncset.s32 $0xFFFFF086  }
0x25: {  	[simem:s6], [sflag:s4] =	dma.local [hbm:s3], $0xF7A  }
0x26: {  	[smem:$0x3F91] =	sst s1;
	(tag) =	ssettag s2;
	_ =	strace s9  }
0x27: {  	s1 =	sld [smem:$0x3FA1]  }
0x28: {  	s2 =	sld [smem:$0x3FA2]  }
0x29: {  	s4 =	sld [smem:$0x3FA4]  }
0x2a: {  	p0 =	seq.s32 s5, $0x0;
	s5 =	sld [smem:$0x3FA5]  }
0x2b: {  	s6 =	sld [smem:$0x3FA6]  }
0x2c: {  	s7 =	sld [smem:$0x3FA7]  }
0x2d: {  	s3 =	simm.s32 $0x108;
	s8 =	sld [smem:$0x3FA8]  }
0x2e: {  	s3 =	simm.s32 @!p0 $0x1082;
	s9 =	sld [smem:$0x3FA9]  }
0x2f: {  	lr =	sadd.s32 s0, s3;
	s0 =	sld [smem:$0x3FA0]  }
0x30: {  	s3 =	sld [smem:$0x3FA3]  }
0x31: {  	[smem:$0x3FAC] =	sst s10  }
0x32: {  	s10 =	sld [smem:$0x3FAA];
	_ =	sdelay $0x3  }
0x33: {  	p0 =	seq.s32 s10, $0x1;
	s10 =	sld [smem:$0x3FAC];
	_ =	sdelay $0x3  }
0x34: {  	[smem:$0x3FAC] =	sst s10  }
0x35: {  	s10 =	sld [smem:$0x3FAB];
	_ =	sdelay $0x3  }
0x36: {  	p1 =	seq.s32 s10, $0x1;
	s10 =	sld [smem:$0x3FAC];
	_ =	sdelay $0x3  }
0x37: {  	[smem:$0x3FAC] =	sst s10  }
0x38: {  	s10 =	sld [smem:$0x3FAD]  }
0x39: {  	_ = 	snop;
	(pc) =	sbr.ind lr, $3  }
0x3a: {  	_ = 	snop  }
0x3b: {  	_ = 	snop  }
0x3c: {  	p2 =	seq.s32 s10, $0x1;
	s10 =	sld [smem:$0x3FAC]  }
0x3d: {  	_ =	shalt  }
0x3e: {  	_ =	shalt  }
0x3f: {  	_ =	shalt  }
0x40: {  	_ =	shalt  }
0x41: {  	_ =	shalt  }
0x42: {  	_ =	shalt  }
0x43: {  	_ =	shalt  }
0x44: {  	_ =	shalt  }
0x45: {  	_ =	shalt  }
0x46: {  	_ =	shalt  }
0x47: {  	_ =	shalt  }
0x48: {  	_ =	shalt  }
0x49: {  	_ =	shalt  }
0x4a: {  	_ =	shalt  }
0x4b: {  	_ =	shalt  }
0x4c: {  	_ =	shalt  }
0x4d: {  	_ =	shalt  }
0x4e: {  	_ =	shalt  }
0x4f: {  	_ =	shalt  }
0x50: {  	_ =	shalt  }
0x51: {  	_ =	shalt  }
0x52: {  	_ =	shalt  }
0x53: {  	_ =	shalt  }
0x54: {  	_ =	shalt  }
0x55: {  	_ =	shalt  }
0x56: {  	_ =	shalt  }
0x57: {  	_ =	shalt  }
0x58: {  	_ =	shalt  }
0x59: {  	_ =	shalt  }
0x5a: {  	_ =	shalt  }
0x5b: {  	_ =	shalt  }
0x5c: {  	_ =	shalt  }
0x5d: {  	_ =	shalt  }
0x5e: {  	_ =	shalt  }
0x5f: {  	_ =	shalt  }
0x60: {  	_ =	shalt  }
0x61: {  	_ =	shalt  }
0x62: {  	_ =	shalt  }
0x63: {  	_ =	shalt  }
0x64: {  	_ =	shalt  }
0x65: {  	_ =	shalt  }
0x66: {  	_ =	shalt  }
0x67: {  	_ =	shalt  }
0x68: {  	_ =	shalt  }
0x69: {  	_ =	shalt  }
0x6a: {  	_ =	shalt  }
0x6b: {  	_ =	shalt  }
0x6c: {  	_ =	shalt  }
0x6d: {  	_ =	shalt  }
0x6e: {  	_ =	shalt  }
0x6f: {  	_ =	shalt  }
0x70: {  	_ =	shalt  }
0x71: {  	_ =	shalt  }
0x72: {  	_ =	shalt  }
0x73: {  	_ =	shalt  }
0x74: {  	_ =	shalt  }
0x75: {  	_ =	shalt  }
0x76: {  	_ =	shalt  }
0x77: {  	_ =	shalt  }
0x78: {  	_ =	shalt  }
0x79: {  	_ =	shalt  }
0x7a: {  	_ =	shalt  }
0x7b: {  	_ =	shalt  }
0x7c: {  	_ =	shalt  }
0x7d: {  	_ =	shalt  }
0x7e: {  	_ =	shalt  }
0x7f: {  	_ =	shalt  }
0x80: {  	_ =	shalt  }
0x81: {  	_ =	shalt  }
0x82: {  	_ =	shalt  }
0x83: {  	_ =	shalt  }
0x84: {  	_ =	shalt  }
0x85: {  	_ =	shalt  }
0x86: {  	_ =	shalt  }
0x87: {  	_ =	shalt  }
.Lfunc_end0:
.L_simem_size_0:
called_computation_lowered:
.L_overlay_start_0:
0x88: {  	s2 =	sld [smem:$0x3FD9]  }
0x89: {  	s3 =	sld [smem:$0x3FFE];
	_ =	sdelay $0x1  }
0x8a: {  	s1 =	srdreg.scid  }
0x8b: {  	s0 =	sand.u32 $0x1, s1  }
0x8c: {  	s16 =	sshll.u32 s0, $0xA;
	s2 =	sadd.s32 s3, s2  }
0x8d: {  	s2 =	sadd.s32 s2, s16  }
0x8e: {  	[smem:$0x3FB8] =	sst s2  }
0x8f: {  	_ = 	snop  }
0x90: {  	(tm) =	ssettm $0x1  }
0x91: {  	s17 =	sld [smem:$0x3FFB];
	_ =	sdelay $0x3  }
0x92: {  	_ =	strace s17  }
0x93: {  	s2 =	sld [smem:$0x3FFC];
	_ =	sdelay $0x3  }
0x94: {  	_ =	strace s2  }
0x95: {  	s2 =	sld [smem:$0x3FFD];
	_ =	sdelay $0x3  }
0x96: {  	_ =	strace s2  }
0x97: {  	_ =	strace $0x8FFFFFFF  }
0x98: {  	s18 =	sld [smem:$0x3FDB];
	_ =	sdelay $0x1  }
0x99: {  	s19 =	simm.s32 $_scs_section_size  }
0x9a: {  	s4 =	simm.s32 $_size__tile_overlayer_lowered;
	s5 =	simm.s32 $_tile_overlayer_lowered  }
0x9b: {  	s22 =	simm.s32 $0x1BFF;
	s21 =	sshll.u32 s5, $0x1;
	s2 =	sadd.s32 s19, s18  }
0x9c: {  	s6 =	simm.s32 $0x0;
	s20 =	sshll.u32 s4, $0x1;
	s4 =	sadd.s32 s21, s2  }
0x9d: {  	[timem:s6], [sflag:s22] =	dma.local [hbm:s4], s20  }
0x9e: {  	_ =	swait.ge [sflag:s22], s20  }
0x9f: {  	s3 =	ssub.s32 $0x0, s20;
	[sflag:s22] =	ssyncset.done $0x0  }
0xa0: {  	[sflag:s22] =	ssyncadd.s32 s3;
	_ =	sdelay $0x1  }
0xa1: {  	s23 =	simm.s32 $0x1B8B  }
0xa2: {  	_ =	swait.ge [sflag:s23], $0x1  }
0xa3: {  	[sflag:s23] =	ssyncset.done $0x0  }
0xa4: {  	s25 =	simm.s32 $0x1B8E;
	s24 =	sld [smem:$0x3FFE];
	[sflag:s23] =	ssyncadd.s32 $0xFFFFFFFF  }
0xa5: {  	s26 =	simm.s32 $execute0_lowered;
	[smem:$0x3FD2] =	sst s25  }
0xa6: {  	s4 =	sshll.u32 s26, $0x1;
	_ =	strace $0x80000046;
	[dreg:$0x1] =	wrdreg $0xFFFFFFFF  }
0xa7: {  	s28 =	simm.s32 $_size_execute0_lowered;
	s2 =	sadd.s32 s2, s4;
	[dreg:$0x0] =	wrdreg $0x0  }
0xa8: {  	s4 =	sshll.u32 s28, $0x1;
	[dreg:$0x2] =	wrdreg s2  }
0xa9: {  	[dreg:$0x3] =	wrdreg s4  }
0xaa: {  	[dreg:$0x4] =	wrdreg $0xC0  }
0xab: {  	_ =	task [dreg:s6], $0x5FFFF  }
0xac: {  	[dreg:$0x1] =	wrdreg $0xFFFFFFFF  }
0xad: {  	[dreg:$0x0] =	wrdreg $0x60  }
0xae: {  	[dreg:$0x2] =	wrdreg s24  }
0xaf: {  	[dreg:$0x3] =	wrdreg $0x9  }
0xb0: {  	_ =	task.clear_ibuf [dreg:s6], $0x4FFFF;
	_ =	strace $0x90000046  }
0xb1: {  	s29 =	simm.s32 $0x9;
	_ =	strace $0x80000048  }
0xb2: {  	_ =	swait.ge [sflag:s29], $0x1  }
0xb3: {  	[sflag:s29] =	ssyncadd.s32 $0xFFFFFFFF  }
0xb4: {  	_ =	strace $0x90000048  }
0xb5: {  	_ =	sfence  }
0xb6: {  	s30 =	sld [smem:$0x0];
	_ =	sdelay $0x2  }
0xb7: {  	s31 =	sshll.u32 s1, $0xD;
	s1 =	sshrl.u32 s1, $0x2  }
0xb8: {  	s3 =	sand.u32 $0x4000, s31;
	s1 =	sadd.s32 s1, s30  }
0xb9: {  	s0 =	sor.u32 s3, s0;
	s1 =	sshll.u32 s1, $0x11  }
0xba: {  	s0 =	sor.u32 s1, s0  }
0xbb: {  	s0 =	sadd.s32 $0x8F2B, s0  }
0xbc: {  	[sflag:s0] =	ssyncadd.remote.s32 $0x1  }
0xbd: {  	_ =	sfence.sel $0xFFFF  }
0xbe: {  	[dreg:$0x0] =	wrdreg $0xFFFFFFFF;
	(pc) =	sbr.abs _section_cstart, $3  }
0xbf: {  	[dreg:$0x1] =	wrdreg $0xFFFFFFFF  }
0xc0: {  	_ =	task.clear_ibuf [dreg:s6], $0x2FFFF;
	_ =	strace $0x9FFFFFFF  }
0xc1: {  	(tm) =	ssettm $0x7FFFFFFF  }
tec
execute0_lowered:
.L_overlay_start_1:
0x0: {  	(tag) =	ssettag $0x1  }
0x1: {  	s0 =	srdreg.scid;
	s5 =	rddreg [dreg:$0x0]  }
0x2: {  	s1 =	stileid.u32;
	s6 =	simm.s32 $0x1;
	s9 =	simm.s32 $0x1  }
0x3: {  	s10 =	simm.s32 $0x3;
	s13 =	simm.s32 $0x0;
	s2 =	sshll.u32 s0, $0x9  }
0x4: {  	s12 =	simm.s32 $0x0;
	s3 =	sshll.u32 s1, $0xA;
	s2 =	sand.u32 $0x200, s2  }
0x5: {  	s0 =	rddreg [dreg:$0x1];
	_ =	strace $0x80000047;
	s2 =	sor.u32 s3, s2  }
0x6: {  	s4 =	sadd.s32 $0x1C00, s5;
	[sflag:s6] =	ssyncpa.u1 $0x0;
	s8 =	ssub.s32 $0x8000, s2  }
.Ltmp0:
0x7: {  	s3 =	sadd.s32 $0xC00, s5;
	s7 =	sand.u32 $0x3E00, s8;
	(pc) =	sbr.rel .LBB2_1-.Ltmp0, $4  }
0x8: {  	s5 =	sadd.s32 $0x2C00, s5;
	s11 =	smov.u32 s2;
	p0 =	sne.s32 s7, $0x0  }
0x9: {  	s8 =	sshrl.u32 s8, $0xE;
	s7 =	simm.s32 $0x2;
	s9 =	simm.s32 @!p0 $0x0  }
0xa: {  	[sflag:s7] =	ssyncpa.u1 $0x0;
	p0 =	por $0x0, $0x0;
	s8 =	sadd.s32 s9, s8  }
0xb: {  	vm0 =	vmmov $0xffff;
	[sflag:s10] =	ssyncpa.u1 $0x0;
	s10 =	simm.s32 $0x0;
	s9 =	sadd.s32 $0x1, s8  }
.LBB2_4:
0xc: {  	v2 =	vnsel vm1, $0x0, v2  }
0xd: {  	vm1 =	vgt.s32 v0, $0x0;
	v2 =	vmin.u32 v2, $0x7FFF  }
0xe: {  	v0 =	vnsel vm1, $0x0, v0  }
0xf: {  	v0 =	vmin.u32 v0, $0x7FFF  }
0x10: {  	[tilespmem:s15], [sflag:$0x1] =	stream.indirect_vreg.gather [hbm4b:s3+s10], $0x1, v1, vm0, $0x4038;
	[tilespmem:$0x800] =	vst v63  }
0x11: {  	(ifvalue) =	ssetifvalue $0x7FFFFFFF  }
0x12: {  	[tilespmem:s16], [sflag:$0x1] =	stream.indirect_vreg.gather [hbm4b:s3+s10], $0x1, v2, vm0, $0x4038;
	[tilespmem:$0x800] =	vst v63  }
0x13: {  	s29 =	sadd.s32 $0x10, s16;
	(ifvalue) =	ssetifvalue $0x7FFFFFFF  }
0x14: {  	[tilespmem:s29], [sflag:$0x1] =	stream.indirect_vreg.gather [hbm4b:s3+s10], $0x1, v0, vm0, $0x4038;
	[tilespmem:$0x800] =	vst v63  }
0x15: {  	_ =	swait.ge [sflag:s6], $0x200  }
0x16: {  	s30 =	sshrl.u32 s13, $0x3;
	[sflag:s6] =	ssyncset.done $0x0  }
0x17: {  	s31 =	sand.u32 $0x7, s13;
	s15 =	sadd.s32 s5, s30;
	[sflag:s6] =	ssyncadd.s32 $0xFFFFFE00  }
0x18: {  	[hbm4b:s15+s31] =	stream.linear.scatter [tilespmem:s14], [sflag:$0x3], $0x200, $0x38;
	[tilespmem:$0x800] =	vst v63  }
.LBB2_5:
0x19: {  	s15 =	sadd.s32 $0x4000, s11  }
0x1a: {  	p2 =	sgt.s32 s15, $0x7FFF  }
0x1b: {  	s15 =	smov.u32 @p2 s2;
	p2 =	sne.s32 s12, s9  }
.Ltmp1:
0x1c: {  	p1 =	slt.u32 s12, $0x2;
	(pc) =	sbr.rel @!p2 .LBB2_6-.Ltmp1, $4  }
0x1d: {  	s14 =	simm.s32 @!p1 $0x3  }
0x1e: {  	s16 =	sadd.s32 $0x1, s12;
	_ =	swait.ge @!p1 [sflag:s14], $0x200  }
0x1f: {  	s13 =	smov.u32 s11;
	p0 =	por !p0, !p0;
	[sflag:s14] =	ssyncset.done @!p1 $0x0  }
0x20: {  	s12 =	smov.u32 s16;
	s11 =	smov.u32 s15;
	[sflag:s14] =	ssyncadd.s32 @!p1 $0xFFFFFE00  }
.LBB2_1:
0x21: {  	p1 =	sge.u32 s12, s8  }
0x22: {  	s14 =	sxor.u32 @!p1 $0xFFFFFFFF, s12  }
0x23: {  	s31 =	sadd.s32 $0xFFFFFFFF, s12;
	s15 =	sshrl.u32 @!p1 s11, $0x3;
	s14 =	sshll.u32 @!p1 s14, $0x9  }
0x24: {  	s16 =	sand.u32 @!p1 $0x7, s11;
	s15 =	sadd.s32 @!p1 s4, s15;
	s14 =	sand.u32 @!p1 $0x200, s14  }
0x25: {  	[tilespmem:s14], [sflag:$0x2] =	stream.linear.gather @!p1 [hbm4b:s15+s16], $0x200, $0x38;
	[tilespmem:$0x800] =	vst v63  }
0x26: {  	p1 =	sge.u32 s31, s8  }
.Ltmp2:
0x27: {  	_ = 	snop;
	(pc) =	sbr.rel @p1 .LBB2_5-.Ltmp2, $1  }
0x28: {  	_ =	sdelay $0x3  }
0x29: {  	s14 =	simm.s32 $0x1  }
0x2a: {  	_ =	swait.ge [sflag:s7], $0x200;
	s14 =	simm.s32 @!p0 $0x0  }
0x2b: {  	[sflag:s7] =	ssyncset.done $0x0;
	s14 =	sshll.u32 s14, $0x9  }
0x2c: {  	[sflag:s7] =	ssyncadd.s32 $0xFFFFFE00;
	(ifvalue) =	ssetifvalue $0x7FFFFFFF;
	v0 =	vld.msk [tilespmem:s14+$0x0 ss:$0x1], $0xffff;
	_ =	sdelay $0x4  }
0x2d: {  	s15 =	sadd.s32 $0x10, s14;
	vm1 =	vgt.s32 v0, $0x0  }
0x2e: {  	v2 =	vld.msk [tilespmem:s15+$0x0 ss:$0x1], $0xffff;
	v1 =	vnsel vm1, $0x0, v0  }
0x2f: {  	v1 =	vmin.u32 v1, $0x7FFF;
	_ =	sdelay $0x1  }
0x30: {  	s16 =	sshll.u32 s12, $0x9;
	s18 =	simm.s32 $0x20  }
0x31: {  	s16 =	sand.u32 $0x200, s16;
	s17 =	sadd.s32 $0x10, s15;
	s15 =	sor.u32 $0x400, s14  }
0x32: {  	s14 =	sor.u32 $0x400, s16;
	s16 =	sadd.s32 $0x10, s15;
	v0 =	vld.msk [tilespmem:s17+$0x0 ss:$0x1], $0xffff;
	vm1 =	vgt.s32 v2, $0x0;
	(ifvalue) =	ssetifvalue $0x7FFFFFFF  }
.LBB2_3:
0x33: {  	[tilespmem:s15], [sflag:$0x1] =	stream.indirect_vreg.gather [hbm4b:s3+s10], $0x1, v1, vm0, $0x4038;
	[tilespmem:$0x800] =	vst v63  }
0x34: {  	s18 =	sadd.s32 $0x10, s18  }
0x35: {  	v2 =	vnsel vm1, $0x0, v2;
	p1 =	slt.u32 s18, $0x1F0  }
.Ltmp3:
0x36: {  	s15 =	smov.u32 s16;
	v1 =	vmin.u32 v2, $0x7FFF;
	(pc) =	sbr.rel @p1 .LBB2_3-.Ltmp3, $3  }
0x37: {  	_ =	sdelay $0x1  }
0x38: {  	s17 =	sadd.s32 $0x10, s17  }
0x39: {  	vm1 =	vgt.s32 v0, $0x0;
	s16 =	sadd.s32 $0x10, s16;
	v2 =	vmov v0;
	(ifvalue) =	ssetifvalue $0x7FFFFFFF;
	v0 =	vld.msk [tilespmem:s17+$0x0 ss:$0x1], $0xffff  }
.Ltmp4:
0x3a: {  	_ = 	snop;
	(pc) =	sbr.rel .LBB2_4-.Ltmp4, $1  }
0x3b: {  	_ =	sdelay $0x3  }
.LBB2_6:
0x3c: {  	_ =	sfence.sel $0x180000  }
0x3d: {  	s2 =	simm.s32 $0x2;
	[bflag:$0x0] =	sbarrier.arrive $0xFFFF  }
0x3e: {  	s30 =	simm.s32 $0x3;
	[sflag:s2] =	ssyncpa.u1 $0x1  }
0x3f: {  	s31 =	simm.s32 $0x1;
	[sflag:s30] =	ssyncpa.u1 $0x1  }
0x40: {  	[sflag:s31] =	ssyncpa.u1 $0x1  }
0x41: {  	p0 =	sne.s32 s1, $0x0;
	_ =	strace $0x90000047  }
0x42: {  	s0 =	sadd.s32 @!p0 $0x100000, s0;
	[bflag:$0x2] =	sbarrier.arrive $0xFFFF  }
0x43: {  	[sflag:s0] =	ssyncadd.tile.s32 @!p0 $0x1;
	_ =	shalt  }
.Lfunc_end2:
_tile_overlayer_lowered:
.L_overlay_start_2:
0x44: {  	(tag) =	ssettag $0x2  }
0x45: {  	s0 =	rddreg [dreg:$0x0];
	s2 =	stileid.u32  }
0x46: {  	s1 =	rddreg [dreg:$0x1];
	p0 =	sne.s32 s2, $0x0  }
0x47: {  	s3 =	rddreg [dreg:$0x2];
	[bflag:$0x3] =	sbarrier.arrive $0xFFFF;
	s2 =	simm.s32 @!p0 $0x1C01  }
0x48: {  	[timem:s3], [sflag:s2] =	dma.local @!p0 [hbm:s0], s1  }
0x49: {  	s0 =	simm.s32 @!p0 $0x1  }
0x4a: {  	_ =	swait.ge @!p0 [sflag:s0], s1  }
0x4b: {  	s1 =	ssub.s32 @!p0 $0x0, s1;
	[sflag:s0] =	ssyncset.done @!p0 $0x0  }
0x4c: {  	[sflag:s0] =	ssyncadd.s32 @!p0 s1  }
0x4d: {  	[bflag:$0x3] =	sbarrier.arrive $0xFFFF  }
0x4e: {  	_ =	shalt  }

// kernel: kernel.4.cloned.1.call-start
scs
__scs_entry_jumppad:
0x0: {  	(pc) =	sbr.rel $0x88, $3  }
0x1: {  	(tag) =	ssettag $0x0;
	lr =	simm.s32 $0x1  }
0x2: {  	[smem:$0x3F91] =	sst lr;
	_ =	strace $0xD0000000  }
0x3: {  	_ = 	snop  }
0x4: {  	_ = 	snop  }
0x5: {  	_ = 	snop  }
0x6: {  	_ = 	snop  }
0x7: {  	_ = 	snop  }
__scs_overlays_trampoline_lowered:
0x8: {  	[smem:$0x3FA0] =	sst s0  }
0x9: {  	[smem:$0x3FA1] =	sst s1  }
0xa: {  	[smem:$0x3FA2] =	sst s2  }
0xb: {  	[smem:$0x3FA3] =	sst s3  }
0xc: {  	[smem:$0x3FA4] =	sst s4  }
0xd: {  	[smem:$0x3FA5] =	sst s5  }
0xe: {  	[smem:$0x3FA6] =	sst s6  }
0xf: {  	[smem:$0x3FA7] =	sst s7  }
0x10: {  	[smem:$0x3FA8] =	sst s8  }
0x11: {  	[smem:$0x3FA9] =	sst s9;
	s0 =	simm.s32 @!p0 $0x0  }
0x12: {  	s1 =	sld [smem:$0x3F8F];
	s0 =	simm.s32 @p0 $0x1  }
0x13: {  	[smem:$0x3FAA] =	sst s0;
	s0 =	simm.s32 @!p1 $0x0  }
0x14: {  	s2 =	sld [smem:$0x3F8E];
	s0 =	simm.s32 @p1 $0x1  }
0x15: {  	[smem:$0x3FAB] =	sst s0;
	s0 =	simm.s32 @!p2 $0x0  }
0x16: {  	s3 =	sld [smem:$0x3FDB];
	s0 =	simm.s32 @p2 $0x1  }
0x17: {  	s4 =	simm.s32 $0x1BF5;
	[smem:$0x3FAD] =	sst s0  }
0x18: {  	s0 =	sld [smem:$0x3F90];
	_ =	swait.ge [sflag:s4], $0x0  }
0x19: {  	s7 =	sld [smem:$0x3F91]  }
0x1a: {  	s8 =	sadd.s32 $0xFFFFE003, lr  }
0x1b: {  	s9 =	sadd.s32 $0xFFFFFEF7, lr;
	s5 =	simm.s32 $0xFFFFFFFF;
	p2 =	slt.u32 s8, $0xFFFFF086  }
0x1c: {  	p1 =	slt.u32 s9, $0xF7A;
	s5 =	simm.s32 @!p2 $0x0  }
0x1d: {  	s5 =	simm.s32 @p1 $0x1;
	p0 =	seq.s32 s7, s2  }
0x1e: {  	s7 =	smul.u32 @!p0 $0xF7A, s2;
	p2 =	seq.s32 @!p0 s5, $0x0  }
0x1f: {  	s9 =	smul.u32 $0xF7A, s1;
	s8 =	simm.s32 @!p0 $0x1BF5;
	p2 =	por !p2, p0  }
0x20: {  	[sflag:s8] =	ssyncset.s32 @!p0 $0xFFFFF086;
	s6 =	sadd.s32 @!p0 s3, s7;
	s7 =	simm.s32 @!p0 $0x108  }
0x21: {  	s3 =	sadd.s32 s3, s9;
	s6 =	sadd.s32 @!p0 $0x88, s6;
	s7 =	simm.s32 @p2 $0x1082  }
0x22: {  	[simem:s7], [sflag:s8] =	dma.local @!p0 [hbm:s6], $0xF7A  }
0x23: {  	s9 =	sor.u32 $0xD0000000, s2;
	s6 =	simm.s32 $0x108;
	_ =	swait.ge @!p0 [sflag:s8], $0x0  }
0x24: {  	s3 =	sadd.s32 $0x88, s3;
	s6 =	simm.s32 @!p1 $0x1082;
	[sflag:s4] =	ssyncset.s32 $0xFFFFF086  }
0x25: {  	[simem:s6], [sflag:s4] =	dma.local [hbm:s3], $0xF7A  }
0x26: {  	[smem:$0x3F91] =	sst s1;
	(tag) =	ssettag s2;
	_ =	strace s9  }
0x27: {  	s1 =	sld [smem:$0x3FA1]  }
0x28: {  	s2 =	sld [smem:$0x3FA2]  }
0x29: {  	s4 =	sld [smem:$0x3FA4]  }
0x2a: {  	p0 =	seq.s32 s5, $0x0;
	s5 =	sld [smem:$0x3FA5]  }
0x2b: {  	s6 =	sld [smem:$0x3FA6]  }
0x2c: {  	s7 =	sld [smem:$0x3FA7]  }
0x2d: {  	s3 =	simm.s32 $0x108;
	s8 =	sld [smem:$0x3FA8]  }
0x2e: {  	s3 =	simm.s32 @!p0 $0x1082;
	s9 =	sld [smem:$0x3FA9]  }
0x2f: {  	lr =	sadd.s32 s0, s3;
	s0 =	sld [smem:$0x3FA0]  }
0x30: {  	s3 =	sld [smem:$0x3FA3]  }
0x31: {  	[smem:$0x3FAC] =	sst s10  }
0x32: {  	s10 =	sld [smem:$0x3FAA];
	_ =	sdelay $0x3  }
0x33: {  	p0 =	seq.s32 s10, $0x1;
	s10 =	sld [smem:$0x3FAC];
	_ =	sdelay $0x3  }
0x34: {  	[smem:$0x3FAC] =	sst s10  }
0x35: {  	s10 =	sld [smem:$0x3FAB];
	_ =	sdelay $0x3  }
0x36: {  	p1 =	seq.s32 s10, $0x1;
	s10 =	sld [smem:$0x3FAC];
	_ =	sdelay $0x3  }
0x37: {  	[smem:$0x3FAC] =	sst s10  }
0x38: {  	s10 =	sld [smem:$0x3FAD]  }
0x39: {  	_ = 	snop;
	(pc) =	sbr.ind lr, $3  }
0x3a: {  	_ = 	snop  }
0x3b: {  	_ = 	snop  }
0x3c: {  	p2 =	seq.s32 s10, $0x1;
	s10 =	sld [smem:$0x3FAC]  }
0x3d: {  	_ =	shalt  }
0x3e: {  	_ =	shalt  }
0x3f: {  	_ =	shalt  }
0x40: {  	_ =	shalt  }
0x41: {  	_ =	shalt  }
0x42: {  	_ =	shalt  }
0x43: {  	_ =	shalt  }
0x44: {  	_ =	shalt  }
0x45: {  	_ =	shalt  }
0x46: {  	_ =	shalt  }
0x47: {  	_ =	shalt  }
0x48: {  	_ =	shalt  }
0x49: {  	_ =	shalt  }
0x4a: {  	_ =	shalt  }
0x4b: {  	_ =	shalt  }
0x4c: {  	_ =	shalt  }
0x4d: {  	_ =	shalt  }
0x4e: {  	_ =	shalt  }
0x4f: {  	_ =	shalt  }
0x50: {  	_ =	shalt  }
0x51: {  	_ =	shalt  }
0x52: {  	_ =	shalt  }
0x53: {  	_ =	shalt  }
0x54: {  	_ =	shalt  }
0x55: {  	_ =	shalt  }
0x56: {  	_ =	shalt  }
0x57: {  	_ =	shalt  }
0x58: {  	_ =	shalt  }
0x59: {  	_ =	shalt  }
0x5a: {  	_ =	shalt  }
0x5b: {  	_ =	shalt  }
0x5c: {  	_ =	shalt  }
0x5d: {  	_ =	shalt  }
0x5e: {  	_ =	shalt  }
0x5f: {  	_ =	shalt  }
0x60: {  	_ =	shalt  }
0x61: {  	_ =	shalt  }
0x62: {  	_ =	shalt  }
0x63: {  	_ =	shalt  }
0x64: {  	_ =	shalt  }
0x65: {  	_ =	shalt  }
0x66: {  	_ =	shalt  }
0x67: {  	_ =	shalt  }
0x68: {  	_ =	shalt  }
0x69: {  	_ =	shalt  }
0x6a: {  	_ =	shalt  }
0x6b: {  	_ =	shalt  }
0x6c: {  	_ =	shalt  }
0x6d: {  	_ =	shalt  }
0x6e: {  	_ =	shalt  }
0x6f: {  	_ =	shalt  }
0x70: {  	_ =	shalt  }
0x71: {  	_ =	shalt  }
0x72: {  	_ =	shalt  }
0x73: {  	_ =	shalt  }
0x74: {  	_ =	shalt  }
0x75: {  	_ =	shalt  }
0x76: {  	_ =	shalt  }
0x77: {  	_ =	shalt  }
0x78: {  	_ =	shalt  }
0x79: {  	_ =	shalt  }
0x7a: {  	_ =	shalt  }
0x7b: {  	_ =	shalt  }
0x7c: {  	_ =	shalt  }
0x7d: {  	_ =	shalt  }
0x7e: {  	_ =	shalt  }
0x7f: {  	_ =	shalt  }
0x80: {  	_ =	shalt  }
0x81: {  	_ =	shalt  }
0x82: {  	_ =	shalt  }
0x83: {  	_ =	shalt  }
0x84: {  	_ =	shalt  }
0x85: {  	_ =	shalt  }
0x86: {  	_ =	shalt  }
0x87: {  	_ =	shalt  }
.Lfunc_end0:
.L_simem_size_0:
called_computation.1_lowered:
.L_overlay_start_0:
0x88: {  	s2 =	sld [smem:$0x3FD9]  }
0x89: {  	s3 =	sld [smem:$0x3FFE];
	_ =	sdelay $0x1  }
0x8a: {  	s1 =	srdreg.scid  }
0x8b: {  	s0 =	sand.u32 $0x1, s1  }
0x8c: {  	s17 =	sshll.u32 s0, $0xA;
	s2 =	sadd.s32 s3, s2  }
0x8d: {  	s2 =	sadd.s32 s2, s17  }
0x8e: {  	[smem:$0x3FB8] =	sst s2  }
0x8f: {  	_ = 	snop  }
0x90: {  	s2 =	sld [smem:$0x3FC3]  }
0x91: {  	s18 =	sld [smem:$0x3FC2]  }
0x92: {  	s4 =	sld [smem:$0x3FBF]  }
0x93: {  	s5 =	sld [smem:$0x3FBE]  }
0x94: {  	s6 =	sld [smem:$0x3FBD]  }
0x95: {  	s7 =	sld [smem:$0x3FBC]  }
0x96: {  	s8 =	sld [smem:$0x3FBB]  }
0x97: {  	s9 =	sld [smem:$0x3FBA]  }
0x98: {  	s10 =	sld [smem:$0x3FD0];
	(tm) =	ssettm $0x1  }
0x99: {  	s11 =	sld [smem:$0x3FFB];
	_ =	sdelay $0x3  }
0x9a: {  	_ =	strace s11  }
0x9b: {  	s11 =	sld [smem:$0x3FFC];
	_ =	sdelay $0x3  }
0x9c: {  	_ =	strace s11  }
0x9d: {  	s11 =	sld [smem:$0x3FFD];
	_ =	sdelay $0x3  }
0x9e: {  	_ =	strace s11  }
0x9f: {  	_ =	strace $0x8FFFFFFF  }
0xa0: {  	s19 =	sld [smem:$0x3FDB];
	_ =	sdelay $0x1  }
0xa1: {  	s12 =	simm.s32 $_scs_section_size  }
0xa2: {  	s13 =	simm.s32 $_size__tile_overlayer_lowered;
	s14 =	simm.s32 $_tile_overlayer_lowered  }
0xa3: {  	s22 =	simm.s32 $0x1BFF;
	s21 =	sshll.u32 s14, $0x1;
	s11 =	sadd.s32 s12, s19  }
0xa4: {  	s15 =	simm.s32 $0x0;
	s20 =	sshll.u32 s13, $0x1;
	s13 =	sadd.s32 s21, s11  }
0xa5: {  	[timem:s15], [sflag:s22] =	dma.local [hbm:s13], s20  }
0xa6: {  	_ =	swait.ge [sflag:s22], s20  }
0xa7: {  	s12 =	ssub.s32 $0x0, s20;
	[sflag:s22] =	ssyncset.done $0x0  }
0xa8: {  	[sflag:s22] =	ssyncadd.s32 s12;
	_ =	sdelay $0x1  }
0xa9: {  	s23 =	simm.s32 $0x1B8B  }
0xaa: {  	_ =	swait.ge [sflag:s23], $0x1  }
0xab: {  	[sflag:s23] =	ssyncset.done $0x0  }
0xac: {  	s25 =	simm.s32 $0x1B8E;
	s24 =	sld [smem:$0x3FFE];
	[sflag:s23] =	ssyncadd.s32 $0xFFFFFFFF  }
0xad: {  	s26 =	simm.s32 $execute0_lowered;
	[smem:$0x3FD2] =	sst s25  }
0xae: {  	s13 =	sshll.u32 s26, $0x1;
	_ =	strace $0x80000049;
	[dreg:$0x1] =	wrdreg $0xFFFFFFFF  }
0xaf: {  	s28 =	simm.s32 $_size_execute0_lowered;
	s11 =	sadd.s32 s11, s13;
	[dreg:$0x0] =	wrdreg $0x0  }
0xb0: {  	s13 =	sshll.u32 s28, $0x1;
	[dreg:$0x2] =	wrdreg s11  }
0xb1: {  	[dreg:$0x3] =	wrdreg s13  }
0xb2: {  	[dreg:$0x4] =	wrdreg $0xC0  }
0xb3: {  	_ =	task [dreg:s15], $0x5FFFF  }
0xb4: {  	[dreg:$0x1] =	wrdreg $0xFFFFFFFF  }
0xb5: {  	[dreg:$0x0] =	wrdreg $0x60  }
0xb6: {  	[dreg:$0x2] =	wrdreg s24  }
0xb7: {  	[dreg:$0x3] =	wrdreg s10  }
0xb8: {  	[dreg:$0x4] =	wrdreg s2  }
0xb9: {  	[dreg:$0x5] =	wrdreg s18  }
0xba: {  	[dreg:$0x6] =	wrdreg s4  }
0xbb: {  	[dreg:$0x7] =	wrdreg s5  }
0xbc: {  	[dreg:$0x8] =	wrdreg s6  }
0xbd: {  	[dreg:$0x9] =	wrdreg s7  }
0xbe: {  	[dreg:$0xa] =	wrdreg s8  }
0xbf: {  	[dreg:$0xb] =	wrdreg s9  }
0xc0: {  	[dreg:$0xc] =	wrdreg $0x9  }
0xc1: {  	_ =	task.clear_ibuf [dreg:s15], $0xDFFFF;
	_ =	strace $0x90000049  }
0xc2: {  	s29 =	simm.s32 $0x9;
	_ =	strace $0x8000004B  }
0xc3: {  	_ =	swait.ge [sflag:s29], $0x1  }
0xc4: {  	[sflag:s29] =	ssyncadd.s32 $0xFFFFFFFF  }
0xc5: {  	_ =	strace $0x9000004B  }
0xc6: {  	_ =	sfence  }
0xc7: {  	s30 =	sld [smem:$0x0];
	_ =	sdelay $0x2  }
0xc8: {  	s31 =	sshll.u32 s1, $0xD;
	s1 =	sshrl.u32 s1, $0x2  }
0xc9: {  	s3 =	sand.u32 $0x4000, s31;
	s1 =	sadd.s32 s1, s30  }
0xca: {  	s0 =	sor.u32 s3, s0;
	s1 =	sshll.u32 s1, $0x11  }
0xcb: {  	s0 =	sor.u32 s1, s0  }
0xcc: {  	s0 =	sadd.s32 $0x8F2B, s0  }
0xcd: {  	[sflag:s0] =	ssyncadd.remote.s32 $0x1  }
0xce: {  	_ =	sfence.sel $0xFFFF  }
0xcf: {  	[dreg:$0x0] =	wrdreg $0xFFFFFFFF;
	(pc) =	sbr.abs _section_cstart, $3  }
0xd0: {  	[dreg:$0x1] =	wrdreg $0xFFFFFFFF  }
0xd1: {  	_ =	task.clear_ibuf [dreg:s15], $0x2FFFF;
	_ =	strace $0x9FFFFFFF  }
0xd2: {  	(tm) =	ssettm $0x7FFFFFFF  }
0xd3: {  	_ =	shalt  }
tec
execute0_lowered:
.L_overlay_start_1:
0x0: {  	(tag) =	ssettag $0x1  }
0x1: {  	s0 =	rddreg [dreg:$0x0]  }
0x2: {  	s1 =	srdreg.scid;
	s2 =	stileid.u32  }
0x3: {  	s11 =	simm.s32 $0x0;
	s22 =	simm.s32 $0x800;
	s23 =	simm.s32 $0x3800  }
0x4: {  	s24 =	simm.s32 $0x6800;
	s28 =	simm.s32 $0xF800;
	s29 =	simm.s32 $0x12800  }
0x5: {  	s30 =	simm.s32 $0x15800;
	s1 =	sand.u32 $0x1, s1;
	s2 =	sshll.u32 s2, $0xB  }
0x6: {  	[smem:$0x7FF] =	sst s11;
	s13 =	sadd.s32 $0x1C00, s0;
	s16 =	sadd.s32 $0x1D00, s0  }
0x7: {  	s17 =	sadd.s32 $0x1E00, s0;
	s18 =	sadd.s32 $0x1F00, s0;
	s3 =	sshll.u32 s1, $0xA  }
0x8: {  	_ =	strace $0x8000004A;
	s1 =	ssub.s32 $0x2, s1;
	s12 =	sor.u32 s3, s2  }
.Ltmp0:
0x9: {  	v0 =	vlaneseq.u32;
	s25 =	sshrl.u32 s1, $0x1;
	s2 =	sshrl.u32 s12, $0x3;
	(pc) =	sbr.rel .LBB2_1-.Ltmp0, $4  }
0xa: {  	vm0 =	vmmov $0xffff;
	v1 =	vmul.u32 $0x80, v0;
	s1 =	ssub.s32 s1, s25;
	s26 =	sadd.s32 $0x400, s12;
	s25 =	simm.s32 $0x9800  }
0xb: {  	v7 =	vand.u32 $0x7, v0;
	v8 =	vshrl.u32 v0, $0x3;
	v9 =	vor.u32 $0x8, v0;
	s2 =	sadd.s32 s2, s0;
	[dreg:$0xc] =	wrdreg s26;
	s31 =	smax.u32 s1, $0x1  }
0xc: {  	v8 =	vmul.u32 $0x8, v8;
	v2 =	vor.u32 $0x800, v1;
	v3 =	vor.u32 $0x1000, v1;
	s26 =	simm.s32 $0xC800;
	s2 =	sadd.s32 $0xC00, s2;
	[dreg:$0xd] =	wrdreg s31  }
0xd: {  	v4 =	vor.u32 $0x1800, v1;
	v5 =	vor.u32 $0x2000, v1;
	v6 =	vor.u32 $0x2800, v1;
	s1 =	simm.s32 $0x1;
	[dreg:$0xb] =	wrdreg s2;
	s2 =	simm.s32 $0x0  }
.LBB2_7:
0xe: {  	s2 =	rddreg [dreg:$0xe]  }
0xf: {  	s0 =	rddreg [dreg:$0xd];
	s2 =	sadd.s32 $0x1, s2  }
0x10: {  	p0 =	sne.s32 s2, s0  }
.Ltmp1:
0x11: {  	_ = 	snop;
	(pc) =	sbr.rel @!p0 .LBB2_8-.Ltmp1, $1  }
0x12: {  	_ =	sdelay $0x3  }
.LBB2_1:
0x13: {  	[dreg:$0xe] =	wrdreg s2  }
0x14: {  	s0 =	rddreg [dreg:$0xb];
	s15 =	simm.s32 $0x2  }
0x15: {  	[tilespmem:s11], [sflag:$0x2] =	stream.linear.gather [hbm4b:s0+s11], $0x400, $0x38;
	[tilespmem:$0x1C800] =	vst v63  }
0x16: {  	_ =	swait.ge [sflag:s15], $0x400  }
0x17: {  	[sflag:s15] =	ssyncset.done $0x0  }
0x18: {  	[sflag:s15] =	ssyncadd.s32 $0xFFFFFC00  }
0x19: {  	s3 =	simm.s32 $0x480;
	s19 =	rddreg [dreg:$0x1]  }
0x1a: {  	[tilespmem:s3], [sflag:$0x2] =	stream.linear.gather [hbm4b:s19+s11], $0x380, $0x38;
	[tilespmem:$0x1C800] =	vst v63  }
0x1b: {  	_ =	swait.ge [sflag:s15], $0x380  }
0x1c: {  	[sflag:s15] =	ssyncset.done $0x0  }
0x1d: {  	[sflag:s15] =	ssyncadd.s32 $0xFFFFFC80  }
0x1e: {  	v10 =	vld [tilespmem:$0x0]  }
0x1f: {  	v11 =	vld [tilespmem:$0x3F0];
	_ =	sdelay $0x3  }
0x20: {  	(v2sf) =	vpush v10, $0x0  }
0x21: {  	(v2sf) =	vpush v11, $0xF;
	_ =	sdelay $0xd  }
0x22: {  	s20 =	spop (v2sf)  }
0x23: {  	s21 =	spop (v2sf)  }
0x24: {  	s3 =	sshrl.u32 s20, $0x16;
	s31 =	sshrl.u32 s21, $0x16  }
0x25: {  	p0 =	sgt.u32 s3, s31  }
.Ltmp2:
0x26: {  	_ = 	snop;
	(pc) =	sbr.rel @p0 .LBB2_7-.Ltmp2, $4  }
.Ltmp3:
0x27: {  	_ = 	snop;
	(pc) =	sbr.rel @!p0 .LBB2_2-.Ltmp3, $4  }
0x28: {  	_ = 	snop  }
0x29: {  	_ = 	snop  }
0x2a: {  	[dreg:$0xf] =	wrdreg s31  }
0x2b: {  	_ = 	snop  }
.LBB2_6:
0x2c: {  	s3 =	rddreg [dreg:$0x10]  }
0x2d: {  	s2 =	rddreg [dreg:$0xf]  }
0x2e: {  	p0 =	sne.s32 s3, s2  }
.Ltmp4:
0x2f: {  	_ = 	snop;
	(pc) =	sbr.rel @!p0 .LBB2_7-.Ltmp4, $3  }
0x30: {  	_ =	sdelay $0x1  }
0x31: {  	s0 =	sadd.s32 $0x1, s3  }
0x32: {  	s3 =	smov.u32 s0  }
.LBB2_2:
0x33: {  	v10 =	vld [tilespmem:s3+$0x480];
	_ =	sdelay $0x4  }
0x34: {  	(v2sf) =	vpush v10, $0x0  }
0x35: {  	(v2sf) =	vpush v10, $0x1;
	_ =	sdelay $0xd  }
0x36: {  	s0 =	spop (v2sf)  }
0x37: {  	s15 =	rddreg [dreg:$0xc];
	s2 =	spop (v2sf)  }
0x38: {  	s5 =	smov.u32 s12;
	p0 =	sgt.s32 s0, s12;
	p1 =	slt.s32 s2, s15  }
0x39: {  	s5 =	smov.u32 @p0 s0;
	s15 =	smov.u32 @p1 s2  }
0x3a: {  	[dreg:$0x10] =	wrdreg s3;
	p0 =	sle.s32 s15, s5  }
0x3b: {  	s0 =	rddreg [dreg:$0x2];
	s7 =	sshll.u32 @!p0 s3, $0x7;
	s2 =	simm.s32 @!p0 $0x400  }
0x3c: {  	s3 =	simm.s32 @!p0 $0xC3800;
	s4 =	simm.s32 @!p0 $0x800;
	s0 =	sadd.s32 @!p0 s0, s7  }
0x3d: {  	[tilespmem:s4], [sflag:$0x1] =	stream.strided.gather @!p0 [hbm4b:s0+s2], $0x3000, s3, s2, $0x38;
	[tilespmem:$0x1C800] =	vst v63  }
0x3e: {  	s0 =	rddreg [dreg:$0x3]  }
0x3f: {  	s4 =	simm.s32 @!p0 $0x3800;
	s0 =	sadd.s32 @!p0 s0, s7  }
0x40: {  	[tilespmem:s4], [sflag:$0x1] =	stream.strided.gather @!p0 [hbm4b:s0+s2], $0x3000, s3, s2, $0x38;
	[tilespmem:$0x1C800] =	vst v63  }
0x41: {  	s0 =	rddreg [dreg:$0x4]  }
0x42: {  	s4 =	simm.s32 @!p0 $0x6800;
	s0 =	sadd.s32 @!p0 s0, s7  }
0x43: {  	[tilespmem:s4], [sflag:$0x1] =	stream.strided.gather @!p0 [hbm4b:s0+s2], $0x3000, s3, s2, $0x38;
	[tilespmem:$0x1C800] =	vst v63  }
0x44: {  	s0 =	rddreg [dreg:$0x5]  }
0x45: {  	s4 =	simm.s32 @!p0 $0x9800;
	s0 =	sadd.s32 @!p0 s0, s7  }
0x46: {  	[tilespmem:s4], [sflag:$0x1] =	stream.strided.gather @!p0 [hbm4b:s0+s2], $0x3000, s3, s2, $0x38;
	[tilespmem:$0x1C800] =	vst v63  }
0x47: {  	s0 =	rddreg [dreg:$0x6]  }
0x48: {  	s4 =	simm.s32 @!p0 $0xC800;
	s0 =	sadd.s32 @!p0 s0, s7  }
0x49: {  	[tilespmem:s4], [sflag:$0x1] =	stream.strided.gather @!p0 [hbm4b:s0+s2], $0x3000, s3, s2, $0x38;
	[tilespmem:$0x1C800] =	vst v63  }
0x4a: {  	s0 =	rddreg [dreg:$0x7]  }
0x4b: {  	s4 =	simm.s32 @!p0 $0xF800;
	s0 =	sadd.s32 @!p0 s0, s7  }
0x4c: {  	[tilespmem:s4], [sflag:$0x1] =	stream.strided.gather @!p0 [hbm4b:s0+s2], $0x3000, s3, s2, $0x38;
	[tilespmem:$0x1C800] =	vst v63  }
0x4d: {  	s0 =	rddreg [dreg:$0x8]  }
0x4e: {  	s4 =	simm.s32 @!p0 $0x12800;
	s0 =	sadd.s32 @!p0 s0, s7  }
0x4f: {  	[tilespmem:s4], [sflag:$0x1] =	stream.strided.gather @!p0 [hbm4b:s0+s2], $0x3000, s3, s2, $0x38;
	[tilespmem:$0x1C800] =	vst v63  }
0x50: {  	s0 =	rddreg [dreg:$0x9]  }
0x51: {  	s4 =	simm.s32 @!p0 $0x15800;
	s0 =	sadd.s32 @!p0 s0, s7  }
0x52: {  	[tilespmem:s4], [sflag:$0x1] =	stream.strided.gather @!p0 [hbm4b:s0+s2], $0x3000, s3, s2, $0x38;
	[tilespmem:$0x1C800] =	vst v63  }
0x53: {  	s0 =	simm.s32 @!p0 $0x1  }
0x54: {  	_ =	swait.ge @!p0 [sflag:s0], $0x3000  }
0x55: {  	[sflag:s0] =	ssyncset.done @!p0 $0x0  }
0x56: {  	[sflag:s0] =	ssyncadd.s32 @!p0 $0xFFFFD000  }
0x57: {  	_ =	swait.ge @!p0 [sflag:s0], $0x3000  }
0x58: {  	[sflag:s0] =	ssyncset.done @!p0 $0x0  }
0x59: {  	[sflag:s0] =	ssyncadd.s32 @!p0 $0xFFFFD000  }
0x5a: {  	_ =	swait.ge @!p0 [sflag:s0], $0x3000  }
0x5b: {  	[sflag:s0] =	ssyncset.done @!p0 $0x0  }
0x5c: {  	[sflag:s0] =	ssyncadd.s32 @!p0 $0xFFFFD000  }
0x5d: {  	_ =	swait.ge @!p0 [sflag:s0], $0x3000  }
0x5e: {  	[sflag:s0] =	ssyncset.done @!p0 $0x0  }
0x5f: {  	[sflag:s0] =	ssyncadd.s32 @!p0 $0xFFFFD000  }
0x60: {  	_ =	swait.ge @!p0 [sflag:s0], $0x3000  }
0x61: {  	[sflag:s0] =	ssyncset.done @!p0 $0x0  }
0x62: {  	s2 =	ssub.s32 @!p0 s15, s5;
	[sflag:s0] =	ssyncadd.s32 @!p0 $0xFFFFD000  }
0x63: {  	s2 =	sadd.s32 @!p0 $0xF, s2;
	_ =	swait.ge @!p0 [sflag:s0], $0x3000  }
0x64: {  	s9 =	sshrl.u32 @!p0 s2, $0x4;
	[sflag:s0] =	ssyncset.done @!p0 $0x0  }
0x65: {  	p1 =	seq.s32 @!p0 s9, $0x0;
	[sflag:s0] =	ssyncadd.s32 @!p0 $0xFFFFD000  }
0x66: {  	p1 =	por p0, p1;
	_ =	swait.ge @!p0 [sflag:s0], $0x3000  }
.Ltmp5:
0x67: {  	[sflag:s0] =	ssyncset.done @!p0 $0x0;
	(pc) =	sbr.rel @p1 .LBB2_6-.Ltmp5, $4  }
0x68: {  	[sflag:s0] =	ssyncadd.s32 @!p0 $0xFFFFD000  }
0x69: {  	_ =	swait.ge @!p0 [sflag:s0], $0x3000  }
0x6a: {  	[sflag:s0] =	ssyncset.done @!p0 $0x0  }
0x6b: {  	s10 =	simm.s32 @!p0 $0x0;
	[sflag:s0] =	ssyncadd.s32 @!p0 $0xFFFFD000  }
.LBB2_3:
0x6c: {  	s0 =	sshll.u32 s10, $0x4  }
0x6d: {  	s2 =	sadd.s32 s5, s0  }
0x6e: {  	s0 =	ssub.s32 s15, s2  }
0x6f: {  	p0 =	slt.s32 s0, $0x10  }
0x70: {  	s0 =	simm.s32 @!p0 $0x10  }
0x71: {  	s6 =	sadd.s32 $0xFFFFFFFF, s0  }
0x72: {  	s3 =	simm.s32 $0x0;
	p0 =	sgt.s32 s6, $0x0;
	s0 =	smov.u32 s6  }
0x73: {  	s0 =	smov.u32 @p0 s3  }
0x74: {  	s0 =	sadd.s32 s2, s0  }
0x75: {  	s4 =	ssub.s32 s0, s12  }
0x76: {  	s0 =	sand.u32 $0x7F, s0;
	s4 =	sand.u32 $0xFFFFFF80, s4  }
0x77: {  	s0 =	sor.u32 s0, s4  }
0x78: {  	v10 =	vld [tilespmem:s0+$0x0];
	_ =	sdelay $0x4  }
0x79: {  	(v2sf) =	vpush v10, $0x0;
	_ =	sdelay $0xe  }
0x7a: {  	s0 =	spop (v2sf)  }
0x7b: {  	s14 =	sshrl.u32 s0, $0xF  }
0x7c: {  	s4 =	ssub.s32 s14, s7  }
0x7d: {  	v10 =	vadd.s32 s4, v6  }
0x7e: {  	v11 =	vadd.s32 s4, v5  }
0x7f: {  	v15 =	vadd.s32 s4, v1  }
0x80: {  	v16 =	vadd.s32 s4, v2  }
0x81: {  	v13 =	vadd.s32 s4, v4  }
0x82: {  	v14 =	vadd.s32 s4, v3;
	v12 =	vld.idx.msk [tilespmem:v10+s22+$0x0], $0xffff  }
0x83: {  	v17 =	vld.idx.msk [tilespmem:v11+s22+$0x0], $0xffff  }
0x84: {  	v18 =	vld.idx.msk [tilespmem:v15+s22+$0x0], $0xffff  }
0x85: {  	s19 =	sand.u32 $0x2000, s3;
	s8 =	sand.u32 $0x380, s3;
	v19 =	vld.idx.msk [tilespmem:v16+s22+$0x0], $0xffff  }
0x86: {  	s21 =	sor.u32 s8, s19;
	v20 =	vld.idx.msk [tilespmem:v13+s22+$0x0], $0xffff  }
0x87: {  	v21 =	vld.idx.msk [tilespmem:v14+s22+$0x0], $0xffff;
	[tilespmem:s21+$0x18850] =	vst v12  }
0x88: {  	[tilespmem:s21+$0x18840] =	vst v17  }
0x89: {  	[tilespmem:s21+$0x18800] =	vst v18  }
0x8a: {  	[tilespmem:s21+$0x18810] =	vst v19  }
0x8b: {  	[tilespmem:s21+$0x18830] =	vst v20  }
0x8c: {  	[tilespmem:s21+$0x18820] =	vst v21  }
0x8d: {  	v12 =	vld.idx.msk [tilespmem:v14+s23+$0x0], $0xffff  }
0x8e: {  	v17 =	vld.idx.msk [tilespmem:v13+s23+$0x0], $0xffff  }
0x8f: {  	v18 =	vld.idx.msk [tilespmem:v16+s23+$0x0], $0xffff  }
0x90: {  	v19 =	vld.idx.msk [tilespmem:v15+s23+$0x0], $0xffff  }
0x91: {  	v20 =	vld.idx.msk [tilespmem:v10+s23+$0x0], $0xffff  }
0x92: {  	v21 =	vld.idx.msk [tilespmem:v11+s23+$0x0], $0xffff;
	[tilespmem:s21+$0x18C20] =	vst v12  }
0x93: {  	[tilespmem:s21+$0x18C30] =	vst v17  }
0x94: {  	[tilespmem:s21+$0x18C10] =	vst v18  }
0x95: {  	[tilespmem:s21+$0x18C00] =	vst v19  }
0x96: {  	[tilespmem:s21+$0x18C50] =	vst v20  }
0x97: {  	[tilespmem:s21+$0x18C40] =	vst v21  }
0x98: {  	v12 =	vld.idx.msk [tilespmem:v10+s24+$0x0], $0xffff  }
0x99: {  	v17 =	vld.idx.msk [tilespmem:v14+s24+$0x0], $0xffff  }
0x9a: {  	v18 =	vld.idx.msk [tilespmem:v13+s24+$0x0], $0xffff  }
0x9b: {  	v19 =	vld.idx.msk [tilespmem:v15+s24+$0x0], $0xffff  }
0x9c: {  	v20 =	vld.idx.msk [tilespmem:v16+s24+$0x0], $0xffff  }
0x9d: {  	v21 =	vld.idx.msk [tilespmem:v11+s24+$0x0], $0xffff;
	[tilespmem:s21+$0x19050] =	vst v12  }
0x9e: {  	[tilespmem:s21+$0x19020] =	vst v17  }
0x9f: {  	[tilespmem:s21+$0x19030] =	vst v18  }
0xa0: {  	[tilespmem:s21+$0x19000] =	vst v19  }
0xa1: {  	[tilespmem:s21+$0x19010] =	vst v20  }
0xa2: {  	[tilespmem:s21+$0x19040] =	vst v21  }
0xa3: {  	v12 =	vld.idx.msk [tilespmem:v15+s25+$0x0], $0xffff  }
0xa4: {  	v17 =	vld.idx.msk [tilespmem:v16+s25+$0x0], $0xffff  }
0xa5: {  	v18 =	vld.idx.msk [tilespmem:v14+s25+$0x0], $0xffff  }
0xa6: {  	v19 =	vld.idx.msk [tilespmem:v13+s25+$0x0], $0xffff  }
0xa7: {  	v20 =	vld.idx.msk [tilespmem:v10+s25+$0x0], $0xffff  }
0xa8: {  	v21 =	vld.idx.msk [tilespmem:v11+s25+$0x0], $0xffff;
	[tilespmem:s21+$0x19400] =	vst v12  }
0xa9: {  	[tilespmem:s21+$0x19410] =	vst v17  }
0xaa: {  	[tilespmem:s21+$0x19420] =	vst v18  }
0xab: {  	[tilespmem:s21+$0x19430] =	vst v19  }
0xac: {  	[tilespmem:s21+$0x19450] =	vst v20  }
0xad: {  	[tilespmem:s21+$0x19440] =	vst v21  }
0xae: {  	v21 =	vld.idx.msk [tilespmem:v13+s26+$0x0], $0xffff  }
0xaf: {  	v18 =	vld.idx.msk [tilespmem:v14+s26+$0x0], $0xffff  }
0xb0: {  	s20 =	sand.u32 $0x7, s3;
	v17 =	vld.idx.msk [tilespmem:v15+s26+$0x0], $0xffff  }
0xb1: {  	s8 =	sshll.u32 s20, $0x7;
	v12 =	vmov s3;
	v19 =	vld.idx.msk [tilespmem:v11+s26+$0x0], $0xffff  }
0xb2: {  	v22 =	vimm.s32 $0x0;
	s31 =	sadd.s32 $0x0, s8;
	s0 =	sand.u32 $0x7FFF, s0;
	vm1 =	veq.s32 v12, v0;
	v20 =	vld.idx.msk [tilespmem:v10+s26+$0x0], $0xffff  }
0xb3: {  	s8 =	simm.s32 $0x0;
	s4 =	simm.s32 $0x1;
	v12 =	vsel vm1, s0, v22;
	v22 =	vld.idx.msk [tilespmem:v16+s26+$0x0], $0xffff;
	s0 =	simm.s32 $0x0  }
.LBB2_4:
0xb4: {  	s3 =	sadd.s32 $0x80, s3  }
0xb5: {  	[tilespmem:s21+$0x19830] =	vst v21;
	s8 =	sadd.s32 $0x400, s8;
	s0 =	sadd.s32 $0x1, s0;
	s14 =	smov.u32 s4  }
0xb6: {  	p0 =	sne.s32 s4, $0xF;
	s4 =	sadd.s32 $0x1, s4;
	s19 =	sand.u32 $0x7, s0;
	[tilespmem:s21+$0x19820] =	vst v18  }
0xb7: {  	s19 =	sshll.u32 s19, $0x7;
	[tilespmem:s21+$0x19800] =	vst v17  }
0xb8: {  	s19 =	sadd.s32 s19, s8;
	[tilespmem:s21+$0x19840] =	vst v19  }
0xb9: {  	[tilespmem:s21+$0x19850] =	vst v20  }
0xba: {  	[tilespmem:s21+$0x19810] =	vst v22  }
0xbb: {  	v17 =	vld.idx.msk [tilespmem:v10+s28+$0x0], $0xffff  }
0xbc: {  	v18 =	vld.idx.msk [tilespmem:v13+s28+$0x0], $0xffff  }
0xbd: {  	v19 =	vld.idx.msk [tilespmem:v14+s28+$0x0], $0xffff  }
0xbe: {  	v20 =	vld.idx.msk [tilespmem:v15+s28+$0x0], $0xffff  }
0xbf: {  	v21 =	vld.idx.msk [tilespmem:v16+s28+$0x0], $0xffff  }
0xc0: {  	v22 =	vld.idx.msk [tilespmem:v11+s28+$0x0], $0xffff  }
0xc1: {  	[tilespmem:s21+$0x19C50] =	vst v17  }
0xc2: {  	[tilespmem:s21+$0x19C30] =	vst v18  }
0xc3: {  	[tilespmem:s21+$0x19C20] =	vst v19  }
0xc4: {  	[tilespmem:s21+$0x19C00] =	vst v20  }
0xc5: {  	[tilespmem:s21+$0x19C10] =	vst v21  }
0xc6: {  	[tilespmem:s21+$0x19C40] =	vst v22  }
0xc7: {  	v17 =	vld.idx.msk [tilespmem:v15+s29+$0x0], $0xffff  }
0xc8: {  	v18 =	vld.idx.msk [tilespmem:v16+s29+$0x0], $0xffff  }
0xc9: {  	v19 =	vld.idx.msk [tilespmem:v14+s29+$0x0], $0xffff  }
0xca: {  	v20 =	vld.idx.msk [tilespmem:v13+s29+$0x0], $0xffff  }
0xcb: {  	v21 =	vld.idx.msk [tilespmem:v10+s29+$0x0], $0xffff;
	_ =	sdelay $0x1  }
0xcc: {  	v22 =	vld.idx.msk [tilespmem:v11+s29+$0x0], $0xffff  }
0xcd: {  	[tilespmem:s21+$0x1A000] =	vst v17  }
0xce: {  	[tilespmem:s21+$0x1A020] =	vst v19  }
0xcf: {  	[tilespmem:s21+$0x1A030] =	vst v20  }
0xd0: {  	[tilespmem:s21+$0x1A010] =	vst v18  }
0xd1: {  	[tilespmem:s21+$0x1A050] =	vst v21  }
0xd2: {  	[tilespmem:s21+$0x1A040] =	vst v22  }
0xd3: {  	p1 =	slt.s32 s14, s6;
	s21 =	smov.u32 s6;
	v15 =	vld.idx.msk [tilespmem:v15+s30+$0x0], $0xffff  }
0xd4: {  	s21 =	smov.u32 @p1 s14;
	v16 =	vld.idx.msk [tilespmem:v16+s30+$0x0], $0xffff  }
0xd5: {  	s21 =	sadd.s32 s2, s21;
	v14 =	vld.idx.msk [tilespmem:v14+s30+$0x0], $0xffff  }
0xd6: {  	s20 =	ssub.s32 s21, s12;
	v13 =	vld.idx.msk [tilespmem:v13+s30+$0x0], $0xffff  }
0xd7: {  	s21 =	sand.u32 $0x7F, s21;
	s20 =	sand.u32 $0xFFFFFF80, s20;
	v11 =	vld.idx.msk [tilespmem:v11+s30+$0x0], $0xffff  }
0xd8: {  	s20 =	sor.u32 s21, s20;
	s21 =	sor.u32 $0x1C00, s31;
	v10 =	vld.idx.msk [tilespmem:v10+s30+$0x0], $0xffff  }
0xd9: {  	[tilespmem:s21+$0x18800] =	vst v15;
	s21 =	sor.u32 $0x1C10, s31  }
0xda: {  	[tilespmem:s21+$0x18800] =	vst v16;
	s21 =	sor.u32 $0x1C20, s31  }
0xdb: {  	[tilespmem:s21+$0x18800] =	vst v14;
	s21 =	sor.u32 $0x1C30, s31  }
0xdc: {  	[tilespmem:s21+$0x18800] =	vst v13;
	s21 =	sor.u32 $0x1C40, s31  }
0xdd: {  	[tilespmem:s21+$0x18800] =	vst v11;
	s21 =	sor.u32 $0x1C50, s31;
	s31 =	smov.u32 s19  }
0xde: {  	[tilespmem:s21+$0x18800] =	vst v10  }
0xdf: {  	v10 =	vld [tilespmem:s20+$0x0];
	_ =	sdelay $0x4  }
0xe0: {  	(v2sf) =	vpush v10, $0x0;
	_ =	sdelay $0xe  }
0xe1: {  	v10 =	vmov s14;
	s14 =	spop (v2sf)  }
0xe2: {  	vm1 =	veq.s32 v10, v0;
	s19 =	sshrl.u32 s14, $0xF;
	s14 =	sand.u32 $0x7FFF, s14  }
0xe3: {  	s19 =	ssub.s32 s19, s7;
	v12 =	vsel vm1, s14, v12  }
0xe4: {  	v15 =	vadd.s32 s19, v1;
	v11 =	vadd.s32 s19, v5;
	v10 =	vadd.s32 s19, v6  }
0xe5: {  	v16 =	vadd.s32 s19, v2;
	v14 =	vadd.s32 s19, v3;
	v13 =	vadd.s32 s19, v4;
	_ =	sdelay $0x3  }
0xe6: {  	v17 =	vld.idx.msk [tilespmem:v10+s22+$0x0], $0xffff  }
0xe7: {  	v18 =	vld.idx.msk [tilespmem:v11+s22+$0x0], $0xffff  }
0xe8: {  	v19 =	vld.idx.msk [tilespmem:v15+s22+$0x0], $0xffff  }
0xe9: {  	v20 =	vld.idx.msk [tilespmem:v16+s22+$0x0], $0xffff  }
0xea: {  	s14 =	sand.u32 $0x2000, s8;
	s19 =	sand.u32 $0x380, s3;
	v21 =	vld.idx.msk [tilespmem:v13+s22+$0x0], $0xffff  }
0xeb: {  	s21 =	sor.u32 s19, s14;
	v22 =	vld.idx.msk [tilespmem:v14+s22+$0x0], $0xffff  }
0xec: {  	[tilespmem:s21+$0x18850] =	vst v17  }
0xed: {  	[tilespmem:s21+$0x18840] =	vst v18  }
0xee: {  	[tilespmem:s21+$0x18800] =	vst v19  }
0xef: {  	[tilespmem:s21+$0x18810] =	vst v20  }
0xf0: {  	[tilespmem:s21+$0x18830] =	vst v21  }
0xf1: {  	[tilespmem:s21+$0x18820] =	vst v22  }
0xf2: {  	v17 =	vld.idx.msk [tilespmem:v14+s23+$0x0], $0xffff  }
0xf3: {  	v18 =	vld.idx.msk [tilespmem:v13+s23+$0x0], $0xffff  }
0xf4: {  	v19 =	vld.idx.msk [tilespmem:v16+s23+$0x0], $0xffff  }
0xf5: {  	v20 =	vld.idx.msk [tilespmem:v15+s23+$0x0], $0xffff  }
0xf6: {  	v21 =	vld.idx.msk [tilespmem:v10+s23+$0x0], $0xffff  }
0xf7: {  	v22 =	vld.idx.msk [tilespmem:v11+s23+$0x0], $0xffff  }
0xf8: {  	[tilespmem:s21+$0x18C20] =	vst v17  }
0xf9: {  	[tilespmem:s21+$0x18C30] =	vst v18  }
0xfa: {  	[tilespmem:s21+$0x18C10] =	vst v19  }
0xfb: {  	[tilespmem:s21+$0x18C00] =	vst v20  }
0xfc: {  	[tilespmem:s21+$0x18C50] =	vst v21  }
0xfd: {  	[tilespmem:s21+$0x18C40] =	vst v22  }
0xfe: {  	v17 =	vld.idx.msk [tilespmem:v10+s24+$0x0], $0xffff  }
0xff: {  	v18 =	vld.idx.msk [tilespmem:v14+s24+$0x0], $0xffff  }
0x100: {  	v19 =	vld.idx.msk [tilespmem:v13+s24+$0x0], $0xffff  }
0x101: {  	v20 =	vld.idx.msk [tilespmem:v15+s24+$0x0], $0xffff  }
0x102: {  	v21 =	vld.idx.msk [tilespmem:v16+s24+$0x0], $0xffff  }
0x103: {  	v22 =	vld.idx.msk [tilespmem:v11+s24+$0x0], $0xffff  }
0x104: {  	[tilespmem:s21+$0x19050] =	vst v17  }
0x105: {  	[tilespmem:s21+$0x19020] =	vst v18  }
0x106: {  	[tilespmem:s21+$0x19030] =	vst v19  }
0x107: {  	[tilespmem:s21+$0x19000] =	vst v20  }
0x108: {  	[tilespmem:s21+$0x19010] =	vst v21  }
0x109: {  	[tilespmem:s21+$0x19040] =	vst v22  }
0x10a: {  	v17 =	vld.idx.msk [tilespmem:v15+s25+$0x0], $0xffff  }
0x10b: {  	v18 =	vld.idx.msk [tilespmem:v16+s25+$0x0], $0xffff  }
0x10c: {  	v19 =	vld.idx.msk [tilespmem:v14+s25+$0x0], $0xffff  }
0x10d: {  	v20 =	vld.idx.msk [tilespmem:v13+s25+$0x0], $0xffff  }
0x10e: {  	v21 =	vld.idx.msk [tilespmem:v10+s25+$0x0], $0xffff  }
0x10f: {  	v22 =	vld.idx.msk [tilespmem:v11+s25+$0x0], $0xffff  }
0x110: {  	[tilespmem:s21+$0x19400] =	vst v17  }
0x111: {  	[tilespmem:s21+$0x19410] =	vst v18  }
0x112: {  	[tilespmem:s21+$0x19420] =	vst v19  }
0x113: {  	[tilespmem:s21+$0x19430] =	vst v20  }
0x114: {  	[tilespmem:s21+$0x19450] =	vst v21  }
0x115: {  	[tilespmem:s21+$0x19440] =	vst v22  }
0x116: {  	v21 =	vld.idx.msk [tilespmem:v13+s26+$0x0], $0xffff  }
.Ltmp6:
0x117: {  	v18 =	vld.idx.msk [tilespmem:v14+s26+$0x0], $0xffff;
	(pc) =	sbr.rel @p0 .LBB2_4-.Ltmp6, $4  }
0x118: {  	v17 =	vld.idx.msk [tilespmem:v15+s26+$0x0], $0xffff  }
0x119: {  	v19 =	vld.idx.msk [tilespmem:v11+s26+$0x0], $0xffff  }
0x11a: {  	v20 =	vld.idx.msk [tilespmem:v10+s26+$0x0], $0xffff  }
0x11b: {  	v22 =	vld.idx.msk [tilespmem:v16+s26+$0x0], $0xffff  }
0x11c: {  	[tilespmem:s21+$0x19830] =	vst v21  }
0x11d: {  	[tilespmem:s21+$0x19820] =	vst v18  }
0x11e: {  	[tilespmem:s21+$0x19800] =	vst v17  }
0x11f: {  	[tilespmem:s21+$0x19840] =	vst v19  }
0x120: {  	[tilespmem:s21+$0x19850] =	vst v20  }
0x121: {  	[tilespmem:s21+$0x19810] =	vst v22  }
0x122: {  	v17 =	vld.idx.msk [tilespmem:v10+s28+$0x0], $0xffff  }
0x123: {  	v18 =	vld.idx.msk [tilespmem:v13+s28+$0x0], $0xffff  }
0x124: {  	v19 =	vld.idx.msk [tilespmem:v14+s28+$0x0], $0xffff  }
0x125: {  	v20 =	vld.idx.msk [tilespmem:v15+s28+$0x0], $0xffff  }
0x126: {  	v21 =	vld.idx.msk [tilespmem:v16+s28+$0x0], $0xffff  }
0x127: {  	v22 =	vld.idx.msk [tilespmem:v11+s28+$0x0], $0xffff;
	[tilespmem:s21+$0x19C50] =	vst v17  }
0x128: {  	[tilespmem:s21+$0x19C30] =	vst v18  }
0x129: {  	[tilespmem:s21+$0x19C20] =	vst v19  }
0x12a: {  	[tilespmem:s21+$0x19C00] =	vst v20  }
0x12b: {  	[tilespmem:s21+$0x19C10] =	vst v21  }
0x12c: {  	[tilespmem:s21+$0x19C40] =	vst v22  }
0x12d: {  	v17 =	vld.idx.msk [tilespmem:v15+s29+$0x0], $0xffff  }
0x12e: {  	v19 =	vld.idx.msk [tilespmem:v14+s29+$0x0], $0xffff  }
0x12f: {  	v20 =	vld.idx.msk [tilespmem:v13+s29+$0x0], $0xffff  }
0x130: {  	v18 =	vld.idx.msk [tilespmem:v16+s29+$0x0], $0xffff  }
0x131: {  	v21 =	vld.idx.msk [tilespmem:v10+s29+$0x0], $0xffff  }
0x132: {  	v22 =	vld.idx.msk [tilespmem:v11+s29+$0x0], $0xffff;
	[tilespmem:s21+$0x1A000] =	vst v17  }
0x133: {  	[tilespmem:s21+$0x1A020] =	vst v19  }
0x134: {  	[tilespmem:s21+$0x1A030] =	vst v20  }
0x135: {  	[tilespmem:s21+$0x1A010] =	vst v18  }
0x136: {  	[tilespmem:s21+$0x1A050] =	vst v21  }
0x137: {  	[tilespmem:s21+$0x1A040] =	vst v22  }
0x138: {  	v57 =	vld.idx.msk [tilespmem:v15+s30+$0x0], $0xffff  }
0x139: {  	v60 =	vshll.u32 v12, $0x3;
	v58 =	vld.idx.msk [tilespmem:v16+s30+$0x0], $0xffff  }
0x13a: {  	v62 =	vand.u32 $0x7, v12;
	v17 =	vand.u32 $0xFFFFFFC0, v60;
	v59 =	vld.idx.msk [tilespmem:v14+s30+$0x0], $0xffff  }
0x13b: {  	v61 =	vld.idx.msk [tilespmem:v13+s30+$0x0], $0xffff;
	v12 =	vor.u32 v62, v17  }
0x13c: {  	s0 =	sor.u32 $0x1C00, s31;
	v11 =	vld.idx.msk [tilespmem:v11+s30+$0x0], $0xffff;
	v17 =	vperm.xlane v12, v7  }
0x13d: {  	s19 =	sor.u32 $0x1C10, s31;
	v10 =	vld.idx.msk [tilespmem:v10+s30+$0x0], $0xffff;
	[tilespmem:s0+$0x18800] =	vst v57  }
0x13e: {  	s20 =	sor.u32 $0x1C20, s31;
	v63 =	vadd.s32 v8, v17;
	[tilespmem:s19+$0x18800] =	vst v58  }
0x13f: {  	s21 =	sor.u32 $0x1C30, s31;
	[tilespmem:s20+$0x18800] =	vst v59  }
0x140: {  	s2 =	sor.u32 $0x1C40, s31;
	[tilespmem:s21+$0x18800] =	vst v61  }
0x141: {  	s3 =	sor.u32 $0x1C50, s31;
	[tilespmem:s2+$0x18800] =	vst v11  }
0x142: {  	s4 =	simm.s32 $0x18800;
	[tilespmem:s3+$0x18800] =	vst v10  }
0x143: {  	[hbm4b:s13+s11] =	stream.indirect_vreg.scatter [tilespmem:s4], [sflag:$0x1], $0x80, v63, vm0, $0xb8;
	[tilespmem:$0x1C800] =	vst v63  }
0x144: {  	s6 =	simm.s32 $0x19000;
	v10 =	vperm.xlane v12, v9  }
0x145: {  	[hbm4b:s16+s11] =	stream.indirect_vreg.scatter [tilespmem:s6], [sflag:$0x1], $0x80, v63, vm0, $0xb8;
	[tilespmem:$0x1C800] =	vst v63  }
0x146: {  	s8 =	simm.s32 $0x19800;
	v10 =	vadd.s32 v8, v10  }
0x147: {  	[hbm4b:s17+s11] =	stream.indirect_vreg.scatter [tilespmem:s8], [sflag:$0x1], $0x80, v63, vm0, $0xb8;
	[tilespmem:$0x1C800] =	vst v63  }
0x148: {  	s14 =	simm.s32 $0x1A000  }
0x149: {  	[hbm4b:s18+s11] =	stream.indirect_vreg.scatter [tilespmem:s14], [sflag:$0x1], $0x80, v63, vm0, $0xb8;
	[tilespmem:$0x1C800] =	vst v63  }
0x14a: {  	s19 =	simm.s32 $0x1A800  }
0x14b: {  	[hbm4b:s13+s11] =	stream.indirect_vreg.scatter [tilespmem:s19], [sflag:$0x1], $0x80, v10, vm0, $0xb8;
	[tilespmem:$0x1C800] =	vst v63  }
0x14c: {  	s20 =	simm.s32 $0x1B000  }
0x14d: {  	[hbm4b:s16+s11] =	stream.indirect_vreg.scatter [tilespmem:s20], [sflag:$0x1], $0x80, v10, vm0, $0xb8;
	[tilespmem:$0x1C800] =	vst v63  }
0x14e: {  	s10 =	sadd.s32 $0x1, s10;
	s21 =	simm.s32 $0x1B800  }
0x14f: {  	[hbm4b:s17+s11] =	stream.indirect_vreg.scatter [tilespmem:s21], [sflag:$0x1], $0x80, v10, vm0, $0xb8;
	[tilespmem:$0x1C800] =	vst v63  }
0x150: {  	p0 =	sne.s32 s10, s9;
	s31 =	simm.s32 $0x1C000  }
0x151: {  	[hbm4b:s18+s11] =	stream.indirect_vreg.scatter [tilespmem:s31], [sflag:$0x1], $0x80, v10, vm0, $0xb8;
	[tilespmem:$0x1C800] =	vst v63  }
.Ltmp7:
0x152: {  	_ = 	snop;
	(pc) =	sbr.rel @p0 .LBB2_3-.Ltmp7, $4  }
.Ltmp8:
0x153: {  	_ = 	snop;
	(pc) =	sbr.rel @!p0 .LBB2_6-.Ltmp8, $4  }
0x154: {  	_ =	swait.ge [sflag:s1], $0x4000  }
0x155: {  	[sflag:s1] =	ssyncset.done $0x0  }
0x156: {  	[sflag:s1] =	ssyncadd.s32 $0xFFFFC000  }
0x157: {  	_ = 	snop  }
.LBB2_8:
0x158: {  	_ =	sfence.sel $0x180000  }
0x159: {  	[bflag:$0x0] =	sbarrier.arrive $0xFFFF  }
0x15a: {  	_ =	strace $0x9000004A  }
0x15b: {  	s0 =	stileid.u32;
	[bflag:$0x2] =	sbarrier.arrive $0xFFFF  }
0x15c: {  	p0 =	sne.s32 s0, $0x0;
	s0 =	rddreg [dreg:$0xa]  }
0x15d: {  	s0 =	sadd.s32 @!p0 $0x100000, s0  }
0x15e: {  	[sflag:s0] =	ssyncadd.tile.s32 @!p0 $0x1;
	_ =	shalt  }
.Lfunc_end2:
_tile_overlayer_lowered:
.L_overlay_start_2:
0x15f: {  	(tag) =	ssettag $0x2  }
0x160: {  	s0 =	rddreg [dreg:$0x0];
	s2 =	stileid.u32  }
0x161: {  	s1 =	rddreg [dreg:$0x1];
	p0 =	sne.s32 s2, $0x0  }
0x162: {  	s3 =	rddreg [dreg:$0x2];
	[bflag:$0x3] =	sbarrier.arrive $0xFFFF;
	s2 =	simm.s32 @!p0 $0x1C02  }
0x163: {  	[timem:s3], [sflag:s2] =	dma.local @!p0 [hbm:s0], s1  }
0x164: {  	s0 =	simm.s32 @!p0 $0x2  }
0x165: {  	_ =	swait.ge @!p0 [sflag:s0], s1  }
0x166: {  	s1 =	ssub.s32 @!p0 $0x0, s1;
	[sflag:s0] =	ssyncset.done @!p0 $0x0  }
0x167: {  	[sflag:s0] =	ssyncadd.s32 @!p0 s1  }
0x168: {  	[bflag:$0x3] =	sbarrier.arrive $0xFFFF  }
0x169: {  	_ =	shalt  }

// kernel: kernel.7.cloned.1.call-start
scs
__scs_entry_jumppad:
0x0: {  	(pc) =	sbr.rel $0x88, $3  }
0x1: {  	(tag) =	ssettag $0x0;
	lr =	simm.s32 $0x1  }
0x2: {  	[smem:$0x3F91] =	sst lr;
	_ =	strace $0xD0000000  }
0x3: {  	_ = 	snop  }
0x4: {  	_ = 	snop  }
0x5: {  	_ = 	snop  }
0x6: {  	_ = 	snop  }
0x7: {  	_ = 	snop  }
__scs_overlays_trampoline_lowered:
0x8: {  	[smem:$0x3FA0] =	sst s0  }
0x9: {  	[smem:$0x3FA1] =	sst s1  }
0xa: {  	[smem:$0x3FA2] =	sst s2  }
0xb: {  	[smem:$0x3FA3] =	sst s3  }
0xc: {  	[smem:$0x3FA4] =	sst s4  }
0xd: {  	[smem:$0x3FA5] =	sst s5  }
0xe: {  	[smem:$0x3FA6] =	sst s6  }
0xf: {  	[smem:$0x3FA7] =	sst s7  }
0x10: {  	[smem:$0x3FA8] =	sst s8  }
0x11: {  	[smem:$0x3FA9] =	sst s9;
	s0 =	simm.s32 @!p0 $0x0  }
0x12: {  	s1 =	sld [smem:$0x3F8F];
	s0 =	simm.s32 @p0 $0x1  }
0x13: {  	[smem:$0x3FAA] =	sst s0;
	s0 =	simm.s32 @!p1 $0x0  }
0x14: {  	s2 =	sld [smem:$0x3F8E];
	s0 =	simm.s32 @p1 $0x1  }
0x15: {  	[smem:$0x3FAB] =	sst s0;
	s0 =	simm.s32 @!p2 $0x0  }
0x16: {  	s3 =	sld [smem:$0x3FDB];
	s0 =	simm.s32 @p2 $0x1  }
0x17: {  	s4 =	simm.s32 $0x1BF5;
	[smem:$0x3FAD] =	sst s0  }
0x18: {  	s0 =	sld [smem:$0x3F90];
	_ =	swait.ge [sflag:s4], $0x0  }
0x19: {  	s7 =	sld [smem:$0x3F91]  }
0x1a: {  	s8 =	sadd.s32 $0xFFFFE003, lr  }
0x1b: {  	s9 =	sadd.s32 $0xFFFFFEF7, lr;
	s5 =	simm.s32 $0xFFFFFFFF;
	p2 =	slt.u32 s8, $0xFFFFF086  }
0x1c: {  	p1 =	slt.u32 s9, $0xF7A;
	s5 =	simm.s32 @!p2 $0x0  }
0x1d: {  	s5 =	simm.s32 @p1 $0x1;
	p0 =	seq.s32 s7, s2  }
0x1e: {  	s7 =	smul.u32 @!p0 $0xF7A, s2;
	p2 =	seq.s32 @!p0 s5, $0x0  }
0x1f: {  	s9 =	smul.u32 $0xF7A, s1;
	s8 =	simm.s32 @!p0 $0x1BF5;
	p2 =	por !p2, p0  }
0x20: {  	[sflag:s8] =	ssyncset.s32 @!p0 $0xFFFFF086;
	s6 =	sadd.s32 @!p0 s3, s7;
	s7 =	simm.s32 @!p0 $0x108  }
0x21: {  	s3 =	sadd.s32 s3, s9;
	s6 =	sadd.s32 @!p0 $0x88, s6;
	s7 =	simm.s32 @p2 $0x1082  }
0x22: {  	[simem:s7], [sflag:s8] =	dma.local @!p0 [hbm:s6], $0xF7A  }
0x23: {  	s9 =	sor.u32 $0xD0000000, s2;
	s6 =	simm.s32 $0x108;
	_ =	swait.ge @!p0 [sflag:s8], $0x0  }
0x24: {  	s3 =	sadd.s32 $0x88, s3;
	s6 =	simm.s32 @!p1 $0x1082;
	[sflag:s4] =	ssyncset.s32 $0xFFFFF086  }
0x25: {  	[simem:s6], [sflag:s4] =	dma.local [hbm:s3], $0xF7A  }
0x26: {  	[smem:$0x3F91] =	sst s1;
	(tag) =	ssettag s2;
	_ =	strace s9  }
0x27: {  	s1 =	sld [smem:$0x3FA1]  }
0x28: {  	s2 =	sld [smem:$0x3FA2]  }
0x29: {  	s4 =	sld [smem:$0x3FA4]  }
0x2a: {  	p0 =	seq.s32 s5, $0x0;
	s5 =	sld [smem:$0x3FA5]  }
0x2b: {  	s6 =	sld [smem:$0x3FA6]  }
0x2c: {  	s7 =	sld [smem:$0x3FA7]  }
0x2d: {  	s3 =	simm.s32 $0x108;
	s8 =	sld [smem:$0x3FA8]  }
0x2e: {  	s3 =	simm.s32 @!p0 $0x1082;
	s9 =	sld [smem:$0x3FA9]  }
0x2f: {  	lr =	sadd.s32 s0, s3;
	s0 =	sld [smem:$0x3FA0]  }
0x30: {  	s3 =	sld [smem:$0x3FA3]  }
0x31: {  	[smem:$0x3FAC] =	sst s10  }
0x32: {  	s10 =	sld [smem:$0x3FAA];
	_ =	sdelay $0x3  }
0x33: {  	p0 =	seq.s32 s10, $0x1;
	s10 =	sld [smem:$0x3FAC];
	_ =	sdelay $0x3  }
0x34: {  	[smem:$0x3FAC] =	sst s10  }
0x35: {  	s10 =	sld [smem:$0x3FAB];
	_ =	sdelay $0x3  }
0x36: {  	p1 =	seq.s32 s10, $0x1;
	s10 =	sld [smem:$0x3FAC];
	_ =	sdelay $0x3  }
0x37: {  	[smem:$0x3FAC] =	sst s10  }
0x38: {  	s10 =	sld [smem:$0x3FAD]  }
0x39: {  	_ = 	snop;
	(pc) =	sbr.ind lr, $3  }
0x3a: {  	_ = 	snop  }
0x3b: {  	_ = 	snop  }
0x3c: {  	p2 =	seq.s32 s10, $0x1;
	s10 =	sld [smem:$0x3FAC]  }
0x3d: {  	_ =	shalt  }
0x3e: {  	_ =	shalt  }
0x3f: {  	_ =	shalt  }
0x40: {  	_ =	shalt  }
0x41: {  	_ =	shalt  }
0x42: {  	_ =	shalt  }
0x43: {  	_ =	shalt  }
0x44: {  	_ =	shalt  }
0x45: {  	_ =	shalt  }
0x46: {  	_ =	shalt  }
0x47: {  	_ =	shalt  }
0x48: {  	_ =	shalt  }
0x49: {  	_ =	shalt  }
0x4a: {  	_ =	shalt  }
0x4b: {  	_ =	shalt  }
0x4c: {  	_ =	shalt  }
0x4d: {  	_ =	shalt  }
0x4e: {  	_ =	shalt  }
0x4f: {  	_ =	shalt  }
0x50: {  	_ =	shalt  }
0x51: {  	_ =	shalt  }
0x52: {  	_ =	shalt  }
0x53: {  	_ =	shalt  }
0x54: {  	_ =	shalt  }
0x55: {  	_ =	shalt  }
0x56: {  	_ =	shalt  }
0x57: {  	_ =	shalt  }
0x58: {  	_ =	shalt  }
0x59: {  	_ =	shalt  }
0x5a: {  	_ =	shalt  }
0x5b: {  	_ =	shalt  }
0x5c: {  	_ =	shalt  }
0x5d: {  	_ =	shalt  }
0x5e: {  	_ =	shalt  }
0x5f: {  	_ =	shalt  }
0x60: {  	_ =	shalt  }
0x61: {  	_ =	shalt  }
0x62: {  	_ =	shalt  }
0x63: {  	_ =	shalt  }
0x64: {  	_ =	shalt  }
0x65: {  	_ =	shalt  }
0x66: {  	_ =	shalt  }
0x67: {  	_ =	shalt  }
0x68: {  	_ =	shalt  }
0x69: {  	_ =	shalt  }
0x6a: {  	_ =	shalt  }
0x6b: {  	_ =	shalt  }
0x6c: {  	_ =	shalt  }
0x6d: {  	_ =	shalt  }
0x6e: {  	_ =	shalt  }
0x6f: {  	_ =	shalt  }
0x70: {  	_ =	shalt  }
0x71: {  	_ =	shalt  }
0x72: {  	_ =	shalt  }
0x73: {  	_ =	shalt  }
0x74: {  	_ =	shalt  }
0x75: {  	_ =	shalt  }
0x76: {  	_ =	shalt  }
0x77: {  	_ =	shalt  }
0x78: {  	_ =	shalt  }
0x79: {  	_ =	shalt  }
0x7a: {  	_ =	shalt  }
0x7b: {  	_ =	shalt  }
0x7c: {  	_ =	shalt  }
0x7d: {  	_ =	shalt  }
0x7e: {  	_ =	shalt  }
0x7f: {  	_ =	shalt  }
0x80: {  	_ =	shalt  }
0x81: {  	_ =	shalt  }
0x82: {  	_ =	shalt  }
0x83: {  	_ =	shalt  }
0x84: {  	_ =	shalt  }
0x85: {  	_ =	shalt  }
0x86: {  	_ =	shalt  }
0x87: {  	_ =	shalt  }
.Lfunc_end0:
.L_simem_size_0:
called_computation.2_lowered:
.L_overlay_start_0:
0x88: {  	s2 =	sld [smem:$0x3FD9]  }
0x89: {  	s3 =	sld [smem:$0x3FFE];
	_ =	sdelay $0x1  }
0x8a: {  	s1 =	srdreg.scid  }
0x8b: {  	s0 =	sand.u32 $0x1, s1  }
0x8c: {  	s17 =	sshll.u32 s0, $0xA;
	s2 =	sadd.s32 s3, s2  }
0x8d: {  	s2 =	sadd.s32 s2, s17  }
0x8e: {  	[smem:$0x3FB8] =	sst s2  }
0x8f: {  	_ = 	snop  }
0x90: {  	s2 =	sld [smem:$0x3FC8]  }
0x91: {  	s18 =	sld [smem:$0x3FC1]  }
0x92: {  	s4 =	sld [smem:$0x3FC0]  }
0x93: {  	s5 =	sld [smem:$0x3FD0];
	(tm) =	ssettm $0x1  }
0x94: {  	s6 =	sld [smem:$0x3FFB];
	_ =	sdelay $0x3  }
0x95: {  	_ =	strace s6  }
0x96: {  	s6 =	sld [smem:$0x3FFC];
	_ =	sdelay $0x3  }
0x97: {  	_ =	strace s6  }
0x98: {  	s6 =	sld [smem:$0x3FFD];
	_ =	sdelay $0x3  }
0x99: {  	_ =	strace s6  }
0x9a: {  	_ =	strace $0x8FFFFFFF  }
0x9b: {  	s19 =	sld [smem:$0x3FDB];
	_ =	sdelay $0x1  }
0x9c: {  	s7 =	simm.s32 $_scs_section_size  }
0x9d: {  	s8 =	simm.s32 $_size__tile_overlayer_lowered;
	s9 =	simm.s32 $_tile_overlayer_lowered  }
0x9e: {  	s22 =	simm.s32 $0x1BFF;
	s21 =	sshll.u32 s9, $0x1;
	s6 =	sadd.s32 s7, s19  }
0x9f: {  	s10 =	simm.s32 $0x0;
	s20 =	sshll.u32 s8, $0x1;
	s8 =	sadd.s32 s21, s6  }
0xa0: {  	[timem:s10], [sflag:s22] =	dma.local [hbm:s8], s20  }
0xa1: {  	_ =	swait.ge [sflag:s22], s20  }
0xa2: {  	s7 =	ssub.s32 $0x0, s20;
	[sflag:s22] =	ssyncset.done $0x0  }
0xa3: {  	[sflag:s22] =	ssyncadd.s32 s7;
	_ =	sdelay $0x1  }
0xa4: {  	s23 =	simm.s32 $0x1B8B  }
0xa5: {  	_ =	swait.ge [sflag:s23], $0x1  }
0xa6: {  	[sflag:s23] =	ssyncset.done $0x0  }
0xa7: {  	s25 =	simm.s32 $0x1B8E;
	s24 =	sld [smem:$0x3FFE];
	[sflag:s23] =	ssyncadd.s32 $0xFFFFFFFF  }
0xa8: {  	s26 =	simm.s32 $execute0_lowered;
	[smem:$0x3FD2] =	sst s25  }
0xa9: {  	s8 =	sshll.u32 s26, $0x1;
	_ =	strace $0x8000004C;
	[dreg:$0x1] =	wrdreg $0xFFFFFFFF  }
0xaa: {  	s28 =	simm.s32 $_size_execute0_lowered;
	s6 =	sadd.s32 s6, s8;
	[dreg:$0x0] =	wrdreg $0x0  }
0xab: {  	s8 =	sshll.u32 s28, $0x1;
	[dreg:$0x2] =	wrdreg s6  }
0xac: {  	[dreg:$0x3] =	wrdreg s8  }
0xad: {  	[dreg:$0x4] =	wrdreg $0xC0  }
0xae: {  	_ =	task [dreg:s10], $0x5FFFF  }
0xaf: {  	[dreg:$0x1] =	wrdreg $0xFFFFFFFF  }
0xb0: {  	[dreg:$0x0] =	wrdreg $0x60  }
0xb1: {  	[dreg:$0x2] =	wrdreg s2  }
0xb2: {  	[dreg:$0x3] =	wrdreg s24  }
0xb3: {  	[dreg:$0x4] =	wrdreg s18  }
0xb4: {  	[dreg:$0x5] =	wrdreg s4  }
0xb5: {  	[dreg:$0x6] =	wrdreg s5  }
0xb6: {  	[dreg:$0x7] =	wrdreg $0x9  }
0xb7: {  	_ =	task.clear_ibuf [dreg:s10], $0x8FFFF;
	_ =	strace $0x9000004C  }
0xb8: {  	s29 =	simm.s32 $0x9;
	_ =	strace $0x8000004E  }
0xb9: {  	_ =	swait.ge [sflag:s29], $0x1  }
0xba: {  	[sflag:s29] =	ssyncadd.s32 $0xFFFFFFFF  }
0xbb: {  	_ =	strace $0x9000004E  }
0xbc: {  	_ =	sfence  }
0xbd: {  	s30 =	sld [smem:$0x0];
	_ =	sdelay $0x2  }
0xbe: {  	s31 =	sshll.u32 s1, $0xD;
	s1 =	sshrl.u32 s1, $0x2  }
0xbf: {  	s3 =	sand.u32 $0x4000, s31;
	s1 =	sadd.s32 s1, s30  }
0xc0: {  	s0 =	sor.u32 s3, s0;
	s1 =	sshll.u32 s1, $0x11  }
0xc1: {  	s0 =	sor.u32 s1, s0  }
0xc2: {  	s0 =	sadd.s32 $0x8F2B, s0  }
0xc3: {  	[sflag:s0] =	ssyncadd.remote.s32 $0x1  }
0xc4: {  	_ =	sfence.sel $0xFFFF  }
0xc5: {  	[dreg:$0x0] =	wrdreg $0xFFFFFFFF;
	(pc) =	sbr.abs _section_cstart, $3  }
0xc6: {  	[dreg:$0x1] =	wrdreg $0xFFFFFFFF  }
0xc7: {  	_ =	task.clear_ibuf [dreg:s10], $0x2FFFF;
	_ =	strace $0x9FFFFFFF  }
0xc8: {  	(tm) =	ssettm $0x7FFFFFFF  }
0xc9: {  	_ =	shalt  }
tec
execute0_lowered:
.L_overlay_start_1:
0x0: {  	(tag) =	ssettag $0x1  }
0x1: {  	s0 =	rddreg [dreg:$0x1]  }
0x2: {  	s2 =	simm.s32 $0x0;
	s1 =	srdreg.scid;
	s4 =	stileid.u32  }
0x3: {  	s19 =	simm.s32 $0x2;
	s6 =	simm.s32 $0x80;
	s22 =	simm.s32 $0x400  }
0x4: {  	s23 =	simm.s32 $0x2000;
	s14 =	simm.s32 $0x280;
	s15 =	simm.s32 $0x4280  }
0x5: {  	s16 =	simm.s32 $0x8280;
	s31 =	simm.s32 $0x1;
	[smem:$0x7FF] =	sst s2  }
0x6: {  	s1 =	sand.u32 $0x1, s1;
	s24 =	sadd.s32 $0x401C00, s0;
	s7 =	sadd.s32 $0x1C00, s0  }
0x7: {  	s26 =	sshll.u32 s4, $0xA;
	s29 =	sadd.s32 $0x402C00, s0;
	s8 =	sadd.s32 $0x1C80, s0  }
0x8: {  	s9 =	sadd.s32 $0x1D00, s0;
	s17 =	sadd.s32 $0x1D80, s0;
	s28 =	sadd.s32 $0x1E00, s0  }
0x9: {  	s12 =	sadd.s32 $0x1E80, s0;
	s13 =	sadd.s32 $0x1F00, s0;
	s20 =	sadd.s32 $0x1F80, s0  }
0xa: {  	vm0 =	vcmask $0x300;
	vm1 =	vcmask $0x704;
	vm2 =	vcmask $0xB08;
	_ =	strace $0x8000004D;
	[dreg:$0x6] =	wrdreg s24;
	s25 =	ssub.s32 $0x2, s1  }
0xb: {  	vm3 =	vcmask $0xF0C;
	vm4 =	vcmask $0x1310;
	vm5 =	vcmask $0x1714;
	s1 =	sshll.u32 s1, $0x9;
	[dreg:$0x8] =	wrdreg s29;
	s3 =	sshrl.u32 s25, $0x1  }
0xc: {  	vm6 =	vcmask $0x1B18;
	vm7 =	vcmask $0x1F1C;
	vm8 =	vcmask $0x2320;
	s24 =	simm.s32 $0xC280;
	s1 =	sor.u32 s1, s26;
	s2 =	ssub.s32 s25, s3  }
0xd: {  	vm9 =	vcmask $0x2724;
	vm10 =	vcmask $0x2B28;
	vm11 =	vcmask $0x2F2C;
	s26 =	simm.s32 $0x14280;
	[dreg:$0x7] =	wrdreg s1;
	s30 =	smax.u32 s2, $0x1  }
0xe: {  	vm12 =	vcmask $0x3330;
	vm13 =	vcmask $0x3734;
	vm14 =	vcmask $0x3B38;
	s25 =	simm.s32 $0x10280;
	s1 =	simm.s32 $0x0;
	[dreg:$0x9] =	wrdreg s30  }
.LBB2_1:
0xf: {  	[dreg:$0xa] =	wrdreg s1;
	s18 =	simm.s32 $0x0  }
.LBB2_2:
0x10: {  	s0 =	sshll.u32 s18, $0x7;
	s1 =	rddreg [dreg:$0x7]  }
0x11: {  	s0 =	sadd.s32 s1, s0  }
0x12: {  	s10 =	rddreg [dreg:$0x0];
	s5 =	sshrl.u32 s0, $0x3  }
0x13: {  	s3 =	simm.s32 $0x0;
	s1 =	sadd.s32 s10, s5  }
0x14: {  	[tilespmem:s3], [sflag:$0x2] =	stream.linear.gather [hbm4b:s1+s3], $0x80, $0x38;
	[tilespmem:$0x1C300] =	vst v63  }
0x15: {  	_ =	swait.ge [sflag:s19], $0x80  }
0x16: {  	[sflag:s19] =	ssyncset.done $0x0;
	s4 =	rddreg [dreg:$0x6]  }
0x17: {  	[sflag:s19] =	ssyncadd.s32 $0xFFFFFF80;
	s11 =	sadd.s32 s4, s5  }
0x18: {  	[tilespmem:s6], [sflag:$0x2] =	stream.linear.gather [hbm4b:s11+s3], $0x80, $0x38;
	[tilespmem:$0x1C300] =	vst v63  }
0x19: {  	s2 =	sor.u32 $0x4000, s0;
	_ =	swait.ge [sflag:s19], $0x80  }
0x1a: {  	s21 =	sshrl.u32 s2, $0x3;
	[sflag:s19] =	ssyncset.done $0x0  }
0x1b: {  	s1 =	sadd.s32 s4, s21;
	s4 =	simm.s32 $0x100;
	[sflag:s19] =	ssyncadd.s32 $0xFFFFFF80  }
0x1c: {  	[tilespmem:s4], [sflag:$0x2] =	stream.linear.gather [hbm4b:s1+s3], $0x80, $0x38;
	[tilespmem:$0x1C300] =	vst v63  }
0x1d: {  	_ =	swait.ge [sflag:s19], $0x80  }
0x1e: {  	s30 =	simm.s32 $0x180;
	[sflag:s19] =	ssyncset.done $0x0;
	s29 =	rddreg [dreg:$0x8]  }
0x1f: {  	[dreg:$0xb] =	wrdreg s5;
	[sflag:s19] =	ssyncadd.s32 $0xFFFFFF80;
	s1 =	sadd.s32 s5, s29  }
0x20: {  	[tilespmem:s30], [sflag:$0x2] =	stream.linear.gather [hbm4b:s1+s3], $0x80, $0x38;
	[tilespmem:$0x1C300] =	vst v63  }
0x21: {  	_ =	swait.ge [sflag:s19], $0x80  }
0x22: {  	s1 =	sshll.u32 s0, $0x7;
	[sflag:s19] =	ssyncset.done $0x0  }
0x23: {  	s2 =	sshll.u32 s2, $0x7;
	s0 =	sadd.s32 s7, s1;
	[sflag:s19] =	ssyncadd.s32 $0xFFFFFF80  }
0x24: {  	[tilespmem:s14], [sflag:$0x1] =	stream.strided.gather [hbm4b:s0+s22], $0x4000, s23, s22, $0x38;
	[tilespmem:$0x1C300] =	vst v63  }
0x25: {  	s10 =	sadd.s32 s2, s8  }
0x26: {  	[tilespmem:s15], [sflag:$0x1] =	stream.strided.gather [hbm4b:s10+s22], $0x4000, s23, s22, $0x38;
	[tilespmem:$0x1C300] =	vst v63  }
0x27: {  	s11 =	rddreg [dreg:$0x2]  }
0x28: {  	[tilespmem:s16], [sflag:$0x1] =	stream.indirect.gather [hbm4b:s11+s6], $0x80, s3, s6, $0xb8;
	[tilespmem:$0x1C300] =	vst v63  }
0x29: {  	s21 =	sadd.s32 s1, s9  }
0x2a: {  	[tilespmem:s24], [sflag:$0x1] =	stream.strided.gather [hbm4b:s21+s22], $0x4000, s23, s22, $0x38;
	[tilespmem:$0x1C300] =	vst v63  }
0x2b: {  	s29 =	sadd.s32 s1, s17  }
0x2c: {  	[tilespmem:s25], [sflag:$0x1] =	stream.strided.gather [hbm4b:s29+s22], $0x4000, s23, s22, $0x38;
	[tilespmem:$0x1C300] =	vst v63  }
0x2d: {  	s30 =	sadd.s32 s1, s28  }
0x2e: {  	[tilespmem:s26], [sflag:$0x1] =	stream.strided.gather [hbm4b:s30+s22], $0x4000, s23, s22, $0x38;
	[tilespmem:$0x1C300] =	vst v63  }
0x2f: {  	_ =	swait.ge [sflag:s31], $0x4000  }
0x30: {  	[sflag:s31] =	ssyncset.done $0x0  }
0x31: {  	[sflag:s31] =	ssyncadd.s32 $0xFFFFC000  }
0x32: {  	_ =	swait.ge [sflag:s31], $0x4000  }
0x33: {  	[sflag:s31] =	ssyncset.done $0x0  }
0x34: {  	[sflag:s31] =	ssyncadd.s32 $0xFFFFC000  }
0x35: {  	_ =	swait.ge [sflag:s31], $0x4000  }
0x36: {  	[sflag:s31] =	ssyncset.done $0x0  }
0x37: {  	[sflag:s31] =	ssyncadd.s32 $0xFFFFC000  }
0x38: {  	_ =	swait.ge [sflag:s31], $0x4000  }
0x39: {  	[sflag:s31] =	ssyncset.done $0x0  }
0x3a: {  	[sflag:s31] =	ssyncadd.s32 $0xFFFFC000  }
0x3b: {  	_ =	swait.ge [sflag:s31], $0x4000  }
0x3c: {  	[sflag:s31] =	ssyncset.done $0x0  }
0x3d: {  	[sflag:s31] =	ssyncadd.s32 $0xFFFFC000  }
0x3e: {  	_ =	swait.ge [sflag:s31], $0x4000  }
0x3f: {  	[sflag:s31] =	ssyncset.done $0x0  }
0x40: {  	s3 =	simm.s32 $0x0;
	[sflag:s31] =	ssyncadd.s32 $0xFFFFC000  }
0x41: {  	v0 =	vld [tilespmem:s3+$0xC290]  }
0x42: {  	v1 =	vld [tilespmem:s3+$0x10290]  }
0x43: {  	v2 =	vld [tilespmem:s3+$0xC2C0]  }
0x44: {  	v3 =	vld [tilespmem:s3+$0xC280]  }
0x45: {  	v4 =	vld [tilespmem:s3+$0xC2B0]  }
0x46: {  	v5 =	vld [tilespmem:s3+$0xC2A0]  }
0x47: {  	v6 =	vld [tilespmem:s3+$0x280]  }
0x48: {  	v7 =	vld [tilespmem:s3+$0x102D0]  }
0x49: {  	v8 =	vld [tilespmem:s3+$0xC2D0]  }
0x4a: {  	v9 =	vld [tilespmem:s3+$0x4280]  }
0x4b: {  	v10 =	vld [tilespmem:s3+$0x290]  }
0x4c: {  	v11 =	vld [tilespmem:s3+$0x8290]  }
0x4d: {  	v12 =	vld [tilespmem:s3+$0x8280]  }
0x4e: {  	v13 =	vld [tilespmem:s3+$0x2A0]  }
0x4f: {  	v14 =	vld [tilespmem:s3+$0x82A0]  }
0x50: {  	v15 =	vld [tilespmem:s3+$0x2C0]  }
0x51: {  	v16 =	vld [tilespmem:s3+$0x82C0]  }
0x52: {  	v17 =	vld [tilespmem:s3+$0x4290]  }
0x53: {  	v19 =	vld [tilespmem:s3+$0x42C0]  }
0x54: {  	v18 =	vld [tilespmem:s3+$0x2D0]  }
0x55: {  	v20 =	vld [tilespmem:s3+$0x82D0]  }
0x56: {  	v21 =	vld [tilespmem:s3+$0x42A0]  }
0x57: {  	v22 =	vld [tilespmem:s3+$0x82B0]  }
0x58: {  	v23 =	vld.msk [tilespmem:s4+$0xFFFFFF80 ss:$0x0], $0xffff;
	v6 =	vmul.f32 v12, v6  }
0x59: {  	v12 =	vld [tilespmem:s3+$0x2B0];
	v10 =	vmul.f32 v11, v10  }
0x5a: {  	v11 =	vmul.f32 v14, v13;
	v13 =	vld.msk [tilespmem:s4+$0x0 ss:$0x0], $0xffff;
	v6 =	vmul.f32 v9, v6  }
0x5b: {  	v9 =	vld.msk [tilespmem:s4+$0x80 ss:$0x0], $0xffff  }
0x5c: {  	v14 =	vmul.f32 v16, v15;
	v16 =	vld [tilespmem:s3+$0x42B0];
	v10 =	vmul.f32 v17, v10;
	v6 =	vadd.f32 $0.0e+00, v6  }
0x5d: {  	v15 =	vld [tilespmem:s3+$0x10280];
	v18 =	vmul.f32 v20, v18  }
0x5e: {  	v0 =	vmul.f32 v0, v23;
	v6 =	vadd.f32 v10, v6;
	v10 =	vmul.f32 v21, v11;
	v11 =	vld [tilespmem:s3+$0x102A0]  }
0x5f: {  	v12 =	vmul.f32 v22, v12;
	v21 =	vmul.f32 v19, v14;
	v14 =	vld [tilespmem:s3+$0x102B0]  }
0x60: {  	v19 =	vld [tilespmem:s3+$0x102C0];
	v17 =	vadd.f32 v10, v6;
	v6 =	vmul.f32 v3, v23;
	v10 =	vmul.f32 v8, v9  }
0x61: {  	v5 =	vmul.f32 v5, v13;
	v12 =	vmul.f32 v16, v12;
	v3 =	vadd.f32 v1, v0  }
0x62: {  	v1 =	vmul.f32 v4, v13;
	v8 =	vadd.f32 v15, v6;
	v0 =	vadd.f32 v7, v10  }
0x63: {  	v22 =	vld [tilespmem:s3+$0x42D0];
	v6 =	vmul.f32 v2, v9;
	v13 =	vmul.f32 v3, v3;
	v4 =	vadd.f32 v11, v5  }
0x64: {  	v2 =	vld [tilespmem:s3+$0x142C0];
	v5 =	vadd.f32 v14, v1;
	v20 =	vmul.f32 v8, v8;
	v10 =	vmul.f32 v0, v0  }
0x65: {  	v7 =	vld [tilespmem:s3+$0x142B0];
	v6 =	vadd.f32 v19, v6;
	v11 =	vmul.f32 $2.755731880e-06, v13;
	v15 =	vmul.f32 v4, v4  }
0x66: {  	v9 =	vld [tilespmem:s3+$0x142A0];
	v14 =	vadd.f32 v12, v17;
	v19 =	vmul.f32 v5, v5;
	v23 =	vmul.f32 $2.755731880e-06, v20  }
0x67: {  	v1 =	vld [tilespmem:s3+$0x142D0];
	v17 =	vmul.f32 v6, v6;
	v16 =	vadd.f32 $-1.984127010e-04, v11;
	v12 =	vmul.f32 $2.755731880e-06, v15  }
0x68: {  	s5 =	simm.s32 $0x200;
	v11 =	vld [tilespmem:s3+$0x14290];
	v24 =	vmul.f32 $2.755731880e-06, v19;
	v25 =	vadd.f32 $-1.984127010e-04, v23;
	v23 =	vmul.f32 $2.755731880e-06, v10  }
.LBB2_3:
0x69: {  	s0 =	smov.u32 s5  }
0x6a: {  	s21 =	sshra.s32 s5, $0x2;
	v21 =	vadd.f32 v21, v14;
	v26 =	vld [tilespmem:s3+$0x14280];
	v27 =	vmul.f32 $2.755731880e-06, v17;
	v28 =	vmul.f32 v16, v13;
	s4 =	sadd.s32 $0x1, s4;
	s0 =	sadd.s32 $0x200, s5  }
0x6b: {  	p0 =	sne.s32 s5, $0xFE00;
	v29 =	vadd.f32 $-1.984127010e-04, v12;
	v25 =	vmul.f32 v25, v20;
	v24 =	vadd.f32 $-1.984127010e-04, v24;
	v16 =	vld [tilespmem:s21+$0xC290]  }
0x6c: {  	v18 =	vmul.f32 v22, v18;
	v22 =	vadd.f32 $-1.984127010e-04, v27;
	v27 =	vadd.f32 $8.333333770e-03, v28;
	v14 =	vld [tilespmem:s21+$0x10290]  }
0x6d: {  	v28 =	vmul.f32 v29, v15;
	v25 =	vadd.f32 $8.333333770e-03, v25;
	v24 =	vmul.f32 v24, v19;
	v12 =	vld [tilespmem:s21+$0xC2C0]  }
0x6e: {  	v23 =	vadd.f32 $-1.984127010e-04, v23;
	v22 =	vmul.f32 v22, v17;
	v27 =	vmul.f32 v27, v13;
	v29 =	vld [tilespmem:s21+$0xC280]  }
0x6f: {  	v28 =	vadd.f32 $8.333333770e-03, v28;
	v25 =	vmul.f32 v25, v20;
	v24 =	vadd.f32 $8.333333770e-03, v24;
	v30 =	vld [tilespmem:s21+$0xC2B0]  }
0x70: {  	v18 =	vadd.f32 v18, v21;
	v21 =	vadd.f32 $8.333333770e-03, v22;
	v22 =	vmul.f32 v23, v10;
	v31 =	vld [tilespmem:s21+$0xC2A0]  }
0x71: {  	v28 =	vmul.f32 v28, v15;
	v25 =	vadd.f32 $-1.666666720e-01, v25;
	v24 =	vmul.f32 v24, v19;
	v23 =	vld [tilespmem:s21+$0x280]  }
0x72: {  	v27 =	vadd.f32 $-1.666666720e-01, v27;
	v21 =	vmul.f32 v21, v17;
	v22 =	vadd.f32 $8.333333770e-03, v22;
	v32 =	vld [tilespmem:s21+$0x102D0];
	[tilespmem:s3+$0x18280] =	vst v18  }
0x73: {  	v18 =	vmul.f32 v25, v20;
	v20 =	vadd.f32 $-1.666666720e-01, v28;
	v24 =	vadd.f32 $-1.666666720e-01, v24;
	v33 =	vld [tilespmem:s21+$0xC2D0]  }
0x74: {  	v13 =	vmul.f32 v27, v13;
	v22 =	vmul.f32 v22, v10;
	v25 =	vld [tilespmem:s21+$0x4280]  }
0x75: {  	v18 =	vadd.f32 $1.000000000e+00, v18;
	v15 =	vmul.f32 v20, v15;
	v20 =	vadd.f32 $-1.666666720e-01, v21;
	v27 =	vld [tilespmem:s21+$0x290]  }
0x76: {  	v13 =	vadd.f32 $1.000000000e+00, v13;
	v19 =	vmul.f32 v24, v19;
	v22 =	vadd.f32 $-1.666666720e-01, v22;
	v21 =	vld [tilespmem:s21+$0x8290]  }
0x77: {  	v8 =	vmul.f32 v18, v8;
	v15 =	vadd.f32 $1.000000000e+00, v15;
	v17 =	vmul.f32 v20, v17;
	v24 =	vld [tilespmem:s21+$0x8280]  }
0x78: {  	v3 =	vmul.f32 v13, v3;
	v13 =	vadd.f32 $1.000000000e+00, v19;
	v10 =	vmul.f32 v22, v10;
	v18 =	vld [tilespmem:s21+$0x2A0]  }
0x79: {  	v8 =	vmul.f32 v8, v26;
	v4 =	vmul.f32 v15, v4;
	v15 =	vadd.f32 $1.000000000e+00, v17;
	v19 =	vld [tilespmem:s21+$0x82A0]  }
0x7a: {  	v3 =	vmul.f32 v3, v11;
	v5 =	vmul.f32 v13, v5;
	v10 =	vadd.f32 $1.000000000e+00, v10;
	v17 =	vld [tilespmem:s21+$0x2C0]  }
0x7b: {  	v8 =	vadd.f32 $0.0e+00, v8;
	v4 =	vmul.f32 v4, v9;
	v6 =	vmul.f32 v15, v6;
	v11 =	vld [tilespmem:s21+$0x82C0]  }
0x7c: {  	v3 =	vadd.f32 $0.0e+00, v3;
	v5 =	vmul.f32 v5, v7;
	v0 =	vmul.f32 v10, v0;
	v9 =	vld [tilespmem:s21+$0x4290]  }
0x7d: {  	v7 =	vmul.f32 v24, v23;
	v4 =	vadd.f32 v4, v8;
	v2 =	vmul.f32 v6, v2;
	v10 =	vld [tilespmem:s21+$0x42C0]  }
0x7e: {  	v6 =	vmul.f32 v21, v27;
	v3 =	vadd.f32 v5, v3;
	v0 =	vmul.f32 v0, v1;
	v8 =	vld [tilespmem:s21+$0x2D0]  }
0x7f: {  	v1 =	vmul.f32 v25, v7;
	v5 =	vmul.f32 v19, v18;
	v2 =	vadd.f32 v2, v4;
	v7 =	vld [tilespmem:s21+$0x82D0]  }
0x80: {  	v0 =	vadd.f32 v0, v3;
	v4 =	vld [tilespmem:s21+$0x42A0];
	v11 =	vmul.f32 v11, v17  }
0x81: {  	v1 =	vadd.f32 $0.0e+00, v1;
	v3 =	vmul.f32 v9, v6;
	v6 =	vld [tilespmem:s21+$0x82B0];
	[tilespmem:s3+$0x2E0] =	vst v2  }
0x82: {  	v2 =	vld [tilespmem:s21+$0x2B0];
	[tilespmem:s3+$0x2F0] =	vst v0;
	s3 =	smov.u32 s21  }
0x83: {  	v0 =	vadd.f32 v3, v1;
	v1 =	vld.msk [tilespmem:s4+$0xFFFFFF80 ss:$0x0], $0xffff  }
0x84: {  	v18 =	vmul.f32 v7, v8;
	v7 =	vld.msk [tilespmem:s4+$0x80 ss:$0x0], $0xffff  }
0x85: {  	v8 =	vld.msk [tilespmem:s4+$0x0 ss:$0x0], $0xffff  }
0x86: {  	v9 =	vld [tilespmem:s3+$0x10280]  }
0x87: {  	v13 =	vld [tilespmem:s3+$0x42B0]  }
0x88: {  	v21 =	vmul.f32 v10, v11;
	v3 =	vmul.f32 v4, v5;
	v4 =	vld [tilespmem:s3+$0x102A0]  }
0x89: {  	v2 =	vmul.f32 v6, v2;
	v5 =	vmul.f32 v16, v1;
	v6 =	vld [tilespmem:s3+$0x102B0]  }
0x8a: {  	v11 =	vadd.f32 v3, v0;
	v0 =	vmul.f32 v29, v1;
	v1 =	vmul.f32 v33, v7;
	v16 =	vld [tilespmem:s3+$0x102C0]  }
0x8b: {  	v10 =	vmul.f32 v31, v8;
	v3 =	vadd.f32 v14, v5;
	v5 =	vmul.f32 v30, v8;
	v22 =	vld [tilespmem:s3+$0x42D0]  }
0x8c: {  	v8 =	vadd.f32 v9, v0;
	v0 =	vadd.f32 v32, v1;
	v14 =	vmul.f32 v13, v2  }
0x8d: {  	v7 =	vmul.f32 v12, v7;
	v13 =	vmul.f32 v3, v3;
	v4 =	vadd.f32 v4, v10  }
.Ltmp0:
0x8e: {  	v20 =	vmul.f32 v8, v8;
	v10 =	vmul.f32 v0, v0;
	v5 =	vadd.f32 v6, v5;
	v1 =	vld [tilespmem:s3+$0x142D0];
	(pc) =	sbr.rel @p0 .LBB2_3-.Ltmp0, $4  }
0x8f: {  	v15 =	vmul.f32 v4, v4;
	v2 =	vld [tilespmem:s3+$0x142C0];
	v6 =	vadd.f32 v16, v7;
	v16 =	vmul.f32 $2.755731880e-06, v13  }
0x90: {  	v14 =	vadd.f32 v14, v11;
	v11 =	vmul.f32 $2.755731880e-06, v20;
	v7 =	vld [tilespmem:s3+$0x142B0];
	v19 =	vmul.f32 v5, v5  }
0x91: {  	v9 =	vld [tilespmem:s3+$0x142A0];
	v12 =	vmul.f32 $2.755731880e-06, v15;
	v17 =	vmul.f32 v6, v6;
	v16 =	vadd.f32 $-1.984127010e-04, v16  }
0x92: {  	s5 =	smov.u32 s0;
	v23 =	vmul.f32 $2.755731880e-06, v10;
	v25 =	vadd.f32 $-1.984127010e-04, v11;
	v11 =	vld [tilespmem:s3+$0x14290];
	v24 =	vmul.f32 $2.755731880e-06, v19  }
0x93: {  	v14 =	vadd.f32 v21, v14  }
0x94: {  	v35 =	vmul.f32 $2.755731880e-06, v17;
	v12 =	vadd.f32 $-1.984127010e-04, v12;
	v25 =	vmul.f32 v25, v20  }
0x95: {  	v16 =	vmul.f32 v16, v13;
	v18 =	vmul.f32 v22, v18;
	v24 =	vadd.f32 $-1.984127010e-04, v24  }
0x96: {  	v21 =	vadd.f32 $-1.984127010e-04, v35;
	v12 =	vmul.f32 v12, v15;
	v36 =	vadd.f32 $8.333333770e-03, v25  }
0x97: {  	v23 =	vadd.f32 $-1.984127010e-04, v23;
	v16 =	vadd.f32 $8.333333770e-03, v16;
	v24 =	vmul.f32 v24, v19  }
0x98: {  	v21 =	vmul.f32 v21, v17;
	v12 =	vadd.f32 $8.333333770e-03, v12;
	v22 =	vmul.f32 v36, v20  }
0x99: {  	v23 =	vmul.f32 v23, v10;
	v16 =	vmul.f32 v16, v13;
	v24 =	vadd.f32 $8.333333770e-03, v24  }
0x9a: {  	v21 =	vadd.f32 $8.333333770e-03, v21;
	v12 =	vmul.f32 v12, v15;
	v22 =	vadd.f32 $-1.666666720e-01, v22  }
0x9b: {  	v23 =	vadd.f32 $8.333333770e-03, v23;
	v16 =	vadd.f32 $-1.666666720e-01, v16;
	v24 =	vmul.f32 v24, v19  }
0x9c: {  	v21 =	vmul.f32 v21, v17;
	v12 =	vadd.f32 $-1.666666720e-01, v12;
	v37 =	vmul.f32 v22, v20  }
0x9d: {  	v38 =	vld [tilespmem:s3+$0x14280];
	v40 =	vmul.f32 v23, v10;
	v39 =	vmul.f32 v16, v13;
	v24 =	vadd.f32 $-1.666666720e-01, v24  }
0x9e: {  	v12 =	vmul.f32 v12, v15;
	v41 =	vadd.f32 $-1.666666720e-01, v21;
	v20 =	vadd.f32 $1.000000000e+00, v37  }
0x9f: {  	v16 =	vadd.f32 $-1.666666720e-01, v40;
	v13 =	vadd.f32 $1.000000000e+00, v39;
	v42 =	vmul.f32 v24, v19  }
0xa0: {  	v12 =	vadd.f32 $1.000000000e+00, v12;
	v15 =	vmul.f32 v41, v17;
	v8 =	vmul.f32 v20, v8  }
0xa1: {  	v10 =	vmul.f32 v16, v10;
	v3 =	vmul.f32 v13, v3;
	v43 =	vadd.f32 $1.000000000e+00, v42  }
0xa2: {  	v4 =	vmul.f32 v12, v4;
	v44 =	vadd.f32 $1.000000000e+00, v15;
	v8 =	vmul.f32 v8, v38  }
0xa3: {  	v10 =	vadd.f32 $1.000000000e+00, v10;
	v3 =	vmul.f32 v3, v11;
	v5 =	vmul.f32 v43, v5  }
0xa4: {  	v4 =	vmul.f32 v4, v9;
	v6 =	vmul.f32 v44, v6;
	v8 =	vadd.f32 $0.0e+00, v8  }
0xa5: {  	v0 =	vmul.f32 v10, v0;
	v3 =	vadd.f32 $0.0e+00, v3;
	v5 =	vmul.f32 v5, v7  }
0xa6: {  	v2 =	vmul.f32 v6, v2;
	v4 =	vadd.f32 v4, v8  }
0xa7: {  	v0 =	vmul.f32 v0, v1;
	v6 =	vadd.f32 v18, v14;
	v3 =	vadd.f32 v5, v3  }
0xa8: {  	v1 =	vadd.f32 v2, v4  }
0xa9: {  	[tilespmem:s3+$0x18280] =	vst v6;
	v0 =	vadd.f32 v0, v3  }
0xaa: {  	[tilespmem:s3+$0x2E0] =	vst v1  }
0xab: {  	s0 =	sadd.s32 s2, s12;
	[tilespmem:s3+$0x2F0] =	vst v0  }
0xac: {  	[tilespmem:s24], [sflag:$0x1] =	stream.strided.gather [hbm4b:s0+s22], $0x4000, s23, s22, $0x38;
	[tilespmem:$0x1C300] =	vst v63  }
0xad: {  	s29 =	sadd.s32 s2, s13  }
0xae: {  	[tilespmem:s25], [sflag:$0x1] =	stream.strided.gather [hbm4b:s29+s22], $0x4000, s23, s22, $0x38;
	[tilespmem:$0x1C300] =	vst v63  }
0xaf: {  	s30 =	sadd.s32 s2, s20  }
0xb0: {  	[tilespmem:s26], [sflag:$0x1] =	stream.strided.gather [hbm4b:s30+s22], $0x4000, s23, s22, $0x38;
	[tilespmem:$0x1C300] =	vst v63  }
0xb1: {  	_ =	swait.ge [sflag:s31], $0x4000  }
0xb2: {  	[sflag:s31] =	ssyncset.done $0x0  }
0xb3: {  	[sflag:s31] =	ssyncadd.s32 $0xFFFFC000  }
0xb4: {  	_ =	swait.ge [sflag:s31], $0x4000  }
0xb5: {  	[sflag:s31] =	ssyncset.done $0x0  }
0xb6: {  	[sflag:s31] =	ssyncadd.s32 $0xFFFFC000  }
0xb7: {  	_ =	swait.ge [sflag:s31], $0x4000  }
0xb8: {  	[sflag:s31] =	ssyncset.done $0x0  }
0xb9: {  	s3 =	simm.s32 $0x0;
	[sflag:s31] =	ssyncadd.s32 $0xFFFFC000  }
0xba: {  	v0 =	vld [tilespmem:s3+$0xC2B0]  }
0xbb: {  	v1 =	vld [tilespmem:s3+$0x10290]  }
0xbc: {  	v2 =	vld [tilespmem:s3+$0xC2A0]  }
0xbd: {  	v3 =	vld [tilespmem:s3+$0x10280]  }
0xbe: {  	v4 =	vld [tilespmem:s3+$0xC290]  }
0xbf: {  	v5 =	vld [tilespmem:s3+$0xC280]  }
0xc0: {  	s4 =	simm.s32 $0x100;
	v6 =	vld [tilespmem:s3+$0x102B0]  }
0xc1: {  	v7 =	vld.msk [tilespmem:s4+$0xFFFFFF80 ss:$0x0], $0xffff  }
0xc2: {  	v8 =	vld.msk [tilespmem:s4+$0x0 ss:$0x0], $0xffff  }
0xc3: {  	v9 =	vld [tilespmem:s3+$0xC2C0]  }
0xc4: {  	v10 =	vld [tilespmem:s3+$0x102A0]  }
0xc5: {  	v11 =	vld.msk [tilespmem:s4+$0x80 ss:$0x0], $0xffff  }
0xc6: {  	v45 =	vld [tilespmem:s3+$0xC2D0];
	v5 =	vmul.f32 v5, v7  }
0xc7: {  	v46 =	vld [tilespmem:s3+$0x102C0];
	v2 =	vmul.f32 v2, v8  }
0xc8: {  	v4 =	vmul.f32 v4, v7;
	v3 =	vadd.f32 v3, v5;
	v5 =	vld [tilespmem:s3+$0x102D0]  }
0xc9: {  	v0 =	vmul.f32 v0, v8;
	v2 =	vadd.f32 v10, v2  }
0xca: {  	v4 =	vadd.f32 v1, v4;
	v1 =	vmul.f32 v9, v11;
	v7 =	vmul.f32 v3, v3  }
0xcb: {  	v6 =	vadd.f32 v6, v0;
	v0 =	vmul.f32 v45, v11;
	v8 =	vmul.f32 v2, v2  }
0xcc: {  	v9 =	vmul.f32 v4, v4;
	v10 =	vadd.f32 v46, v1;
	v1 =	vmul.f32 $2.755731880e-06, v7  }
0xcd: {  	v11 =	vmul.f32 v6, v6;
	v47 =	vmul.f32 $2.755731880e-06, v8;
	v5 =	vadd.f32 v5, v0  }
0xce: {  	v13 =	vmul.f32 v10, v10;
	v0 =	vmul.f32 $2.755731880e-06, v9;
	v1 =	vadd.f32 $-1.984127010e-04, v1  }
0xcf: {  	v48 =	vmul.f32 $2.755731880e-06, v11;
	v12 =	vadd.f32 $-1.984127010e-04, v47;
	v49 =	vmul.f32 v5, v5  }
0xd0: {  	v50 =	vmul.f32 $2.755731880e-06, v13;
	v0 =	vadd.f32 $-1.984127010e-04, v0;
	v1 =	vmul.f32 v1, v7  }
0xd1: {  	v14 =	vadd.f32 $-1.984127010e-04, v48;
	v12 =	vmul.f32 v12, v8;
	v51 =	vmul.f32 $2.755731880e-06, v49  }
0xd2: {  	v16 =	vadd.f32 $-1.984127010e-04, v50;
	v0 =	vmul.f32 v0, v9;
	v1 =	vadd.f32 $8.333333770e-03, v1  }
0xd3: {  	v14 =	vmul.f32 v14, v11;
	v12 =	vadd.f32 $8.333333770e-03, v12;
	v17 =	vadd.f32 $-1.984127010e-04, v51  }
0xd4: {  	v16 =	vmul.f32 v16, v13;
	v0 =	vadd.f32 $8.333333770e-03, v0;
	v1 =	vmul.f32 v1, v7  }
0xd5: {  	v14 =	vadd.f32 $8.333333770e-03, v14;
	v12 =	vmul.f32 v12, v8;
	v17 =	vmul.f32 v17, v49  }
0xd6: {  	v16 =	vadd.f32 $8.333333770e-03, v16;
	v52 =	vmul.f32 v0, v9;
	v1 =	vadd.f32 $-1.666666720e-01, v1  }
0xd7: {  	v14 =	vmul.f32 v14, v11;
	v12 =	vadd.f32 $-1.666666720e-01, v12;
	v17 =	vadd.f32 $8.333333770e-03, v17  }
0xd8: {  	v54 =	vld [tilespmem:s3+$0x14280];
	v53 =	vadd.f32 $-1.666666720e-01, v52;
	v1 =	vmul.f32 v1, v7;
	v7 =	vmul.f32 v16, v13  }
0xd9: {  	v57 =	vld [tilespmem:s3+$0x142A0];
	v55 =	vadd.f32 $-1.666666720e-01, v14;
	v8 =	vmul.f32 v12, v8;
	v56 =	vmul.f32 v17, v49  }
0xda: {  	v58 =	vld [tilespmem:s3+$0x14290];
	v9 =	vmul.f32 v53, v9;
	v1 =	vadd.f32 $1.000000000e+00, v1;
	v7 =	vadd.f32 $-1.666666720e-01, v7  }
0xdb: {  	v60 =	vld [tilespmem:s3+$0x142B0];
	v11 =	vmul.f32 v55, v11;
	v8 =	vadd.f32 $1.000000000e+00, v8;
	v59 =	vadd.f32 $-1.666666720e-01, v56  }
0xdc: {  	v61 =	vld [tilespmem:s3+$0x142C0];
	v9 =	vadd.f32 $1.000000000e+00, v9;
	v3 =	vmul.f32 v1, v3;
	v7 =	vmul.f32 v7, v13  }
0xdd: {  	v0 =	vld [tilespmem:s3+$0x2E0];
	v2 =	vmul.f32 v8, v2;
	v8 =	vadd.f32 $1.000000000e+00, v11;
	v11 =	vmul.f32 v59, v49  }
0xde: {  	v1 =	vld [tilespmem:s3+$0x18280];
	v4 =	vmul.f32 v9, v4;
	v62 =	vmul.f32 v3, v54;
	v7 =	vadd.f32 $1.000000000e+00, v7  }
0xdf: {  	v3 =	vld [tilespmem:s3+$0x82E0];
	v9 =	vmul.f32 v2, v57;
	v6 =	vmul.f32 v8, v6;
	v8 =	vadd.f32 $1.000000000e+00, v11  }
0xe0: {  	v63 =	vmul.f32 v4, v58;
	v4 =	vld [tilespmem:s3+$0x142D0];
	v11 =	vadd.f32 $0.0e+00, v62;
	v10 =	vmul.f32 v7, v10  }
0xe1: {  	v2 =	vld [tilespmem:s3+$0x2F0];
	v6 =	vmul.f32 v6, v60;
	v7 =	vmul.f32 v8, v5  }
0xe2: {  	s5 =	simm.s32 $0x200;
	v5 =	vld [tilespmem:s3+$0x82F0];
	v8 =	vadd.f32 v9, v11;
	v9 =	vmul.f32 v10, v61;
	v10 =	vadd.f32 $0.0e+00, v63  }
.LBB2_5:
0xe3: {  	p0 =	sne.s32 s5, $0xFE00  }
0xe4: {  	v0 =	vmul.f32 v3, v0;
	s4 =	sadd.s32 $0x1, s4;
	s0 =	smov.u32 s5;
	s5 =	sadd.s32 $0x200, s5  }
0xe5: {  	s0 =	sshra.s32 s0, $0x2;
	v3 =	vadd.f32 v9, v8;
	v6 =	vadd.f32 v6, v10;
	v4 =	vmul.f32 v7, v4  }
0xe6: {  	v7 =	vld [tilespmem:s0+$0xC2B0]  }
0xe7: {  	v8 =	vld [tilespmem:s0+$0x10290];
	v0 =	vmul.f32 v3, v0;
	v3 =	vadd.f32 v4, v6;
	v2 =	vmul.f32 v5, v2  }
0xe8: {  	v4 =	vld [tilespmem:s0+$0xC2A0]  }
0xe9: {  	v5 =	vld [tilespmem:s0+$0x10280];
	v0 =	vadd.f32 v0, v1;
	v1 =	vmul.f32 v3, v2  }
0xea: {  	v2 =	vld [tilespmem:s0+$0xC290]  }
0xeb: {  	v3 =	vld [tilespmem:s0+$0xC280];
	v1 =	vadd.f32 v1, v0  }
0xec: {  	v0 =	vld [tilespmem:s0+$0x2E0]  }
0xed: {  	v6 =	vld [tilespmem:s0+$0x102B0];
	[tilespmem:s3+$0x18280] =	vst v1;
	s3 =	smov.u32 s0  }
0xee: {  	v1 =	vld.msk [tilespmem:s4+$0xFFFFFF80 ss:$0x0], $0xffff  }
0xef: {  	v9 =	vld.msk [tilespmem:s4+$0x0 ss:$0x0], $0xffff  }
0xf0: {  	v10 =	vld [tilespmem:s3+$0xC2C0]  }
0xf1: {  	v11 =	vld.msk [tilespmem:s4+$0x80 ss:$0x0], $0xffff  }
0xf2: {  	v12 =	vld [tilespmem:s3+$0x102A0]  }
0xf3: {  	v13 =	vld [tilespmem:s3+$0xC2D0]  }
0xf4: {  	v3 =	vmul.f32 v3, v1;
	v2 =	vmul.f32 v2, v1;
	v14 =	vld [tilespmem:s3+$0x102C0]  }
0xf5: {  	v4 =	vmul.f32 v4, v9;
	v7 =	vmul.f32 v7, v9;
	v1 =	vld [tilespmem:s3+$0x18280]  }
0xf6: {  	v5 =	vadd.f32 v5, v3;
	v8 =	vadd.f32 v8, v2;
	v9 =	vld [tilespmem:s3+$0x102D0]  }
0xf7: {  	v10 =	vmul.f32 v10, v11;
	v6 =	vadd.f32 v6, v7;
	v4 =	vadd.f32 v12, v4;
	v3 =	vld [tilespmem:s3+$0x82E0]  }
0xf8: {  	v7 =	vmul.f32 v5, v5;
	v12 =	vmul.f32 v8, v8;
	v2 =	vld [tilespmem:s3+$0x2F0]  }
0xf9: {  	v11 =	vmul.f32 v13, v11;
	v15 =	vmul.f32 v4, v4;
	v10 =	vadd.f32 v14, v10  }
0xfa: {  	v13 =	vmul.f32 $2.755731880e-06, v7;
	v14 =	vmul.f32 v6, v6  }
0xfb: {  	v17 =	vmul.f32 $2.755731880e-06, v12;
	v16 =	vmul.f32 $2.755731880e-06, v15;
	v9 =	vadd.f32 v9, v11  }
0xfc: {  	v11 =	vadd.f32 $-1.984127010e-04, v13;
	v13 =	vmul.f32 v10, v10;
	v18 =	vmul.f32 $2.755731880e-06, v14  }
0xfd: {  	v17 =	vadd.f32 $-1.984127010e-04, v17;
	v16 =	vadd.f32 $-1.984127010e-04, v16;
	v19 =	vmul.f32 v9, v9  }
0xfe: {  	v11 =	vmul.f32 v11, v7;
	v20 =	vmul.f32 $2.755731880e-06, v13;
	v18 =	vadd.f32 $-1.984127010e-04, v18  }
0xff: {  	v16 =	vmul.f32 v16, v15;
	v21 =	vmul.f32 $2.755731880e-06, v19  }
0x100: {  	v17 =	vmul.f32 v17, v12;
	v11 =	vadd.f32 $8.333333770e-03, v11;
	v20 =	vadd.f32 $-1.984127010e-04, v20  }
0x101: {  	v18 =	vmul.f32 v18, v14;
	v16 =	vadd.f32 $8.333333770e-03, v16;
	v21 =	vadd.f32 $-1.984127010e-04, v21  }
0x102: {  	v17 =	vadd.f32 $8.333333770e-03, v17;
	v11 =	vmul.f32 v11, v7;
	v20 =	vmul.f32 v20, v13  }
0x103: {  	v18 =	vadd.f32 $8.333333770e-03, v18;
	v16 =	vmul.f32 v16, v15;
	v21 =	vmul.f32 v21, v19  }
0x104: {  	v17 =	vmul.f32 v17, v12;
	v11 =	vadd.f32 $-1.666666720e-01, v11;
	v20 =	vadd.f32 $8.333333770e-03, v20  }
0x105: {  	v18 =	vmul.f32 v18, v14;
	v16 =	vadd.f32 $-1.666666720e-01, v16;
	v21 =	vadd.f32 $8.333333770e-03, v21  }
0x106: {  	v17 =	vadd.f32 $-1.666666720e-01, v17;
	v7 =	vmul.f32 v11, v7;
	v11 =	vmul.f32 v20, v13  }
0x107: {  	v20 =	vld [tilespmem:s3+$0x14280];
	v15 =	vmul.f32 v16, v15;
	v16 =	vadd.f32 $-1.666666720e-01, v18;
	v18 =	vmul.f32 v21, v19  }
0x108: {  	v12 =	vmul.f32 v17, v12;
	v7 =	vadd.f32 $1.000000000e+00, v7;
	v11 =	vadd.f32 $-1.666666720e-01, v11;
	v21 =	vld [tilespmem:s3+$0x142A0]  }
0x109: {  	v15 =	vadd.f32 $1.000000000e+00, v15;
	v17 =	vld [tilespmem:s3+$0x14290];
	v14 =	vmul.f32 v16, v14;
	v16 =	vadd.f32 $-1.666666720e-01, v18  }
0x10a: {  	v5 =	vmul.f32 v7, v5;
	v7 =	vmul.f32 v11, v13;
	v11 =	vadd.f32 $1.000000000e+00, v12;
	v12 =	vld [tilespmem:s3+$0x142B0]  }
0x10b: {  	v4 =	vmul.f32 v15, v4;
	v13 =	vld [tilespmem:s3+$0x142C0];
	v14 =	vadd.f32 $1.000000000e+00, v14;
	v15 =	vmul.f32 v16, v19  }
.Ltmp1:
0x10c: {  	v7 =	vadd.f32 $1.000000000e+00, v7;
	v8 =	vmul.f32 v11, v8;
	v5 =	vmul.f32 v5, v20;
	(pc) =	sbr.rel @p0 .LBB2_5-.Ltmp1, $4  }
0x10d: {  	v11 =	vmul.f32 v4, v21;
	v6 =	vmul.f32 v14, v6;
	v4 =	vld [tilespmem:s3+$0x142D0];
	v14 =	vadd.f32 $1.000000000e+00, v15  }
0x10e: {  	v10 =	vmul.f32 v7, v10;
	v15 =	vadd.f32 $0.0e+00, v5;
	v16 =	vmul.f32 v8, v17  }
0x10f: {  	v6 =	vmul.f32 v6, v12;
	v7 =	vmul.f32 v14, v9;
	v5 =	vld [tilespmem:s3+$0x82F0]  }
0x110: {  	v8 =	vadd.f32 v11, v15;
	v9 =	vmul.f32 v10, v13;
	v10 =	vadd.f32 $0.0e+00, v16  }
0x111: {  	v0 =	vmul.f32 v3, v0  }
0x112: {  	v3 =	vadd.f32 v9, v8;
	v6 =	vadd.f32 v6, v10;
	v4 =	vmul.f32 v7, v4;
	_ =	sdelay $0x1  }
0x113: {  	v0 =	vmul.f32 v3, v0;
	v3 =	vadd.f32 v4, v6;
	v2 =	vmul.f32 v5, v2;
	_ =	sdelay $0x1  }
0x114: {  	v0 =	vadd.f32 v0, v1;
	v1 =	vmul.f32 v3, v2;
	_ =	sdelay $0x1  }
0x115: {  	v0 =	vadd.f32 v1, v0;
	_ =	sdelay $0x1  }
0x116: {  	s0 =	sadd.s32 s7, s2;
	[tilespmem:s3+$0x18280] =	vst v0  }
0x117: {  	[tilespmem:s14], [sflag:$0x1] =	stream.strided.gather [hbm4b:s0+s22], $0x4000, s23, s22, $0x38;
	[tilespmem:$0x1C300] =	vst v63  }
0x118: {  	s11 =	sadd.s32 s1, s8  }
0x119: {  	[tilespmem:s15], [sflag:$0x1] =	stream.strided.gather [hbm4b:s11+s22], $0x4000, s23, s22, $0x38;
	[tilespmem:$0x1C300] =	vst v63  }
0x11a: {  	s14 =	simm.s32 $0x0;
	s15 =	rddreg [dreg:$0x3]  }
0x11b: {  	[tilespmem:s16], [sflag:$0x1] =	stream.indirect.gather [hbm4b:s15+s6], $0x80, s14, s6, $0xb8;
	[tilespmem:$0x1C300] =	vst v63  }
0x11c: {  	s21 =	sadd.s32 s2, s9  }
0x11d: {  	[tilespmem:s24], [sflag:$0x1] =	stream.strided.gather [hbm4b:s21+s22], $0x4000, s23, s22, $0x38;
	[tilespmem:$0x1C300] =	vst v63  }
0x11e: {  	s29 =	sadd.s32 s2, s17  }
0x11f: {  	[tilespmem:s25], [sflag:$0x1] =	stream.strided.gather [hbm4b:s29+s22], $0x4000, s23, s22, $0x38;
	[tilespmem:$0x1C300] =	vst v63  }
0x120: {  	s30 =	sadd.s32 s2, s28  }
0x121: {  	[tilespmem:s26], [sflag:$0x1] =	stream.strided.gather [hbm4b:s30+s22], $0x4000, s23, s22, $0x38;
	[tilespmem:$0x1C300] =	vst v63  }
0x122: {  	_ =	swait.ge [sflag:s31], $0x4000  }
0x123: {  	[sflag:s31] =	ssyncset.done $0x0  }
0x124: {  	[sflag:s31] =	ssyncadd.s32 $0xFFFFC000  }
0x125: {  	_ =	swait.ge [sflag:s31], $0x4000  }
0x126: {  	[sflag:s31] =	ssyncset.done $0x0  }
0x127: {  	[sflag:s31] =	ssyncadd.s32 $0xFFFFC000  }
0x128: {  	_ =	swait.ge [sflag:s31], $0x4000  }
0x129: {  	[sflag:s31] =	ssyncset.done $0x0  }
0x12a: {  	[sflag:s31] =	ssyncadd.s32 $0xFFFFC000  }
0x12b: {  	_ =	swait.ge [sflag:s31], $0x4000  }
0x12c: {  	[sflag:s31] =	ssyncset.done $0x0  }
0x12d: {  	[sflag:s31] =	ssyncadd.s32 $0xFFFFC000  }
0x12e: {  	_ =	swait.ge [sflag:s31], $0x4000  }
0x12f: {  	[sflag:s31] =	ssyncset.done $0x0  }
0x130: {  	[sflag:s31] =	ssyncadd.s32 $0xFFFFC000  }
0x131: {  	_ =	swait.ge [sflag:s31], $0x4000  }
0x132: {  	[sflag:s31] =	ssyncset.done $0x0  }
0x133: {  	s2 =	simm.s32 $0x0;
	[sflag:s31] =	ssyncadd.s32 $0xFFFFC000  }
0x134: {  	v7 =	vld [tilespmem:s2+$0xC2D0]  }
0x135: {  	v2 =	vld [tilespmem:s2+$0x10280]  }
0x136: {  	v3 =	vld [tilespmem:s2+$0xC2B0]  }
0x137: {  	v4 =	vld [tilespmem:s2+$0xC2A0]  }
0x138: {  	v5 =	vld [tilespmem:s2+$0x10290]  }
0x139: {  	v6 =	vld [tilespmem:s2+$0xC280]  }
0x13a: {  	v8 =	vld [tilespmem:s2+$0xC290]  }
0x13b: {  	v1 =	vld [tilespmem:s2+$0x280]  }
0x13c: {  	v9 =	vld [tilespmem:s2+$0x8280]  }
0x13d: {  	v10 =	vld [tilespmem:s2+$0x4280]  }
0x13e: {  	v11 =	vld [tilespmem:s2+$0x290]  }
0x13f: {  	v12 =	vld [tilespmem:s2+$0x8290]  }
0x140: {  	v13 =	vld [tilespmem:s2+$0x2A0]  }
0x141: {  	v14 =	vld [tilespmem:s2+$0x82A0]  }
0x142: {  	v15 =	vld [tilespmem:s2+$0x4290]  }
0x143: {  	v16 =	vld [tilespmem:s2+$0x42A0]  }
0x144: {  	v17 =	vld [tilespmem:s2+$0x2B0]  }
0x145: {  	v18 =	vld [tilespmem:s2+$0x82B0]  }
0x146: {  	v19 =	vld [tilespmem:s2+$0x42B0]  }
0x147: {  	v20 =	vld [tilespmem:s2+$0x2C0]  }
0x148: {  	v21 =	vld [tilespmem:s2+$0x82C0]  }
0x149: {  	v22 =	vld [tilespmem:s2+$0x42C0]  }
0x14a: {  	v23 =	vld [tilespmem:s2+$0x2D0]  }
0x14b: {  	v24 =	vld [tilespmem:s2+$0x82D0]  }
0x14c: {  	v25 =	vld [tilespmem:s2+$0x42D0]  }
0x14d: {  	v0 =	vld [tilespmem:s2+$0x142D0]  }
0x14e: {  	s3 =	simm.s32 $0x100;
	v26 =	vld [tilespmem:s2+$0xC2C0]  }
0x14f: {  	v27 =	vld.msk [tilespmem:s3+$0x80 ss:$0x0], $0xffff;
	v13 =	vmul.f32 v14, v13  }
0x150: {  	v14 =	vld.msk [tilespmem:s3+$0xFFFFFF80 ss:$0x0], $0xffff;
	v1 =	vmul.f32 v9, v1;
	v11 =	vmul.f32 v12, v11  }
0x151: {  	v9 =	vld [tilespmem:s2+$0x18280];
	v13 =	vmul.f32 v16, v13;
	v16 =	vmul.f32 v18, v17  }
0x152: {  	v62 =	vld.msk [tilespmem:s3+$0x0 ss:$0x0], $0xffff;
	v17 =	vmul.f32 v21, v20;
	v20 =	vmul.f32 v24, v23  }
0x153: {  	v12 =	vld [tilespmem:s2+$0x102D0];
	v63 =	vmul.f32 v10, v1  }
0x154: {  	v11 =	vmul.f32 v15, v11;
	v10 =	vmul.f32 v25, v20;
	v20 =	vld [tilespmem:s2+$0x102C0]  }
0x155: {  	v6 =	vmul.f32 v6, v14;
	v8 =	vmul.f32 v8, v14;
	v14 =	vld [tilespmem:s2+$0x102A0]  }
0x156: {  	v1 =	vld [tilespmem:s2+$0x142C0];
	v15 =	vmul.f32 v26, v27;
	v18 =	vmul.f32 v22, v17;
	v9 =	vadd.f32 v63, v9  }
0x157: {  	v17 =	vmul.f32 v19, v16;
	v19 =	vld [tilespmem:s2+$0x102B0];
	v6 =	vadd.f32 v2, v6;
	v5 =	vadd.f32 v5, v8  }
0x158: {  	v8 =	vadd.f32 v11, v9;
	v9 =	vmul.f32 v4, v62;
	v2 =	vld [tilespmem:s2+$0x142B0];
	v11 =	vmul.f32 v3, v62  }
0x159: {  	v4 =	vld [tilespmem:s2+$0x142A0];
	v16 =	vmul.f32 v6, v6;
	v3 =	vadd.f32 v20, v15;
	v15 =	vmul.f32 v5, v5  }
0x15a: {  	s0 =	simm.s32 $0x200;
	v13 =	vadd.f32 v13, v8;
	v8 =	vld [tilespmem:s2+$0x14290];
	v9 =	vadd.f32 v14, v9;
	v14 =	vmul.f32 v7, v27  }
.LBB2_7:
0x15b: {  	s4 =	smov.u32 s0  }
0x15c: {  	s5 =	sshra.s32 s0, $0x2;
	v20 =	vld [tilespmem:s2+$0x14280];
	v21 =	vmul.f32 $2.755731880e-06, v16;
	v22 =	vmul.f32 $2.755731880e-06, v15;
	v19 =	vadd.f32 v19, v11;
	s3 =	sadd.s32 $0x1, s3;
	s4 =	sadd.s32 $0x200, s0  }
0x15d: {  	p0 =	sne.s32 s0, $0xFE00;
	v13 =	vadd.f32 v17, v13;
	v23 =	vmul.f32 v9, v9;
	v24 =	vadd.f32 v12, v14;
	v7 =	vld [tilespmem:s5+$0xC2D0]  }
0x15e: {  	v14 =	vadd.f32 $-1.984127010e-04, v21;
	v21 =	vmul.f32 v3, v3;
	v25 =	vmul.f32 v19, v19;
	v12 =	vld [tilespmem:s5+$0x10280]  }
0x15f: {  	v17 =	vadd.f32 v18, v13;
	v18 =	vmul.f32 $2.755731880e-06, v23;
	v26 =	vmul.f32 v24, v24;
	v11 =	vld [tilespmem:s5+$0xC2B0]  }
0x160: {  	v22 =	vadd.f32 $-1.984127010e-04, v22;
	v27 =	vmul.f32 v14, v16;
	v28 =	vmul.f32 $2.755731880e-06, v25;
	v13 =	vld [tilespmem:s5+$0xC2A0]  }
0x161: {  	v29 =	vmul.f32 $2.755731880e-06, v21;
	v10 =	vadd.f32 v10, v17;
	v18 =	vadd.f32 $-1.984127010e-04, v18;
	v14 =	vld [tilespmem:s5+$0x10290]  }
0x162: {  	v22 =	vmul.f32 v22, v15;
	v30 =	vmul.f32 $2.755731880e-06, v26;
	v28 =	vadd.f32 $-1.984127010e-04, v28;
	v17 =	vld [tilespmem:s5+$0xC280]  }
0x163: {  	v27 =	vadd.f32 $8.333333770e-03, v27;
	v29 =	vadd.f32 $-1.984127010e-04, v29;
	v18 =	vmul.f32 v18, v23;
	v31 =	vld [tilespmem:s5+$0xC290];
	[tilespmem:s2+$0x18280] =	vst v10  }
0x164: {  	v22 =	vadd.f32 $8.333333770e-03, v22;
	v30 =	vadd.f32 $-1.984127010e-04, v30;
	v28 =	vmul.f32 v28, v25;
	v10 =	vld [tilespmem:s5+$0x280]  }
0x165: {  	v27 =	vmul.f32 v27, v16;
	v29 =	vmul.f32 v29, v21;
	v18 =	vadd.f32 $8.333333770e-03, v18;
	v32 =	vld [tilespmem:s5+$0x8280]  }
0x166: {  	v22 =	vmul.f32 v22, v15;
	v30 =	vmul.f32 v30, v26;
	v28 =	vadd.f32 $8.333333770e-03, v28;
	v33 =	vld [tilespmem:s5+$0x4280]  }
0x167: {  	v27 =	vadd.f32 $-1.666666720e-01, v27;
	v29 =	vadd.f32 $8.333333770e-03, v29;
	v18 =	vmul.f32 v18, v23;
	v34 =	vld [tilespmem:s5+$0x290]  }
0x168: {  	v22 =	vadd.f32 $-1.666666720e-01, v22;
	v30 =	vadd.f32 $8.333333770e-03, v30;
	v28 =	vmul.f32 v28, v25;
	v35 =	vld [tilespmem:s5+$0x8290]  }
0x169: {  	v16 =	vmul.f32 v27, v16;
	v27 =	vmul.f32 v29, v21;
	v18 =	vadd.f32 $-1.666666720e-01, v18;
	v36 =	vld [tilespmem:s5+$0x2A0]  }
0x16a: {  	v15 =	vmul.f32 v22, v15;
	v22 =	vadd.f32 $-1.666666720e-01, v28;
	v28 =	vmul.f32 v30, v26;
	v29 =	vld [tilespmem:s5+$0x82A0]  }
0x16b: {  	v16 =	vadd.f32 $1.000000000e+00, v16;
	v18 =	vmul.f32 v18, v23;
	v23 =	vadd.f32 $-1.666666720e-01, v27;
	v30 =	vld [tilespmem:s5+$0x4290]  }
0x16c: {  	v15 =	vadd.f32 $1.000000000e+00, v15;
	v22 =	vmul.f32 v22, v25;
	v25 =	vadd.f32 $-1.666666720e-01, v28;
	v27 =	vld [tilespmem:s5+$0x42A0]  }
0x16d: {  	v6 =	vmul.f32 v16, v6;
	v16 =	vadd.f32 $1.000000000e+00, v18;
	v18 =	vmul.f32 v23, v21;
	v28 =	vld [tilespmem:s5+$0x2B0]  }
0x16e: {  	v5 =	vmul.f32 v15, v5;
	v15 =	vadd.f32 $1.000000000e+00, v22;
	v22 =	vmul.f32 v25, v26;
	v21 =	vld [tilespmem:s5+$0x82B0]  }
0x16f: {  	v6 =	vmul.f32 v6, v20;
	v9 =	vmul.f32 v16, v9;
	v16 =	vadd.f32 $1.000000000e+00, v18;
	v23 =	vld [tilespmem:s5+$0x42B0]  }
0x170: {  	v5 =	vmul.f32 v5, v8;
	v8 =	vmul.f32 v15, v19;
	v15 =	vadd.f32 $1.000000000e+00, v22;
	v18 =	vld [tilespmem:s5+$0x2C0]  }
0x171: {  	v6 =	vadd.f32 $0.0e+00, v6;
	v4 =	vmul.f32 v9, v4;
	v3 =	vmul.f32 v16, v3;
	v19 =	vld [tilespmem:s5+$0x82C0]  }
0x172: {  	v5 =	vadd.f32 $0.0e+00, v5;
	v2 =	vmul.f32 v8, v2;
	v8 =	vmul.f32 v15, v24;
	v9 =	vld [tilespmem:s5+$0x42C0]  }
0x173: {  	v15 =	vmul.f32 v29, v36;
	v4 =	vadd.f32 v4, v6;
	v1 =	vmul.f32 v3, v1;
	v16 =	vld [tilespmem:s5+$0x2D0]  }
0x174: {  	v3 =	vmul.f32 v32, v10;
	v2 =	vadd.f32 v2, v5;
	v0 =	vmul.f32 v8, v0;
	v6 =	vld [tilespmem:s5+$0x82D0]  }
0x175: {  	v8 =	vmul.f32 v27, v15;
	v5 =	vmul.f32 v21, v28;
	v1 =	vadd.f32 v1, v4;
	v10 =	vld [tilespmem:s5+$0x42D0]  }
0x176: {  	v3 =	vmul.f32 v33, v3;
	v2 =	vadd.f32 v0, v2;
	v4 =	vmul.f32 v19, v18  }
0x177: {  	v15 =	vmul.f32 v35, v34;
	v0 =	vld [tilespmem:s5+$0x142D0];
	[tilespmem:s2+$0x2E0] =	vst v1  }
0x178: {  	v18 =	vmul.f32 v9, v4;
	v4 =	vld [tilespmem:s5+$0xC2C0];
	[tilespmem:s2+$0x2F0] =	vst v2;
	s2 =	smov.u32 s5  }
0x179: {  	v1 =	vmul.f32 v6, v16;
	v2 =	vld.msk [tilespmem:s3+$0xFFFFFF80 ss:$0x0], $0xffff  }
0x17a: {  	v6 =	vld [tilespmem:s2+$0x18280]  }
0x17b: {  	v10 =	vmul.f32 v10, v1;
	v20 =	vld.msk [tilespmem:s3+$0x80 ss:$0x0], $0xffff  }
0x17c: {  	v9 =	vld.msk [tilespmem:s3+$0x0 ss:$0x0], $0xffff  }
0x17d: {  	v1 =	vld [tilespmem:s2+$0x142C0]  }
0x17e: {  	v21 =	vld [tilespmem:s2+$0x102C0]  }
0x17f: {  	v3 =	vadd.f32 v3, v6;
	v6 =	vmul.f32 v17, v2;
	v22 =	vld [tilespmem:s2+$0x102A0];
	v2 =	vmul.f32 v31, v2  }
.Ltmp2:
0x180: {  	v15 =	vmul.f32 v30, v15;
	v17 =	vmul.f32 v23, v5;
	v19 =	vld [tilespmem:s2+$0x102B0];
	(pc) =	sbr.rel @p0 .LBB2_7-.Ltmp2, $4  }
0x181: {  	v23 =	vmul.f32 v4, v20;
	v6 =	vadd.f32 v12, v6;
	v5 =	vadd.f32 v14, v2;
	v12 =	vld [tilespmem:s2+$0x102D0]  }
0x182: {  	v14 =	vadd.f32 v15, v3;
	v24 =	vmul.f32 v13, v9;
	v11 =	vmul.f32 v11, v9;
	v2 =	vld [tilespmem:s2+$0x142B0]  }
0x183: {  	v16 =	vmul.f32 v6, v6;
	v4 =	vld [tilespmem:s2+$0x142A0];
	v3 =	vadd.f32 v21, v23;
	v15 =	vmul.f32 v5, v5  }
0x184: {  	s0 =	smov.u32 s4;
	v13 =	vadd.f32 v8, v14;
	v14 =	vmul.f32 v7, v20;
	v9 =	vadd.f32 v22, v24;
	v8 =	vld [tilespmem:s2+$0x14290]  }
0x185: {  	v7 =	vmul.f32 $2.755731880e-06, v16;
	v11 =	vadd.f32 v19, v11;
	v31 =	vmul.f32 $2.755731880e-06, v15  }
0x186: {  	v20 =	vmul.f32 v3, v3;
	v32 =	vmul.f32 v9, v9  }
0x187: {  	v13 =	vadd.f32 v17, v13;
	v12 =	vadd.f32 v12, v14;
	v33 =	vmul.f32 v11, v11  }
0x188: {  	v7 =	vadd.f32 $-1.984127010e-04, v7;
	v23 =	vmul.f32 $2.755731880e-06, v20;
	v34 =	vmul.f32 $2.755731880e-06, v32  }
0x189: {  	v19 =	vadd.f32 $-1.984127010e-04, v31;
	v21 =	vmul.f32 v12, v12;
	v22 =	vmul.f32 $2.755731880e-06, v33  }
0x18a: {  	v13 =	vadd.f32 v18, v13;
	v7 =	vmul.f32 v7, v16;
	v18 =	vadd.f32 $-1.984127010e-04, v34  }
0x18b: {  	v19 =	vmul.f32 v19, v15;
	v24 =	vmul.f32 $2.755731880e-06, v21;
	v22 =	vadd.f32 $-1.984127010e-04, v22  }
0x18c: {  	v23 =	vadd.f32 $-1.984127010e-04, v23;
	v7 =	vadd.f32 $8.333333770e-03, v7;
	v18 =	vmul.f32 v18, v32  }
0x18d: {  	v19 =	vadd.f32 $8.333333770e-03, v19;
	v24 =	vadd.f32 $-1.984127010e-04, v24;
	v22 =	vmul.f32 v22, v33  }
0x18e: {  	v23 =	vmul.f32 v23, v20;
	v7 =	vmul.f32 v7, v16;
	v18 =	vadd.f32 $8.333333770e-03, v18  }
0x18f: {  	v19 =	vmul.f32 v19, v15;
	v24 =	vmul.f32 v24, v21;
	v22 =	vadd.f32 $8.333333770e-03, v22  }
0x190: {  	v23 =	vadd.f32 $8.333333770e-03, v23;
	v7 =	vadd.f32 $-1.666666720e-01, v7;
	v18 =	vmul.f32 v18, v32  }
0x191: {  	v19 =	vadd.f32 $-1.666666720e-01, v19;
	v24 =	vadd.f32 $8.333333770e-03, v24;
	v22 =	vmul.f32 v22, v33  }
0x192: {  	v36 =	vmul.f32 v23, v20;
	v7 =	vmul.f32 v7, v16;
	v35 =	vadd.f32 $-1.666666720e-01, v18  }
0x193: {  	v37 =	vld [tilespmem:s2+$0x14280];
	v38 =	vmul.f32 v19, v15;
	v40 =	vmul.f32 v24, v21;
	v39 =	vadd.f32 $-1.666666720e-01, v22  }
0x194: {  	v41 =	vadd.f32 $-1.666666720e-01, v36;
	v7 =	vadd.f32 $1.000000000e+00, v7;
	v16 =	vmul.f32 v35, v32  }
0x195: {  	v15 =	vadd.f32 $1.000000000e+00, v38;
	v42 =	vadd.f32 $-1.666666720e-01, v40;
	v14 =	vmul.f32 v39, v33  }
0x196: {  	v43 =	vmul.f32 v41, v20;
	v6 =	vmul.f32 v7, v6;
	v7 =	vadd.f32 $1.000000000e+00, v16  }
0x197: {  	v5 =	vmul.f32 v15, v5;
	v44 =	vmul.f32 v42, v21;
	v14 =	vadd.f32 $1.000000000e+00, v14  }
0x198: {  	v6 =	vmul.f32 v6, v37;
	v7 =	vmul.f32 v7, v9;
	v9 =	vadd.f32 $1.000000000e+00, v43  }
0x199: {  	v5 =	vmul.f32 v5, v8;
	v8 =	vmul.f32 v14, v11;
	v11 =	vadd.f32 $1.000000000e+00, v44  }
0x19a: {  	v6 =	vadd.f32 $0.0e+00, v6;
	v4 =	vmul.f32 v7, v4;
	v3 =	vmul.f32 v9, v3  }
0x19b: {  	v5 =	vadd.f32 $0.0e+00, v5;
	v2 =	vmul.f32 v8, v2;
	v7 =	vmul.f32 v11, v12  }
0x19c: {  	v4 =	vadd.f32 v4, v6;
	v1 =	vmul.f32 v3, v1  }
0x19d: {  	v3 =	vadd.f32 v10, v13;
	v2 =	vadd.f32 v2, v5;
	v0 =	vmul.f32 v7, v0  }
0x19e: {  	v1 =	vadd.f32 v1, v4  }
0x19f: {  	[tilespmem:s2+$0x18280] =	vst v3;
	v0 =	vadd.f32 v0, v2  }
0x1a0: {  	[tilespmem:s2+$0x2E0] =	vst v1  }
0x1a1: {  	s0 =	sadd.s32 s1, s12;
	[tilespmem:s2+$0x2F0] =	vst v0  }
0x1a2: {  	[tilespmem:s24], [sflag:$0x1] =	stream.strided.gather [hbm4b:s0+s22], $0x4000, s23, s22, $0x38;
	[tilespmem:$0x1C300] =	vst v63  }
0x1a3: {  	s24 =	sadd.s32 s1, s13  }
0x1a4: {  	[tilespmem:s25], [sflag:$0x1] =	stream.strided.gather [hbm4b:s24+s22], $0x4000, s23, s22, $0x38;
	[tilespmem:$0x1C300] =	vst v63  }
0x1a5: {  	s25 =	sadd.s32 s1, s20  }
0x1a6: {  	[tilespmem:s26], [sflag:$0x1] =	stream.strided.gather [hbm4b:s25+s22], $0x4000, s23, s22, $0x38;
	[tilespmem:$0x1C300] =	vst v63  }
0x1a7: {  	_ =	swait.ge [sflag:s31], $0x4000  }
0x1a8: {  	[sflag:s31] =	ssyncset.done $0x0  }
0x1a9: {  	[sflag:s31] =	ssyncadd.s32 $0xFFFFC000  }
0x1aa: {  	_ =	swait.ge [sflag:s31], $0x4000  }
0x1ab: {  	[sflag:s31] =	ssyncset.done $0x0  }
0x1ac: {  	[sflag:s31] =	ssyncadd.s32 $0xFFFFC000  }
0x1ad: {  	_ =	swait.ge [sflag:s31], $0x4000  }
0x1ae: {  	[sflag:s31] =	ssyncset.done $0x0  }
0x1af: {  	s2 =	simm.s32 $0x0;
	[sflag:s31] =	ssyncadd.s32 $0xFFFFC000  }
0x1b0: {  	v0 =	vld [tilespmem:s2+$0xC2B0]  }
0x1b1: {  	v1 =	vld [tilespmem:s2+$0x10290]  }
0x1b2: {  	v2 =	vld [tilespmem:s2+$0xC2A0]  }
0x1b3: {  	v3 =	vld [tilespmem:s2+$0x10280]  }
0x1b4: {  	v4 =	vld [tilespmem:s2+$0xC290]  }
0x1b5: {  	v5 =	vld [tilespmem:s2+$0xC280]  }
0x1b6: {  	s3 =	simm.s32 $0x100;
	v6 =	vld [tilespmem:s2+$0x102B0]  }
0x1b7: {  	v7 =	vld.msk [tilespmem:s3+$0xFFFFFF80 ss:$0x0], $0xffff  }
0x1b8: {  	v8 =	vld.msk [tilespmem:s3+$0x0 ss:$0x0], $0xffff  }
0x1b9: {  	v9 =	vld [tilespmem:s2+$0xC2C0]  }
0x1ba: {  	v10 =	vld [tilespmem:s2+$0x102A0]  }
0x1bb: {  	v11 =	vld.msk [tilespmem:s3+$0x80 ss:$0x0], $0xffff  }
0x1bc: {  	v45 =	vld [tilespmem:s2+$0xC2D0];
	v5 =	vmul.f32 v5, v7  }
0x1bd: {  	v46 =	vld [tilespmem:s2+$0x102C0];
	v2 =	vmul.f32 v2, v8  }
0x1be: {  	v4 =	vmul.f32 v4, v7;
	v3 =	vadd.f32 v3, v5;
	v5 =	vld [tilespmem:s2+$0x102D0]  }
0x1bf: {  	v0 =	vmul.f32 v0, v8;
	v2 =	vadd.f32 v10, v2  }
0x1c0: {  	v4 =	vadd.f32 v1, v4;
	v1 =	vmul.f32 v9, v11;
	v7 =	vmul.f32 v3, v3  }
0x1c1: {  	v6 =	vadd.f32 v6, v0;
	v0 =	vmul.f32 v45, v11;
	v8 =	vmul.f32 v2, v2  }
0x1c2: {  	v9 =	vmul.f32 v4, v4;
	v10 =	vadd.f32 v46, v1;
	v1 =	vmul.f32 $2.755731880e-06, v7  }
0x1c3: {  	v11 =	vmul.f32 v6, v6;
	v47 =	vmul.f32 $2.755731880e-06, v8;
	v5 =	vadd.f32 v5, v0  }
0x1c4: {  	v13 =	vmul.f32 v10, v10;
	v0 =	vmul.f32 $2.755731880e-06, v9;
	v1 =	vadd.f32 $-1.984127010e-04, v1  }
0x1c5: {  	v48 =	vmul.f32 $2.755731880e-06, v11;
	v12 =	vadd.f32 $-1.984127010e-04, v47;
	v49 =	vmul.f32 v5, v5  }
0x1c6: {  	v50 =	vmul.f32 $2.755731880e-06, v13;
	v0 =	vadd.f32 $-1.984127010e-04, v0;
	v1 =	vmul.f32 v1, v7  }
0x1c7: {  	v14 =	vadd.f32 $-1.984127010e-04, v48;
	v12 =	vmul.f32 v12, v8;
	v51 =	vmul.f32 $2.755731880e-06, v49  }
0x1c8: {  	v16 =	vadd.f32 $-1.984127010e-04, v50;
	v0 =	vmul.f32 v0, v9;
	v1 =	vadd.f32 $8.333333770e-03, v1  }
0x1c9: {  	v14 =	vmul.f32 v14, v11;
	v12 =	vadd.f32 $8.333333770e-03, v12;
	v17 =	vadd.f32 $-1.984127010e-04, v51  }
0x1ca: {  	v16 =	vmul.f32 v16, v13;
	v0 =	vadd.f32 $8.333333770e-03, v0;
	v1 =	vmul.f32 v1, v7  }
0x1cb: {  	v14 =	vadd.f32 $8.333333770e-03, v14;
	v12 =	vmul.f32 v12, v8;
	v17 =	vmul.f32 v17, v49  }
0x1cc: {  	v16 =	vadd.f32 $8.333333770e-03, v16;
	v52 =	vmul.f32 v0, v9;
	v1 =	vadd.f32 $-1.666666720e-01, v1  }
0x1cd: {  	v14 =	vmul.f32 v14, v11;
	v12 =	vadd.f32 $-1.666666720e-01, v12;
	v17 =	vadd.f32 $8.333333770e-03, v17  }
0x1ce: {  	v54 =	vld [tilespmem:s2+$0x14280];
	v53 =	vadd.f32 $-1.666666720e-01, v52;
	v1 =	vmul.f32 v1, v7;
	v7 =	vmul.f32 v16, v13  }
0x1cf: {  	v57 =	vld [tilespmem:s2+$0x142A0];
	v55 =	vadd.f32 $-1.666666720e-01, v14;
	v8 =	vmul.f32 v12, v8;
	v56 =	vmul.f32 v17, v49  }
0x1d0: {  	v58 =	vld [tilespmem:s2+$0x14290];
	v9 =	vmul.f32 v53, v9;
	v1 =	vadd.f32 $1.000000000e+00, v1;
	v7 =	vadd.f32 $-1.666666720e-01, v7  }
0x1d1: {  	v60 =	vld [tilespmem:s2+$0x142B0];
	v11 =	vmul.f32 v55, v11;
	v8 =	vadd.f32 $1.000000000e+00, v8;
	v59 =	vadd.f32 $-1.666666720e-01, v56  }
0x1d2: {  	v61 =	vld [tilespmem:s2+$0x142C0];
	v9 =	vadd.f32 $1.000000000e+00, v9;
	v3 =	vmul.f32 v1, v3;
	v7 =	vmul.f32 v7, v13  }
0x1d3: {  	v0 =	vld [tilespmem:s2+$0x2E0];
	v2 =	vmul.f32 v8, v2;
	v8 =	vadd.f32 $1.000000000e+00, v11;
	v11 =	vmul.f32 v59, v49  }
0x1d4: {  	v1 =	vld [tilespmem:s2+$0x18280];
	v4 =	vmul.f32 v9, v4;
	v62 =	vmul.f32 v3, v54;
	v7 =	vadd.f32 $1.000000000e+00, v7  }
0x1d5: {  	v3 =	vld [tilespmem:s2+$0x82E0];
	v9 =	vmul.f32 v2, v57;
	v6 =	vmul.f32 v8, v6;
	v8 =	vadd.f32 $1.000000000e+00, v11  }
0x1d6: {  	s16 =	smov.u32 s9;
	s15 =	smov.u32 s8;
	v63 =	vmul.f32 v4, v58;
	v4 =	vld [tilespmem:s2+$0x142D0];
	v11 =	vadd.f32 $0.0e+00, v62;
	v10 =	vmul.f32 v7, v10  }
0x1d7: {  	s14 =	smov.u32 s7;
	s29 =	smov.u32 s12;
	s30 =	smov.u32 s13;
	v2 =	vld [tilespmem:s2+$0x2F0];
	v6 =	vmul.f32 v6, v60;
	v7 =	vmul.f32 v8, v5  }
0x1d8: {  	s6 =	smov.u32 s20;
	s4 =	simm.s32 $0x200;
	s1 =	simm.s32 $0x0;
	v5 =	vld [tilespmem:s2+$0x82F0];
	v8 =	vadd.f32 v9, v11;
	v9 =	vmul.f32 v10, v61;
	v10 =	vadd.f32 $0.0e+00, v63  }
.LBB2_9:
0x1d9: {  	p0 =	sne.s32 s4, $0xFE00  }
0x1da: {  	v0 =	vmul.f32 v3, v0;
	s3 =	sadd.s32 $0x1, s3;
	s0 =	smov.u32 s4;
	s4 =	sadd.s32 $0x200, s4  }
0x1db: {  	s0 =	sshra.s32 s0, $0x2;
	v3 =	vadd.f32 v9, v8;
	v6 =	vadd.f32 v6, v10;
	v4 =	vmul.f32 v7, v4  }
0x1dc: {  	v7 =	vld [tilespmem:s0+$0xC2B0]  }
0x1dd: {  	v8 =	vld [tilespmem:s0+$0x10290];
	v0 =	vmul.f32 v3, v0;
	v3 =	vadd.f32 v4, v6;
	v2 =	vmul.f32 v5, v2  }
0x1de: {  	v4 =	vld [tilespmem:s0+$0xC2A0]  }
0x1df: {  	v5 =	vld [tilespmem:s0+$0x10280];
	v0 =	vadd.f32 v0, v1;
	v1 =	vmul.f32 v3, v2  }
0x1e0: {  	v2 =	vld [tilespmem:s0+$0xC290]  }
0x1e1: {  	v3 =	vld [tilespmem:s0+$0xC280];
	v1 =	vadd.f32 v1, v0  }
0x1e2: {  	v0 =	vld [tilespmem:s0+$0x2E0]  }
0x1e3: {  	v6 =	vld [tilespmem:s0+$0x102B0];
	[tilespmem:s2+$0x18280] =	vst v1;
	s2 =	smov.u32 s0  }
0x1e4: {  	v1 =	vld.msk [tilespmem:s3+$0xFFFFFF80 ss:$0x0], $0xffff  }
0x1e5: {  	v9 =	vld.msk [tilespmem:s3+$0x0 ss:$0x0], $0xffff  }
0x1e6: {  	v10 =	vld [tilespmem:s2+$0xC2C0]  }
0x1e7: {  	v11 =	vld.msk [tilespmem:s3+$0x80 ss:$0x0], $0xffff  }
0x1e8: {  	v12 =	vld [tilespmem:s2+$0x102A0]  }
0x1e9: {  	v13 =	vld [tilespmem:s2+$0xC2D0]  }
0x1ea: {  	v3 =	vmul.f32 v3, v1;
	v2 =	vmul.f32 v2, v1;
	v14 =	vld [tilespmem:s2+$0x102C0]  }
0x1eb: {  	v4 =	vmul.f32 v4, v9;
	v7 =	vmul.f32 v7, v9;
	v1 =	vld [tilespmem:s2+$0x18280]  }
0x1ec: {  	v5 =	vadd.f32 v5, v3;
	v8 =	vadd.f32 v8, v2;
	v9 =	vld [tilespmem:s2+$0x102D0]  }
0x1ed: {  	v10 =	vmul.f32 v10, v11;
	v6 =	vadd.f32 v6, v7;
	v4 =	vadd.f32 v12, v4;
	v3 =	vld [tilespmem:s2+$0x82E0]  }
0x1ee: {  	v7 =	vmul.f32 v5, v5;
	v12 =	vmul.f32 v8, v8;
	v2 =	vld [tilespmem:s2+$0x2F0]  }
0x1ef: {  	v11 =	vmul.f32 v13, v11;
	v15 =	vmul.f32 v4, v4;
	v10 =	vadd.f32 v14, v10  }
0x1f0: {  	v13 =	vmul.f32 $2.755731880e-06, v7;
	v14 =	vmul.f32 v6, v6  }
0x1f1: {  	v17 =	vmul.f32 $2.755731880e-06, v12;
	v16 =	vmul.f32 $2.755731880e-06, v15;
	v9 =	vadd.f32 v9, v11  }
0x1f2: {  	v11 =	vadd.f32 $-1.984127010e-04, v13;
	v13 =	vmul.f32 v10, v10;
	v18 =	vmul.f32 $2.755731880e-06, v14  }
0x1f3: {  	v17 =	vadd.f32 $-1.984127010e-04, v17;
	v16 =	vadd.f32 $-1.984127010e-04, v16;
	v19 =	vmul.f32 v9, v9  }
0x1f4: {  	v11 =	vmul.f32 v11, v7;
	v20 =	vmul.f32 $2.755731880e-06, v13;
	v18 =	vadd.f32 $-1.984127010e-04, v18  }
0x1f5: {  	v16 =	vmul.f32 v16, v15;
	v21 =	vmul.f32 $2.755731880e-06, v19  }
0x1f6: {  	v17 =	vmul.f32 v17, v12;
	v11 =	vadd.f32 $8.333333770e-03, v11;
	v20 =	vadd.f32 $-1.984127010e-04, v20  }
0x1f7: {  	v18 =	vmul.f32 v18, v14;
	v16 =	vadd.f32 $8.333333770e-03, v16;
	v21 =	vadd.f32 $-1.984127010e-04, v21  }
0x1f8: {  	v17 =	vadd.f32 $8.333333770e-03, v17;
	v11 =	vmul.f32 v11, v7;
	v20 =	vmul.f32 v20, v13  }
0x1f9: {  	v18 =	vadd.f32 $8.333333770e-03, v18;
	v16 =	vmul.f32 v16, v15;
	v21 =	vmul.f32 v21, v19  }
0x1fa: {  	v17 =	vmul.f32 v17, v12;
	v11 =	vadd.f32 $-1.666666720e-01, v11;
	v20 =	vadd.f32 $8.333333770e-03, v20  }
0x1fb: {  	v18 =	vmul.f32 v18, v14;
	v16 =	vadd.f32 $-1.666666720e-01, v16;
	v21 =	vadd.f32 $8.333333770e-03, v21  }
0x1fc: {  	v17 =	vadd.f32 $-1.666666720e-01, v17;
	v7 =	vmul.f32 v11, v7;
	v11 =	vmul.f32 v20, v13  }
0x1fd: {  	v20 =	vld [tilespmem:s2+$0x14280];
	v15 =	vmul.f32 v16, v15;
	v16 =	vadd.f32 $-1.666666720e-01, v18;
	v18 =	vmul.f32 v21, v19  }
0x1fe: {  	v12 =	vmul.f32 v17, v12;
	v7 =	vadd.f32 $1.000000000e+00, v7;
	v11 =	vadd.f32 $-1.666666720e-01, v11;
	v21 =	vld [tilespmem:s2+$0x142A0]  }
0x1ff: {  	v15 =	vadd.f32 $1.000000000e+00, v15;
	v17 =	vld [tilespmem:s2+$0x14290];
	v14 =	vmul.f32 v16, v14;
	v16 =	vadd.f32 $-1.666666720e-01, v18  }
0x200: {  	v5 =	vmul.f32 v7, v5;
	v7 =	vmul.f32 v11, v13;
	v11 =	vadd.f32 $1.000000000e+00, v12;
	v12 =	vld [tilespmem:s2+$0x142B0]  }
0x201: {  	v4 =	vmul.f32 v15, v4;
	v13 =	vld [tilespmem:s2+$0x142C0];
	v14 =	vadd.f32 $1.000000000e+00, v14;
	v15 =	vmul.f32 v16, v19  }
.Ltmp3:
0x202: {  	v7 =	vadd.f32 $1.000000000e+00, v7;
	v8 =	vmul.f32 v11, v8;
	v5 =	vmul.f32 v5, v20;
	(pc) =	sbr.rel @p0 .LBB2_9-.Ltmp3, $4  }
0x203: {  	v11 =	vmul.f32 v4, v21;
	v6 =	vmul.f32 v14, v6;
	v4 =	vld [tilespmem:s2+$0x142D0];
	v14 =	vadd.f32 $1.000000000e+00, v15  }
0x204: {  	v10 =	vmul.f32 v7, v10;
	v15 =	vadd.f32 $0.0e+00, v5;
	v16 =	vmul.f32 v8, v17  }
0x205: {  	v6 =	vmul.f32 v6, v12;
	v7 =	vmul.f32 v14, v9;
	v5 =	vld [tilespmem:s2+$0x82F0]  }
0x206: {  	v8 =	vadd.f32 v11, v15;
	v9 =	vmul.f32 v10, v13;
	v10 =	vadd.f32 $0.0e+00, v16  }
0x207: {  	v0 =	vmul.f32 v3, v0  }
0x208: {  	v61 =	vadd.f32 v9, v8;
	v6 =	vadd.f32 v6, v10;
	v4 =	vmul.f32 v7, v4;
	_ =	sdelay $0x1  }
0x209: {  	v0 =	vmul.f32 v61, v0;
	v62 =	vadd.f32 v4, v6;
	v2 =	vmul.f32 v5, v2;
	_ =	sdelay $0x1  }
0x20a: {  	v0 =	vadd.f32 v0, v1;
	v63 =	vmul.f32 v62, v2;
	_ =	sdelay $0x1  }
0x20b: {  	v0 =	vadd.f32 v63, v0;
	_ =	sdelay $0x1  }
0x20c: {  	[tilespmem:s2+$0x18280] =	vst v0;
	s2 =	simm.s32 $0x18680  }
.LBB2_11:
0x20d: {  	v0 =	vld [tilespmem:s2+$0xFFFFFC00]  }
0x20e: {  	v1 =	vld [tilespmem:s2+$0xFFFFFC80]  }
0x20f: {  	v2 =	vld [tilespmem:s2+$0xFFFFFD00]  }
0x210: {  	v3 =	vld [tilespmem:s2+$0xFFFFFD80]  }
0x211: {  	v4 =	vld [tilespmem:s2+$0xFFFFFE00]  }
0x212: {  	v37 =	vld [tilespmem:s2+$0xFFFFFE80];
	(xrf2) =	vadd.scan.msk.f32 $0xffff, v0  }
0x213: {  	v38 =	vld [tilespmem:s2+$0xFFFFFF00];
	(xrf2) =	vadd.scan.msk.f32 $0xffff, v1  }
0x214: {  	v39 =	vld [tilespmem:s2+$0xFFFFFF80];
	(xrf2) =	vadd.scan.msk.f32 $0xffff, v2  }
0x215: {  	v40 =	vld [tilespmem:s2+$0x0];
	(xrf2) =	vadd.scan.msk.f32 $0xffff, v3  }
0x216: {  	v41 =	vld [tilespmem:s2+$0x80];
	(xrf2) =	vadd.scan.msk.f32 $0xffff, v4  }
0x217: {  	v42 =	vld [tilespmem:s2+$0x100];
	(xrf2) =	vadd.scan.msk.f32 $0xffff, v37  }
0x218: {  	v43 =	vld [tilespmem:s2+$0x180];
	(xrf2) =	vadd.scan.msk.f32 $0xffff, v38  }
0x219: {  	v44 =	vld [tilespmem:s2+$0x200];
	(xrf2) =	vadd.scan.msk.f32 $0xffff, v39  }
0x21a: {  	v45 =	vld [tilespmem:s2+$0x280];
	(xrf2) =	vadd.scan.msk.f32 $0xffff, v40  }
0x21b: {  	v46 =	vld [tilespmem:s2+$0x300];
	(xrf2) =	vadd.scan.msk.f32 $0xffff, v41  }
0x21c: {  	v47 =	vld [tilespmem:s2+$0x380];
	v5, _, _ =	vpop (xrf2);
	(xrf2) =	vadd.scan.msk.f32 $0xffff, v42  }
0x21d: {  	(v2sf) =	vpush v5, $0xF;
	v48, _, _ =	vpop (xrf2);
	(xrf2) =	vadd.scan.msk.f32 $0xffff, v43  }
0x21e: {  	(v2sf) =	vpush v48, $0xF;
	v49, _, _ =	vpop (xrf2);
	(xrf2) =	vadd.scan.msk.f32 $0xffff, v44  }
0x21f: {  	(v2sf) =	vpush v49, $0xF;
	v50, _, _ =	vpop (xrf2);
	(xrf2) =	vadd.scan.msk.f32 $0xffff, v45  }
0x220: {  	(v2sf) =	vpush v50, $0xF;
	v51, _, _ =	vpop (xrf2);
	(xrf2) =	vadd.scan.msk.f32 $0xffff, v46  }
0x221: {  	(v2sf) =	vpush v51, $0xF;
	v52, _, _ =	vpop (xrf2);
	(xrf2) =	vadd.scan.msk.f32 $0xffff, v47  }
0x222: {  	v53, _, _ =	vpop (xrf2);
	(v2sf) =	vpush v52, $0xF  }
0x223: {  	v54, _, _ =	vpop (xrf2);
	(v2sf) =	vpush v53, $0xF  }
0x224: {  	v55, _, _ =	vpop (xrf2);
	(v2sf) =	vpush v54, $0xF  }
0x225: {  	v56, _, _ =	vpop (xrf2);
	(v2sf) =	vpush v55, $0xF  }
0x226: {  	v57, _, _ =	vpop (xrf2);
	(v2sf) =	vpush v56, $0xF  }
0x227: {  	v58, _, _ =	vpop (xrf2);
	(v2sf) =	vpush v57, $0xF  }
0x228: {  	v59, _, _ =	vpop (xrf2);
	(v2sf) =	vpush v58, $0xF  }
0x229: {  	v60, _, _ =	vpop (xrf2);
	(v2sf) =	vpush v59, $0xF  }
0x22a: {  	v61, _, _ =	vpop (xrf2);
	(v2sf) =	vpush v60, $0xF  }
0x22b: {  	(v2sf) =	vpush v61, $0xF;
	v62, _, _ =	vpop (xrf2)  }
0x22c: {  	s0 =	spop (v2sf);
	(v2sf) =	vpush v62, $0xF  }
0x22d: {  	s3 =	spop (v2sf)  }
0x22e: {  	s4 =	spop (v2sf)  }
0x22f: {  	s5 =	spop (v2sf)  }
0x230: {  	s21 =	spop (v2sf)  }
0x231: {  	s9 =	spop (v2sf)  }
0x232: {  	s10 =	spop (v2sf)  }
0x233: {  	s24 =	spop (v2sf)  }
0x234: {  	s25 =	spop (v2sf)  }
0x235: {  	s26 =	spop (v2sf)  }
0x236: {  	s20 =	spop (v2sf)  }
0x237: {  	s7 =	spop (v2sf)  }
0x238: {  	s8 =	spop (v2sf)  }
0x239: {  	s11 =	spop (v2sf)  }
0x23a: {  	s12 =	spop (v2sf)  }
0x23b: {  	s0 =	smul.f32 $5.000000000e-01, s0;
	s13 =	spop (v2sf)  }
0x23c: {  	s13 =	smul.f32 $5.000000000e-01, s13  }
0x23d: {  	s3 =	smul.f32 $5.000000000e-01, s3  }
0x23e: {  	s4 =	smul.f32 $5.000000000e-01, s4;
	v63 =	vmov s13  }
0x23f: {  	s13 =	smul.f32 $5.000000000e-01, s9;
	v0 =	vsel vm0, s0, v63  }
0x240: {  	s0 =	smul.f32 $5.000000000e-01, s5;
	v0 =	vsel vm1, s3, v0  }
0x241: {  	s5 =	smul.f32 $5.000000000e-01, s21;
	v0 =	vsel vm2, s4, v0  }
0x242: {  	s9 =	smul.f32 $5.000000000e-01, s25;
	v0 =	vsel vm3, s0, v0  }
0x243: {  	s21 =	smul.f32 $5.000000000e-01, s10;
	v0 =	vsel vm4, s5, v0  }
0x244: {  	s5 =	smul.f32 $5.000000000e-01, s24;
	v0 =	vsel vm5, s13, v0  }
0x245: {  	s10 =	smul.f32 $5.000000000e-01, s26;
	v0 =	vsel vm6, s21, v0  }
0x246: {  	s24 =	smul.f32 $5.000000000e-01, s11;
	v0 =	vsel vm7, s5, v0  }
0x247: {  	s13 =	smul.f32 $5.000000000e-01, s20;
	v0 =	vsel vm8, s9, v0  }
0x248: {  	s20 =	smul.f32 $5.000000000e-01, s7;
	v0 =	vsel vm9, s10, v0  }
0x249: {  	p0 =	sne.s32 s1, $0x1C0;
	s21 =	smul.f32 $5.000000000e-01, s8;
	v0 =	vsel vm10, s13, v0  }
.Ltmp4:
0x24a: {  	v0 =	vsel vm11, s20, v0;
	(pc) =	sbr.rel @p0 .LBB2_11-.Ltmp4, $4  }
0x24b: {  	s25 =	smul.f32 $5.000000000e-01, s12;
	v0 =	vsel vm12, s21, v0  }
0x24c: {  	v0 =	vsel vm13, s24, v0  }
0x24d: {  	s26 =	sshra.s32 s1, $0x2;
	v0 =	vsel vm14, s25, v0  }
0x24e: {  	s2 =	sadd.s32 $0x800, s2;
	s1 =	sadd.s32 $0x40, s1;
	[tilespmem:s26+$0x1C280] =	vst v0  }
0x24f: {  	s0 =	rddreg [dreg:$0x4]  }
0x250: {  	s1 =	rddreg [dreg:$0xb];
	s26 =	simm.s32 $0x0  }
0x251: {  	s2 =	simm.s32 $0x1C280;
	s18 =	sadd.s32 $0x1, s18;
	s7 =	smov.u32 s14  }
0x252: {  	s8 =	smov.u32 s15;
	s9 =	smov.u32 s16;
	s12 =	smov.u32 s29  }
0x253: {  	s13 =	smov.u32 s30;
	s20 =	smov.u32 s6;
	p0 =	sne.s32 s18, $0x4  }
.Ltmp5:
0x254: {  	s6 =	simm.s32 $0x80;
	s0 =	sadd.s32 s0, s1;
	(pc) =	sbr.rel @p0 .LBB2_2-.Ltmp5, $4  }
0x255: {  	[hbm4b:s0+s26] =	stream.linear.scatter [tilespmem:s2], [sflag:$0x2], $0x80, $0x38;
	[tilespmem:$0x1C300] =	vst v63  }
0x256: {  	s14 =	simm.s32 $0x280;
	s15 =	simm.s32 $0x4280;
	_ =	swait.ge [sflag:s19], $0x80  }
0x257: {  	s16 =	simm.s32 $0x8280;
	s24 =	simm.s32 $0xC280;
	[sflag:s19] =	ssyncset.done $0x0  }
0x258: {  	s25 =	simm.s32 $0x10280;
	s26 =	simm.s32 $0x14280;
	[sflag:s19] =	ssyncadd.s32 $0xFFFFFF80  }
0x259: {  	s1 =	rddreg [dreg:$0xa]  }
0x25a: {  	s0 =	rddreg [dreg:$0x9];
	s1 =	sadd.s32 $0x1, s1  }
0x25b: {  	p0 =	sne.s32 s1, s0  }
.Ltmp6:
0x25c: {  	_ = 	snop;
	(pc) =	sbr.rel @p0 .LBB2_1-.Ltmp6, $1  }
0x25d: {  	_ =	sdelay $0x3  }
0x25e: {  	_ =	sfence.sel $0x180000  }
0x25f: {  	[bflag:$0x0] =	sbarrier.arrive $0xFFFF  }
0x260: {  	_ =	strace $0x9000004D  }
0x261: {  	s0 =	stileid.u32;
	[bflag:$0x2] =	sbarrier.arrive $0xFFFF  }
0x262: {  	p0 =	sne.s32 s0, $0x0;
	s0 =	rddreg [dreg:$0x5]  }
0x263: {  	s0 =	sadd.s32 @!p0 $0x100000, s0  }
0x264: {  	[sflag:s0] =	ssyncadd.tile.s32 @!p0 $0x1;
	_ =	shalt  }
.Lfunc_end2:
_tile_overlayer_lowered:
.L_overlay_start_2:
0x265: {  	(tag) =	ssettag $0x2  }
0x266: {  	s0 =	rddreg [dreg:$0x0];
	s2 =	stileid.u32  }
0x267: {  	s1 =	rddreg [dreg:$0x1];
	p0 =	sne.s32 s2, $0x0  }
0x268: {  	s3 =	rddreg [dreg:$0x2];
	[bflag:$0x3] =	sbarrier.arrive $0xFFFF;
	s2 =	simm.s32 @!p0 $0x1C02  }
0x269: {  	[timem:s3], [sflag:s2] =	dma.local @!p0 [hbm:s0], s1  }
0x26a: {  	s0 =	simm.s32 @!p0 $0x2  }
0x26b: {  	_ =	swait.ge @!p0 [sflag:s0], s1  }
0x26c: {  	s1 =	ssub.s32 @!p0 $0x0, s1;
	[sflag:s0] =	ssyncset.done @!p0 $0x0  }
0x26d: {  	[sflag:s0] =	ssyncadd.s32 @!p0 s1  }
0x26e: {  	[bflag:$0x3] =	sbarrier.arrive $0xFFFF  }
0x26f: {  	_ =	shalt  }

</sc_bundles>
